<compile_context>
chip_gen: v7x
topology: tpu7x:2x2x1
jax: 0.10.2.dev20260603
libtpu: 0.0.44.dev20260713+nightly
codegen_flags: <defaults>
</compile_context>

<pallas_src>
import functools

import jax
import jax.numpy as jnp
from jax import lax
from jax.experimental import pallas as pl
from jax.experimental.pallas import tpu as pltpu
from jax.experimental.pallas import tpu_sc as plsc

_N = 1048576
_FEAT = 64
_CPAD = 128
_CLS = 10000
_CLS_PAD = 10240

_NC = 2
_NS = 16
_SAMPLES_PER_TILE = _N // (_NC * _NS)
_CHUNK = 128
_NCHUNKS = _SAMPLES_PER_TILE // _CHUNK
_HLBL = _N // _NS
_HCHUNK = 4096


def _sc_center_loss(x1d, labels1, centerp):
    mesh = plsc.VectorSubcoreMesh(core_axis_name="c", subcore_axis_name="s")

    @functools.partial(
        pl.kernel,
        out_type=jax.ShapeDtypeStruct((_NC * 16,), jnp.float32),
        mesh=mesh,
        compiler_params=pltpu.CompilerParams(
            needs_layout_passes=False, disable_bounds_checks=True),
        scratch_types=[
            pltpu.VMEM((_CLS_PAD,), jnp.float32),
            pltpu.VMEM((_HCHUNK,), jnp.int32),
            pltpu.VMEM((_CLS_PAD,), jnp.float32),
            pltpu.VMEM((_NCHUNKS // 2 * _CHUNK,), jnp.int32),
            pltpu.VMEM((_CHUNK, _FEAT), jnp.float32),
            pltpu.VMEM((_CHUNK, _FEAT), jnp.float32),
            pltpu.VMEM((_CHUNK, _CPAD), jnp.float32),
            pltpu.VMEM((_CHUNK, _CPAD), jnp.float32),
            pltpu.VMEM((16,), jnp.float32),
            pltpu.VMEM((_NS * 16,), jnp.float32),
            pltpu.VMEM_SHARED((16 * _CLS_PAD,), jnp.float32),
            pltpu.VMEM_SHARED((_NS * 16,), jnp.float32),
            pltpu.SemaphoreType.DMA,
            pltpu.SemaphoreType.DMA,
            pltpu.SemaphoreType.DMA,
            pltpu.SemaphoreType.DMA,
        ],
    )
    def sc_kernel(x_hbm, labels_hbm, center_hbm, out_hbm,
                  hist_v, lblbuf_v, tmp_v, lbl2_v, x2a_v, x2b_v,
                  crowsa_v, crowsb_v, accbuf_v, rbuf_v, slab_sp, rslab_sp,
                  xsem0, xsem1, gsem0, gsem1):
        c_idx = lax.axis_index("c")
        s_idx = lax.axis_index("s")
        gid = c_idx * _NS + s_idx
        iota16 = lax.iota(jnp.int32, 16)
        ones16 = jnp.ones((16,), jnp.float32)
        zeros16 = jnp.zeros((16,), jnp.float32)

        xbufs = (x2a_v, x2b_v)
        cbufs = (crowsa_v, crowsb_v)
        xsems = (xsem0, xsem1)
        gsems = (gsem0, gsem1)

        def zero_body(i, _):
            hist_v[pl.ds(i * 16, 16)] = zeros16
            return 0
        lax.fori_loop(0, _CLS_PAD // 16, zero_body, 0)

        hist_base = s_idx * _HLBL

        def hist_chunk(j, _):
            pltpu.sync_copy(labels_hbm.at[pl.ds(hist_base + j * _HCHUNK,
                                                _HCHUNK)], lblbuf_v)

            def hist_g(g, _):
                lvec = lblbuf_v[pl.ds(g * 16, 16)]
                plsc.addupdate_scatter(hist_v, [lvec], ones16)
                return 0
            lax.fori_loop(0, _HCHUNK // 16, hist_g, 0)
            return 0
        lax.fori_loop(0, _HLBL // _HCHUNK, hist_chunk, 0)

        pltpu.sync_copy(hist_v, slab_sp.at[pl.ds(s_idx * _CLS_PAD,
                                                 _CLS_PAD)])
        plsc.subcore_barrier()

        def comb_chunk(cb, _):
            def comb_row(r, _):
                pltpu.sync_copy(
                    slab_sp.at[pl.ds(r * _CLS_PAD + cb * 640, 640)],
                    tmp_v.at[pl.ds(r * 640, 640)])
                return 0
            lax.fori_loop(0, 16, comb_row, 0)

            def comb_col(f, _):
                acc = tmp_v[pl.ds(f * 16, 16)]
                for r in range(1, 16):
                    acc = acc + tmp_v[pl.ds(r * 640 + f * 16, 16)]
                hist_v[pl.ds(cb * 640 + f * 16, 16)] = acc
                return 0
            lax.fori_loop(0, 40, comb_col, 0)
            return 0
        lax.fori_loop(0, 16, comb_chunk, 0)

        main_base = gid * _SAMPLES_PER_TILE
        halfsamp = _SAMPLES_PER_TILE // 2
        halfchunks = _NCHUNKS // 2

        def wait_slot(b):
            pltpu.make_async_copy(center_hbm.at[pl.ds(0, _CHUNK)],
                                  cbufs[b], gsems[b]).wait()
            pltpu.make_async_copy(x_hbm.at[pl.ds(0, _CHUNK)],
                                  xbufs[b], xsems[b]).wait()

        def half_body(h, acc):
            sbase = main_base + h * halfsamp
            pltpu.sync_copy(labels_hbm.at[pl.ds(sbase, halfsamp)], lbl2_v)

            def issue(cl, b):
                pltpu.async_copy(
                    center_hbm.at[lbl2_v.at[pl.ds(cl * _CHUNK, _CHUNK)]],
                    cbufs[b], gsems[b])
                pltpu.async_copy(
                    x_hbm.at[pl.ds(sbase + cl * _CHUNK, _CHUNK)],
                    xbufs[b], xsems[b])

            def compute(cl, b, acc):
                def group_body(g, acc):
                    lvec = lbl2_v[pl.ds(cl * _CHUNK + g * 16, 16)]
                    cnt = plsc.load_gather(hist_v, [lvec])
                    rows = iota16 + g * 16
                    facc = jnp.zeros((16,), jnp.float32)
                    for p in range(_FEAT):
                        colp = (iota16 + p) & (_FEAT - 1)
                        xf = plsc.load_gather(xbufs[b], [rows, colp])
                        cf = plsc.load_gather(cbufs[b], [rows, colp])
                        d = xf - cf
                        facc = facc + d * d
                    return acc + facc / cnt
                return lax.fori_loop(0, _CHUNK // 16, group_body, acc)

            issue(0, 0)

            def pair_body(p, acc):
                issue(2 * p + 1, 1)
                wait_slot(0)
                acc = compute(2 * p, 0, acc)

                @pl.when(p < halfchunks // 2 - 1)
                def _():
                    issue(2 * p + 2, 0)
                wait_slot(1)
                acc = compute(2 * p + 1, 1, acc)
                return acc

            return lax.fori_loop(0, halfchunks // 2, pair_body, acc)

        acc = lax.fori_loop(0, 2, half_body, jnp.zeros((16,), jnp.float32))

        accbuf_v[...] = acc
        pltpu.sync_copy(accbuf_v, rslab_sp.at[pl.ds(s_idx * 16, 16)])
        plsc.subcore_barrier()

        @pl.when(s_idx == 0)
        def _():
            pltpu.sync_copy(rslab_sp, rbuf_v)
            tot = rbuf_v[pl.ds(0, 16)]
            for r in range(1, 16):
                tot = tot + rbuf_v[pl.ds(r * 16, 16)]
            accbuf_v[...] = tot
            pltpu.sync_copy(accbuf_v, out_hbm.at[pl.ds(c_idx * 16, 16)])

    return sc_kernel(x1d, labels1, centerp)


def _tc_sum_kernel(in_ref, o_ref):
    o_ref[0, 0] = jnp.sum(in_ref[...])


def kernel(x, labels, center):
    centerp = jnp.pad(center, ((0, 0), (0, _CPAD - _FEAT)))
    part = _sc_center_loss(x, labels, centerp)
    out = pl.pallas_call(
        _tc_sum_kernel,
        out_shape=jax.ShapeDtypeStruct((1, 1), jnp.float32),
        out_specs=pl.BlockSpec(memory_space=pltpu.SMEM),
    )(part)
    return out[0, 0]

# --- scband reference (transcript-rebuilt; emitter-appended) ---
"""Pipeline reference for scband-center-loss-26972394619100 (READ-ONLY COPY).

The authoritative reference and input builder live on the scoring server;
editing this copy changes nothing except your own understanding.
"""

import jax, jax.numpy as jnp
import numpy as np

CLS_NUM = 10000
FEAT = 64
N = 1048576


def setup_inputs(seed: int = 0) -> dict:
    key = jax.random.key(seed)
    k1, k2, k3 = jax.random.split(key, 3)
    x = jax.random.normal(k1, (N, FEAT), dtype=jnp.float32)
    labels = jax.random.randint(k2, (N,), 0, CLS_NUM, dtype=jnp.int32)
    center = jax.random.normal(k3, (CLS_NUM, FEAT), dtype=jnp.float32)
    return {"x": x, "labels": labels, "center": center}


def reference(x, labels, center):
    # center = self.center[labels]  -> gather rows
    c = jnp.take(center, labels, axis=0)
    # torch.histc(labels.float(), bins=cls_num, min=0, max=cls_num-1) on integer
    # labels in [0, cls_num-1] is exactly a bincount (last bin is closed).
    counts = jnp.bincount(labels, length=CLS_NUM).astype(jnp.float32)
    count = jnp.take(counts, labels, axis=0)
    distance = (((x - c) ** 2).sum(axis=-1) / count).sum()
    return distance

if __name__ == "__main__":
    import jax
    _d = setup_inputs()
    print(jax.jit(kernel)(*tuple(_d.values())))

</pallas_src>

<mosaic_0001>
#map = affine_map<(d0, d1) -> (0, 0)>
#map1 = affine_map<(d0, d1) -> (0)>
module attributes {stable_mosaic.version = 14 : i64} {
  func.func @sc_kernel(%arg0: i32, %arg1: i32, %arg2: memref<1048576x64xf32, #tpu.memory_space<hbm>>, %arg3: memref<1048576xi32, #tpu.memory_space<hbm>>, %arg4: memref<10000x128xf32, #tpu.memory_space<hbm>>, %arg5: memref<32xf32, #tpu.memory_space<hbm>>, %arg6: memref<10240xf32, #tpu.memory_space<vmem>>, %arg7: memref<4096xi32, #tpu.memory_space<vmem>>, %arg8: memref<10240xf32, #tpu.memory_space<vmem>>, %arg9: memref<16384xi32, #tpu.memory_space<vmem>>, %arg10: memref<128x64xf32, #tpu.memory_space<vmem>>, %arg11: memref<128x64xf32, #tpu.memory_space<vmem>>, %arg12: memref<128x128xf32, #tpu.memory_space<vmem>>, %arg13: memref<128x128xf32, #tpu.memory_space<vmem>>, %arg14: memref<16xf32, #tpu.memory_space<vmem>>, %arg15: memref<256xf32, #tpu.memory_space<vmem>>, %arg16: memref<163840xf32, #tpu.memory_space<vmem_shared>>, %arg17: memref<256xf32, #tpu.memory_space<vmem_shared>>, %arg18: memref<!tpu.dma_semaphore, #tpu.memory_space<semaphore_mem>>, %arg19: memref<!tpu.dma_semaphore, #tpu.memory_space<semaphore_mem>>, %arg20: memref<!tpu.dma_semaphore, #tpu.memory_space<semaphore_mem>>, %arg21: memref<!tpu.dma_semaphore, #tpu.memory_space<semaphore_mem>>) attributes {dimension_semantics = [#tpu.dimension_semantics<core_parallel>, #tpu.dimension_semantics<subcore_parallel>], iteration_bounds = array<i64: 2, 16>, scalar_prefetch = 0 : i64, scratch_operands = 16 : i64, tpu.core_type = #tpu.core_type<sc_vector_subcore>, window_params = [{transform_indices = #map}, {transform_indices = #map1}, {transform_indices = #map}, {transform_indices = #map1}]} {
    %mul3A = arith.constant 16 : i32
    %mul3A_0 = arith.muli %arg0, %mul3A : i32
    %add3A = arith.addi %mul3A_0, %arg1 : i32
    %iota3A = tpu.iota {dimensions = array<i32: 0>} : vector<16xi32>
    %broadcast_in_dim3A = arith.constant 1.000000e+00 : f32
    %broadcast_in_dim3A_1 = vector.broadcast %broadcast_in_dim3A : f32 to vector<16xf32>
    %broadcast_in_dim3A_2 = arith.constant 0.000000e+00 : f32
    %broadcast_in_dim3A_3 = vector.broadcast %broadcast_in_dim3A_2 : f32 to vector<16xf32>
    %scan3A = arith.constant 0 : i32
    %scan3A_4 = arith.constant 0 : i32
    %scan3A_5 = arith.constant 640 : i32
    %scan3A_6 = arith.addi %scan3A_4, %scan3A_5 : i32
    %scan3A_7 = arith.constant 1 : i32
    %scan3A_8 = scf.for %scan3A_44 = %scan3A_4 to %scan3A_6 step %scan3A_7 iter_args(%scan3A_45 = %scan3A) -> (i32)  : i32 {
      %mul3A_46 = arith.constant 16 : i32
      %mul3A_47 = arith.muli %scan3A_44, %mul3A_46 : i32
      %swap3A_48 = arith.index_cast %mul3A_47 : i32 to index
      %swap3A_49 = tpu.vector_load %arg6[%swap3A_48] {strides = array<i32>} : memref<10240xf32, #tpu.memory_space<vmem>>, vector<16xf32>,
      tpu.vector_store %arg6[%swap3A_48], %broadcast_in_dim3A_3 {strides = array<i32>} : memref<10240xf32, #tpu.memory_space<vmem>>, vector<16xf32>,
      %scan3A_50 = arith.constant 0 : i32
      scf.yield %scan3A_50 : i32
    }
    %scan3A_9 = arith.constant 640 : i32
    %mul3A_10 = arith.constant 65536 : i32
    %mul3A_11 = arith.muli %arg1, %mul3A_10 : i32
    %scan3A_12 = arith.constant 0 : i32
    %scan3A_13 = arith.constant 0 : i32
    %scan3A_14 = arith.constant 16 : i32
    %scan3A_15 = arith.addi %scan3A_13, %scan3A_14 : i32
    %scan3A_16 = arith.constant 1 : i32
    %scan3A_17 = scf.for %scan3A_44 = %scan3A_13 to %scan3A_15 step %scan3A_16 iter_args(%scan3A_45 = %scan3A_12) -> (i32)  : i32 {
      %mul3A_46 = arith.constant 4096 : i32
      %mul3A_47 = arith.muli %scan3A_44, %mul3A_46 : i32
      %add3A_48 = arith.addi %mul3A_11, %mul3A_47 : i32
      "tpu.region"() ({
        %run_scoped3A = tpu.sem_alloc : memref<!tpu.dma_semaphore, #tpu.memory_space<semaphore_mem>>
        %dma_start3A = tpu.memref_slice %arg3[%add3A_48] : memref<1048576xi32, #tpu.memory_space<hbm>> -> memref<4096xi32, #tpu.memory_space<hbm>>
        %dma_start3A_57 = tpu.memref_slice %arg3[%add3A_48] : memref<1048576xi32, #tpu.memory_space<hbm>> -> memref<4096xi32, #tpu.memory_space<hbm>>
        tpu.enqueue_dma source(%dma_start3A_57 : memref<4096xi32, #tpu.memory_space<hbm>>) target(%arg7 : memref<4096xi32, #tpu.memory_space<vmem>>) target_semaphore(%run_scoped3A : memref<!tpu.dma_semaphore, #tpu.memory_space<semaphore_mem>>)
        %dma_wait3A = tpu.memref_slice %arg3[%add3A_48] : memref<1048576xi32, #tpu.memory_space<hbm>> -> memref<4096xi32, #tpu.memory_space<hbm>>
        %dma_wait3A_58 = tpu.memref_slice %arg3[%add3A_48] : memref<1048576xi32, #tpu.memory_space<hbm>> -> memref<4096xi32, #tpu.memory_space<hbm>>
        tpu.wait_dma2 semaphore(%run_scoped3A : memref<!tpu.dma_semaphore, #tpu.memory_space<semaphore_mem>>) src(%dma_wait3A_58 : memref<4096xi32, #tpu.memory_space<hbm>>) dst(%arg7 : memref<4096xi32, #tpu.memory_space<vmem>>)
        tpu.yield
      }) : () -> ()
      %scan3A_49 = arith.constant 0 : i32
      %scan3A_50 = arith.constant 0 : i32
      %scan3A_51 = arith.constant 256 : i32
      %scan3A_52 = arith.addi %scan3A_50, %scan3A_51 : i32
      %scan3A_53 = arith.constant 1 : i32
      %scan3A_54 = scf.for %scan3A_57 = %scan3A_50 to %scan3A_52 step %scan3A_53 iter_args(%scan3A_58 = %scan3A_49) -> (i32)  : i32 {
        %mul3A_59 = arith.constant 16 : i32
        %mul3A_60 = arith.muli %scan3A_57, %mul3A_59 : i32
        %get3A = arith.index_cast %mul3A_60 : i32 to index
        %get3A_61 = tpu.vector_load %arg7[%get3A] {strides = array<i32>} : memref<4096xi32, #tpu.memory_space<vmem>>, vector<16xi32>,
        tpu.vector_store_idx %arg6[%get3A_61], %broadcast_in_dim3A_1 {add = true} : memref<10240xf32, #tpu.memory_space<vmem>>[vector<16xi32>], vector<16xf32>,
        %scan3A_62 = arith.constant 0 : i32
        scf.yield %scan3A_62 : i32
      }
      %scan3A_55 = arith.constant 256 : i32
      %scan3A_56 = arith.constant 0 : i32
      scf.yield %scan3A_56 : i32
    }
    %scan3A_18 = arith.constant 16 : i32
    %mul3A_19 = arith.constant 10240 : i32
    %mul3A_20 = arith.muli %arg1, %mul3A_19 : i32
    "tpu.region"() ({
      %run_scoped3A = tpu.sem_alloc : memref<!tpu.dma_semaphore, #tpu.memory_space<semaphore_mem>>
      %dma_start3A = tpu.memref_slice %arg16[%mul3A_20] : memref<163840xf32, #tpu.memory_space<vmem_shared>> -> memref<10240xf32, #tpu.memory_space<vmem_shared>>
      %dma_start3A_44 = tpu.memref_slice %arg16[%mul3A_20] : memref<163840xf32, #tpu.memory_space<vmem_shared>> -> memref<10240xf32, #tpu.memory_space<vmem_shared>>
      tpu.enqueue_dma source(%arg6 : memref<10240xf32, #tpu.memory_space<vmem>>) target(%dma_start3A_44 : memref<10240xf32, #tpu.memory_space<vmem_shared>>) target_semaphore(%run_scoped3A : memref<!tpu.dma_semaphore, #tpu.memory_space<semaphore_mem>>)
      %dma_wait3A = tpu.memref_slice %arg16[%mul3A_20] : memref<163840xf32, #tpu.memory_space<vmem_shared>> -> memref<10240xf32, #tpu.memory_space<vmem_shared>>
      %dma_wait3A_45 = tpu.memref_slice %arg16[%mul3A_20] : memref<163840xf32, #tpu.memory_space<vmem_shared>> -> memref<10240xf32, #tpu.memory_space<vmem_shared>>
      tpu.wait_dma2 semaphore(%run_scoped3A : memref<!tpu.dma_semaphore, #tpu.memory_space<semaphore_mem>>) src(%arg6 : memref<10240xf32, #tpu.memory_space<vmem>>) dst(%dma_wait3A_45 : memref<10240xf32, #tpu.memory_space<vmem_shared>>)
      tpu.yield
    }) : () -> ()
    %barrier3A = arith.constant 0 : index
    tpu.barrier barrier_id(%barrier3A)
    %scan3A_21 = arith.constant 0 : i32
    %scan3A_22 = arith.constant 0 : i32
    %scan3A_23 = arith.constant 16 : i32
    %scan3A_24 = arith.addi %scan3A_22, %scan3A_23 : i32
    %scan3A_25 = arith.constant 1 : i32
    %scan3A_26 = scf.for %scan3A_44 = %scan3A_22 to %scan3A_24 step %scan3A_25 iter_args(%scan3A_45 = %scan3A_21) -> (i32)  : i32 {
      %scan3A_46 = arith.constant 0 : i32
      %scan3A_47 = arith.constant 0 : i32
      %scan3A_48 = arith.constant 16 : i32
      %scan3A_49 = arith.addi %scan3A_47, %scan3A_48 : i32
      %scan3A_50 = arith.constant 1 : i32
      %scan3A_51 = scf.for %scan3A_61 = %scan3A_47 to %scan3A_49 step %scan3A_50 iter_args(%scan3A_62 = %scan3A_46) -> (i32)  : i32 {
        %mul3A_63 = arith.constant 10240 : i32
        %mul3A_64 = arith.muli %scan3A_61, %mul3A_63 : i32
        %mul3A_65 = arith.constant 640 : i32
        %mul3A_66 = arith.muli %scan3A_44, %mul3A_65 : i32
        %add3A_67 = arith.addi %mul3A_64, %mul3A_66 : i32
        %mul3A_68 = arith.constant 640 : i32
        %mul3A_69 = arith.muli %scan3A_61, %mul3A_68 : i32
        "tpu.region"() ({
          %run_scoped3A = tpu.sem_alloc : memref<!tpu.dma_semaphore, #tpu.memory_space<semaphore_mem>>
          %dma_start3A = tpu.memref_slice %arg8[%mul3A_69] : memref<10240xf32, #tpu.memory_space<vmem>> -> memref<640xf32, #tpu.memory_space<vmem>>
          %dma_start3A_71 = tpu.memref_slice %arg16[%add3A_67] : memref<163840xf32, #tpu.memory_space<vmem_shared>> -> memref<640xf32, #tpu.memory_space<vmem_shared>>
          %dma_start3A_72 = tpu.memref_slice %arg8[%mul3A_69] : memref<10240xf32, #tpu.memory_space<vmem>> -> memref<640xf32, #tpu.memory_space<vmem>>
          %dma_start3A_73 = tpu.memref_slice %arg16[%add3A_67] : memref<163840xf32, #tpu.memory_space<vmem_shared>> -> memref<640xf32, #tpu.memory_space<vmem_shared>>
          tpu.enqueue_dma source(%dma_start3A_73 : memref<640xf32, #tpu.memory_space<vmem_shared>>) target(%dma_start3A_72 : memref<640xf32, #tpu.memory_space<vmem>>) target_semaphore(%run_scoped3A : memref<!tpu.dma_semaphore, #tpu.memory_space<semaphore_mem>>)
          %dma_wait3A = tpu.memref_slice %arg8[%mul3A_69] : memref<10240xf32, #tpu.memory_space<vmem>> -> memref<640xf32, #tpu.memory_space<vmem>>
          %dma_wait3A_74 = tpu.memref_slice %arg16[%add3A_67] : memref<163840xf32, #tpu.memory_space<vmem_shared>> -> memref<640xf32, #tpu.memory_space<vmem_shared>>
          %dma_wait3A_75 = tpu.memref_slice %arg8[%mul3A_69] : memref<10240xf32, #tpu.memory_space<vmem>> -> memref<640xf32, #tpu.memory_space<vmem>>
          %dma_wait3A_76 = tpu.memref_slice %arg16[%add3A_67] : memref<163840xf32, #tpu.memory_space<vmem_shared>> -> memref<640xf32, #tpu.memory_space<vmem_shared>>
          tpu.wait_dma2 semaphore(%run_scoped3A : memref<!tpu.dma_semaphore, #tpu.memory_space<semaphore_mem>>) src(%dma_wait3A_76 : memref<640xf32, #tpu.memory_space<vmem_shared>>) dst(%dma_wait3A_75 : memref<640xf32, #tpu.memory_space<vmem>>)
          tpu.yield
        }) : () -> ()
        %scan3A_70 = arith.constant 0 : i32
        scf.yield %scan3A_70 : i32
      }
      %scan3A_52 = arith.constant 16 : i32
      %scan3A_53 = arith.constant 0 : i32
      %scan3A_54 = arith.constant 0 : i32
      %scan3A_55 = arith.constant 40 : i32
      %scan3A_56 = arith.addi %scan3A_54, %scan3A_55 : i32
      %scan3A_57 = arith.constant 1 : i32
      %scan3A_58 = scf.for %scan3A_61 = %scan3A_54 to %scan3A_56 step %scan3A_57 iter_args(%scan3A_62 = %scan3A_53) -> (i32)  : i32 {
        %mul3A_63 = arith.constant 16 : i32
        %mul3A_64 = arith.muli %scan3A_61, %mul3A_63 : i32
        %get3A = arith.index_cast %mul3A_64 : i32 to index
        %get3A_65 = tpu.vector_load %arg8[%get3A] {strides = array<i32>} : memref<10240xf32, #tpu.memory_space<vmem>>, vector<16xf32>,
        %mul3A_66 = arith.constant 16 : i32
        %mul3A_67 = arith.muli %scan3A_61, %mul3A_66 : i32
        %add3A_68 = arith.constant 640 : i32
        %add3A_69 = arith.addi %add3A_68, %mul3A_67 : i32
        %get3A_70 = arith.index_cast %add3A_69 : i32 to index
        %get3A_71 = tpu.vector_load %arg8[%get3A_70] {strides = array<i32>} : memref<10240xf32, #tpu.memory_space<vmem>>, vector<16xf32>,
        %add3A_72 = arith.addf %get3A_65, %get3A_71 : vector<16xf32>
        %mul3A_73 = arith.constant 16 : i32
        %mul3A_74 = arith.muli %scan3A_61, %mul3A_73 : i32
        %add3A_75 = arith.constant 1280 : i32
        %add3A_76 = arith.addi %add3A_75, %mul3A_74 : i32
        %get3A_77 = arith.index_cast %add3A_76 : i32 to index
        %get3A_78 = tpu.vector_load %arg8[%get3A_77] {strides = array<i32>} : memref<10240xf32, #tpu.memory_space<vmem>>, vector<16xf32>,
        %add3A_79 = arith.addf %add3A_72, %get3A_78 : vector<16xf32>
        %mul3A_80 = arith.constant 16 : i32
        %mul3A_81 = arith.muli %scan3A_61, %mul3A_80 : i32
        %add3A_82 = arith.constant 1920 : i32
        %add3A_83 = arith.addi %add3A_82, %mul3A_81 : i32
        %get3A_84 = arith.index_cast %add3A_83 : i32 to index
        %get3A_85 = tpu.vector_load %arg8[%get3A_84] {strides = array<i32>} : memref<10240xf32, #tpu.memory_space<vmem>>, vector<16xf32>,
        %add3A_86 = arith.addf %add3A_79, %get3A_85 : vector<16xf32>
        %mul3A_87 = arith.constant 16 : i32
        %mul3A_88 = arith.muli %scan3A_61, %mul3A_87 : i32
        %add3A_89 = arith.constant 2560 : i32
        %add3A_90 = arith.addi %add3A_89, %mul3A_88 : i32
        %get3A_91 = arith.index_cast %add3A_90 : i32 to index
        %get3A_92 = tpu.vector_load %arg8[%get3A_91] {strides = array<i32>} : memref<10240xf32, #tpu.memory_space<vmem>>, vector<16xf32>,
        %add3A_93 = arith.addf %add3A_86, %get3A_92 : vector<16xf32>
        %mul3A_94 = arith.constant 16 : i32
        %mul3A_95 = arith.muli %scan3A_61, %mul3A_94 : i32
        %add3A_96 = arith.constant 3200 : i32
        %add3A_97 = arith.addi %add3A_96, %mul3A_95 : i32
        %get3A_98 = arith.index_cast %add3A_97 : i32 to index
        %get3A_99 = tpu.vector_load %arg8[%get3A_98] {strides = array<i32>} : memref<10240xf32, #tpu.memory_space<vmem>>, vector<16xf32>,
        %add3A_100 = arith.addf %add3A_93, %get3A_99 : vector<16xf32>
        %mul3A_101 = arith.constant 16 : i32
        %mul3A_102 = arith.muli %scan3A_61, %mul3A_101 : i32
        %add3A_103 = arith.constant 3840 : i32
        %add3A_104 = arith.addi %add3A_103, %mul3A_102 : i32
        %get3A_105 = arith.index_cast %add3A_104 : i32 to index
        %get3A_106 = tpu.vector_load %arg8[%get3A_105] {strides = array<i32>} : memref<10240xf32, #tpu.memory_space<vmem>>, vector<16xf32>,
        %add3A_107 = arith.addf %add3A_100, %get3A_106 : vector<16xf32>
        %mul3A_108 = arith.constant 16 : i32
        %mul3A_109 = arith.muli %scan3A_61, %mul3A_108 : i32
        %add3A_110 = arith.constant 4480 : i32
        %add3A_111 = arith.addi %add3A_110, %mul3A_109 : i32
        %get3A_112 = arith.index_cast %add3A_111 : i32 to index
        %get3A_113 = tpu.vector_load %arg8[%get3A_112] {strides = array<i32>} : memref<10240xf32, #tpu.memory_space<vmem>>, vector<16xf32>,
        %add3A_114 = arith.addf %add3A_107, %get3A_113 : vector<16xf32>
        %mul3A_115 = arith.constant 16 : i32
        %mul3A_116 = arith.muli %scan3A_61, %mul3A_115 : i32
        %add3A_117 = arith.constant 5120 : i32
        %add3A_118 = arith.addi %add3A_117, %mul3A_116 : i32
        %get3A_119 = arith.index_cast %add3A_118 : i32 to index
        %get3A_120 = tpu.vector_load %arg8[%get3A_119] {strides = array<i32>} : memref<10240xf32, #tpu.memory_space<vmem>>, vector<16xf32>,
        %add3A_121 = arith.addf %add3A_114, %get3A_120 : vector<16xf32>
        %mul3A_122 = arith.constant 16 : i32
        %mul3A_123 = arith.muli %scan3A_61, %mul3A_122 : i32
        %add3A_124 = arith.constant 5760 : i32
        %add3A_125 = arith.addi %add3A_124, %mul3A_123 : i32
        %get3A_126 = arith.index_cast %add3A_125 : i32 to index
        %get3A_127 = tpu.vector_load %arg8[%get3A_126] {strides = array<i32>} : memref<10240xf32, #tpu.memory_space<vmem>>, vector<16xf32>,
        %add3A_128 = arith.addf %add3A_121, %get3A_127 : vector<16xf32>
        %mul3A_129 = arith.constant 16 : i32
        %mul3A_130 = arith.muli %scan3A_61, %mul3A_129 : i32
        %add3A_131 = arith.constant 6400 : i32
        %add3A_132 = arith.addi %add3A_131, %mul3A_130 : i32
        %get3A_133 = arith.index_cast %add3A_132 : i32 to index
        %get3A_134 = tpu.vector_load %arg8[%get3A_133] {strides = array<i32>} : memref<10240xf32, #tpu.memory_space<vmem>>, vector<16xf32>,
        %add3A_135 = arith.addf %add3A_128, %get3A_134 : vector<16xf32>
        %mul3A_136 = arith.constant 16 : i32
        %mul3A_137 = arith.muli %scan3A_61, %mul3A_136 : i32
        %add3A_138 = arith.constant 7040 : i32
        %add3A_139 = arith.addi %add3A_138, %mul3A_137 : i32
        %get3A_140 = arith.index_cast %add3A_139 : i32 to index
        %get3A_141 = tpu.vector_load %arg8[%get3A_140] {strides = array<i32>} : memref<10240xf32, #tpu.memory_space<vmem>>, vector<16xf32>,
        %add3A_142 = arith.addf %add3A_135, %get3A_141 : vector<16xf32>
        %mul3A_143 = arith.constant 16 : i32
        %mul3A_144 = arith.muli %scan3A_61, %mul3A_143 : i32
        %add3A_145 = arith.constant 7680 : i32
        %add3A_146 = arith.addi %add3A_145, %mul3A_144 : i32
        %get3A_147 = arith.index_cast %add3A_146 : i32 to index
        %get3A_148 = tpu.vector_load %arg8[%get3A_147] {strides = array<i32>} : memref<10240xf32, #tpu.memory_space<vmem>>, vector<16xf32>,
        %add3A_149 = arith.addf %add3A_142, %get3A_148 : vector<16xf32>
        %mul3A_150 = arith.constant 16 : i32
        %mul3A_151 = arith.muli %scan3A_61, %mul3A_150 : i32
        %add3A_152 = arith.constant 8320 : i32
        %add3A_153 = arith.addi %add3A_152, %mul3A_151 : i32
        %get3A_154 = arith.index_cast %add3A_153 : i32 to index
        %get3A_155 = tpu.vector_load %arg8[%get3A_154] {strides = array<i32>} : memref<10240xf32, #tpu.memory_space<vmem>>, vector<16xf32>,
        %add3A_156 = arith.addf %add3A_149, %get3A_155 : vector<16xf32>
        %mul3A_157 = arith.constant 16 : i32
        %mul3A_158 = arith.muli %scan3A_61, %mul3A_157 : i32
        %add3A_159 = arith.constant 8960 : i32
        %add3A_160 = arith.addi %add3A_159, %mul3A_158 : i32
        %get3A_161 = arith.index_cast %add3A_160 : i32 to index
        %get3A_162 = tpu.vector_load %arg8[%get3A_161] {strides = array<i32>} : memref<10240xf32, #tpu.memory_space<vmem>>, vector<16xf32>,
        %add3A_163 = arith.addf %add3A_156, %get3A_162 : vector<16xf32>
        %mul3A_164 = arith.constant 16 : i32
        %mul3A_165 = arith.muli %scan3A_61, %mul3A_164 : i32
        %add3A_166 = arith.constant 9600 : i32
        %add3A_167 = arith.addi %add3A_166, %mul3A_165 : i32
        %get3A_168 = arith.index_cast %add3A_167 : i32 to index
        %get3A_169 = tpu.vector_load %arg8[%get3A_168] {strides = array<i32>} : memref<10240xf32, #tpu.memory_space<vmem>>, vector<16xf32>,
        %add3A_170 = arith.addf %add3A_163, %get3A_169 : vector<16xf32>
        %mul3A_171 = arith.constant 640 : i32
        %mul3A_172 = arith.muli %scan3A_44, %mul3A_171 : i32
        %mul3A_173 = arith.constant 16 : i32
        %mul3A_174 = arith.muli %scan3A_61, %mul3A_173 : i32
        %add3A_175 = arith.addi %mul3A_172, %mul3A_174 : i32
        %swap3A_176 = arith.index_cast %add3A_175 : i32 to index
        %swap3A_177 = tpu.vector_load %arg6[%swap3A_176] {strides = array<i32>} : memref<10240xf32, #tpu.memory_space<vmem>>, vector<16xf32>,
        tpu.vector_store %arg6[%swap3A_176], %add3A_170 {strides = array<i32>} : memref<10240xf32, #tpu.memory_space<vmem>>, vector<16xf32>,
        %scan3A_178 = arith.constant 0 : i32
        scf.yield %scan3A_178 : i32
      }
      %scan3A_59 = arith.constant 40 : i32
      %scan3A_60 = arith.constant 0 : i32
      scf.yield %scan3A_60 : i32
    }
    %scan3A_27 = arith.constant 16 : i32
    %mul3A_28 = arith.constant 32768 : i32
    %mul3A_29 = arith.muli %add3A, %mul3A_28 : i32
    %broadcast_in_dim3A_30 = arith.constant 0.000000e+00 : f32
    %broadcast_in_dim3A_31 = vector.broadcast %broadcast_in_dim3A_30 : f32 to vector<16xf32>
    %scan3A_32 = arith.constant 0 : i32
    %scan3A_33 = arith.constant 2 : i32
    %scan3A_34 = arith.addi %scan3A_32, %scan3A_33 : i32
    %scan3A_35 = arith.constant 1 : i32
    %scan3A_36 = scf.for %scan3A_44 = %scan3A_32 to %scan3A_34 step %scan3A_35 iter_args(%scan3A_45 = %broadcast_in_dim3A_31) -> (vector<16xf32>)  : i32 {
      %mul3A_46 = arith.constant 16384 : i32
      %mul3A_47 = arith.muli %scan3A_44, %mul3A_46 : i32
      %add3A_48 = arith.addi %mul3A_29, %mul3A_47 : i32
      "tpu.region"() ({
        %run_scoped3A = tpu.sem_alloc : memref<!tpu.dma_semaphore, #tpu.memory_space<semaphore_mem>>
        %dma_start3A_65 = tpu.memref_slice %arg3[%add3A_48] : memref<1048576xi32, #tpu.memory_space<hbm>> -> memref<16384xi32, #tpu.memory_space<hbm>>
        %dma_start3A_66 = tpu.memref_slice %arg3[%add3A_48] : memref<1048576xi32, #tpu.memory_space<hbm>> -> memref<16384xi32, #tpu.memory_space<hbm>>
        tpu.enqueue_dma source(%dma_start3A_66 : memref<16384xi32, #tpu.memory_space<hbm>>) target(%arg9 : memref<16384xi32, #tpu.memory_space<vmem>>) target_semaphore(%run_scoped3A : memref<!tpu.dma_semaphore, #tpu.memory_space<semaphore_mem>>)
        %dma_wait3A = tpu.memref_slice %arg3[%add3A_48] : memref<1048576xi32, #tpu.memory_space<hbm>> -> memref<16384xi32, #tpu.memory_space<hbm>>
        %dma_wait3A_67 = tpu.memref_slice %arg3[%add3A_48] : memref<1048576xi32, #tpu.memory_space<hbm>> -> memref<16384xi32, #tpu.memory_space<hbm>>
        tpu.wait_dma2 semaphore(%run_scoped3A : memref<!tpu.dma_semaphore, #tpu.memory_space<semaphore_mem>>) src(%dma_wait3A_67 : memref<16384xi32, #tpu.memory_space<hbm>>) dst(%arg9 : memref<16384xi32, #tpu.memory_space<vmem>>)
        tpu.yield
      }) : () -> ()
      %dma_start3A = arith.constant 0 : i32
      %dma_start3A_49 = tpu.memref_slice %arg9[%dma_start3A] : memref<16384xi32, #tpu.memory_space<vmem>> -> memref<128xi32, #tpu.memory_space<vmem>>
      %dma_start3A_50 = arith.constant 0 : i32
      %dma_start3A_51 = arith.constant 0 : i32
      %dma_start3A_52 = tpu.memref_slice %arg4[%dma_start3A_50, %dma_start3A_51] : memref<10000x128xf32, #tpu.memory_space<hbm>> -> memref<10000x128xf32, #tpu.memory_space<hbm>>
      tpu.enqueue_indirect_dma source(%dma_start3A_52 : memref<10000x128xf32, #tpu.memory_space<hbm>>) target(%arg12 : memref<128x128xf32, #tpu.memory_space<vmem>>) offsets(%dma_start3A_49 : memref<128xi32, #tpu.memory_space<vmem>>) semaphore(%arg20 : memref<!tpu.dma_semaphore, #tpu.memory_space<semaphore_mem>>)
      %add3A_53 = arith.constant 0 : i32
      %add3A_54 = arith.addi %add3A_48, %add3A_53 : i32
      %dma_start3A_55 = arith.constant 0 : i32
      %dma_start3A_56 = tpu.memref_slice %arg2[%add3A_54, %dma_start3A_55] : memref<1048576x64xf32, #tpu.memory_space<hbm>> -> memref<128x64xf32, #tpu.memory_space<hbm>>
      %dma_start3A_57 = arith.constant 0 : i32
      %dma_start3A_58 = tpu.memref_slice %arg2[%add3A_54, %dma_start3A_57] : memref<1048576x64xf32, #tpu.memory_space<hbm>> -> memref<128x64xf32, #tpu.memory_space<hbm>>
      tpu.enqueue_dma source(%dma_start3A_58 : memref<128x64xf32, #tpu.memory_space<hbm>>) target(%arg10 : memref<128x64xf32, #tpu.memory_space<vmem>>) target_semaphore(%arg18 : memref<!tpu.dma_semaphore, #tpu.memory_space<semaphore_mem>>)
      %scan3A_59 = arith.constant 0 : i32
      %scan3A_60 = arith.constant 64 : i32
      %scan3A_61 = arith.addi %scan3A_59, %scan3A_60 : i32
      %scan3A_62 = arith.constant 1 : i32
      %scan3A_63 = scf.for %scan3A_65 = %scan3A_59 to %scan3A_61 step %scan3A_62 iter_args(%scan3A_66 = %scan3A_45) -> (vector<16xf32>)  : i32 {
        %mul3A_67 = arith.constant 2 : i32
        %mul3A_68 = arith.muli %mul3A_67, %scan3A_65 : i32
        %add3A_69 = arith.constant 1 : i32
        %add3A_70 = arith.addi %mul3A_68, %add3A_69 : i32
        %mul3A_71 = arith.constant 128 : i32
        %mul3A_72 = arith.muli %add3A_70, %mul3A_71 : i32
        %dma_start3A_73 = tpu.memref_slice %arg9[%mul3A_72] : memref<16384xi32, #tpu.memory_space<vmem>> -> memref<128xi32, #tpu.memory_space<vmem>>
        %dma_start3A_74 = arith.constant 0 : i32
        %dma_start3A_75 = arith.constant 0 : i32
        %dma_start3A_76 = tpu.memref_slice %arg4[%dma_start3A_74, %dma_start3A_75] : memref<10000x128xf32, #tpu.memory_space<hbm>> -> memref<10000x128xf32, #tpu.memory_space<hbm>>
        tpu.enqueue_indirect_dma source(%dma_start3A_76 : memref<10000x128xf32, #tpu.memory_space<hbm>>) target(%arg13 : memref<128x128xf32, #tpu.memory_space<vmem>>) offsets(%dma_start3A_73 : memref<128xi32, #tpu.memory_space<vmem>>) semaphore(%arg21 : memref<!tpu.dma_semaphore, #tpu.memory_space<semaphore_mem>>)
        %mul3A_77 = arith.constant 128 : i32
        %mul3A_78 = arith.muli %add3A_70, %mul3A_77 : i32
        %add3A_79 = arith.addi %add3A_48, %mul3A_78 : i32
        %dma_start3A_80 = arith.constant 0 : i32
        %dma_start3A_81 = tpu.memref_slice %arg2[%add3A_79, %dma_start3A_80] : memref<1048576x64xf32, #tpu.memory_space<hbm>> -> memref<128x64xf32, #tpu.memory_space<hbm>>
        %dma_start3A_82 = arith.constant 0 : i32
        %dma_start3A_83 = tpu.memref_slice %arg2[%add3A_79, %dma_start3A_82] : memref<1048576x64xf32, #tpu.memory_space<hbm>> -> memref<128x64xf32, #tpu.memory_space<hbm>>
        tpu.enqueue_dma source(%dma_start3A_83 : memref<128x64xf32, #tpu.memory_space<hbm>>) target(%arg11 : memref<128x64xf32, #tpu.memory_space<vmem>>) target_semaphore(%arg19 : memref<!tpu.dma_semaphore, #tpu.memory_space<semaphore_mem>>)
        %dma_wait3A = arith.constant 0 : i32
        %dma_wait3A_84 = arith.constant 0 : i32
        %dma_wait3A_85 = tpu.memref_slice %arg4[%dma_wait3A, %dma_wait3A_84] : memref<10000x128xf32, #tpu.memory_space<hbm>> -> memref<128x128xf32, #tpu.memory_space<hbm>>
        %dma_wait3A_86 = arith.constant 0 : i32
        %dma_wait3A_87 = arith.constant 0 : i32
        %dma_wait3A_88 = tpu.memref_slice %arg4[%dma_wait3A_86, %dma_wait3A_87] : memref<10000x128xf32, #tpu.memory_space<hbm>> -> memref<128x128xf32, #tpu.memory_space<hbm>>
        tpu.wait_dma2 semaphore(%arg20 : memref<!tpu.dma_semaphore, #tpu.memory_space<semaphore_mem>>) src(%dma_wait3A_88 : memref<128x128xf32, #tpu.memory_space<hbm>>) dst(%arg12 : memref<128x128xf32, #tpu.memory_space<vmem>>)
        %dma_wait3A_89 = arith.constant 0 : i32
        %dma_wait3A_90 = arith.constant 0 : i32
        %dma_wait3A_91 = tpu.memref_slice %arg2[%dma_wait3A_89, %dma_wait3A_90] : memref<1048576x64xf32, #tpu.memory_space<hbm>> -> memref<128x64xf32, #tpu.memory_space<hbm>>
        %dma_wait3A_92 = arith.constant 0 : i32
        %dma_wait3A_93 = arith.constant 0 : i32
        %dma_wait3A_94 = tpu.memref_slice %arg2[%dma_wait3A_92, %dma_wait3A_93] : memref<1048576x64xf32, #tpu.memory_space<hbm>> -> memref<128x64xf32, #tpu.memory_space<hbm>>
        tpu.wait_dma2 semaphore(%arg18 : memref<!tpu.dma_semaphore, #tpu.memory_space<semaphore_mem>>) src(%dma_wait3A_94 : memref<128x64xf32, #tpu.memory_space<hbm>>) dst(%arg10 : memref<128x64xf32, #tpu.memory_space<vmem>>)
        %mul3A_95 = arith.constant 2 : i32
        %mul3A_96 = arith.muli %mul3A_95, %scan3A_65 : i32
        %scan3A_97 = arith.constant 0 : i32
        %scan3A_98 = arith.constant 8 : i32
        %scan3A_99 = arith.addi %scan3A_97, %scan3A_98 : i32
        %scan3A_100 = arith.constant 1 : i32
        %scan3A_101 = scf.for %scan3A_129 = %scan3A_97 to %scan3A_99 step %scan3A_100 iter_args(%scan3A_130 = %scan3A_66) -> (vector<16xf32>)  : i32 {
          %mul3A_131 = arith.constant 128 : i32
          %mul3A_132 = arith.muli %mul3A_96, %mul3A_131 : i32
          %mul3A_133 = arith.constant 16 : i32
          %mul3A_134 = arith.muli %scan3A_129, %mul3A_133 : i32
          %add3A_135 = arith.addi %mul3A_132, %mul3A_134 : i32
          %get3A = arith.index_cast %add3A_135 : i32 to index
          %get3A_136 = tpu.vector_load %arg9[%get3A] {strides = array<i32>} : memref<16384xi32, #tpu.memory_space<vmem>>, vector<16xi32>,
          %gather3A = tpu.vector_load_idx %arg6[%get3A_136] : memref<10240xf32, #tpu.memory_space<vmem>>[vector<16xi32>], vector<16xf32>,
          %mul3A_137 = arith.constant 16 : i32
          %mul3A_138 = arith.muli %scan3A_129, %mul3A_137 : i32
          %add3A_139 = vector.broadcast %mul3A_138 : i32 to vector<16xi32>
          %add3A_140 = arith.addi %iota3A, %add3A_139 : vector<16xi32>
          %broadcast_in_dim3A_141 = arith.constant 0.000000e+00 : f32
          %broadcast_in_dim3A_142 = vector.broadcast %broadcast_in_dim3A_141 : f32 to vector<16xf32>
          %add3A_143 = arith.constant 0 : i32
          %add3A_144 = vector.broadcast %add3A_143 : i32 to vector<16xi32>
          %add3A_145 = arith.addi %iota3A, %add3A_144 : vector<16xi32>
          %and3A = arith.constant 63 : i32
          %and3A_146 = vector.broadcast %and3A : i32 to vector<16xi32>
          %and3A_147 = arith.andi %add3A_145, %and3A_146 : vector<16xi32>
          %gather3A_148 = tpu.vector_load_idx %arg10[%add3A_140, %and3A_147] : memref<128x64xf32, #tpu.memory_space<vmem>>[vector<16xi32>, vector<16xi32>], vector<16xf32>,
          %gather3A_149 = tpu.vector_load_idx %arg12[%add3A_140, %and3A_147] : memref<128x128xf32, #tpu.memory_space<vmem>>[vector<16xi32>, vector<16xi32>], vector<16xf32>,
          %sub3A = arith.subf %gather3A_148, %gather3A_149 : vector<16xf32>
          %mul3A_150 = arith.mulf %sub3A, %sub3A : vector<16xf32>
          %add3A_151 = arith.addf %broadcast_in_dim3A_142, %mul3A_150 : vector<16xf32>
          %add3A_152 = arith.constant 1 : i32
          %add3A_153 = vector.broadcast %add3A_152 : i32 to vector<16xi32>
          %add3A_154 = arith.addi %iota3A, %add3A_153 : vector<16xi32>
          %and3A_155 = arith.constant 63 : i32
          %and3A_156 = vector.broadcast %and3A_155 : i32 to vector<16xi32>
          %and3A_157 = arith.andi %add3A_154, %and3A_156 : vector<16xi32>
          %gather3A_158 = tpu.vector_load_idx %arg10[%add3A_140, %and3A_157] : memref<128x64xf32, #tpu.memory_space<vmem>>[vector<16xi32>, vector<16xi32>], vector<16xf32>,
          %gather3A_159 = tpu.vector_load_idx %arg12[%add3A_140, %and3A_157] : memref<128x128xf32, #tpu.memory_space<vmem>>[vector<16xi32>, vector<16xi32>], vector<16xf32>,
          %sub3A_160 = arith.subf %gather3A_158, %gather3A_159 : vector<16xf32>
          %mul3A_161 = arith.mulf %sub3A_160, %sub3A_160 : vector<16xf32>
          %add3A_162 = arith.addf %add3A_151, %mul3A_161 : vector<16xf32>
          %add3A_163 = arith.constant 2 : i32
          %add3A_164 = vector.broadcast %add3A_163 : i32 to vector<16xi32>
          %add3A_165 = arith.addi %iota3A, %add3A_164 : vector<16xi32>
          %and3A_166 = arith.constant 63 : i32
          %and3A_167 = vector.broadcast %and3A_166 : i32 to vector<16xi32>
          %and3A_168 = arith.andi %add3A_165, %and3A_167 : vector<16xi32>
          %gather3A_169 = tpu.vector_load_idx %arg10[%add3A_140, %and3A_168] : memref<128x64xf32, #tpu.memory_space<vmem>>[vector<16xi32>, vector<16xi32>], vector<16xf32>,
          %gather3A_170 = tpu.vector_load_idx %arg12[%add3A_140, %and3A_168] : memref<128x128xf32, #tpu.memory_space<vmem>>[vector<16xi32>, vector<16xi32>], vector<16xf32>,
          %sub3A_171 = arith.subf %gather3A_169, %gather3A_170 : vector<16xf32>
          %mul3A_172 = arith.mulf %sub3A_171, %sub3A_171 : vector<16xf32>
          %add3A_173 = arith.addf %add3A_162, %mul3A_172 : vector<16xf32>
          %add3A_174 = arith.constant 3 : i32
          %add3A_175 = vector.broadcast %add3A_174 : i32 to vector<16xi32>
          %add3A_176 = arith.addi %iota3A, %add3A_175 : vector<16xi32>
          %and3A_177 = arith.constant 63 : i32
          %and3A_178 = vector.broadcast %and3A_177 : i32 to vector<16xi32>
          %and3A_179 = arith.andi %add3A_176, %and3A_178 : vector<16xi32>
          %gather3A_180 = tpu.vector_load_idx %arg10[%add3A_140, %and3A_179] : memref<128x64xf32, #tpu.memory_space<vmem>>[vector<16xi32>, vector<16xi32>], vector<16xf32>,
          %gather3A_181 = tpu.vector_load_idx %arg12[%add3A_140, %and3A_179] : memref<128x128xf32, #tpu.memory_space<vmem>>[vector<16xi32>, vector<16xi32>], vector<16xf32>,
          %sub3A_182 = arith.subf %gather3A_180, %gather3A_181 : vector<16xf32>
          %mul3A_183 = arith.mulf %sub3A_182, %sub3A_182 : vector<16xf32>
          %add3A_184 = arith.addf %add3A_173, %mul3A_183 : vector<16xf32>
          %add3A_185 = arith.constant 4 : i32
          %add3A_186 = vector.broadcast %add3A_185 : i32 to vector<16xi32>
          %add3A_187 = arith.addi %iota3A, %add3A_186 : vector<16xi32>
          %and3A_188 = arith.constant 63 : i32
          %and3A_189 = vector.broadcast %and3A_188 : i32 to vector<16xi32>
          %and3A_190 = arith.andi %add3A_187, %and3A_189 : vector<16xi32>
          %gather3A_191 = tpu.vector_load_idx %arg10[%add3A_140, %and3A_190] : memref<128x64xf32, #tpu.memory_space<vmem>>[vector<16xi32>, vector<16xi32>], vector<16xf32>,
          %gather3A_192 = tpu.vector_load_idx %arg12[%add3A_140, %and3A_190] : memref<128x128xf32, #tpu.memory_space<vmem>>[vector<16xi32>, vector<16xi32>], vector<16xf32>,
          %sub3A_193 = arith.subf %gather3A_191, %gather3A_192 : vector<16xf32>
          %mul3A_194 = arith.mulf %sub3A_193, %sub3A_193 : vector<16xf32>
          %add3A_195 = arith.addf %add3A_184, %mul3A_194 : vector<16xf32>
          %add3A_196 = arith.constant 5 : i32
          %add3A_197 = vector.broadcast %add3A_196 : i32 to vector<16xi32>
          %add3A_198 = arith.addi %iota3A, %add3A_197 : vector<16xi32>
          %and3A_199 = arith.constant 63 : i32
          %and3A_200 = vector.broadcast %and3A_199 : i32 to vector<16xi32>
          %and3A_201 = arith.andi %add3A_198, %and3A_200 : vector<16xi32>
          %gather3A_202 = tpu.vector_load_idx %arg10[%add3A_140, %and3A_201] : memref<128x64xf32, #tpu.memory_space<vmem>>[vector<16xi32>, vector<16xi32>], vector<16xf32>,
          %gather3A_203 = tpu.vector_load_idx %arg12[%add3A_140, %and3A_201] : memref<128x128xf32, #tpu.memory_space<vmem>>[vector<16xi32>, vector<16xi32>], vector<16xf32>,
          %sub3A_204 = arith.subf %gather3A_202, %gather3A_203 : vector<16xf32>
          %mul3A_205 = arith.mulf %sub3A_204, %sub3A_204 : vector<16xf32>
          %add3A_206 = arith.addf %add3A_195, %mul3A_205 : vector<16xf32>
          %add3A_207 = arith.constant 6 : i32
          %add3A_208 = vector.broadcast %add3A_207 : i32 to vector<16xi32>
          %add3A_209 = arith.addi %iota3A, %add3A_208 : vector<16xi32>
          %and3A_210 = arith.constant 63 : i32
          %and3A_211 = vector.broadcast %and3A_210 : i32 to vector<16xi32>
          %and3A_212 = arith.andi %add3A_209, %and3A_211 : vector<16xi32>
          %gather3A_213 = tpu.vector_load_idx %arg10[%add3A_140, %and3A_212] : memref<128x64xf32, #tpu.memory_space<vmem>>[vector<16xi32>, vector<16xi32>], vector<16xf32>,
          %gather3A_214 = tpu.vector_load_idx %arg12[%add3A_140, %and3A_212] : memref<128x128xf32, #tpu.memory_space<vmem>>[vector<16xi32>, vector<16xi32>], vector<16xf32>,
          %sub3A_215 = arith.subf %gather3A_213, %gather3A_214 : vector<16xf32>
          %mul3A_216 = arith.mulf %sub3A_215, %sub3A_215 : vector<16xf32>
          %add3A_217 = arith.addf %add3A_206, %mul3A_216 : vector<16xf32>
          %add3A_218 = arith.constant 7 : i32
          %add3A_219 = vector.broadcast %add3A_218 : i32 to vector<16xi32>
          %add3A_220 = arith.addi %iota3A, %add3A_219 : vector<16xi32>
          %and3A_221 = arith.constant 63 : i32
          %and3A_222 = vector.broadcast %and3A_221 : i32 to vector<16xi32>
          %and3A_223 = arith.andi %add3A_220, %and3A_222 : vector<16xi32>
          %gather3A_224 = tpu.vector_load_idx %arg10[%add3A_140, %and3A_223] : memref<128x64xf32, #tpu.memory_space<vmem>>[vector<16xi32>, vector<16xi32>], vector<16xf32>,
          %gather3A_225 = tpu.vector_load_idx %arg12[%add3A_140, %and3A_223] : memref<128x128xf32, #tpu.memory_space<vmem>>[vector<16xi32>, vector<16xi32>], vector<16xf32>,
          %sub3A_226 = arith.subf %gather3A_224, %gather3A_225 : vector<16xf32>
          %mul3A_227 = arith.mulf %sub3A_226, %sub3A_226 : vector<16xf32>
          %add3A_228 = arith.addf %add3A_217, %mul3A_227 : vector<16xf32>
          %add3A_229 = arith.constant 8 : i32
          %add3A_230 = vector.broadcast %add3A_229 : i32 to vector<16xi32>
          %add3A_231 = arith.addi %iota3A, %add3A_230 : vector<16xi32>
          %and3A_232 = arith.constant 63 : i32
          %and3A_233 = vector.broadcast %and3A_232 : i32 to vector<16xi32>
          %and3A_234 = arith.andi %add3A_231, %and3A_233 : vector<16xi32>
          %gather3A_235 = tpu.vector_load_idx %arg10[%add3A_140, %and3A_234] : memref<128x64xf32, #tpu.memory_space<vmem>>[vector<16xi32>, vector<16xi32>], vector<16xf32>,
          %gather3A_236 = tpu.vector_load_idx %arg12[%add3A_140, %and3A_234] : memref<128x128xf32, #tpu.memory_space<vmem>>[vector<16xi32>, vector<16xi32>], vector<16xf32>,
          %sub3A_237 = arith.subf %gather3A_235, %gather3A_236 : vector<16xf32>
          %mul3A_238 = arith.mulf %sub3A_237, %sub3A_237 : vector<16xf32>
          %add3A_239 = arith.addf %add3A_228, %mul3A_238 : vector<16xf32>
          %add3A_240 = arith.constant 9 : i32
          %add3A_241 = vector.broadcast %add3A_240 : i32 to vector<16xi32>
          %add3A_242 = arith.addi %iota3A, %add3A_241 : vector<16xi32>
          %and3A_243 = arith.constant 63 : i32
          %and3A_244 = vector.broadcast %and3A_243 : i32 to vector<16xi32>
          %and3A_245 = arith.andi %add3A_242, %and3A_244 : vector<16xi32>
          %gather3A_246 = tpu.vector_load_idx %arg10[%add3A_140, %and3A_245] : memref<128x64xf32, #tpu.memory_space<vmem>>[vector<16xi32>, vector<16xi32>], vector<16xf32>,
          %gather3A_247 = tpu.vector_load_idx %arg12[%add3A_140, %and3A_245] : memref<128x128xf32, #tpu.memory_space<vmem>>[vector<16xi32>, vector<16xi32>], vector<16xf32>,
          %sub3A_248 = arith.subf %gather3A_246, %gather3A_247 : vector<16xf32>
          %mul3A_249 = arith.mulf %sub3A_248, %sub3A_248 : vector<16xf32>
          %add3A_250 = arith.addf %add3A_239, %mul3A_249 : vector<16xf32>
          %add3A_251 = arith.constant 10 : i32
          %add3A_252 = vector.broadcast %add3A_251 : i32 to vector<16xi32>
          %add3A_253 = arith.addi %iota3A, %add3A_252 : vector<16xi32>
          %and3A_254 = arith.constant 63 : i32
          %and3A_255 = vector.broadcast %and3A_254 : i32 to vector<16xi32>
          %and3A_256 = arith.andi %add3A_253, %and3A_255 : vector<16xi32>
          %gather3A_257 = tpu.vector_load_idx %arg10[%add3A_140, %and3A_256] : memref<128x64xf32, #tpu.memory_space<vmem>>[vector<16xi32>, vector<16xi32>], vector<16xf32>,
          %gather3A_258 = tpu.vector_load_idx %arg12[%add3A_140, %and3A_256] : memref<128x128xf32, #tpu.memory_space<vmem>>[vector<16xi32>, vector<16xi32>], vector<16xf32>,
          %sub3A_259 = arith.subf %gather3A_257, %gather3A_258 : vector<16xf32>
          %mul3A_260 = arith.mulf %sub3A_259, %sub3A_259 : vector<16xf32>
          %add3A_261 = arith.addf %add3A_250, %mul3A_260 : vector<16xf32>
          %add3A_262 = arith.constant 11 : i32
          %add3A_263 = vector.broadcast %add3A_262 : i32 to vector<16xi32>
          %add3A_264 = arith.addi %iota3A, %add3A_263 : vector<16xi32>
          %and3A_265 = arith.constant 63 : i32
          %and3A_266 = vector.broadcast %and3A_265 : i32 to vector<16xi32>
          %and3A_267 = arith.andi %add3A_264, %and3A_266 : vector<16xi32>
          %gather3A_268 = tpu.vector_load_idx %arg10[%add3A_140, %and3A_267] : memref<128x64xf32, #tpu.memory_space<vmem>>[vector<16xi32>, vector<16xi32>], vector<16xf32>,
          %gather3A_269 = tpu.vector_load_idx %arg12[%add3A_140, %and3A_267] : memref<128x128xf32, #tpu.memory_space<vmem>>[vector<16xi32>, vector<16xi32>], vector<16xf32>,
          %sub3A_270 = arith.subf %gather3A_268, %gather3A_269 : vector<16xf32>
          %mul3A_271 = arith.mulf %sub3A_270, %sub3A_270 : vector<16xf32>
          %add3A_272 = arith.addf %add3A_261, %mul3A_271 : vector<16xf32>
          %add3A_273 = arith.constant 12 : i32
          %add3A_274 = vector.broadcast %add3A_273 : i32 to vector<16xi32>
          %add3A_275 = arith.addi %iota3A, %add3A_274 : vector<16xi32>
          %and3A_276 = arith.constant 63 : i32
          %and3A_277 = vector.broadcast %and3A_276 : i32 to vector<16xi32>
          %and3A_278 = arith.andi %add3A_275, %and3A_277 : vector<16xi32>
          %gather3A_279 = tpu.vector_load_idx %arg10[%add3A_140, %and3A_278] : memref<128x64xf32, #tpu.memory_space<vmem>>[vector<16xi32>, vector<16xi32>], vector<16xf32>,
          %gather3A_280 = tpu.vector_load_idx %arg12[%add3A_140, %and3A_278] : memref<128x128xf32, #tpu.memory_space<vmem>>[vector<16xi32>, vector<16xi32>], vector<16xf32>,
          %sub3A_281 = arith.subf %gather3A_279, %gather3A_280 : vector<16xf32>
          %mul3A_282 = arith.mulf %sub3A_281, %sub3A_281 : vector<16xf32>
          %add3A_283 = arith.addf %add3A_272, %mul3A_282 : vector<16xf32>
          %add3A_284 = arith.constant 13 : i32
          %add3A_285 = vector.broadcast %add3A_284 : i32 to vector<16xi32>
          %add3A_286 = arith.addi %iota3A, %add3A_285 : vector<16xi32>
          %and3A_287 = arith.constant 63 : i32
          %and3A_288 = vector.broadcast %and3A_287 : i32 to vector<16xi32>
          %and3A_289 = arith.andi %add3A_286, %and3A_288 : vector<16xi32>
          %gather3A_290 = tpu.vector_load_idx %arg10[%add3A_140, %and3A_289] : memref<128x64xf32, #tpu.memory_space<vmem>>[vector<16xi32>, vector<16xi32>], vector<16xf32>,
          %gather3A_291 = tpu.vector_load_idx %arg12[%add3A_140, %and3A_289] : memref<128x128xf32, #tpu.memory_space<vmem>>[vector<16xi32>, vector<16xi32>], vector<16xf32>,
          %sub3A_292 = arith.subf %gather3A_290, %gather3A_291 : vector<16xf32>
          %mul3A_293 = arith.mulf %sub3A_292, %sub3A_292 : vector<16xf32>
          %add3A_294 = arith.addf %add3A_283, %mul3A_293 : vector<16xf32>
          %add3A_295 = arith.constant 14 : i32
          %add3A_296 = vector.broadcast %add3A_295 : i32 to vector<16xi32>
          %add3A_297 = arith.addi %iota3A, %add3A_296 : vector<16xi32>
          %and3A_298 = arith.constant 63 : i32
          %and3A_299 = vector.broadcast %and3A_298 : i32 to vector<16xi32>
          %and3A_300 = arith.andi %add3A_297, %and3A_299 : vector<16xi32>
          %gather3A_301 = tpu.vector_load_idx %arg10[%add3A_140, %and3A_300] : memref<128x64xf32, #tpu.memory_space<vmem>>[vector<16xi32>, vector<16xi32>], vector<16xf32>,
          %gather3A_302 = tpu.vector_load_idx %arg12[%add3A_140, %and3A_300] : memref<128x128xf32, #tpu.memory_space<vmem>>[vector<16xi32>, vector<16xi32>], vector<16xf32>,
          %sub3A_303 = arith.subf %gather3A_301, %gather3A_302 : vector<16xf32>
          %mul3A_304 = arith.mulf %sub3A_303, %sub3A_303 : vector<16xf32>
          %add3A_305 = arith.addf %add3A_294, %mul3A_304 : vector<16xf32>
          %add3A_306 = arith.constant 15 : i32
          %add3A_307 = vector.broadcast %add3A_306 : i32 to vector<16xi32>
          %add3A_308 = arith.addi %iota3A, %add3A_307 : vector<16xi32>
          %and3A_309 = arith.constant 63 : i32
          %and3A_310 = vector.broadcast %and3A_309 : i32 to vector<16xi32>
          %and3A_311 = arith.andi %add3A_308, %and3A_310 : vector<16xi32>
          %gather3A_312 = tpu.vector_load_idx %arg10[%add3A_140, %and3A_311] : memref<128x64xf32, #tpu.memory_space<vmem>>[vector<16xi32>, vector<16xi32>], vector<16xf32>,
          %gather3A_313 = tpu.vector_load_idx %arg12[%add3A_140, %and3A_311] : memref<128x128xf32, #tpu.memory_space<vmem>>[vector<16xi32>, vector<16xi32>], vector<16xf32>,
          %sub3A_314 = arith.subf %gather3A_312, %gather3A_313 : vector<16xf32>
          %mul3A_315 = arith.mulf %sub3A_314, %sub3A_314 : vector<16xf32>
          %add3A_316 = arith.addf %add3A_305, %mul3A_315 : vector<16xf32>
          %add3A_317 = arith.constant 16 : i32
          %add3A_318 = vector.broadcast %add3A_317 : i32 to vector<16xi32>
          %add3A_319 = arith.addi %iota3A, %add3A_318 : vector<16xi32>
          %and3A_320 = arith.constant 63 : i32
          %and3A_321 = vector.broadcast %and3A_320 : i32 to vector<16xi32>
          %and3A_322 = arith.andi %add3A_319, %and3A_321 : vector<16xi32>
          %gather3A_323 = tpu.vector_load_idx %arg10[%add3A_140, %and3A_322] : memref<128x64xf32, #tpu.memory_space<vmem>>[vector<16xi32>, vector<16xi32>], vector<16xf32>,
          %gather3A_324 = tpu.vector_load_idx %arg12[%add3A_140, %and3A_322] : memref<128x128xf32, #tpu.memory_space<vmem>>[vector<16xi32>, vector<16xi32>], vector<16xf32>,
          %sub3A_325 = arith.subf %gather3A_323, %gather3A_324 : vector<16xf32>
          %mul3A_326 = arith.mulf %sub3A_325, %sub3A_325 : vector<16xf32>
          %add3A_327 = arith.addf %add3A_316, %mul3A_326 : vector<16xf32>
          %add3A_328 = arith.constant 17 : i32
          %add3A_329 = vector.broadcast %add3A_328 : i32 to vector<16xi32>
          %add3A_330 = arith.addi %iota3A, %add3A_329 : vector<16xi32>
          %and3A_331 = arith.constant 63 : i32
          %and3A_332 = vector.broadcast %and3A_331 : i32 to vector<16xi32>
          %and3A_333 = arith.andi %add3A_330, %and3A_332 : vector<16xi32>
          %gather3A_334 = tpu.vector_load_idx %arg10[%add3A_140, %and3A_333] : memref<128x64xf32, #tpu.memory_space<vmem>>[vector<16xi32>, vector<16xi32>], vector<16xf32>,
          %gather3A_335 = tpu.vector_load_idx %arg12[%add3A_140, %and3A_333] : memref<128x128xf32, #tpu.memory_space<vmem>>[vector<16xi32>, vector<16xi32>], vector<16xf32>,
          %sub3A_336 = arith.subf %gather3A_334, %gather3A_335 : vector<16xf32>
          %mul3A_337 = arith.mulf %sub3A_336, %sub3A_336 : vector<16xf32>
          %add3A_338 = arith.addf %add3A_327, %mul3A_337 : vector<16xf32>
          %add3A_339 = arith.constant 18 : i32
          %add3A_340 = vector.broadcast %add3A_339 : i32 to vector<16xi32>
          %add3A_341 = arith.addi %iota3A, %add3A_340 : vector<16xi32>
          %and3A_342 = arith.constant 63 : i32
          %and3A_343 = vector.broadcast %and3A_342 : i32 to vector<16xi32>
          %and3A_344 = arith.andi %add3A_341, %and3A_343 : vector<16xi32>
          %gather3A_345 = tpu.vector_load_idx %arg10[%add3A_140, %and3A_344] : memref<128x64xf32, #tpu.memory_space<vmem>>[vector<16xi32>, vector<16xi32>], vector<16xf32>,
          %gather3A_346 = tpu.vector_load_idx %arg12[%add3A_140, %and3A_344] : memref<128x128xf32, #tpu.memory_space<vmem>>[vector<16xi32>, vector<16xi32>], vector<16xf32>,
          %sub3A_347 = arith.subf %gather3A_345, %gather3A_346 : vector<16xf32>
          %mul3A_348 = arith.mulf %sub3A_347, %sub3A_347 : vector<16xf32>
          %add3A_349 = arith.addf %add3A_338, %mul3A_348 : vector<16xf32>
          %add3A_350 = arith.constant 19 : i32
          %add3A_351 = vector.broadcast %add3A_350 : i32 to vector<16xi32>
          %add3A_352 = arith.addi %iota3A, %add3A_351 : vector<16xi32>
          %and3A_353 = arith.constant 63 : i32
          %and3A_354 = vector.broadcast %and3A_353 : i32 to vector<16xi32>
          %and3A_355 = arith.andi %add3A_352, %and3A_354 : vector<16xi32>
          %gather3A_356 = tpu.vector_load_idx %arg10[%add3A_140, %and3A_355] : memref<128x64xf32, #tpu.memory_space<vmem>>[vector<16xi32>, vector<16xi32>], vector<16xf32>,
          %gather3A_357 = tpu.vector_load_idx %arg12[%add3A_140, %and3A_355] : memref<128x128xf32, #tpu.memory_space<vmem>>[vector<16xi32>, vector<16xi32>], vector<16xf32>,
          %sub3A_358 = arith.subf %gather3A_356, %gather3A_357 : vector<16xf32>
          %mul3A_359 = arith.mulf %sub3A_358, %sub3A_358 : vector<16xf32>
          %add3A_360 = arith.addf %add3A_349, %mul3A_359 : vector<16xf32>
          %add3A_361 = arith.constant 20 : i32
          %add3A_362 = vector.broadcast %add3A_361 : i32 to vector<16xi32>
          %add3A_363 = arith.addi %iota3A, %add3A_362 : vector<16xi32>
          %and3A_364 = arith.constant 63 : i32
          %and3A_365 = vector.broadcast %and3A_364 : i32 to vector<16xi32>
          %and3A_366 = arith.andi %add3A_363, %and3A_365 : vector<16xi32>
          %gather3A_367 = tpu.vector_load_idx %arg10[%add3A_140, %and3A_366] : memref<128x64xf32, #tpu.memory_space<vmem>>[vector<16xi32>, vector<16xi32>], vector<16xf32>,
          %gather3A_368 = tpu.vector_load_idx %arg12[%add3A_140, %and3A_366] : memref<128x128xf32, #tpu.memory_space<vmem>>[vector<16xi32>, vector<16xi32>], vector<16xf32>,
          %sub3A_369 = arith.subf %gather3A_367, %gather3A_368 : vector<16xf32>
          %mul3A_370 = arith.mulf %sub3A_369, %sub3A_369 : vector<16xf32>
          %add3A_371 = arith.addf %add3A_360, %mul3A_370 : vector<16xf32>
          %add3A_372 = arith.constant 21 : i32
          %add3A_373 = vector.broadcast %add3A_372 : i32 to vector<16xi32>
          %add3A_374 = arith.addi %iota3A, %add3A_373 : vector<16xi32>
          %and3A_375 = arith.constant 63 : i32
          %and3A_376 = vector.broadcast %and3A_375 : i32 to vector<16xi32>
          %and3A_377 = arith.andi %add3A_374, %and3A_376 : vector<16xi32>
          %gather3A_378 = tpu.vector_load_idx %arg10[%add3A_140, %and3A_377] : memref<128x64xf32, #tpu.memory_space<vmem>>[vector<16xi32>, vector<16xi32>], vector<16xf32>,
          %gather3A_379 = tpu.vector_load_idx %arg12[%add3A_140, %and3A_377] : memref<128x128xf32, #tpu.memory_space<vmem>>[vector<16xi32>, vector<16xi32>], vector<16xf32>,
          %sub3A_380 = arith.subf %gather3A_378, %gather3A_379 : vector<16xf32>
          %mul3A_381 = arith.mulf %sub3A_380, %sub3A_380 : vector<16xf32>
          %add3A_382 = arith.addf %add3A_371, %mul3A_381 : vector<16xf32>
          %add3A_383 = arith.constant 22 : i32
          %add3A_384 = vector.broadcast %add3A_383 : i32 to vector<16xi32>
          %add3A_385 = arith.addi %iota3A, %add3A_384 : vector<16xi32>
          %and3A_386 = arith.constant 63 : i32
          %and3A_387 = vector.broadcast %and3A_386 : i32 to vector<16xi32>
          %and3A_388 = arith.andi %add3A_385, %and3A_387 : vector<16xi32>
          %gather3A_389 = tpu.vector_load_idx %arg10[%add3A_140, %and3A_388] : memref<128x64xf32, #tpu.memory_space<vmem>>[vector<16xi32>, vector<16xi32>], vector<16xf32>,
          %gather3A_390 = tpu.vector_load_idx %arg12[%add3A_140, %and3A_388] : memref<128x128xf32, #tpu.memory_space<vmem>>[vector<16xi32>, vector<16xi32>], vector<16xf32>,
          %sub3A_391 = arith.subf %gather3A_389, %gather3A_390 : vector<16xf32>
          %mul3A_392 = arith.mulf %sub3A_391, %sub3A_391 : vector<16xf32>
          %add3A_393 = arith.addf %add3A_382, %mul3A_392 : vector<16xf32>
          %add3A_394 = arith.constant 23 : i32
          %add3A_395 = vector.broadcast %add3A_394 : i32 to vector<16xi32>
          %add3A_396 = arith.addi %iota3A, %add3A_395 : vector<16xi32>
          %and3A_397 = arith.constant 63 : i32
          %and3A_398 = vector.broadcast %and3A_397 : i32 to vector<16xi32>
          %and3A_399 = arith.andi %add3A_396, %and3A_398 : vector<16xi32>
          %gather3A_400 = tpu.vector_load_idx %arg10[%add3A_140, %and3A_399] : memref<128x64xf32, #tpu.memory_space<vmem>>[vector<16xi32>, vector<16xi32>], vector<16xf32>,
          %gather3A_401 = tpu.vector_load_idx %arg12[%add3A_140, %and3A_399] : memref<128x128xf32, #tpu.memory_space<vmem>>[vector<16xi32>, vector<16xi32>], vector<16xf32>,
          %sub3A_402 = arith.subf %gather3A_400, %gather3A_401 : vector<16xf32>
          %mul3A_403 = arith.mulf %sub3A_402, %sub3A_402 : vector<16xf32>
          %add3A_404 = arith.addf %add3A_393, %mul3A_403 : vector<16xf32>
          %add3A_405 = arith.constant 24 : i32
          %add3A_406 = vector.broadcast %add3A_405 : i32 to vector<16xi32>
          %add3A_407 = arith.addi %iota3A, %add3A_406 : vector<16xi32>
          %and3A_408 = arith.constant 63 : i32
          %and3A_409 = vector.broadcast %and3A_408 : i32 to vector<16xi32>
          %and3A_410 = arith.andi %add3A_407, %and3A_409 : vector<16xi32>
          %gather3A_411 = tpu.vector_load_idx %arg10[%add3A_140, %and3A_410] : memref<128x64xf32, #tpu.memory_space<vmem>>[vector<16xi32>, vector<16xi32>], vector<16xf32>,
          %gather3A_412 = tpu.vector_load_idx %arg12[%add3A_140, %and3A_410] : memref<128x128xf32, #tpu.memory_space<vmem>>[vector<16xi32>, vector<16xi32>], vector<16xf32>,
          %sub3A_413 = arith.subf %gather3A_411, %gather3A_412 : vector<16xf32>
          %mul3A_414 = arith.mulf %sub3A_413, %sub3A_413 : vector<16xf32>
          %add3A_415 = arith.addf %add3A_404, %mul3A_414 : vector<16xf32>
          %add3A_416 = arith.constant 25 : i32
          %add3A_417 = vector.broadcast %add3A_416 : i32 to vector<16xi32>
          %add3A_418 = arith.addi %iota3A, %add3A_417 : vector<16xi32>
          %and3A_419 = arith.constant 63 : i32
          %and3A_420 = vector.broadcast %and3A_419 : i32 to vector<16xi32>
          %and3A_421 = arith.andi %add3A_418, %and3A_420 : vector<16xi32>
          %gather3A_422 = tpu.vector_load_idx %arg10[%add3A_140, %and3A_421] : memref<128x64xf32, #tpu.memory_space<vmem>>[vector<16xi32>, vector<16xi32>], vector<16xf32>,
          %gather3A_423 = tpu.vector_load_idx %arg12[%add3A_140, %and3A_421] : memref<128x128xf32, #tpu.memory_space<vmem>>[vector<16xi32>, vector<16xi32>], vector<16xf32>,
          %sub3A_424 = arith.subf %gather3A_422, %gather3A_423 : vector<16xf32>
          %mul3A_425 = arith.mulf %sub3A_424, %sub3A_424 : vector<16xf32>
          %add3A_426 = arith.addf %add3A_415, %mul3A_425 : vector<16xf32>
          %add3A_427 = arith.constant 26 : i32
          %add3A_428 = vector.broadcast %add3A_427 : i32 to vector<16xi32>
          %add3A_429 = arith.addi %iota3A, %add3A_428 : vector<16xi32>
          %and3A_430 = arith.constant 63 : i32
          %and3A_431 = vector.broadcast %and3A_430 : i32 to vector<16xi32>
          %and3A_432 = arith.andi %add3A_429, %and3A_431 : vector<16xi32>
          %gather3A_433 = tpu.vector_load_idx %arg10[%add3A_140, %and3A_432] : memref<128x64xf32, #tpu.memory_space<vmem>>[vector<16xi32>, vector<16xi32>], vector<16xf32>,
          %gather3A_434 = tpu.vector_load_idx %arg12[%add3A_140, %and3A_432] : memref<128x128xf32, #tpu.memory_space<vmem>>[vector<16xi32>, vector<16xi32>], vector<16xf32>,
          %sub3A_435 = arith.subf %gather3A_433, %gather3A_434 : vector<16xf32>
          %mul3A_436 = arith.mulf %sub3A_435, %sub3A_435 : vector<16xf32>
          %add3A_437 = arith.addf %add3A_426, %mul3A_436 : vector<16xf32>
          %add3A_438 = arith.constant 27 : i32
          %add3A_439 = vector.broadcast %add3A_438 : i32 to vector<16xi32>
          %add3A_440 = arith.addi %iota3A, %add3A_439 : vector<16xi32>
          %and3A_441 = arith.constant 63 : i32
          %and3A_442 = vector.broadcast %and3A_441 : i32 to vector<16xi32>
          %and3A_443 = arith.andi %add3A_440, %and3A_442 : vector<16xi32>
          %gather3A_444 = tpu.vector_load_idx %arg10[%add3A_140, %and3A_443] : memref<128x64xf32, #tpu.memory_space<vmem>>[vector<16xi32>, vector<16xi32>], vector<16xf32>,
          %gather3A_445 = tpu.vector_load_idx %arg12[%add3A_140, %and3A_443] : memref<128x128xf32, #tpu.memory_space<vmem>>[vector<16xi32>, vector<16xi32>], vector<16xf32>,
          %sub3A_446 = arith.subf %gather3A_444, %gather3A_445 : vector<16xf32>
          %mul3A_447 = arith.mulf %sub3A_446, %sub3A_446 : vector<16xf32>
          %add3A_448 = arith.addf %add3A_437, %mul3A_447 : vector<16xf32>
          %add3A_449 = arith.constant 28 : i32
          %add3A_450 = vector.broadcast %add3A_449 : i32 to vector<16xi32>
          %add3A_451 = arith.addi %iota3A, %add3A_450 : vector<16xi32>
          %and3A_452 = arith.constant 63 : i32
          %and3A_453 = vector.broadcast %and3A_452 : i32 to vector<16xi32>
          %and3A_454 = arith.andi %add3A_451, %and3A_453 : vector<16xi32>
          %gather3A_455 = tpu.vector_load_idx %arg10[%add3A_140, %and3A_454] : memref<128x64xf32, #tpu.memory_space<vmem>>[vector<16xi32>, vector<16xi32>], vector<16xf32>,
          %gather3A_456 = tpu.vector_load_idx %arg12[%add3A_140, %and3A_454] : memref<128x128xf32, #tpu.memory_space<vmem>>[vector<16xi32>, vector<16xi32>], vector<16xf32>,
          %sub3A_457 = arith.subf %gather3A_455, %gather3A_456 : vector<16xf32>
          %mul3A_458 = arith.mulf %sub3A_457, %sub3A_457 : vector<16xf32>
          %add3A_459 = arith.addf %add3A_448, %mul3A_458 : vector<16xf32>
          %add3A_460 = arith.constant 29 : i32
          %add3A_461 = vector.broadcast %add3A_460 : i32 to vector<16xi32>
          %add3A_462 = arith.addi %iota3A, %add3A_461 : vector<16xi32>
          %and3A_463 = arith.constant 63 : i32
          %and3A_464 = vector.broadcast %and3A_463 : i32 to vector<16xi32>
          %and3A_465 = arith.andi %add3A_462, %and3A_464 : vector<16xi32>
          %gather3A_466 = tpu.vector_load_idx %arg10[%add3A_140, %and3A_465] : memref<128x64xf32, #tpu.memory_space<vmem>>[vector<16xi32>, vector<16xi32>], vector<16xf32>,
          %gather3A_467 = tpu.vector_load_idx %arg12[%add3A_140, %and3A_465] : memref<128x128xf32, #tpu.memory_space<vmem>>[vector<16xi32>, vector<16xi32>], vector<16xf32>,
          %sub3A_468 = arith.subf %gather3A_466, %gather3A_467 : vector<16xf32>
          %mul3A_469 = arith.mulf %sub3A_468, %sub3A_468 : vector<16xf32>
          %add3A_470 = arith.addf %add3A_459, %mul3A_469 : vector<16xf32>
          %add3A_471 = arith.constant 30 : i32
          %add3A_472 = vector.broadcast %add3A_471 : i32 to vector<16xi32>
          %add3A_473 = arith.addi %iota3A, %add3A_472 : vector<16xi32>
          %and3A_474 = arith.constant 63 : i32
          %and3A_475 = vector.broadcast %and3A_474 : i32 to vector<16xi32>
          %and3A_476 = arith.andi %add3A_473, %and3A_475 : vector<16xi32>
          %gather3A_477 = tpu.vector_load_idx %arg10[%add3A_140, %and3A_476] : memref<128x64xf32, #tpu.memory_space<vmem>>[vector<16xi32>, vector<16xi32>], vector<16xf32>,
          %gather3A_478 = tpu.vector_load_idx %arg12[%add3A_140, %and3A_476] : memref<128x128xf32, #tpu.memory_space<vmem>>[vector<16xi32>, vector<16xi32>], vector<16xf32>,
          %sub3A_479 = arith.subf %gather3A_477, %gather3A_478 : vector<16xf32>
          %mul3A_480 = arith.mulf %sub3A_479, %sub3A_479 : vector<16xf32>
          %add3A_481 = arith.addf %add3A_470, %mul3A_480 : vector<16xf32>
          %add3A_482 = arith.constant 31 : i32
          %add3A_483 = vector.broadcast %add3A_482 : i32 to vector<16xi32>
          %add3A_484 = arith.addi %iota3A, %add3A_483 : vector<16xi32>
          %and3A_485 = arith.constant 63 : i32
          %and3A_486 = vector.broadcast %and3A_485 : i32 to vector<16xi32>
          %and3A_487 = arith.andi %add3A_484, %and3A_486 : vector<16xi32>
          %gather3A_488 = tpu.vector_load_idx %arg10[%add3A_140, %and3A_487] : memref<128x64xf32, #tpu.memory_space<vmem>>[vector<16xi32>, vector<16xi32>], vector<16xf32>,
          %gather3A_489 = tpu.vector_load_idx %arg12[%add3A_140, %and3A_487] : memref<128x128xf32, #tpu.memory_space<vmem>>[vector<16xi32>, vector<16xi32>], vector<16xf32>,
          %sub3A_490 = arith.subf %gather3A_488, %gather3A_489 : vector<16xf32>
          %mul3A_491 = arith.mulf %sub3A_490, %sub3A_490 : vector<16xf32>
          %add3A_492 = arith.addf %add3A_481, %mul3A_491 : vector<16xf32>
          %add3A_493 = arith.constant 32 : i32
          %add3A_494 = vector.broadcast %add3A_493 : i32 to vector<16xi32>
          %add3A_495 = arith.addi %iota3A, %add3A_494 : vector<16xi32>
          %and3A_496 = arith.constant 63 : i32
          %and3A_497 = vector.broadcast %and3A_496 : i32 to vector<16xi32>
          %and3A_498 = arith.andi %add3A_495, %and3A_497 : vector<16xi32>
          %gather3A_499 = tpu.vector_load_idx %arg10[%add3A_140, %and3A_498] : memref<128x64xf32, #tpu.memory_space<vmem>>[vector<16xi32>, vector<16xi32>], vector<16xf32>,
          %gather3A_500 = tpu.vector_load_idx %arg12[%add3A_140, %and3A_498] : memref<128x128xf32, #tpu.memory_space<vmem>>[vector<16xi32>, vector<16xi32>], vector<16xf32>,
          %sub3A_501 = arith.subf %gather3A_499, %gather3A_500 : vector<16xf32>
          %mul3A_502 = arith.mulf %sub3A_501, %sub3A_501 : vector<16xf32>
          %add3A_503 = arith.addf %add3A_492, %mul3A_502 : vector<16xf32>
          %add3A_504 = arith.constant 33 : i32
          %add3A_505 = vector.broadcast %add3A_504 : i32 to vector<16xi32>
          %add3A_506 = arith.addi %iota3A, %add3A_505 : vector<16xi32>
          %and3A_507 = arith.constant 63 : i32
          %and3A_508 = vector.broadcast %and3A_507 : i32 to vector<16xi32>
          %and3A_509 = arith.andi %add3A_506, %and3A_508 : vector<16xi32>
          %gather3A_510 = tpu.vector_load_idx %arg10[%add3A_140, %and3A_509] : memref<128x64xf32, #tpu.memory_space<vmem>>[vector<16xi32>, vector<16xi32>], vector<16xf32>,
          %gather3A_511 = tpu.vector_load_idx %arg12[%add3A_140, %and3A_509] : memref<128x128xf32, #tpu.memory_space<vmem>>[vector<16xi32>, vector<16xi32>], vector<16xf32>,
          %sub3A_512 = arith.subf %gather3A_510, %gather3A_511 : vector<16xf32>
          %mul3A_513 = arith.mulf %sub3A_512, %sub3A_512 : vector<16xf32>
          %add3A_514 = arith.addf %add3A_503, %mul3A_513 : vector<16xf32>
          %add3A_515 = arith.constant 34 : i32
          %add3A_516 = vector.broadcast %add3A_515 : i32 to vector<16xi32>
          %add3A_517 = arith.addi %iota3A, %add3A_516 : vector<16xi32>
          %and3A_518 = arith.constant 63 : i32
          %and3A_519 = vector.broadcast %and3A_518 : i32 to vector<16xi32>
          %and3A_520 = arith.andi %add3A_517, %and3A_519 : vector<16xi32>
          %gather3A_521 = tpu.vector_load_idx %arg10[%add3A_140, %and3A_520] : memref<128x64xf32, #tpu.memory_space<vmem>>[vector<16xi32>, vector<16xi32>], vector<16xf32>,
          %gather3A_522 = tpu.vector_load_idx %arg12[%add3A_140, %and3A_520] : memref<128x128xf32, #tpu.memory_space<vmem>>[vector<16xi32>, vector<16xi32>], vector<16xf32>,
          %sub3A_523 = arith.subf %gather3A_521, %gather3A_522 : vector<16xf32>
          %mul3A_524 = arith.mulf %sub3A_523, %sub3A_523 : vector<16xf32>
          %add3A_525 = arith.addf %add3A_514, %mul3A_524 : vector<16xf32>
          %add3A_526 = arith.constant 35 : i32
          %add3A_527 = vector.broadcast %add3A_526 : i32 to vector<16xi32>
          %add3A_528 = arith.addi %iota3A, %add3A_527 : vector<16xi32>
          %and3A_529 = arith.constant 63 : i32
          %and3A_530 = vector.broadcast %and3A_529 : i32 to vector<16xi32>
          %and3A_531 = arith.andi %add3A_528, %and3A_530 : vector<16xi32>
          %gather3A_532 = tpu.vector_load_idx %arg10[%add3A_140, %and3A_531] : memref<128x64xf32, #tpu.memory_space<vmem>>[vector<16xi32>, vector<16xi32>], vector<16xf32>,
          %gather3A_533 = tpu.vector_load_idx %arg12[%add3A_140, %and3A_531] : memref<128x128xf32, #tpu.memory_space<vmem>>[vector<16xi32>, vector<16xi32>], vector<16xf32>,
          %sub3A_534 = arith.subf %gather3A_532, %gather3A_533 : vector<16xf32>
          %mul3A_535 = arith.mulf %sub3A_534, %sub3A_534 : vector<16xf32>
          %add3A_536 = arith.addf %add3A_525, %mul3A_535 : vector<16xf32>
          %add3A_537 = arith.constant 36 : i32
          %add3A_538 = vector.broadcast %add3A_537 : i32 to vector<16xi32>
          %add3A_539 = arith.addi %iota3A, %add3A_538 : vector<16xi32>
          %and3A_540 = arith.constant 63 : i32
          %and3A_541 = vector.broadcast %and3A_540 : i32 to vector<16xi32>
          %and3A_542 = arith.andi %add3A_539, %and3A_541 : vector<16xi32>
          %gather3A_543 = tpu.vector_load_idx %arg10[%add3A_140, %and3A_542] : memref<128x64xf32, #tpu.memory_space<vmem>>[vector<16xi32>, vector<16xi32>], vector<16xf32>,
          %gather3A_544 = tpu.vector_load_idx %arg12[%add3A_140, %and3A_542] : memref<128x128xf32, #tpu.memory_space<vmem>>[vector<16xi32>, vector<16xi32>], vector<16xf32>,
          %sub3A_545 = arith.subf %gather3A_543, %gather3A_544 : vector<16xf32>
          %mul3A_546 = arith.mulf %sub3A_545, %sub3A_545 : vector<16xf32>
          %add3A_547 = arith.addf %add3A_536, %mul3A_546 : vector<16xf32>
          %add3A_548 = arith.constant 37 : i32
          %add3A_549 = vector.broadcast %add3A_548 : i32 to vector<16xi32>
          %add3A_550 = arith.addi %iota3A, %add3A_549 : vector<16xi32>
          %and3A_551 = arith.constant 63 : i32
          %and3A_552 = vector.broadcast %and3A_551 : i32 to vector<16xi32>
          %and3A_553 = arith.andi %add3A_550, %and3A_552 : vector<16xi32>
          %gather3A_554 = tpu.vector_load_idx %arg10[%add3A_140, %and3A_553] : memref<128x64xf32, #tpu.memory_space<vmem>>[vector<16xi32>, vector<16xi32>], vector<16xf32>,
          %gather3A_555 = tpu.vector_load_idx %arg12[%add3A_140, %and3A_553] : memref<128x128xf32, #tpu.memory_space<vmem>>[vector<16xi32>, vector<16xi32>], vector<16xf32>,
          %sub3A_556 = arith.subf %gather3A_554, %gather3A_555 : vector<16xf32>
          %mul3A_557 = arith.mulf %sub3A_556, %sub3A_556 : vector<16xf32>
          %add3A_558 = arith.addf %add3A_547, %mul3A_557 : vector<16xf32>
          %add3A_559 = arith.constant 38 : i32
          %add3A_560 = vector.broadcast %add3A_559 : i32 to vector<16xi32>
          %add3A_561 = arith.addi %iota3A, %add3A_560 : vector<16xi32>
          %and3A_562 = arith.constant 63 : i32
          %and3A_563 = vector.broadcast %and3A_562 : i32 to vector<16xi32>
          %and3A_564 = arith.andi %add3A_561, %and3A_563 : vector<16xi32>
          %gather3A_565 = tpu.vector_load_idx %arg10[%add3A_140, %and3A_564] : memref<128x64xf32, #tpu.memory_space<vmem>>[vector<16xi32>, vector<16xi32>], vector<16xf32>,
          %gather3A_566 = tpu.vector_load_idx %arg12[%add3A_140, %and3A_564] : memref<128x128xf32, #tpu.memory_space<vmem>>[vector<16xi32>, vector<16xi32>], vector<16xf32>,
          %sub3A_567 = arith.subf %gather3A_565, %gather3A_566 : vector<16xf32>
          %mul3A_568 = arith.mulf %sub3A_567, %sub3A_567 : vector<16xf32>
          %add3A_569 = arith.addf %add3A_558, %mul3A_568 : vector<16xf32>
          %add3A_570 = arith.constant 39 : i32
          %add3A_571 = vector.broadcast %add3A_570 : i32 to vector<16xi32>
          %add3A_572 = arith.addi %iota3A, %add3A_571 : vector<16xi32>
          %and3A_573 = arith.constant 63 : i32
          %and3A_574 = vector.broadcast %and3A_573 : i32 to vector<16xi32>
          %and3A_575 = arith.andi %add3A_572, %and3A_574 : vector<16xi32>
          %gather3A_576 = tpu.vector_load_idx %arg10[%add3A_140, %and3A_575] : memref<128x64xf32, #tpu.memory_space<vmem>>[vector<16xi32>, vector<16xi32>], vector<16xf32>,
          %gather3A_577 = tpu.vector_load_idx %arg12[%add3A_140, %and3A_575] : memref<128x128xf32, #tpu.memory_space<vmem>>[vector<16xi32>, vector<16xi32>], vector<16xf32>,
          %sub3A_578 = arith.subf %gather3A_576, %gather3A_577 : vector<16xf32>
          %mul3A_579 = arith.mulf %sub3A_578, %sub3A_578 : vector<16xf32>
          %add3A_580 = arith.addf %add3A_569, %mul3A_579 : vector<16xf32>
          %add3A_581 = arith.constant 40 : i32
          %add3A_582 = vector.broadcast %add3A_581 : i32 to vector<16xi32>
          %add3A_583 = arith.addi %iota3A, %add3A_582 : vector<16xi32>
          %and3A_584 = arith.constant 63 : i32
          %and3A_585 = vector.broadcast %and3A_584 : i32 to vector<16xi32>
          %and3A_586 = arith.andi %add3A_583, %and3A_585 : vector<16xi32>
          %gather3A_587 = tpu.vector_load_idx %arg10[%add3A_140, %and3A_586] : memref<128x64xf32, #tpu.memory_space<vmem>>[vector<16xi32>, vector<16xi32>], vector<16xf32>,
          %gather3A_588 = tpu.vector_load_idx %arg12[%add3A_140, %and3A_586] : memref<128x128xf32, #tpu.memory_space<vmem>>[vector<16xi32>, vector<16xi32>], vector<16xf32>,
          %sub3A_589 = arith.subf %gather3A_587, %gather3A_588 : vector<16xf32>
          %mul3A_590 = arith.mulf %sub3A_589, %sub3A_589 : vector<16xf32>
          %add3A_591 = arith.addf %add3A_580, %mul3A_590 : vector<16xf32>
          %add3A_592 = arith.constant 41 : i32
          %add3A_593 = vector.broadcast %add3A_592 : i32 to vector<16xi32>
          %add3A_594 = arith.addi %iota3A, %add3A_593 : vector<16xi32>
          %and3A_595 = arith.constant 63 : i32
          %and3A_596 = vector.broadcast %and3A_595 : i32 to vector<16xi32>
          %and3A_597 = arith.andi %add3A_594, %and3A_596 : vector<16xi32>
          %gather3A_598 = tpu.vector_load_idx %arg10[%add3A_140, %and3A_597] : memref<128x64xf32, #tpu.memory_space<vmem>>[vector<16xi32>, vector<16xi32>], vector<16xf32>,
          %gather3A_599 = tpu.vector_load_idx %arg12[%add3A_140, %and3A_597] : memref<128x128xf32, #tpu.memory_space<vmem>>[vector<16xi32>, vector<16xi32>], vector<16xf32>,
          %sub3A_600 = arith.subf %gather3A_598, %gather3A_599 : vector<16xf32>
          %mul3A_601 = arith.mulf %sub3A_600, %sub3A_600 : vector<16xf32>
          %add3A_602 = arith.addf %add3A_591, %mul3A_601 : vector<16xf32>
          %add3A_603 = arith.constant 42 : i32
          %add3A_604 = vector.broadcast %add3A_603 : i32 to vector<16xi32>
          %add3A_605 = arith.addi %iota3A, %add3A_604 : vector<16xi32>
          %and3A_606 = arith.constant 63 : i32
          %and3A_607 = vector.broadcast %and3A_606 : i32 to vector<16xi32>
          %and3A_608 = arith.andi %add3A_605, %and3A_607 : vector<16xi32>
          %gather3A_609 = tpu.vector_load_idx %arg10[%add3A_140, %and3A_608] : memref<128x64xf32, #tpu.memory_space<vmem>>[vector<16xi32>, vector<16xi32>], vector<16xf32>,
          %gather3A_610 = tpu.vector_load_idx %arg12[%add3A_140, %and3A_608] : memref<128x128xf32, #tpu.memory_space<vmem>>[vector<16xi32>, vector<16xi32>], vector<16xf32>,
          %sub3A_611 = arith.subf %gather3A_609, %gather3A_610 : vector<16xf32>
          %mul3A_612 = arith.mulf %sub3A_611, %sub3A_611 : vector<16xf32>
          %add3A_613 = arith.addf %add3A_602, %mul3A_612 : vector<16xf32>
          %add3A_614 = arith.constant 43 : i32
          %add3A_615 = vector.broadcast %add3A_614 : i32 to vector<16xi32>
          %add3A_616 = arith.addi %iota3A, %add3A_615 : vector<16xi32>
          %and3A_617 = arith.constant 63 : i32
          %and3A_618 = vector.broadcast %and3A_617 : i32 to vector<16xi32>
          %and3A_619 = arith.andi %add3A_616, %and3A_618 : vector<16xi32>
          %gather3A_620 = tpu.vector_load_idx %arg10[%add3A_140, %and3A_619] : memref<128x64xf32, #tpu.memory_space<vmem>>[vector<16xi32>, vector<16xi32>], vector<16xf32>,
          %gather3A_621 = tpu.vector_load_idx %arg12[%add3A_140, %and3A_619] : memref<128x128xf32, #tpu.memory_space<vmem>>[vector<16xi32>, vector<16xi32>], vector<16xf32>,
          %sub3A_622 = arith.subf %gather3A_620, %gather3A_621 : vector<16xf32>
          %mul3A_623 = arith.mulf %sub3A_622, %sub3A_622 : vector<16xf32>
          %add3A_624 = arith.addf %add3A_613, %mul3A_623 : vector<16xf32>
          %add3A_625 = arith.constant 44 : i32
          %add3A_626 = vector.broadcast %add3A_625 : i32 to vector<16xi32>
          %add3A_627 = arith.addi %iota3A, %add3A_626 : vector<16xi32>
          %and3A_628 = arith.constant 63 : i32
          %and3A_629 = vector.broadcast %and3A_628 : i32 to vector<16xi32>
          %and3A_630 = arith.andi %add3A_627, %and3A_629 : vector<16xi32>
          %gather3A_631 = tpu.vector_load_idx %arg10[%add3A_140, %and3A_630] : memref<128x64xf32, #tpu.memory_space<vmem>>[vector<16xi32>, vector<16xi32>], vector<16xf32>,
          %gather3A_632 = tpu.vector_load_idx %arg12[%add3A_140, %and3A_630] : memref<128x128xf32, #tpu.memory_space<vmem>>[vector<16xi32>, vector<16xi32>], vector<16xf32>,
          %sub3A_633 = arith.subf %gather3A_631, %gather3A_632 : vector<16xf32>
          %mul3A_634 = arith.mulf %sub3A_633, %sub3A_633 : vector<16xf32>
          %add3A_635 = arith.addf %add3A_624, %mul3A_634 : vector<16xf32>
          %add3A_636 = arith.constant 45 : i32
          %add3A_637 = vector.broadcast %add3A_636 : i32 to vector<16xi32>
          %add3A_638 = arith.addi %iota3A, %add3A_637 : vector<16xi32>
          %and3A_639 = arith.constant 63 : i32
          %and3A_640 = vector.broadcast %and3A_639 : i32 to vector<16xi32>
          %and3A_641 = arith.andi %add3A_638, %and3A_640 : vector<16xi32>
          %gather3A_642 = tpu.vector_load_idx %arg10[%add3A_140, %and3A_641] : memref<128x64xf32, #tpu.memory_space<vmem>>[vector<16xi32>, vector<16xi32>], vector<16xf32>,
          %gather3A_643 = tpu.vector_load_idx %arg12[%add3A_140, %and3A_641] : memref<128x128xf32, #tpu.memory_space<vmem>>[vector<16xi32>, vector<16xi32>], vector<16xf32>,
          %sub3A_644 = arith.subf %gather3A_642, %gather3A_643 : vector<16xf32>
          %mul3A_645 = arith.mulf %sub3A_644, %sub3A_644 : vector<16xf32>
          %add3A_646 = arith.addf %add3A_635, %mul3A_645 : vector<16xf32>
          %add3A_647 = arith.constant 46 : i32
          %add3A_648 = vector.broadcast %add3A_647 : i32 to vector<16xi32>
          %add3A_649 = arith.addi %iota3A, %add3A_648 : vector<16xi32>
          %and3A_650 = arith.constant 63 : i32
          %and3A_651 = vector.broadcast %and3A_650 : i32 to vector<16xi32>
          %and3A_652 = arith.andi %add3A_649, %and3A_651 : vector<16xi32>
          %gather3A_653 = tpu.vector_load_idx %arg10[%add3A_140, %and3A_652] : memref<128x64xf32, #tpu.memory_space<vmem>>[vector<16xi32>, vector<16xi32>], vector<16xf32>,
          %gather3A_654 = tpu.vector_load_idx %arg12[%add3A_140, %and3A_652] : memref<128x128xf32, #tpu.memory_space<vmem>>[vector<16xi32>, vector<16xi32>], vector<16xf32>,
          %sub3A_655 = arith.subf %gather3A_653, %gather3A_654 : vector<16xf32>
          %mul3A_656 = arith.mulf %sub3A_655, %sub3A_655 : vector<16xf32>
          %add3A_657 = arith.addf %add3A_646, %mul3A_656 : vector<16xf32>
          %add3A_658 = arith.constant 47 : i32
          %add3A_659 = vector.broadcast %add3A_658 : i32 to vector<16xi32>
          %add3A_660 = arith.addi %iota3A, %add3A_659 : vector<16xi32>
          %and3A_661 = arith.constant 63 : i32
          %and3A_662 = vector.broadcast %and3A_661 : i32 to vector<16xi32>
          %and3A_663 = arith.andi %add3A_660, %and3A_662 : vector<16xi32>
          %gather3A_664 = tpu.vector_load_idx %arg10[%add3A_140, %and3A_663] : memref<128x64xf32, #tpu.memory_space<vmem>>[vector<16xi32>, vector<16xi32>], vector<16xf32>,
          %gather3A_665 = tpu.vector_load_idx %arg12[%add3A_140, %and3A_663] : memref<128x128xf32, #tpu.memory_space<vmem>>[vector<16xi32>, vector<16xi32>], vector<16xf32>,
          %sub3A_666 = arith.subf %gather3A_664, %gather3A_665 : vector<16xf32>
          %mul3A_667 = arith.mulf %sub3A_666, %sub3A_666 : vector<16xf32>
          %add3A_668 = arith.addf %add3A_657, %mul3A_667 : vector<16xf32>
          %add3A_669 = arith.constant 48 : i32
          %add3A_670 = vector.broadcast %add3A_669 : i32 to vector<16xi32>
          %add3A_671 = arith.addi %iota3A, %add3A_670 : vector<16xi32>
          %and3A_672 = arith.constant 63 : i32
          %and3A_673 = vector.broadcast %and3A_672 : i32 to vector<16xi32>
          %and3A_674 = arith.andi %add3A_671, %and3A_673 : vector<16xi32>
          %gather3A_675 = tpu.vector_load_idx %arg10[%add3A_140, %and3A_674] : memref<128x64xf32, #tpu.memory_space<vmem>>[vector<16xi32>, vector<16xi32>], vector<16xf32>,
          %gather3A_676 = tpu.vector_load_idx %arg12[%add3A_140, %and3A_674] : memref<128x128xf32, #tpu.memory_space<vmem>>[vector<16xi32>, vector<16xi32>], vector<16xf32>,
          %sub3A_677 = arith.subf %gather3A_675, %gather3A_676 : vector<16xf32>
          %mul3A_678 = arith.mulf %sub3A_677, %sub3A_677 : vector<16xf32>
          %add3A_679 = arith.addf %add3A_668, %mul3A_678 : vector<16xf32>
          %add3A_680 = arith.constant 49 : i32
          %add3A_681 = vector.broadcast %add3A_680 : i32 to vector<16xi32>
          %add3A_682 = arith.addi %iota3A, %add3A_681 : vector<16xi32>
          %and3A_683 = arith.constant 63 : i32
          %and3A_684 = vector.broadcast %and3A_683 : i32 to vector<16xi32>
          %and3A_685 = arith.andi %add3A_682, %and3A_684 : vector<16xi32>
          %gather3A_686 = tpu.vector_load_idx %arg10[%add3A_140, %and3A_685] : memref<128x64xf32, #tpu.memory_space<vmem>>[vector<16xi32>, vector<16xi32>], vector<16xf32>,
          %gather3A_687 = tpu.vector_load_idx %arg12[%add3A_140, %and3A_685] : memref<128x128xf32, #tpu.memory_space<vmem>>[vector<16xi32>, vector<16xi32>], vector<16xf32>,
          %sub3A_688 = arith.subf %gather3A_686, %gather3A_687 : vector<16xf32>
          %mul3A_689 = arith.mulf %sub3A_688, %sub3A_688 : vector<16xf32>
          %add3A_690 = arith.addf %add3A_679, %mul3A_689 : vector<16xf32>
          %add3A_691 = arith.constant 50 : i32
          %add3A_692 = vector.broadcast %add3A_691 : i32 to vector<16xi32>
          %add3A_693 = arith.addi %iota3A, %add3A_692 : vector<16xi32>
          %and3A_694 = arith.constant 63 : i32
          %and3A_695 = vector.broadcast %and3A_694 : i32 to vector<16xi32>
          %and3A_696 = arith.andi %add3A_693, %and3A_695 : vector<16xi32>
          %gather3A_697 = tpu.vector_load_idx %arg10[%add3A_140, %and3A_696] : memref<128x64xf32, #tpu.memory_space<vmem>>[vector<16xi32>, vector<16xi32>], vector<16xf32>,
          %gather3A_698 = tpu.vector_load_idx %arg12[%add3A_140, %and3A_696] : memref<128x128xf32, #tpu.memory_space<vmem>>[vector<16xi32>, vector<16xi32>], vector<16xf32>,
          %sub3A_699 = arith.subf %gather3A_697, %gather3A_698 : vector<16xf32>
          %mul3A_700 = arith.mulf %sub3A_699, %sub3A_699 : vector<16xf32>
          %add3A_701 = arith.addf %add3A_690, %mul3A_700 : vector<16xf32>
          %add3A_702 = arith.constant 51 : i32
          %add3A_703 = vector.broadcast %add3A_702 : i32 to vector<16xi32>
          %add3A_704 = arith.addi %iota3A, %add3A_703 : vector<16xi32>
          %and3A_705 = arith.constant 63 : i32
          %and3A_706 = vector.broadcast %and3A_705 : i32 to vector<16xi32>
          %and3A_707 = arith.andi %add3A_704, %and3A_706 : vector<16xi32>
          %gather3A_708 = tpu.vector_load_idx %arg10[%add3A_140, %and3A_707] : memref<128x64xf32, #tpu.memory_space<vmem>>[vector<16xi32>, vector<16xi32>], vector<16xf32>,
          %gather3A_709 = tpu.vector_load_idx %arg12[%add3A_140, %and3A_707] : memref<128x128xf32, #tpu.memory_space<vmem>>[vector<16xi32>, vector<16xi32>], vector<16xf32>,
          %sub3A_710 = arith.subf %gather3A_708, %gather3A_709 : vector<16xf32>
          %mul3A_711 = arith.mulf %sub3A_710, %sub3A_710 : vector<16xf32>
          %add3A_712 = arith.addf %add3A_701, %mul3A_711 : vector<16xf32>
          %add3A_713 = arith.constant 52 : i32
          %add3A_714 = vector.broadcast %add3A_713 : i32 to vector<16xi32>
          %add3A_715 = arith.addi %iota3A, %add3A_714 : vector<16xi32>
          %and3A_716 = arith.constant 63 : i32
          %and3A_717 = vector.broadcast %and3A_716 : i32 to vector<16xi32>
          %and3A_718 = arith.andi %add3A_715, %and3A_717 : vector<16xi32>
          %gather3A_719 = tpu.vector_load_idx %arg10[%add3A_140, %and3A_718] : memref<128x64xf32, #tpu.memory_space<vmem>>[vector<16xi32>, vector<16xi32>], vector<16xf32>,
          %gather3A_720 = tpu.vector_load_idx %arg12[%add3A_140, %and3A_718] : memref<128x128xf32, #tpu.memory_space<vmem>>[vector<16xi32>, vector<16xi32>], vector<16xf32>,
          %sub3A_721 = arith.subf %gather3A_719, %gather3A_720 : vector<16xf32>
          %mul3A_722 = arith.mulf %sub3A_721, %sub3A_721 : vector<16xf32>
          %add3A_723 = arith.addf %add3A_712, %mul3A_722 : vector<16xf32>
          %add3A_724 = arith.constant 53 : i32
          %add3A_725 = vector.broadcast %add3A_724 : i32 to vector<16xi32>
          %add3A_726 = arith.addi %iota3A, %add3A_725 : vector<16xi32>
          %and3A_727 = arith.constant 63 : i32
          %and3A_728 = vector.broadcast %and3A_727 : i32 to vector<16xi32>
          %and3A_729 = arith.andi %add3A_726, %and3A_728 : vector<16xi32>
          %gather3A_730 = tpu.vector_load_idx %arg10[%add3A_140, %and3A_729] : memref<128x64xf32, #tpu.memory_space<vmem>>[vector<16xi32>, vector<16xi32>], vector<16xf32>,
          %gather3A_731 = tpu.vector_load_idx %arg12[%add3A_140, %and3A_729] : memref<128x128xf32, #tpu.memory_space<vmem>>[vector<16xi32>, vector<16xi32>], vector<16xf32>,
          %sub3A_732 = arith.subf %gather3A_730, %gather3A_731 : vector<16xf32>
          %mul3A_733 = arith.mulf %sub3A_732, %sub3A_732 : vector<16xf32>
          %add3A_734 = arith.addf %add3A_723, %mul3A_733 : vector<16xf32>
          %add3A_735 = arith.constant 54 : i32
          %add3A_736 = vector.broadcast %add3A_735 : i32 to vector<16xi32>
          %add3A_737 = arith.addi %iota3A, %add3A_736 : vector<16xi32>
          %and3A_738 = arith.constant 63 : i32
          %and3A_739 = vector.broadcast %and3A_738 : i32 to vector<16xi32>
          %and3A_740 = arith.andi %add3A_737, %and3A_739 : vector<16xi32>
          %gather3A_741 = tpu.vector_load_idx %arg10[%add3A_140, %and3A_740] : memref<128x64xf32, #tpu.memory_space<vmem>>[vector<16xi32>, vector<16xi32>], vector<16xf32>,
          %gather3A_742 = tpu.vector_load_idx %arg12[%add3A_140, %and3A_740] : memref<128x128xf32, #tpu.memory_space<vmem>>[vector<16xi32>, vector<16xi32>], vector<16xf32>,
          %sub3A_743 = arith.subf %gather3A_741, %gather3A_742 : vector<16xf32>
          %mul3A_744 = arith.mulf %sub3A_743, %sub3A_743 : vector<16xf32>
          %add3A_745 = arith.addf %add3A_734, %mul3A_744 : vector<16xf32>
          %add3A_746 = arith.constant 55 : i32
          %add3A_747 = vector.broadcast %add3A_746 : i32 to vector<16xi32>
          %add3A_748 = arith.addi %iota3A, %add3A_747 : vector<16xi32>
          %and3A_749 = arith.constant 63 : i32
          %and3A_750 = vector.broadcast %and3A_749 : i32 to vector<16xi32>
          %and3A_751 = arith.andi %add3A_748, %and3A_750 : vector<16xi32>
          %gather3A_752 = tpu.vector_load_idx %arg10[%add3A_140, %and3A_751] : memref<128x64xf32, #tpu.memory_space<vmem>>[vector<16xi32>, vector<16xi32>], vector<16xf32>,
          %gather3A_753 = tpu.vector_load_idx %arg12[%add3A_140, %and3A_751] : memref<128x128xf32, #tpu.memory_space<vmem>>[vector<16xi32>, vector<16xi32>], vector<16xf32>,
          %sub3A_754 = arith.subf %gather3A_752, %gather3A_753 : vector<16xf32>
          %mul3A_755 = arith.mulf %sub3A_754, %sub3A_754 : vector<16xf32>
          %add3A_756 = arith.addf %add3A_745, %mul3A_755 : vector<16xf32>
          %add3A_757 = arith.constant 56 : i32
          %add3A_758 = vector.broadcast %add3A_757 : i32 to vector<16xi32>
          %add3A_759 = arith.addi %iota3A, %add3A_758 : vector<16xi32>
          %and3A_760 = arith.constant 63 : i32
          %and3A_761 = vector.broadcast %and3A_760 : i32 to vector<16xi32>
          %and3A_762 = arith.andi %add3A_759, %and3A_761 : vector<16xi32>
          %gather3A_763 = tpu.vector_load_idx %arg10[%add3A_140, %and3A_762] : memref<128x64xf32, #tpu.memory_space<vmem>>[vector<16xi32>, vector<16xi32>], vector<16xf32>,
          %gather3A_764 = tpu.vector_load_idx %arg12[%add3A_140, %and3A_762] : memref<128x128xf32, #tpu.memory_space<vmem>>[vector<16xi32>, vector<16xi32>], vector<16xf32>,
          %sub3A_765 = arith.subf %gather3A_763, %gather3A_764 : vector<16xf32>
          %mul3A_766 = arith.mulf %sub3A_765, %sub3A_765 : vector<16xf32>
          %add3A_767 = arith.addf %add3A_756, %mul3A_766 : vector<16xf32>
          %add3A_768 = arith.constant 57 : i32
          %add3A_769 = vector.broadcast %add3A_768 : i32 to vector<16xi32>
          %add3A_770 = arith.addi %iota3A, %add3A_769 : vector<16xi32>
          %and3A_771 = arith.constant 63 : i32
          %and3A_772 = vector.broadcast %and3A_771 : i32 to vector<16xi32>
          %and3A_773 = arith.andi %add3A_770, %and3A_772 : vector<16xi32>
          %gather3A_774 = tpu.vector_load_idx %arg10[%add3A_140, %and3A_773] : memref<128x64xf32, #tpu.memory_space<vmem>>[vector<16xi32>, vector<16xi32>], vector<16xf32>,
          %gather3A_775 = tpu.vector_load_idx %arg12[%add3A_140, %and3A_773] : memref<128x128xf32, #tpu.memory_space<vmem>>[vector<16xi32>, vector<16xi32>], vector<16xf32>,
          %sub3A_776 = arith.subf %gather3A_774, %gather3A_775 : vector<16xf32>
          %mul3A_777 = arith.mulf %sub3A_776, %sub3A_776 : vector<16xf32>
          %add3A_778 = arith.addf %add3A_767, %mul3A_777 : vector<16xf32>
          %add3A_779 = arith.constant 58 : i32
          %add3A_780 = vector.broadcast %add3A_779 : i32 to vector<16xi32>
          %add3A_781 = arith.addi %iota3A, %add3A_780 : vector<16xi32>
          %and3A_782 = arith.constant 63 : i32
          %and3A_783 = vector.broadcast %and3A_782 : i32 to vector<16xi32>
          %and3A_784 = arith.andi %add3A_781, %and3A_783 : vector<16xi32>
          %gather3A_785 = tpu.vector_load_idx %arg10[%add3A_140, %and3A_784] : memref<128x64xf32, #tpu.memory_space<vmem>>[vector<16xi32>, vector<16xi32>], vector<16xf32>,
          %gather3A_786 = tpu.vector_load_idx %arg12[%add3A_140, %and3A_784] : memref<128x128xf32, #tpu.memory_space<vmem>>[vector<16xi32>, vector<16xi32>], vector<16xf32>,
          %sub3A_787 = arith.subf %gather3A_785, %gather3A_786 : vector<16xf32>
          %mul3A_788 = arith.mulf %sub3A_787, %sub3A_787 : vector<16xf32>
          %add3A_789 = arith.addf %add3A_778, %mul3A_788 : vector<16xf32>
          %add3A_790 = arith.constant 59 : i32
          %add3A_791 = vector.broadcast %add3A_790 : i32 to vector<16xi32>
          %add3A_792 = arith.addi %iota3A, %add3A_791 : vector<16xi32>
          %and3A_793 = arith.constant 63 : i32
          %and3A_794 = vector.broadcast %and3A_793 : i32 to vector<16xi32>
          %and3A_795 = arith.andi %add3A_792, %and3A_794 : vector<16xi32>
          %gather3A_796 = tpu.vector_load_idx %arg10[%add3A_140, %and3A_795] : memref<128x64xf32, #tpu.memory_space<vmem>>[vector<16xi32>, vector<16xi32>], vector<16xf32>,
          %gather3A_797 = tpu.vector_load_idx %arg12[%add3A_140, %and3A_795] : memref<128x128xf32, #tpu.memory_space<vmem>>[vector<16xi32>, vector<16xi32>], vector<16xf32>,
          %sub3A_798 = arith.subf %gather3A_796, %gather3A_797 : vector<16xf32>
          %mul3A_799 = arith.mulf %sub3A_798, %sub3A_798 : vector<16xf32>
          %add3A_800 = arith.addf %add3A_789, %mul3A_799 : vector<16xf32>
          %add3A_801 = arith.constant 60 : i32
          %add3A_802 = vector.broadcast %add3A_801 : i32 to vector<16xi32>
          %add3A_803 = arith.addi %iota3A, %add3A_802 : vector<16xi32>
          %and3A_804 = arith.constant 63 : i32
          %and3A_805 = vector.broadcast %and3A_804 : i32 to vector<16xi32>
          %and3A_806 = arith.andi %add3A_803, %and3A_805 : vector<16xi32>
          %gather3A_807 = tpu.vector_load_idx %arg10[%add3A_140, %and3A_806] : memref<128x64xf32, #tpu.memory_space<vmem>>[vector<16xi32>, vector<16xi32>], vector<16xf32>,
          %gather3A_808 = tpu.vector_load_idx %arg12[%add3A_140, %and3A_806] : memref<128x128xf32, #tpu.memory_space<vmem>>[vector<16xi32>, vector<16xi32>], vector<16xf32>,
          %sub3A_809 = arith.subf %gather3A_807, %gather3A_808 : vector<16xf32>
          %mul3A_810 = arith.mulf %sub3A_809, %sub3A_809 : vector<16xf32>
          %add3A_811 = arith.addf %add3A_800, %mul3A_810 : vector<16xf32>
          %add3A_812 = arith.constant 61 : i32
          %add3A_813 = vector.broadcast %add3A_812 : i32 to vector<16xi32>
          %add3A_814 = arith.addi %iota3A, %add3A_813 : vector<16xi32>
          %and3A_815 = arith.constant 63 : i32
          %and3A_816 = vector.broadcast %and3A_815 : i32 to vector<16xi32>
          %and3A_817 = arith.andi %add3A_814, %and3A_816 : vector<16xi32>
          %gather3A_818 = tpu.vector_load_idx %arg10[%add3A_140, %and3A_817] : memref<128x64xf32, #tpu.memory_space<vmem>>[vector<16xi32>, vector<16xi32>], vector<16xf32>,
          %gather3A_819 = tpu.vector_load_idx %arg12[%add3A_140, %and3A_817] : memref<128x128xf32, #tpu.memory_space<vmem>>[vector<16xi32>, vector<16xi32>], vector<16xf32>,
          %sub3A_820 = arith.subf %gather3A_818, %gather3A_819 : vector<16xf32>
          %mul3A_821 = arith.mulf %sub3A_820, %sub3A_820 : vector<16xf32>
          %add3A_822 = arith.addf %add3A_811, %mul3A_821 : vector<16xf32>
          %add3A_823 = arith.constant 62 : i32
          %add3A_824 = vector.broadcast %add3A_823 : i32 to vector<16xi32>
          %add3A_825 = arith.addi %iota3A, %add3A_824 : vector<16xi32>
          %and3A_826 = arith.constant 63 : i32
          %and3A_827 = vector.broadcast %and3A_826 : i32 to vector<16xi32>
          %and3A_828 = arith.andi %add3A_825, %and3A_827 : vector<16xi32>
          %gather3A_829 = tpu.vector_load_idx %arg10[%add3A_140, %and3A_828] : memref<128x64xf32, #tpu.memory_space<vmem>>[vector<16xi32>, vector<16xi32>], vector<16xf32>,
          %gather3A_830 = tpu.vector_load_idx %arg12[%add3A_140, %and3A_828] : memref<128x128xf32, #tpu.memory_space<vmem>>[vector<16xi32>, vector<16xi32>], vector<16xf32>,
          %sub3A_831 = arith.subf %gather3A_829, %gather3A_830 : vector<16xf32>
          %mul3A_832 = arith.mulf %sub3A_831, %sub3A_831 : vector<16xf32>
          %add3A_833 = arith.addf %add3A_822, %mul3A_832 : vector<16xf32>
          %add3A_834 = arith.constant 63 : i32
          %add3A_835 = vector.broadcast %add3A_834 : i32 to vector<16xi32>
          %add3A_836 = arith.addi %iota3A, %add3A_835 : vector<16xi32>
          %and3A_837 = arith.constant 63 : i32
          %and3A_838 = vector.broadcast %and3A_837 : i32 to vector<16xi32>
          %and3A_839 = arith.andi %add3A_836, %and3A_838 : vector<16xi32>
          %gather3A_840 = tpu.vector_load_idx %arg10[%add3A_140, %and3A_839] : memref<128x64xf32, #tpu.memory_space<vmem>>[vector<16xi32>, vector<16xi32>], vector<16xf32>,
          %gather3A_841 = tpu.vector_load_idx %arg12[%add3A_140, %and3A_839] : memref<128x128xf32, #tpu.memory_space<vmem>>[vector<16xi32>, vector<16xi32>], vector<16xf32>,
          %sub3A_842 = arith.subf %gather3A_840, %gather3A_841 : vector<16xf32>
          %mul3A_843 = arith.mulf %sub3A_842, %sub3A_842 : vector<16xf32>
          %add3A_844 = arith.addf %add3A_833, %mul3A_843 : vector<16xf32>
          %div3A = arith.divf %add3A_844, %gather3A : vector<16xf32>
          %add3A_845 = arith.addf %scan3A_130, %div3A : vector<16xf32>
          scf.yield %add3A_845 : vector<16xf32>
        }
        %scan3A_102 = arith.constant 8 : i32
        %lt3A = arith.constant 63 : i32
        %lt3A_103 = arith.cmpi slt, %scan3A_65, %lt3A : i32
        %convert_element_type3A_104 = arith.extui %lt3A_103 : i1 to i32
        %cond3A_105 = arith.constant 0 : i32
        %cond3A_106 = arith.cmpi ne, %convert_element_type3A_104, %cond3A_105 : i32
        scf.if %cond3A_106 {
          %mul3A_129 = arith.constant 2 : i32
          %mul3A_130 = arith.muli %mul3A_129, %scan3A_65 : i32
          %add3A_131 = arith.constant 2 : i32
          %add3A_132 = arith.addi %mul3A_130, %add3A_131 : i32
          %mul3A_133 = arith.constant 128 : i32
          %mul3A_134 = arith.muli %add3A_132, %mul3A_133 : i32
          %dma_start3A_135 = tpu.memref_slice %arg9[%mul3A_134] : memref<16384xi32, #tpu.memory_space<vmem>> -> memref<128xi32, #tpu.memory_space<vmem>>
          %dma_start3A_136 = arith.constant 0 : i32
          %dma_start3A_137 = arith.constant 0 : i32
          %dma_start3A_138 = tpu.memref_slice %arg4[%dma_start3A_136, %dma_start3A_137] : memref<10000x128xf32, #tpu.memory_space<hbm>> -> memref<10000x128xf32, #tpu.memory_space<hbm>>
          tpu.enqueue_indirect_dma source(%dma_start3A_138 : memref<10000x128xf32, #tpu.memory_space<hbm>>) target(%arg12 : memref<128x128xf32, #tpu.memory_space<vmem>>) offsets(%dma_start3A_135 : memref<128xi32, #tpu.memory_space<vmem>>) semaphore(%arg20 : memref<!tpu.dma_semaphore, #tpu.memory_space<semaphore_mem>>)
          %mul3A_139 = arith.constant 128 : i32
          %mul3A_140 = arith.muli %add3A_132, %mul3A_139 : i32
          %add3A_141 = arith.addi %add3A_48, %mul3A_140 : i32
          %dma_start3A_142 = arith.constant 0 : i32
          %dma_start3A_143 = tpu.memref_slice %arg2[%add3A_141, %dma_start3A_142] : memref<1048576x64xf32, #tpu.memory_space<hbm>> -> memref<128x64xf32, #tpu.memory_space<hbm>>
          %dma_start3A_144 = arith.constant 0 : i32
          %dma_start3A_145 = tpu.memref_slice %arg2[%add3A_141, %dma_start3A_144] : memref<1048576x64xf32, #tpu.memory_space<hbm>> -> memref<128x64xf32, #tpu.memory_space<hbm>>
          tpu.enqueue_dma source(%dma_start3A_145 : memref<128x64xf32, #tpu.memory_space<hbm>>) target(%arg10 : memref<128x64xf32, #tpu.memory_space<vmem>>) target_semaphore(%arg18 : memref<!tpu.dma_semaphore, #tpu.memory_space<semaphore_mem>>)
        } else {
        }
        %dma_wait3A_107 = arith.constant 0 : i32
        %dma_wait3A_108 = arith.constant 0 : i32
        %dma_wait3A_109 = tpu.memref_slice %arg4[%dma_wait3A_107, %dma_wait3A_108] : memref<10000x128xf32, #tpu.memory_space<hbm>> -> memref<128x128xf32, #tpu.memory_space<hbm>>
        %dma_wait3A_110 = arith.constant 0 : i32
        %dma_wait3A_111 = arith.constant 0 : i32
        %dma_wait3A_112 = tpu.memref_slice %arg4[%dma_wait3A_110, %dma_wait3A_111] : memref<10000x128xf32, #tpu.memory_space<hbm>> -> memref<128x128xf32, #tpu.memory_space<hbm>>
        tpu.wait_dma2 semaphore(%arg21 : memref<!tpu.dma_semaphore, #tpu.memory_space<semaphore_mem>>) src(%dma_wait3A_112 : memref<128x128xf32, #tpu.memory_space<hbm>>) dst(%arg13 : memref<128x128xf32, #tpu.memory_space<vmem>>)
        %dma_wait3A_113 = arith.constant 0 : i32
        %dma_wait3A_114 = arith.constant 0 : i32
        %dma_wait3A_115 = tpu.memref_slice %arg2[%dma_wait3A_113, %dma_wait3A_114] : memref<1048576x64xf32, #tpu.memory_space<hbm>> -> memref<128x64xf32, #tpu.memory_space<hbm>>
        %dma_wait3A_116 = arith.constant 0 : i32
        %dma_wait3A_117 = arith.constant 0 : i32
        %dma_wait3A_118 = tpu.memref_slice %arg2[%dma_wait3A_116, %dma_wait3A_117] : memref<1048576x64xf32, #tpu.memory_space<hbm>> -> memref<128x64xf32, #tpu.memory_space<hbm>>
        tpu.wait_dma2 semaphore(%arg19 : memref<!tpu.dma_semaphore, #tpu.memory_space<semaphore_mem>>) src(%dma_wait3A_118 : memref<128x64xf32, #tpu.memory_space<hbm>>) dst(%arg11 : memref<128x64xf32, #tpu.memory_space<vmem>>)
        %mul3A_119 = arith.constant 2 : i32
        %mul3A_120 = arith.muli %mul3A_119, %scan3A_65 : i32
        %add3A_121 = arith.constant 1 : i32
        %add3A_122 = arith.addi %mul3A_120, %add3A_121 : i32
        %scan3A_123 = arith.constant 0 : i32
        %scan3A_124 = arith.constant 8 : i32
        %scan3A_125 = arith.addi %scan3A_123, %scan3A_124 : i32
        %scan3A_126 = arith.constant 1 : i32
        %scan3A_127 = scf.for %scan3A_129 = %scan3A_123 to %scan3A_125 step %scan3A_126 iter_args(%scan3A_130 = %scan3A_101) -> (vector<16xf32>)  : i32 {
          %mul3A_131 = arith.constant 128 : i32
          %mul3A_132 = arith.muli %add3A_122, %mul3A_131 : i32
          %mul3A_133 = arith.constant 16 : i32
          %mul3A_134 = arith.muli %scan3A_129, %mul3A_133 : i32
          %add3A_135 = arith.addi %mul3A_132, %mul3A_134 : i32
          %get3A = arith.index_cast %add3A_135 : i32 to index
          %get3A_136 = tpu.vector_load %arg9[%get3A] {strides = array<i32>} : memref<16384xi32, #tpu.memory_space<vmem>>, vector<16xi32>,
          %gather3A = tpu.vector_load_idx %arg6[%get3A_136] : memref<10240xf32, #tpu.memory_space<vmem>>[vector<16xi32>], vector<16xf32>,
          %mul3A_137 = arith.constant 16 : i32
          %mul3A_138 = arith.muli %scan3A_129, %mul3A_137 : i32
          %add3A_139 = vector.broadcast %mul3A_138 : i32 to vector<16xi32>
          %add3A_140 = arith.addi %iota3A, %add3A_139 : vector<16xi32>
          %broadcast_in_dim3A_141 = arith.constant 0.000000e+00 : f32
          %broadcast_in_dim3A_142 = vector.broadcast %broadcast_in_dim3A_141 : f32 to vector<16xf32>
          %add3A_143 = arith.constant 0 : i32
          %add3A_144 = vector.broadcast %add3A_143 : i32 to vector<16xi32>
          %add3A_145 = arith.addi %iota3A, %add3A_144 : vector<16xi32>
          %and3A = arith.constant 63 : i32
          %and3A_146 = vector.broadcast %and3A : i32 to vector<16xi32>
          %and3A_147 = arith.andi %add3A_145, %and3A_146 : vector<16xi32>
          %gather3A_148 = tpu.vector_load_idx %arg11[%add3A_140, %and3A_147] : memref<128x64xf32, #tpu.memory_space<vmem>>[vector<16xi32>, vector<16xi32>], vector<16xf32>,
          %gather3A_149 = tpu.vector_load_idx %arg13[%add3A_140, %and3A_147] : memref<128x128xf32, #tpu.memory_space<vmem>>[vector<16xi32>, vector<16xi32>], vector<16xf32>,
          %sub3A = arith.subf %gather3A_148, %gather3A_149 : vector<16xf32>
          %mul3A_150 = arith.mulf %sub3A, %sub3A : vector<16xf32>
          %add3A_151 = arith.addf %broadcast_in_dim3A_142, %mul3A_150 : vector<16xf32>
          %add3A_152 = arith.constant 1 : i32
          %add3A_153 = vector.broadcast %add3A_152 : i32 to vector<16xi32>
          %add3A_154 = arith.addi %iota3A, %add3A_153 : vector<16xi32>
          %and3A_155 = arith.constant 63 : i32
          %and3A_156 = vector.broadcast %and3A_155 : i32 to vector<16xi32>
          %and3A_157 = arith.andi %add3A_154, %and3A_156 : vector<16xi32>
          %gather3A_158 = tpu.vector_load_idx %arg11[%add3A_140, %and3A_157] : memref<128x64xf32, #tpu.memory_space<vmem>>[vector<16xi32>, vector<16xi32>], vector<16xf32>,
          %gather3A_159 = tpu.vector_load_idx %arg13[%add3A_140, %and3A_157] : memref<128x128xf32, #tpu.memory_space<vmem>>[vector<16xi32>, vector<16xi32>], vector<16xf32>,
          %sub3A_160 = arith.subf %gather3A_158, %gather3A_159 : vector<16xf32>
          %mul3A_161 = arith.mulf %sub3A_160, %sub3A_160 : vector<16xf32>
          %add3A_162 = arith.addf %add3A_151, %mul3A_161 : vector<16xf32>
          %add3A_163 = arith.constant 2 : i32
          %add3A_164 = vector.broadcast %add3A_163 : i32 to vector<16xi32>
          %add3A_165 = arith.addi %iota3A, %add3A_164 : vector<16xi32>
          %and3A_166 = arith.constant 63 : i32
          %and3A_167 = vector.broadcast %and3A_166 : i32 to vector<16xi32>
          %and3A_168 = arith.andi %add3A_165, %and3A_167 : vector<16xi32>
          %gather3A_169 = tpu.vector_load_idx %arg11[%add3A_140, %and3A_168] : memref<128x64xf32, #tpu.memory_space<vmem>>[vector<16xi32>, vector<16xi32>], vector<16xf32>,
          %gather3A_170 = tpu.vector_load_idx %arg13[%add3A_140, %and3A_168] : memref<128x128xf32, #tpu.memory_space<vmem>>[vector<16xi32>, vector<16xi32>], vector<16xf32>,
          %sub3A_171 = arith.subf %gather3A_169, %gather3A_170 : vector<16xf32>
          %mul3A_172 = arith.mulf %sub3A_171, %sub3A_171 : vector<16xf32>
          %add3A_173 = arith.addf %add3A_162, %mul3A_172 : vector<16xf32>
          %add3A_174 = arith.constant 3 : i32
          %add3A_175 = vector.broadcast %add3A_174 : i32 to vector<16xi32>
          %add3A_176 = arith.addi %iota3A, %add3A_175 : vector<16xi32>
          %and3A_177 = arith.constant 63 : i32
          %and3A_178 = vector.broadcast %and3A_177 : i32 to vector<16xi32>
          %and3A_179 = arith.andi %add3A_176, %and3A_178 : vector<16xi32>
          %gather3A_180 = tpu.vector_load_idx %arg11[%add3A_140, %and3A_179] : memref<128x64xf32, #tpu.memory_space<vmem>>[vector<16xi32>, vector<16xi32>], vector<16xf32>,
          %gather3A_181 = tpu.vector_load_idx %arg13[%add3A_140, %and3A_179] : memref<128x128xf32, #tpu.memory_space<vmem>>[vector<16xi32>, vector<16xi32>], vector<16xf32>,
          %sub3A_182 = arith.subf %gather3A_180, %gather3A_181 : vector<16xf32>
          %mul3A_183 = arith.mulf %sub3A_182, %sub3A_182 : vector<16xf32>
          %add3A_184 = arith.addf %add3A_173, %mul3A_183 : vector<16xf32>
          %add3A_185 = arith.constant 4 : i32
          %add3A_186 = vector.broadcast %add3A_185 : i32 to vector<16xi32>
          %add3A_187 = arith.addi %iota3A, %add3A_186 : vector<16xi32>
          %and3A_188 = arith.constant 63 : i32
          %and3A_189 = vector.broadcast %and3A_188 : i32 to vector<16xi32>
          %and3A_190 = arith.andi %add3A_187, %and3A_189 : vector<16xi32>
          %gather3A_191 = tpu.vector_load_idx %arg11[%add3A_140, %and3A_190] : memref<128x64xf32, #tpu.memory_space<vmem>>[vector<16xi32>, vector<16xi32>], vector<16xf32>,
          %gather3A_192 = tpu.vector_load_idx %arg13[%add3A_140, %and3A_190] : memref<128x128xf32, #tpu.memory_space<vmem>>[vector<16xi32>, vector<16xi32>], vector<16xf32>,
          %sub3A_193 = arith.subf %gather3A_191, %gather3A_192 : vector<16xf32>
          %mul3A_194 = arith.mulf %sub3A_193, %sub3A_193 : vector<16xf32>
          %add3A_195 = arith.addf %add3A_184, %mul3A_194 : vector<16xf32>
          %add3A_196 = arith.constant 5 : i32
          %add3A_197 = vector.broadcast %add3A_196 : i32 to vector<16xi32>
          %add3A_198 = arith.addi %iota3A, %add3A_197 : vector<16xi32>
          %and3A_199 = arith.constant 63 : i32
          %and3A_200 = vector.broadcast %and3A_199 : i32 to vector<16xi32>
          %and3A_201 = arith.andi %add3A_198, %and3A_200 : vector<16xi32>
          %gather3A_202 = tpu.vector_load_idx %arg11[%add3A_140, %and3A_201] : memref<128x64xf32, #tpu.memory_space<vmem>>[vector<16xi32>, vector<16xi32>], vector<16xf32>,
          %gather3A_203 = tpu.vector_load_idx %arg13[%add3A_140, %and3A_201] : memref<128x128xf32, #tpu.memory_space<vmem>>[vector<16xi32>, vector<16xi32>], vector<16xf32>,
          %sub3A_204 = arith.subf %gather3A_202, %gather3A_203 : vector<16xf32>
          %mul3A_205 = arith.mulf %sub3A_204, %sub3A_204 : vector<16xf32>
          %add3A_206 = arith.addf %add3A_195, %mul3A_205 : vector<16xf32>
          %add3A_207 = arith.constant 6 : i32
          %add3A_208 = vector.broadcast %add3A_207 : i32 to vector<16xi32>
          %add3A_209 = arith.addi %iota3A, %add3A_208 : vector<16xi32>
          %and3A_210 = arith.constant 63 : i32
          %and3A_211 = vector.broadcast %and3A_210 : i32 to vector<16xi32>
          %and3A_212 = arith.andi %add3A_209, %and3A_211 : vector<16xi32>
          %gather3A_213 = tpu.vector_load_idx %arg11[%add3A_140, %and3A_212] : memref<128x64xf32, #tpu.memory_space<vmem>>[vector<16xi32>, vector<16xi32>], vector<16xf32>,
          %gather3A_214 = tpu.vector_load_idx %arg13[%add3A_140, %and3A_212] : memref<128x128xf32, #tpu.memory_space<vmem>>[vector<16xi32>, vector<16xi32>], vector<16xf32>,
          %sub3A_215 = arith.subf %gather3A_213, %gather3A_214 : vector<16xf32>
          %mul3A_216 = arith.mulf %sub3A_215, %sub3A_215 : vector<16xf32>
          %add3A_217 = arith.addf %add3A_206, %mul3A_216 : vector<16xf32>
          %add3A_218 = arith.constant 7 : i32
          %add3A_219 = vector.broadcast %add3A_218 : i32 to vector<16xi32>
          %add3A_220 = arith.addi %iota3A, %add3A_219 : vector<16xi32>
          %and3A_221 = arith.constant 63 : i32
          %and3A_222 = vector.broadcast %and3A_221 : i32 to vector<16xi32>
          %and3A_223 = arith.andi %add3A_220, %and3A_222 : vector<16xi32>
          %gather3A_224 = tpu.vector_load_idx %arg11[%add3A_140, %and3A_223] : memref<128x64xf32, #tpu.memory_space<vmem>>[vector<16xi32>, vector<16xi32>], vector<16xf32>,
          %gather3A_225 = tpu.vector_load_idx %arg13[%add3A_140, %and3A_223] : memref<128x128xf32, #tpu.memory_space<vmem>>[vector<16xi32>, vector<16xi32>], vector<16xf32>,
          %sub3A_226 = arith.subf %gather3A_224, %gather3A_225 : vector<16xf32>
          %mul3A_227 = arith.mulf %sub3A_226, %sub3A_226 : vector<16xf32>
          %add3A_228 = arith.addf %add3A_217, %mul3A_227 : vector<16xf32>
          %add3A_229 = arith.constant 8 : i32
          %add3A_230 = vector.broadcast %add3A_229 : i32 to vector<16xi32>
          %add3A_231 = arith.addi %iota3A, %add3A_230 : vector<16xi32>
          %and3A_232 = arith.constant 63 : i32
          %and3A_233 = vector.broadcast %and3A_232 : i32 to vector<16xi32>
          %and3A_234 = arith.andi %add3A_231, %and3A_233 : vector<16xi32>
          %gather3A_235 = tpu.vector_load_idx %arg11[%add3A_140, %and3A_234] : memref<128x64xf32, #tpu.memory_space<vmem>>[vector<16xi32>, vector<16xi32>], vector<16xf32>,
          %gather3A_236 = tpu.vector_load_idx %arg13[%add3A_140, %and3A_234] : memref<128x128xf32, #tpu.memory_space<vmem>>[vector<16xi32>, vector<16xi32>], vector<16xf32>,
          %sub3A_237 = arith.subf %gather3A_235, %gather3A_236 : vector<16xf32>
          %mul3A_238 = arith.mulf %sub3A_237, %sub3A_237 : vector<16xf32>
          %add3A_239 = arith.addf %add3A_228, %mul3A_238 : vector<16xf32>
          %add3A_240 = arith.constant 9 : i32
          %add3A_241 = vector.broadcast %add3A_240 : i32 to vector<16xi32>
          %add3A_242 = arith.addi %iota3A, %add3A_241 : vector<16xi32>
          %and3A_243 = arith.constant 63 : i32
          %and3A_244 = vector.broadcast %and3A_243 : i32 to vector<16xi32>
          %and3A_245 = arith.andi %add3A_242, %and3A_244 : vector<16xi32>
          %gather3A_246 = tpu.vector_load_idx %arg11[%add3A_140, %and3A_245] : memref<128x64xf32, #tpu.memory_space<vmem>>[vector<16xi32>, vector<16xi32>], vector<16xf32>,
          %gather3A_247 = tpu.vector_load_idx %arg13[%add3A_140, %and3A_245] : memref<128x128xf32, #tpu.memory_space<vmem>>[vector<16xi32>, vector<16xi32>], vector<16xf32>,
          %sub3A_248 = arith.subf %gather3A_246, %gather3A_247 : vector<16xf32>
          %mul3A_249 = arith.mulf %sub3A_248, %sub3A_248 : vector<16xf32>
          %add3A_250 = arith.addf %add3A_239, %mul3A_249 : vector<16xf32>
          %add3A_251 = arith.constant 10 : i32
          %add3A_252 = vector.broadcast %add3A_251 : i32 to vector<16xi32>
          %add3A_253 = arith.addi %iota3A, %add3A_252 : vector<16xi32>
          %and3A_254 = arith.constant 63 : i32
          %and3A_255 = vector.broadcast %and3A_254 : i32 to vector<16xi32>
          %and3A_256 = arith.andi %add3A_253, %and3A_255 : vector<16xi32>
          %gather3A_257 = tpu.vector_load_idx %arg11[%add3A_140, %and3A_256] : memref<128x64xf32, #tpu.memory_space<vmem>>[vector<16xi32>, vector<16xi32>], vector<16xf32>,
          %gather3A_258 = tpu.vector_load_idx %arg13[%add3A_140, %and3A_256] : memref<128x128xf32, #tpu.memory_space<vmem>>[vector<16xi32>, vector<16xi32>], vector<16xf32>,
          %sub3A_259 = arith.subf %gather3A_257, %gather3A_258 : vector<16xf32>
          %mul3A_260 = arith.mulf %sub3A_259, %sub3A_259 : vector<16xf32>
          %add3A_261 = arith.addf %add3A_250, %mul3A_260 : vector<16xf32>
          %add3A_262 = arith.constant 11 : i32
          %add3A_263 = vector.broadcast %add3A_262 : i32 to vector<16xi32>
          %add3A_264 = arith.addi %iota3A, %add3A_263 : vector<16xi32>
          %and3A_265 = arith.constant 63 : i32
          %and3A_266 = vector.broadcast %and3A_265 : i32 to vector<16xi32>
          %and3A_267 = arith.andi %add3A_264, %and3A_266 : vector<16xi32>
          %gather3A_268 = tpu.vector_load_idx %arg11[%add3A_140, %and3A_267] : memref<128x64xf32, #tpu.memory_space<vmem>>[vector<16xi32>, vector<16xi32>], vector<16xf32>,
          %gather3A_269 = tpu.vector_load_idx %arg13[%add3A_140, %and3A_267] : memref<128x128xf32, #tpu.memory_space<vmem>>[vector<16xi32>, vector<16xi32>], vector<16xf32>,
          %sub3A_270 = arith.subf %gather3A_268, %gather3A_269 : vector<16xf32>
          %mul3A_271 = arith.mulf %sub3A_270, %sub3A_270 : vector<16xf32>
          %add3A_272 = arith.addf %add3A_261, %mul3A_271 : vector<16xf32>
          %add3A_273 = arith.constant 12 : i32
          %add3A_274 = vector.broadcast %add3A_273 : i32 to vector<16xi32>
          %add3A_275 = arith.addi %iota3A, %add3A_274 : vector<16xi32>
          %and3A_276 = arith.constant 63 : i32
          %and3A_277 = vector.broadcast %and3A_276 : i32 to vector<16xi32>
          %and3A_278 = arith.andi %add3A_275, %and3A_277 : vector<16xi32>
          %gather3A_279 = tpu.vector_load_idx %arg11[%add3A_140, %and3A_278] : memref<128x64xf32, #tpu.memory_space<vmem>>[vector<16xi32>, vector<16xi32>], vector<16xf32>,
          %gather3A_280 = tpu.vector_load_idx %arg13[%add3A_140, %and3A_278] : memref<128x128xf32, #tpu.memory_space<vmem>>[vector<16xi32>, vector<16xi32>], vector<16xf32>,
          %sub3A_281 = arith.subf %gather3A_279, %gather3A_280 : vector<16xf32>
          %mul3A_282 = arith.mulf %sub3A_281, %sub3A_281 : vector<16xf32>
          %add3A_283 = arith.addf %add3A_272, %mul3A_282 : vector<16xf32>
          %add3A_284 = arith.constant 13 : i32
          %add3A_285 = vector.broadcast %add3A_284 : i32 to vector<16xi32>
          %add3A_286 = arith.addi %iota3A, %add3A_285 : vector<16xi32>
          %and3A_287 = arith.constant 63 : i32
          %and3A_288 = vector.broadcast %and3A_287 : i32 to vector<16xi32>
          %and3A_289 = arith.andi %add3A_286, %and3A_288 : vector<16xi32>
          %gather3A_290 = tpu.vector_load_idx %arg11[%add3A_140, %and3A_289] : memref<128x64xf32, #tpu.memory_space<vmem>>[vector<16xi32>, vector<16xi32>], vector<16xf32>,
          %gather3A_291 = tpu.vector_load_idx %arg13[%add3A_140, %and3A_289] : memref<128x128xf32, #tpu.memory_space<vmem>>[vector<16xi32>, vector<16xi32>], vector<16xf32>,
          %sub3A_292 = arith.subf %gather3A_290, %gather3A_291 : vector<16xf32>
          %mul3A_293 = arith.mulf %sub3A_292, %sub3A_292 : vector<16xf32>
          %add3A_294 = arith.addf %add3A_283, %mul3A_293 : vector<16xf32>
          %add3A_295 = arith.constant 14 : i32
          %add3A_296 = vector.broadcast %add3A_295 : i32 to vector<16xi32>
          %add3A_297 = arith.addi %iota3A, %add3A_296 : vector<16xi32>
          %and3A_298 = arith.constant 63 : i32
          %and3A_299 = vector.broadcast %and3A_298 : i32 to vector<16xi32>
          %and3A_300 = arith.andi %add3A_297, %and3A_299 : vector<16xi32>
          %gather3A_301 = tpu.vector_load_idx %arg11[%add3A_140, %and3A_300] : memref<128x64xf32, #tpu.memory_space<vmem>>[vector<16xi32>, vector<16xi32>], vector<16xf32>,
          %gather3A_302 = tpu.vector_load_idx %arg13[%add3A_140, %and3A_300] : memref<128x128xf32, #tpu.memory_space<vmem>>[vector<16xi32>, vector<16xi32>], vector<16xf32>,
          %sub3A_303 = arith.subf %gather3A_301, %gather3A_302 : vector<16xf32>
          %mul3A_304 = arith.mulf %sub3A_303, %sub3A_303 : vector<16xf32>
          %add3A_305 = arith.addf %add3A_294, %mul3A_304 : vector<16xf32>
          %add3A_306 = arith.constant 15 : i32
          %add3A_307 = vector.broadcast %add3A_306 : i32 to vector<16xi32>
          %add3A_308 = arith.addi %iota3A, %add3A_307 : vector<16xi32>
          %and3A_309 = arith.constant 63 : i32
          %and3A_310 = vector.broadcast %and3A_309 : i32 to vector<16xi32>
          %and3A_311 = arith.andi %add3A_308, %and3A_310 : vector<16xi32>
          %gather3A_312 = tpu.vector_load_idx %arg11[%add3A_140, %and3A_311] : memref<128x64xf32, #tpu.memory_space<vmem>>[vector<16xi32>, vector<16xi32>], vector<16xf32>,
          %gather3A_313 = tpu.vector_load_idx %arg13[%add3A_140, %and3A_311] : memref<128x128xf32, #tpu.memory_space<vmem>>[vector<16xi32>, vector<16xi32>], vector<16xf32>,
          %sub3A_314 = arith.subf %gather3A_312, %gather3A_313 : vector<16xf32>
          %mul3A_315 = arith.mulf %sub3A_314, %sub3A_314 : vector<16xf32>
          %add3A_316 = arith.addf %add3A_305, %mul3A_315 : vector<16xf32>
          %add3A_317 = arith.constant 16 : i32
          %add3A_318 = vector.broadcast %add3A_317 : i32 to vector<16xi32>
          %add3A_319 = arith.addi %iota3A, %add3A_318 : vector<16xi32>
          %and3A_320 = arith.constant 63 : i32
          %and3A_321 = vector.broadcast %and3A_320 : i32 to vector<16xi32>
          %and3A_322 = arith.andi %add3A_319, %and3A_321 : vector<16xi32>
          %gather3A_323 = tpu.vector_load_idx %arg11[%add3A_140, %and3A_322] : memref<128x64xf32, #tpu.memory_space<vmem>>[vector<16xi32>, vector<16xi32>], vector<16xf32>,
          %gather3A_324 = tpu.vector_load_idx %arg13[%add3A_140, %and3A_322] : memref<128x128xf32, #tpu.memory_space<vmem>>[vector<16xi32>, vector<16xi32>], vector<16xf32>,
          %sub3A_325 = arith.subf %gather3A_323, %gather3A_324 : vector<16xf32>
          %mul3A_326 = arith.mulf %sub3A_325, %sub3A_325 : vector<16xf32>
          %add3A_327 = arith.addf %add3A_316, %mul3A_326 : vector<16xf32>
          %add3A_328 = arith.constant 17 : i32
          %add3A_329 = vector.broadcast %add3A_328 : i32 to vector<16xi32>
          %add3A_330 = arith.addi %iota3A, %add3A_329 : vector<16xi32>
          %and3A_331 = arith.constant 63 : i32
          %and3A_332 = vector.broadcast %and3A_331 : i32 to vector<16xi32>
          %and3A_333 = arith.andi %add3A_330, %and3A_332 : vector<16xi32>
          %gather3A_334 = tpu.vector_load_idx %arg11[%add3A_140, %and3A_333] : memref<128x64xf32, #tpu.memory_space<vmem>>[vector<16xi32>, vector<16xi32>], vector<16xf32>,
          %gather3A_335 = tpu.vector_load_idx %arg13[%add3A_140, %and3A_333] : memref<128x128xf32, #tpu.memory_space<vmem>>[vector<16xi32>, vector<16xi32>], vector<16xf32>,
          %sub3A_336 = arith.subf %gather3A_334, %gather3A_335 : vector<16xf32>
          %mul3A_337 = arith.mulf %sub3A_336, %sub3A_336 : vector<16xf32>
          %add3A_338 = arith.addf %add3A_327, %mul3A_337 : vector<16xf32>
          %add3A_339 = arith.constant 18 : i32
          %add3A_340 = vector.broadcast %add3A_339 : i32 to vector<16xi32>
          %add3A_341 = arith.addi %iota3A, %add3A_340 : vector<16xi32>
          %and3A_342 = arith.constant 63 : i32
          %and3A_343 = vector.broadcast %and3A_342 : i32 to vector<16xi32>
          %and3A_344 = arith.andi %add3A_341, %and3A_343 : vector<16xi32>
          %gather3A_345 = tpu.vector_load_idx %arg11[%add3A_140, %and3A_344] : memref<128x64xf32, #tpu.memory_space<vmem>>[vector<16xi32>, vector<16xi32>], vector<16xf32>,
          %gather3A_346 = tpu.vector_load_idx %arg13[%add3A_140, %and3A_344] : memref<128x128xf32, #tpu.memory_space<vmem>>[vector<16xi32>, vector<16xi32>], vector<16xf32>,
          %sub3A_347 = arith.subf %gather3A_345, %gather3A_346 : vector<16xf32>
          %mul3A_348 = arith.mulf %sub3A_347, %sub3A_347 : vector<16xf32>
          %add3A_349 = arith.addf %add3A_338, %mul3A_348 : vector<16xf32>
          %add3A_350 = arith.constant 19 : i32
          %add3A_351 = vector.broadcast %add3A_350 : i32 to vector<16xi32>
          %add3A_352 = arith.addi %iota3A, %add3A_351 : vector<16xi32>
          %and3A_353 = arith.constant 63 : i32
          %and3A_354 = vector.broadcast %and3A_353 : i32 to vector<16xi32>
          %and3A_355 = arith.andi %add3A_352, %and3A_354 : vector<16xi32>
          %gather3A_356 = tpu.vector_load_idx %arg11[%add3A_140, %and3A_355] : memref<128x64xf32, #tpu.memory_space<vmem>>[vector<16xi32>, vector<16xi32>], vector<16xf32>,
          %gather3A_357 = tpu.vector_load_idx %arg13[%add3A_140, %and3A_355] : memref<128x128xf32, #tpu.memory_space<vmem>>[vector<16xi32>, vector<16xi32>], vector<16xf32>,
          %sub3A_358 = arith.subf %gather3A_356, %gather3A_357 : vector<16xf32>
          %mul3A_359 = arith.mulf %sub3A_358, %sub3A_358 : vector<16xf32>
          %add3A_360 = arith.addf %add3A_349, %mul3A_359 : vector<16xf32>
          %add3A_361 = arith.constant 20 : i32
          %add3A_362 = vector.broadcast %add3A_361 : i32 to vector<16xi32>
          %add3A_363 = arith.addi %iota3A, %add3A_362 : vector<16xi32>
          %and3A_364 = arith.constant 63 : i32
          %and3A_365 = vector.broadcast %and3A_364 : i32 to vector<16xi32>
          %and3A_366 = arith.andi %add3A_363, %and3A_365 : vector<16xi32>
          %gather3A_367 = tpu.vector_load_idx %arg11[%add3A_140, %and3A_366] : memref<128x64xf32, #tpu.memory_space<vmem>>[vector<16xi32>, vector<16xi32>], vector<16xf32>,
          %gather3A_368 = tpu.vector_load_idx %arg13[%add3A_140, %and3A_366] : memref<128x128xf32, #tpu.memory_space<vmem>>[vector<16xi32>, vector<16xi32>], vector<16xf32>,
          %sub3A_369 = arith.subf %gather3A_367, %gather3A_368 : vector<16xf32>
          %mul3A_370 = arith.mulf %sub3A_369, %sub3A_369 : vector<16xf32>
          %add3A_371 = arith.addf %add3A_360, %mul3A_370 : vector<16xf32>
          %add3A_372 = arith.constant 21 : i32
          %add3A_373 = vector.broadcast %add3A_372 : i32 to vector<16xi32>
          %add3A_374 = arith.addi %iota3A, %add3A_373 : vector<16xi32>
          %and3A_375 = arith.constant 63 : i32
          %and3A_376 = vector.broadcast %and3A_375 : i32 to vector<16xi32>
          %and3A_377 = arith.andi %add3A_374, %and3A_376 : vector<16xi32>
          %gather3A_378 = tpu.vector_load_idx %arg11[%add3A_140, %and3A_377] : memref<128x64xf32, #tpu.memory_space<vmem>>[vector<16xi32>, vector<16xi32>], vector<16xf32>,
          %gather3A_379 = tpu.vector_load_idx %arg13[%add3A_140, %and3A_377] : memref<128x128xf32, #tpu.memory_space<vmem>>[vector<16xi32>, vector<16xi32>], vector<16xf32>,
          %sub3A_380 = arith.subf %gather3A_378, %gather3A_379 : vector<16xf32>
          %mul3A_381 = arith.mulf %sub3A_380, %sub3A_380 : vector<16xf32>
          %add3A_382 = arith.addf %add3A_371, %mul3A_381 : vector<16xf32>
          %add3A_383 = arith.constant 22 : i32
          %add3A_384 = vector.broadcast %add3A_383 : i32 to vector<16xi32>
          %add3A_385 = arith.addi %iota3A, %add3A_384 : vector<16xi32>
          %and3A_386 = arith.constant 63 : i32
          %and3A_387 = vector.broadcast %and3A_386 : i32 to vector<16xi32>
          %and3A_388 = arith.andi %add3A_385, %and3A_387 : vector<16xi32>
          %gather3A_389 = tpu.vector_load_idx %arg11[%add3A_140, %and3A_388] : memref<128x64xf32, #tpu.memory_space<vmem>>[vector<16xi32>, vector<16xi32>], vector<16xf32>,
          %gather3A_390 = tpu.vector_load_idx %arg13[%add3A_140, %and3A_388] : memref<128x128xf32, #tpu.memory_space<vmem>>[vector<16xi32>, vector<16xi32>], vector<16xf32>,
          %sub3A_391 = arith.subf %gather3A_389, %gather3A_390 : vector<16xf32>
          %mul3A_392 = arith.mulf %sub3A_391, %sub3A_391 : vector<16xf32>
          %add3A_393 = arith.addf %add3A_382, %mul3A_392 : vector<16xf32>
          %add3A_394 = arith.constant 23 : i32
          %add3A_395 = vector.broadcast %add3A_394 : i32 to vector<16xi32>
          %add3A_396 = arith.addi %iota3A, %add3A_395 : vector<16xi32>
          %and3A_397 = arith.constant 63 : i32
          %and3A_398 = vector.broadcast %and3A_397 : i32 to vector<16xi32>
          %and3A_399 = arith.andi %add3A_396, %and3A_398 : vector<16xi32>
          %gather3A_400 = tpu.vector_load_idx %arg11[%add3A_140, %and3A_399] : memref<128x64xf32, #tpu.memory_space<vmem>>[vector<16xi32>, vector<16xi32>], vector<16xf32>,
          %gather3A_401 = tpu.vector_load_idx %arg13[%add3A_140, %and3A_399] : memref<128x128xf32, #tpu.memory_space<vmem>>[vector<16xi32>, vector<16xi32>], vector<16xf32>,
          %sub3A_402 = arith.subf %gather3A_400, %gather3A_401 : vector<16xf32>
          %mul3A_403 = arith.mulf %sub3A_402, %sub3A_402 : vector<16xf32>
          %add3A_404 = arith.addf %add3A_393, %mul3A_403 : vector<16xf32>
          %add3A_405 = arith.constant 24 : i32
          %add3A_406 = vector.broadcast %add3A_405 : i32 to vector<16xi32>
          %add3A_407 = arith.addi %iota3A, %add3A_406 : vector<16xi32>
          %and3A_408 = arith.constant 63 : i32
          %and3A_409 = vector.broadcast %and3A_408 : i32 to vector<16xi32>
          %and3A_410 = arith.andi %add3A_407, %and3A_409 : vector<16xi32>
          %gather3A_411 = tpu.vector_load_idx %arg11[%add3A_140, %and3A_410] : memref<128x64xf32, #tpu.memory_space<vmem>>[vector<16xi32>, vector<16xi32>], vector<16xf32>,
          %gather3A_412 = tpu.vector_load_idx %arg13[%add3A_140, %and3A_410] : memref<128x128xf32, #tpu.memory_space<vmem>>[vector<16xi32>, vector<16xi32>], vector<16xf32>,
          %sub3A_413 = arith.subf %gather3A_411, %gather3A_412 : vector<16xf32>
          %mul3A_414 = arith.mulf %sub3A_413, %sub3A_413 : vector<16xf32>
          %add3A_415 = arith.addf %add3A_404, %mul3A_414 : vector<16xf32>
          %add3A_416 = arith.constant 25 : i32
          %add3A_417 = vector.broadcast %add3A_416 : i32 to vector<16xi32>
          %add3A_418 = arith.addi %iota3A, %add3A_417 : vector<16xi32>
          %and3A_419 = arith.constant 63 : i32
          %and3A_420 = vector.broadcast %and3A_419 : i32 to vector<16xi32>
          %and3A_421 = arith.andi %add3A_418, %and3A_420 : vector<16xi32>
          %gather3A_422 = tpu.vector_load_idx %arg11[%add3A_140, %and3A_421] : memref<128x64xf32, #tpu.memory_space<vmem>>[vector<16xi32>, vector<16xi32>], vector<16xf32>,
          %gather3A_423 = tpu.vector_load_idx %arg13[%add3A_140, %and3A_421] : memref<128x128xf32, #tpu.memory_space<vmem>>[vector<16xi32>, vector<16xi32>], vector<16xf32>,
          %sub3A_424 = arith.subf %gather3A_422, %gather3A_423 : vector<16xf32>
          %mul3A_425 = arith.mulf %sub3A_424, %sub3A_424 : vector<16xf32>
          %add3A_426 = arith.addf %add3A_415, %mul3A_425 : vector<16xf32>
          %add3A_427 = arith.constant 26 : i32
          %add3A_428 = vector.broadcast %add3A_427 : i32 to vector<16xi32>
          %add3A_429 = arith.addi %iota3A, %add3A_428 : vector<16xi32>
          %and3A_430 = arith.constant 63 : i32
          %and3A_431 = vector.broadcast %and3A_430 : i32 to vector<16xi32>
          %and3A_432 = arith.andi %add3A_429, %and3A_431 : vector<16xi32>
          %gather3A_433 = tpu.vector_load_idx %arg11[%add3A_140, %and3A_432] : memref<128x64xf32, #tpu.memory_space<vmem>>[vector<16xi32>, vector<16xi32>], vector<16xf32>,
          %gather3A_434 = tpu.vector_load_idx %arg13[%add3A_140, %and3A_432] : memref<128x128xf32, #tpu.memory_space<vmem>>[vector<16xi32>, vector<16xi32>], vector<16xf32>,
          %sub3A_435 = arith.subf %gather3A_433, %gather3A_434 : vector<16xf32>
          %mul3A_436 = arith.mulf %sub3A_435, %sub3A_435 : vector<16xf32>
          %add3A_437 = arith.addf %add3A_426, %mul3A_436 : vector<16xf32>
          %add3A_438 = arith.constant 27 : i32
          %add3A_439 = vector.broadcast %add3A_438 : i32 to vector<16xi32>
          %add3A_440 = arith.addi %iota3A, %add3A_439 : vector<16xi32>
          %and3A_441 = arith.constant 63 : i32
          %and3A_442 = vector.broadcast %and3A_441 : i32 to vector<16xi32>
          %and3A_443 = arith.andi %add3A_440, %and3A_442 : vector<16xi32>
          %gather3A_444 = tpu.vector_load_idx %arg11[%add3A_140, %and3A_443] : memref<128x64xf32, #tpu.memory_space<vmem>>[vector<16xi32>, vector<16xi32>], vector<16xf32>,
          %gather3A_445 = tpu.vector_load_idx %arg13[%add3A_140, %and3A_443] : memref<128x128xf32, #tpu.memory_space<vmem>>[vector<16xi32>, vector<16xi32>], vector<16xf32>,
          %sub3A_446 = arith.subf %gather3A_444, %gather3A_445 : vector<16xf32>
          %mul3A_447 = arith.mulf %sub3A_446, %sub3A_446 : vector<16xf32>
          %add3A_448 = arith.addf %add3A_437, %mul3A_447 : vector<16xf32>
          %add3A_449 = arith.constant 28 : i32
          %add3A_450 = vector.broadcast %add3A_449 : i32 to vector<16xi32>
          %add3A_451 = arith.addi %iota3A, %add3A_450 : vector<16xi32>
          %and3A_452 = arith.constant 63 : i32
          %and3A_453 = vector.broadcast %and3A_452 : i32 to vector<16xi32>
          %and3A_454 = arith.andi %add3A_451, %and3A_453 : vector<16xi32>
          %gather3A_455 = tpu.vector_load_idx %arg11[%add3A_140, %and3A_454] : memref<128x64xf32, #tpu.memory_space<vmem>>[vector<16xi32>, vector<16xi32>], vector<16xf32>,
          %gather3A_456 = tpu.vector_load_idx %arg13[%add3A_140, %and3A_454] : memref<128x128xf32, #tpu.memory_space<vmem>>[vector<16xi32>, vector<16xi32>], vector<16xf32>,
          %sub3A_457 = arith.subf %gather3A_455, %gather3A_456 : vector<16xf32>
          %mul3A_458 = arith.mulf %sub3A_457, %sub3A_457 : vector<16xf32>
          %add3A_459 = arith.addf %add3A_448, %mul3A_458 : vector<16xf32>
          %add3A_460 = arith.constant 29 : i32
          %add3A_461 = vector.broadcast %add3A_460 : i32 to vector<16xi32>
          %add3A_462 = arith.addi %iota3A, %add3A_461 : vector<16xi32>
          %and3A_463 = arith.constant 63 : i32
          %and3A_464 = vector.broadcast %and3A_463 : i32 to vector<16xi32>
          %and3A_465 = arith.andi %add3A_462, %and3A_464 : vector<16xi32>
          %gather3A_466 = tpu.vector_load_idx %arg11[%add3A_140, %and3A_465] : memref<128x64xf32, #tpu.memory_space<vmem>>[vector<16xi32>, vector<16xi32>], vector<16xf32>,
          %gather3A_467 = tpu.vector_load_idx %arg13[%add3A_140, %and3A_465] : memref<128x128xf32, #tpu.memory_space<vmem>>[vector<16xi32>, vector<16xi32>], vector<16xf32>,
          %sub3A_468 = arith.subf %gather3A_466, %gather3A_467 : vector<16xf32>
          %mul3A_469 = arith.mulf %sub3A_468, %sub3A_468 : vector<16xf32>
          %add3A_470 = arith.addf %add3A_459, %mul3A_469 : vector<16xf32>
          %add3A_471 = arith.constant 30 : i32
          %add3A_472 = vector.broadcast %add3A_471 : i32 to vector<16xi32>
          %add3A_473 = arith.addi %iota3A, %add3A_472 : vector<16xi32>
          %and3A_474 = arith.constant 63 : i32
          %and3A_475 = vector.broadcast %and3A_474 : i32 to vector<16xi32>
          %and3A_476 = arith.andi %add3A_473, %and3A_475 : vector<16xi32>
          %gather3A_477 = tpu.vector_load_idx %arg11[%add3A_140, %and3A_476] : memref<128x64xf32, #tpu.memory_space<vmem>>[vector<16xi32>, vector<16xi32>], vector<16xf32>,
          %gather3A_478 = tpu.vector_load_idx %arg13[%add3A_140, %and3A_476] : memref<128x128xf32, #tpu.memory_space<vmem>>[vector<16xi32>, vector<16xi32>], vector<16xf32>,
          %sub3A_479 = arith.subf %gather3A_477, %gather3A_478 : vector<16xf32>
          %mul3A_480 = arith.mulf %sub3A_479, %sub3A_479 : vector<16xf32>
          %add3A_481 = arith.addf %add3A_470, %mul3A_480 : vector<16xf32>
          %add3A_482 = arith.constant 31 : i32
          %add3A_483 = vector.broadcast %add3A_482 : i32 to vector<16xi32>
          %add3A_484 = arith.addi %iota3A, %add3A_483 : vector<16xi32>
          %and3A_485 = arith.constant 63 : i32
          %and3A_486 = vector.broadcast %and3A_485 : i32 to vector<16xi32>
          %and3A_487 = arith.andi %add3A_484, %and3A_486 : vector<16xi32>
          %gather3A_488 = tpu.vector_load_idx %arg11[%add3A_140, %and3A_487] : memref<128x64xf32, #tpu.memory_space<vmem>>[vector<16xi32>, vector<16xi32>], vector<16xf32>,
          %gather3A_489 = tpu.vector_load_idx %arg13[%add3A_140, %and3A_487] : memref<128x128xf32, #tpu.memory_space<vmem>>[vector<16xi32>, vector<16xi32>], vector<16xf32>,
          %sub3A_490 = arith.subf %gather3A_488, %gather3A_489 : vector<16xf32>
          %mul3A_491 = arith.mulf %sub3A_490, %sub3A_490 : vector<16xf32>
          %add3A_492 = arith.addf %add3A_481, %mul3A_491 : vector<16xf32>
          %add3A_493 = arith.constant 32 : i32
          %add3A_494 = vector.broadcast %add3A_493 : i32 to vector<16xi32>
          %add3A_495 = arith.addi %iota3A, %add3A_494 : vector<16xi32>
          %and3A_496 = arith.constant 63 : i32
          %and3A_497 = vector.broadcast %and3A_496 : i32 to vector<16xi32>
          %and3A_498 = arith.andi %add3A_495, %and3A_497 : vector<16xi32>
          %gather3A_499 = tpu.vector_load_idx %arg11[%add3A_140, %and3A_498] : memref<128x64xf32, #tpu.memory_space<vmem>>[vector<16xi32>, vector<16xi32>], vector<16xf32>,
          %gather3A_500 = tpu.vector_load_idx %arg13[%add3A_140, %and3A_498] : memref<128x128xf32, #tpu.memory_space<vmem>>[vector<16xi32>, vector<16xi32>], vector<16xf32>,
          %sub3A_501 = arith.subf %gather3A_499, %gather3A_500 : vector<16xf32>
          %mul3A_502 = arith.mulf %sub3A_501, %sub3A_501 : vector<16xf32>
          %add3A_503 = arith.addf %add3A_492, %mul3A_502 : vector<16xf32>
          %add3A_504 = arith.constant 33 : i32
          %add3A_505 = vector.broadcast %add3A_504 : i32 to vector<16xi32>
          %add3A_506 = arith.addi %iota3A, %add3A_505 : vector<16xi32>
          %and3A_507 = arith.constant 63 : i32
          %and3A_508 = vector.broadcast %and3A_507 : i32 to vector<16xi32>
          %and3A_509 = arith.andi %add3A_506, %and3A_508 : vector<16xi32>
          %gather3A_510 = tpu.vector_load_idx %arg11[%add3A_140, %and3A_509] : memref<128x64xf32, #tpu.memory_space<vmem>>[vector<16xi32>, vector<16xi32>], vector<16xf32>,
          %gather3A_511 = tpu.vector_load_idx %arg13[%add3A_140, %and3A_509] : memref<128x128xf32, #tpu.memory_space<vmem>>[vector<16xi32>, vector<16xi32>], vector<16xf32>,
          %sub3A_512 = arith.subf %gather3A_510, %gather3A_511 : vector<16xf32>
          %mul3A_513 = arith.mulf %sub3A_512, %sub3A_512 : vector<16xf32>
          %add3A_514 = arith.addf %add3A_503, %mul3A_513 : vector<16xf32>
          %add3A_515 = arith.constant 34 : i32
          %add3A_516 = vector.broadcast %add3A_515 : i32 to vector<16xi32>
          %add3A_517 = arith.addi %iota3A, %add3A_516 : vector<16xi32>
          %and3A_518 = arith.constant 63 : i32
          %and3A_519 = vector.broadcast %and3A_518 : i32 to vector<16xi32>
          %and3A_520 = arith.andi %add3A_517, %and3A_519 : vector<16xi32>
          %gather3A_521 = tpu.vector_load_idx %arg11[%add3A_140, %and3A_520] : memref<128x64xf32, #tpu.memory_space<vmem>>[vector<16xi32>, vector<16xi32>], vector<16xf32>,
          %gather3A_522 = tpu.vector_load_idx %arg13[%add3A_140, %and3A_520] : memref<128x128xf32, #tpu.memory_space<vmem>>[vector<16xi32>, vector<16xi32>], vector<16xf32>,
          %sub3A_523 = arith.subf %gather3A_521, %gather3A_522 : vector<16xf32>
          %mul3A_524 = arith.mulf %sub3A_523, %sub3A_523 : vector<16xf32>
          %add3A_525 = arith.addf %add3A_514, %mul3A_524 : vector<16xf32>
          %add3A_526 = arith.constant 35 : i32
          %add3A_527 = vector.broadcast %add3A_526 : i32 to vector<16xi32>
          %add3A_528 = arith.addi %iota3A, %add3A_527 : vector<16xi32>
          %and3A_529 = arith.constant 63 : i32
          %and3A_530 = vector.broadcast %and3A_529 : i32 to vector<16xi32>
          %and3A_531 = arith.andi %add3A_528, %and3A_530 : vector<16xi32>
          %gather3A_532 = tpu.vector_load_idx %arg11[%add3A_140, %and3A_531] : memref<128x64xf32, #tpu.memory_space<vmem>>[vector<16xi32>, vector<16xi32>], vector<16xf32>,
          %gather3A_533 = tpu.vector_load_idx %arg13[%add3A_140, %and3A_531] : memref<128x128xf32, #tpu.memory_space<vmem>>[vector<16xi32>, vector<16xi32>], vector<16xf32>,
          %sub3A_534 = arith.subf %gather3A_532, %gather3A_533 : vector<16xf32>
          %mul3A_535 = arith.mulf %sub3A_534, %sub3A_534 : vector<16xf32>
          %add3A_536 = arith.addf %add3A_525, %mul3A_535 : vector<16xf32>
          %add3A_537 = arith.constant 36 : i32
          %add3A_538 = vector.broadcast %add3A_537 : i32 to vector<16xi32>
          %add3A_539 = arith.addi %iota3A, %add3A_538 : vector<16xi32>
          %and3A_540 = arith.constant 63 : i32
          %and3A_541 = vector.broadcast %and3A_540 : i32 to vector<16xi32>
          %and3A_542 = arith.andi %add3A_539, %and3A_541 : vector<16xi32>
          %gather3A_543 = tpu.vector_load_idx %arg11[%add3A_140, %and3A_542] : memref<128x64xf32, #tpu.memory_space<vmem>>[vector<16xi32>, vector<16xi32>], vector<16xf32>,
          %gather3A_544 = tpu.vector_load_idx %arg13[%add3A_140, %and3A_542] : memref<128x128xf32, #tpu.memory_space<vmem>>[vector<16xi32>, vector<16xi32>], vector<16xf32>,
          %sub3A_545 = arith.subf %gather3A_543, %gather3A_544 : vector<16xf32>
          %mul3A_546 = arith.mulf %sub3A_545, %sub3A_545 : vector<16xf32>
          %add3A_547 = arith.addf %add3A_536, %mul3A_546 : vector<16xf32>
          %add3A_548 = arith.constant 37 : i32
          %add3A_549 = vector.broadcast %add3A_548 : i32 to vector<16xi32>
          %add3A_550 = arith.addi %iota3A, %add3A_549 : vector<16xi32>
          %and3A_551 = arith.constant 63 : i32
          %and3A_552 = vector.broadcast %and3A_551 : i32 to vector<16xi32>
          %and3A_553 = arith.andi %add3A_550, %and3A_552 : vector<16xi32>
          %gather3A_554 = tpu.vector_load_idx %arg11[%add3A_140, %and3A_553] : memref<128x64xf32, #tpu.memory_space<vmem>>[vector<16xi32>, vector<16xi32>], vector<16xf32>,
          %gather3A_555 = tpu.vector_load_idx %arg13[%add3A_140, %and3A_553] : memref<128x128xf32, #tpu.memory_space<vmem>>[vector<16xi32>, vector<16xi32>], vector<16xf32>,
          %sub3A_556 = arith.subf %gather3A_554, %gather3A_555 : vector<16xf32>
          %mul3A_557 = arith.mulf %sub3A_556, %sub3A_556 : vector<16xf32>
          %add3A_558 = arith.addf %add3A_547, %mul3A_557 : vector<16xf32>
          %add3A_559 = arith.constant 38 : i32
          %add3A_560 = vector.broadcast %add3A_559 : i32 to vector<16xi32>
          %add3A_561 = arith.addi %iota3A, %add3A_560 : vector<16xi32>
          %and3A_562 = arith.constant 63 : i32
          %and3A_563 = vector.broadcast %and3A_562 : i32 to vector<16xi32>
          %and3A_564 = arith.andi %add3A_561, %and3A_563 : vector<16xi32>
          %gather3A_565 = tpu.vector_load_idx %arg11[%add3A_140, %and3A_564] : memref<128x64xf32, #tpu.memory_space<vmem>>[vector<16xi32>, vector<16xi32>], vector<16xf32>,
          %gather3A_566 = tpu.vector_load_idx %arg13[%add3A_140, %and3A_564] : memref<128x128xf32, #tpu.memory_space<vmem>>[vector<16xi32>, vector<16xi32>], vector<16xf32>,
          %sub3A_567 = arith.subf %gather3A_565, %gather3A_566 : vector<16xf32>
          %mul3A_568 = arith.mulf %sub3A_567, %sub3A_567 : vector<16xf32>
          %add3A_569 = arith.addf %add3A_558, %mul3A_568 : vector<16xf32>
          %add3A_570 = arith.constant 39 : i32
          %add3A_571 = vector.broadcast %add3A_570 : i32 to vector<16xi32>
          %add3A_572 = arith.addi %iota3A, %add3A_571 : vector<16xi32>
          %and3A_573 = arith.constant 63 : i32
          %and3A_574 = vector.broadcast %and3A_573 : i32 to vector<16xi32>
          %and3A_575 = arith.andi %add3A_572, %and3A_574 : vector<16xi32>
          %gather3A_576 = tpu.vector_load_idx %arg11[%add3A_140, %and3A_575] : memref<128x64xf32, #tpu.memory_space<vmem>>[vector<16xi32>, vector<16xi32>], vector<16xf32>,
          %gather3A_577 = tpu.vector_load_idx %arg13[%add3A_140, %and3A_575] : memref<128x128xf32, #tpu.memory_space<vmem>>[vector<16xi32>, vector<16xi32>], vector<16xf32>,
          %sub3A_578 = arith.subf %gather3A_576, %gather3A_577 : vector<16xf32>
          %mul3A_579 = arith.mulf %sub3A_578, %sub3A_578 : vector<16xf32>
          %add3A_580 = arith.addf %add3A_569, %mul3A_579 : vector<16xf32>
          %add3A_581 = arith.constant 40 : i32
          %add3A_582 = vector.broadcast %add3A_581 : i32 to vector<16xi32>
          %add3A_583 = arith.addi %iota3A, %add3A_582 : vector<16xi32>
          %and3A_584 = arith.constant 63 : i32
          %and3A_585 = vector.broadcast %and3A_584 : i32 to vector<16xi32>
          %and3A_586 = arith.andi %add3A_583, %and3A_585 : vector<16xi32>
          %gather3A_587 = tpu.vector_load_idx %arg11[%add3A_140, %and3A_586] : memref<128x64xf32, #tpu.memory_space<vmem>>[vector<16xi32>, vector<16xi32>], vector<16xf32>,
          %gather3A_588 = tpu.vector_load_idx %arg13[%add3A_140, %and3A_586] : memref<128x128xf32, #tpu.memory_space<vmem>>[vector<16xi32>, vector<16xi32>], vector<16xf32>,
          %sub3A_589 = arith.subf %gather3A_587, %gather3A_588 : vector<16xf32>
          %mul3A_590 = arith.mulf %sub3A_589, %sub3A_589 : vector<16xf32>
          %add3A_591 = arith.addf %add3A_580, %mul3A_590 : vector<16xf32>
          %add3A_592 = arith.constant 41 : i32
          %add3A_593 = vector.broadcast %add3A_592 : i32 to vector<16xi32>
          %add3A_594 = arith.addi %iota3A, %add3A_593 : vector<16xi32>
          %and3A_595 = arith.constant 63 : i32
          %and3A_596 = vector.broadcast %and3A_595 : i32 to vector<16xi32>
          %and3A_597 = arith.andi %add3A_594, %and3A_596 : vector<16xi32>
          %gather3A_598 = tpu.vector_load_idx %arg11[%add3A_140, %and3A_597] : memref<128x64xf32, #tpu.memory_space<vmem>>[vector<16xi32>, vector<16xi32>], vector<16xf32>,
          %gather3A_599 = tpu.vector_load_idx %arg13[%add3A_140, %and3A_597] : memref<128x128xf32, #tpu.memory_space<vmem>>[vector<16xi32>, vector<16xi32>], vector<16xf32>,
          %sub3A_600 = arith.subf %gather3A_598, %gather3A_599 : vector<16xf32>
          %mul3A_601 = arith.mulf %sub3A_600, %sub3A_600 : vector<16xf32>
          %add3A_602 = arith.addf %add3A_591, %mul3A_601 : vector<16xf32>
          %add3A_603 = arith.constant 42 : i32
          %add3A_604 = vector.broadcast %add3A_603 : i32 to vector<16xi32>
          %add3A_605 = arith.addi %iota3A, %add3A_604 : vector<16xi32>
          %and3A_606 = arith.constant 63 : i32
          %and3A_607 = vector.broadcast %and3A_606 : i32 to vector<16xi32>
          %and3A_608 = arith.andi %add3A_605, %and3A_607 : vector<16xi32>
          %gather3A_609 = tpu.vector_load_idx %arg11[%add3A_140, %and3A_608] : memref<128x64xf32, #tpu.memory_space<vmem>>[vector<16xi32>, vector<16xi32>], vector<16xf32>,
          %gather3A_610 = tpu.vector_load_idx %arg13[%add3A_140, %and3A_608] : memref<128x128xf32, #tpu.memory_space<vmem>>[vector<16xi32>, vector<16xi32>], vector<16xf32>,
          %sub3A_611 = arith.subf %gather3A_609, %gather3A_610 : vector<16xf32>
          %mul3A_612 = arith.mulf %sub3A_611, %sub3A_611 : vector<16xf32>
          %add3A_613 = arith.addf %add3A_602, %mul3A_612 : vector<16xf32>
          %add3A_614 = arith.constant 43 : i32
          %add3A_615 = vector.broadcast %add3A_614 : i32 to vector<16xi32>
          %add3A_616 = arith.addi %iota3A, %add3A_615 : vector<16xi32>
          %and3A_617 = arith.constant 63 : i32
          %and3A_618 = vector.broadcast %and3A_617 : i32 to vector<16xi32>
          %and3A_619 = arith.andi %add3A_616, %and3A_618 : vector<16xi32>
          %gather3A_620 = tpu.vector_load_idx %arg11[%add3A_140, %and3A_619] : memref<128x64xf32, #tpu.memory_space<vmem>>[vector<16xi32>, vector<16xi32>], vector<16xf32>,
          %gather3A_621 = tpu.vector_load_idx %arg13[%add3A_140, %and3A_619] : memref<128x128xf32, #tpu.memory_space<vmem>>[vector<16xi32>, vector<16xi32>], vector<16xf32>,
          %sub3A_622 = arith.subf %gather3A_620, %gather3A_621 : vector<16xf32>
          %mul3A_623 = arith.mulf %sub3A_622, %sub3A_622 : vector<16xf32>
          %add3A_624 = arith.addf %add3A_613, %mul3A_623 : vector<16xf32>
          %add3A_625 = arith.constant 44 : i32
          %add3A_626 = vector.broadcast %add3A_625 : i32 to vector<16xi32>
          %add3A_627 = arith.addi %iota3A, %add3A_626 : vector<16xi32>
          %and3A_628 = arith.constant 63 : i32
          %and3A_629 = vector.broadcast %and3A_628 : i32 to vector<16xi32>
          %and3A_630 = arith.andi %add3A_627, %and3A_629 : vector<16xi32>
          %gather3A_631 = tpu.vector_load_idx %arg11[%add3A_140, %and3A_630] : memref<128x64xf32, #tpu.memory_space<vmem>>[vector<16xi32>, vector<16xi32>], vector<16xf32>,
          %gather3A_632 = tpu.vector_load_idx %arg13[%add3A_140, %and3A_630] : memref<128x128xf32, #tpu.memory_space<vmem>>[vector<16xi32>, vector<16xi32>], vector<16xf32>,
          %sub3A_633 = arith.subf %gather3A_631, %gather3A_632 : vector<16xf32>
          %mul3A_634 = arith.mulf %sub3A_633, %sub3A_633 : vector<16xf32>
          %add3A_635 = arith.addf %add3A_624, %mul3A_634 : vector<16xf32>
          %add3A_636 = arith.constant 45 : i32
          %add3A_637 = vector.broadcast %add3A_636 : i32 to vector<16xi32>
          %add3A_638 = arith.addi %iota3A, %add3A_637 : vector<16xi32>
          %and3A_639 = arith.constant 63 : i32
          %and3A_640 = vector.broadcast %and3A_639 : i32 to vector<16xi32>
          %and3A_641 = arith.andi %add3A_638, %and3A_640 : vector<16xi32>
          %gather3A_642 = tpu.vector_load_idx %arg11[%add3A_140, %and3A_641] : memref<128x64xf32, #tpu.memory_space<vmem>>[vector<16xi32>, vector<16xi32>], vector<16xf32>,
          %gather3A_643 = tpu.vector_load_idx %arg13[%add3A_140, %and3A_641] : memref<128x128xf32, #tpu.memory_space<vmem>>[vector<16xi32>, vector<16xi32>], vector<16xf32>,
          %sub3A_644 = arith.subf %gather3A_642, %gather3A_643 : vector<16xf32>
          %mul3A_645 = arith.mulf %sub3A_644, %sub3A_644 : vector<16xf32>
          %add3A_646 = arith.addf %add3A_635, %mul3A_645 : vector<16xf32>
          %add3A_647 = arith.constant 46 : i32
          %add3A_648 = vector.broadcast %add3A_647 : i32 to vector<16xi32>
          %add3A_649 = arith.addi %iota3A, %add3A_648 : vector<16xi32>
          %and3A_650 = arith.constant 63 : i32
          %and3A_651 = vector.broadcast %and3A_650 : i32 to vector<16xi32>
          %and3A_652 = arith.andi %add3A_649, %and3A_651 : vector<16xi32>
          %gather3A_653 = tpu.vector_load_idx %arg11[%add3A_140, %and3A_652] : memref<128x64xf32, #tpu.memory_space<vmem>>[vector<16xi32>, vector<16xi32>], vector<16xf32>,
          %gather3A_654 = tpu.vector_load_idx %arg13[%add3A_140, %and3A_652] : memref<128x128xf32, #tpu.memory_space<vmem>>[vector<16xi32>, vector<16xi32>], vector<16xf32>,
          %sub3A_655 = arith.subf %gather3A_653, %gather3A_654 : vector<16xf32>
          %mul3A_656 = arith.mulf %sub3A_655, %sub3A_655 : vector<16xf32>
          %add3A_657 = arith.addf %add3A_646, %mul3A_656 : vector<16xf32>
          %add3A_658 = arith.constant 47 : i32
          %add3A_659 = vector.broadcast %add3A_658 : i32 to vector<16xi32>
          %add3A_660 = arith.addi %iota3A, %add3A_659 : vector<16xi32>
          %and3A_661 = arith.constant 63 : i32
          %and3A_662 = vector.broadcast %and3A_661 : i32 to vector<16xi32>
          %and3A_663 = arith.andi %add3A_660, %and3A_662 : vector<16xi32>
          %gather3A_664 = tpu.vector_load_idx %arg11[%add3A_140, %and3A_663] : memref<128x64xf32, #tpu.memory_space<vmem>>[vector<16xi32>, vector<16xi32>], vector<16xf32>,
          %gather3A_665 = tpu.vector_load_idx %arg13[%add3A_140, %and3A_663] : memref<128x128xf32, #tpu.memory_space<vmem>>[vector<16xi32>, vector<16xi32>], vector<16xf32>,
          %sub3A_666 = arith.subf %gather3A_664, %gather3A_665 : vector<16xf32>
          %mul3A_667 = arith.mulf %sub3A_666, %sub3A_666 : vector<16xf32>
          %add3A_668 = arith.addf %add3A_657, %mul3A_667 : vector<16xf32>
          %add3A_669 = arith.constant 48 : i32
          %add3A_670 = vector.broadcast %add3A_669 : i32 to vector<16xi32>
          %add3A_671 = arith.addi %iota3A, %add3A_670 : vector<16xi32>
          %and3A_672 = arith.constant 63 : i32
          %and3A_673 = vector.broadcast %and3A_672 : i32 to vector<16xi32>
          %and3A_674 = arith.andi %add3A_671, %and3A_673 : vector<16xi32>
          %gather3A_675 = tpu.vector_load_idx %arg11[%add3A_140, %and3A_674] : memref<128x64xf32, #tpu.memory_space<vmem>>[vector<16xi32>, vector<16xi32>], vector<16xf32>,
          %gather3A_676 = tpu.vector_load_idx %arg13[%add3A_140, %and3A_674] : memref<128x128xf32, #tpu.memory_space<vmem>>[vector<16xi32>, vector<16xi32>], vector<16xf32>,
          %sub3A_677 = arith.subf %gather3A_675, %gather3A_676 : vector<16xf32>
          %mul3A_678 = arith.mulf %sub3A_677, %sub3A_677 : vector<16xf32>
          %add3A_679 = arith.addf %add3A_668, %mul3A_678 : vector<16xf32>
          %add3A_680 = arith.constant 49 : i32
          %add3A_681 = vector.broadcast %add3A_680 : i32 to vector<16xi32>
          %add3A_682 = arith.addi %iota3A, %add3A_681 : vector<16xi32>
          %and3A_683 = arith.constant 63 : i32
          %and3A_684 = vector.broadcast %and3A_683 : i32 to vector<16xi32>
          %and3A_685 = arith.andi %add3A_682, %and3A_684 : vector<16xi32>
          %gather3A_686 = tpu.vector_load_idx %arg11[%add3A_140, %and3A_685] : memref<128x64xf32, #tpu.memory_space<vmem>>[vector<16xi32>, vector<16xi32>], vector<16xf32>,
          %gather3A_687 = tpu.vector_load_idx %arg13[%add3A_140, %and3A_685] : memref<128x128xf32, #tpu.memory_space<vmem>>[vector<16xi32>, vector<16xi32>], vector<16xf32>,
          %sub3A_688 = arith.subf %gather3A_686, %gather3A_687 : vector<16xf32>
          %mul3A_689 = arith.mulf %sub3A_688, %sub3A_688 : vector<16xf32>
          %add3A_690 = arith.addf %add3A_679, %mul3A_689 : vector<16xf32>
          %add3A_691 = arith.constant 50 : i32
          %add3A_692 = vector.broadcast %add3A_691 : i32 to vector<16xi32>
          %add3A_693 = arith.addi %iota3A, %add3A_692 : vector<16xi32>
          %and3A_694 = arith.constant 63 : i32
          %and3A_695 = vector.broadcast %and3A_694 : i32 to vector<16xi32>
          %and3A_696 = arith.andi %add3A_693, %and3A_695 : vector<16xi32>
          %gather3A_697 = tpu.vector_load_idx %arg11[%add3A_140, %and3A_696] : memref<128x64xf32, #tpu.memory_space<vmem>>[vector<16xi32>, vector<16xi32>], vector<16xf32>,
          %gather3A_698 = tpu.vector_load_idx %arg13[%add3A_140, %and3A_696] : memref<128x128xf32, #tpu.memory_space<vmem>>[vector<16xi32>, vector<16xi32>], vector<16xf32>,
          %sub3A_699 = arith.subf %gather3A_697, %gather3A_698 : vector<16xf32>
          %mul3A_700 = arith.mulf %sub3A_699, %sub3A_699 : vector<16xf32>
          %add3A_701 = arith.addf %add3A_690, %mul3A_700 : vector<16xf32>
          %add3A_702 = arith.constant 51 : i32
          %add3A_703 = vector.broadcast %add3A_702 : i32 to vector<16xi32>
          %add3A_704 = arith.addi %iota3A, %add3A_703 : vector<16xi32>
          %and3A_705 = arith.constant 63 : i32
          %and3A_706 = vector.broadcast %and3A_705 : i32 to vector<16xi32>
          %and3A_707 = arith.andi %add3A_704, %and3A_706 : vector<16xi32>
          %gather3A_708 = tpu.vector_load_idx %arg11[%add3A_140, %and3A_707] : memref<128x64xf32, #tpu.memory_space<vmem>>[vector<16xi32>, vector<16xi32>], vector<16xf32>,
          %gather3A_709 = tpu.vector_load_idx %arg13[%add3A_140, %and3A_707] : memref<128x128xf32, #tpu.memory_space<vmem>>[vector<16xi32>, vector<16xi32>], vector<16xf32>,
          %sub3A_710 = arith.subf %gather3A_708, %gather3A_709 : vector<16xf32>
          %mul3A_711 = arith.mulf %sub3A_710, %sub3A_710 : vector<16xf32>
          %add3A_712 = arith.addf %add3A_701, %mul3A_711 : vector<16xf32>
          %add3A_713 = arith.constant 52 : i32
          %add3A_714 = vector.broadcast %add3A_713 : i32 to vector<16xi32>
          %add3A_715 = arith.addi %iota3A, %add3A_714 : vector<16xi32>
          %and3A_716 = arith.constant 63 : i32
          %and3A_717 = vector.broadcast %and3A_716 : i32 to vector<16xi32>
          %and3A_718 = arith.andi %add3A_715, %and3A_717 : vector<16xi32>
          %gather3A_719 = tpu.vector_load_idx %arg11[%add3A_140, %and3A_718] : memref<128x64xf32, #tpu.memory_space<vmem>>[vector<16xi32>, vector<16xi32>], vector<16xf32>,
          %gather3A_720 = tpu.vector_load_idx %arg13[%add3A_140, %and3A_718] : memref<128x128xf32, #tpu.memory_space<vmem>>[vector<16xi32>, vector<16xi32>], vector<16xf32>,
          %sub3A_721 = arith.subf %gather3A_719, %gather3A_720 : vector<16xf32>
          %mul3A_722 = arith.mulf %sub3A_721, %sub3A_721 : vector<16xf32>
          %add3A_723 = arith.addf %add3A_712, %mul3A_722 : vector<16xf32>
          %add3A_724 = arith.constant 53 : i32
          %add3A_725 = vector.broadcast %add3A_724 : i32 to vector<16xi32>
          %add3A_726 = arith.addi %iota3A, %add3A_725 : vector<16xi32>
          %and3A_727 = arith.constant 63 : i32
          %and3A_728 = vector.broadcast %and3A_727 : i32 to vector<16xi32>
          %and3A_729 = arith.andi %add3A_726, %and3A_728 : vector<16xi32>
          %gather3A_730 = tpu.vector_load_idx %arg11[%add3A_140, %and3A_729] : memref<128x64xf32, #tpu.memory_space<vmem>>[vector<16xi32>, vector<16xi32>], vector<16xf32>,
          %gather3A_731 = tpu.vector_load_idx %arg13[%add3A_140, %and3A_729] : memref<128x128xf32, #tpu.memory_space<vmem>>[vector<16xi32>, vector<16xi32>], vector<16xf32>,
          %sub3A_732 = arith.subf %gather3A_730, %gather3A_731 : vector<16xf32>
          %mul3A_733 = arith.mulf %sub3A_732, %sub3A_732 : vector<16xf32>
          %add3A_734 = arith.addf %add3A_723, %mul3A_733 : vector<16xf32>
          %add3A_735 = arith.constant 54 : i32
          %add3A_736 = vector.broadcast %add3A_735 : i32 to vector<16xi32>
          %add3A_737 = arith.addi %iota3A, %add3A_736 : vector<16xi32>
          %and3A_738 = arith.constant 63 : i32
          %and3A_739 = vector.broadcast %and3A_738 : i32 to vector<16xi32>
          %and3A_740 = arith.andi %add3A_737, %and3A_739 : vector<16xi32>
          %gather3A_741 = tpu.vector_load_idx %arg11[%add3A_140, %and3A_740] : memref<128x64xf32, #tpu.memory_space<vmem>>[vector<16xi32>, vector<16xi32>], vector<16xf32>,
          %gather3A_742 = tpu.vector_load_idx %arg13[%add3A_140, %and3A_740] : memref<128x128xf32, #tpu.memory_space<vmem>>[vector<16xi32>, vector<16xi32>], vector<16xf32>,
          %sub3A_743 = arith.subf %gather3A_741, %gather3A_742 : vector<16xf32>
          %mul3A_744 = arith.mulf %sub3A_743, %sub3A_743 : vector<16xf32>
          %add3A_745 = arith.addf %add3A_734, %mul3A_744 : vector<16xf32>
          %add3A_746 = arith.constant 55 : i32
          %add3A_747 = vector.broadcast %add3A_746 : i32 to vector<16xi32>
          %add3A_748 = arith.addi %iota3A, %add3A_747 : vector<16xi32>
          %and3A_749 = arith.constant 63 : i32
          %and3A_750 = vector.broadcast %and3A_749 : i32 to vector<16xi32>
          %and3A_751 = arith.andi %add3A_748, %and3A_750 : vector<16xi32>
          %gather3A_752 = tpu.vector_load_idx %arg11[%add3A_140, %and3A_751] : memref<128x64xf32, #tpu.memory_space<vmem>>[vector<16xi32>, vector<16xi32>], vector<16xf32>,
          %gather3A_753 = tpu.vector_load_idx %arg13[%add3A_140, %and3A_751] : memref<128x128xf32, #tpu.memory_space<vmem>>[vector<16xi32>, vector<16xi32>], vector<16xf32>,
          %sub3A_754 = arith.subf %gather3A_752, %gather3A_753 : vector<16xf32>
          %mul3A_755 = arith.mulf %sub3A_754, %sub3A_754 : vector<16xf32>
          %add3A_756 = arith.addf %add3A_745, %mul3A_755 : vector<16xf32>
          %add3A_757 = arith.constant 56 : i32
          %add3A_758 = vector.broadcast %add3A_757 : i32 to vector<16xi32>
          %add3A_759 = arith.addi %iota3A, %add3A_758 : vector<16xi32>
          %and3A_760 = arith.constant 63 : i32
          %and3A_761 = vector.broadcast %and3A_760 : i32 to vector<16xi32>
          %and3A_762 = arith.andi %add3A_759, %and3A_761 : vector<16xi32>
          %gather3A_763 = tpu.vector_load_idx %arg11[%add3A_140, %and3A_762] : memref<128x64xf32, #tpu.memory_space<vmem>>[vector<16xi32>, vector<16xi32>], vector<16xf32>,
          %gather3A_764 = tpu.vector_load_idx %arg13[%add3A_140, %and3A_762] : memref<128x128xf32, #tpu.memory_space<vmem>>[vector<16xi32>, vector<16xi32>], vector<16xf32>,
          %sub3A_765 = arith.subf %gather3A_763, %gather3A_764 : vector<16xf32>
          %mul3A_766 = arith.mulf %sub3A_765, %sub3A_765 : vector<16xf32>
          %add3A_767 = arith.addf %add3A_756, %mul3A_766 : vector<16xf32>
          %add3A_768 = arith.constant 57 : i32
          %add3A_769 = vector.broadcast %add3A_768 : i32 to vector<16xi32>
          %add3A_770 = arith.addi %iota3A, %add3A_769 : vector<16xi32>
          %and3A_771 = arith.constant 63 : i32
          %and3A_772 = vector.broadcast %and3A_771 : i32 to vector<16xi32>
          %and3A_773 = arith.andi %add3A_770, %and3A_772 : vector<16xi32>
          %gather3A_774 = tpu.vector_load_idx %arg11[%add3A_140, %and3A_773] : memref<128x64xf32, #tpu.memory_space<vmem>>[vector<16xi32>, vector<16xi32>], vector<16xf32>,
          %gather3A_775 = tpu.vector_load_idx %arg13[%add3A_140, %and3A_773] : memref<128x128xf32, #tpu.memory_space<vmem>>[vector<16xi32>, vector<16xi32>], vector<16xf32>,
          %sub3A_776 = arith.subf %gather3A_774, %gather3A_775 : vector<16xf32>
          %mul3A_777 = arith.mulf %sub3A_776, %sub3A_776 : vector<16xf32>
          %add3A_778 = arith.addf %add3A_767, %mul3A_777 : vector<16xf32>
          %add3A_779 = arith.constant 58 : i32
          %add3A_780 = vector.broadcast %add3A_779 : i32 to vector<16xi32>
          %add3A_781 = arith.addi %iota3A, %add3A_780 : vector<16xi32>
          %and3A_782 = arith.constant 63 : i32
          %and3A_783 = vector.broadcast %and3A_782 : i32 to vector<16xi32>
          %and3A_784 = arith.andi %add3A_781, %and3A_783 : vector<16xi32>
          %gather3A_785 = tpu.vector_load_idx %arg11[%add3A_140, %and3A_784] : memref<128x64xf32, #tpu.memory_space<vmem>>[vector<16xi32>, vector<16xi32>], vector<16xf32>,
          %gather3A_786 = tpu.vector_load_idx %arg13[%add3A_140, %and3A_784] : memref<128x128xf32, #tpu.memory_space<vmem>>[vector<16xi32>, vector<16xi32>], vector<16xf32>,
          %sub3A_787 = arith.subf %gather3A_785, %gather3A_786 : vector<16xf32>
          %mul3A_788 = arith.mulf %sub3A_787, %sub3A_787 : vector<16xf32>
          %add3A_789 = arith.addf %add3A_778, %mul3A_788 : vector<16xf32>
          %add3A_790 = arith.constant 59 : i32
          %add3A_791 = vector.broadcast %add3A_790 : i32 to vector<16xi32>
          %add3A_792 = arith.addi %iota3A, %add3A_791 : vector<16xi32>
          %and3A_793 = arith.constant 63 : i32
          %and3A_794 = vector.broadcast %and3A_793 : i32 to vector<16xi32>
          %and3A_795 = arith.andi %add3A_792, %and3A_794 : vector<16xi32>
          %gather3A_796 = tpu.vector_load_idx %arg11[%add3A_140, %and3A_795] : memref<128x64xf32, #tpu.memory_space<vmem>>[vector<16xi32>, vector<16xi32>], vector<16xf32>,
          %gather3A_797 = tpu.vector_load_idx %arg13[%add3A_140, %and3A_795] : memref<128x128xf32, #tpu.memory_space<vmem>>[vector<16xi32>, vector<16xi32>], vector<16xf32>,
          %sub3A_798 = arith.subf %gather3A_796, %gather3A_797 : vector<16xf32>
          %mul3A_799 = arith.mulf %sub3A_798, %sub3A_798 : vector<16xf32>
          %add3A_800 = arith.addf %add3A_789, %mul3A_799 : vector<16xf32>
          %add3A_801 = arith.constant 60 : i32
          %add3A_802 = vector.broadcast %add3A_801 : i32 to vector<16xi32>
          %add3A_803 = arith.addi %iota3A, %add3A_802 : vector<16xi32>
          %and3A_804 = arith.constant 63 : i32
          %and3A_805 = vector.broadcast %and3A_804 : i32 to vector<16xi32>
          %and3A_806 = arith.andi %add3A_803, %and3A_805 : vector<16xi32>
          %gather3A_807 = tpu.vector_load_idx %arg11[%add3A_140, %and3A_806] : memref<128x64xf32, #tpu.memory_space<vmem>>[vector<16xi32>, vector<16xi32>], vector<16xf32>,
          %gather3A_808 = tpu.vector_load_idx %arg13[%add3A_140, %and3A_806] : memref<128x128xf32, #tpu.memory_space<vmem>>[vector<16xi32>, vector<16xi32>], vector<16xf32>,
          %sub3A_809 = arith.subf %gather3A_807, %gather3A_808 : vector<16xf32>
          %mul3A_810 = arith.mulf %sub3A_809, %sub3A_809 : vector<16xf32>
          %add3A_811 = arith.addf %add3A_800, %mul3A_810 : vector<16xf32>
          %add3A_812 = arith.constant 61 : i32
          %add3A_813 = vector.broadcast %add3A_812 : i32 to vector<16xi32>
          %add3A_814 = arith.addi %iota3A, %add3A_813 : vector<16xi32>
          %and3A_815 = arith.constant 63 : i32
          %and3A_816 = vector.broadcast %and3A_815 : i32 to vector<16xi32>
          %and3A_817 = arith.andi %add3A_814, %and3A_816 : vector<16xi32>
          %gather3A_818 = tpu.vector_load_idx %arg11[%add3A_140, %and3A_817] : memref<128x64xf32, #tpu.memory_space<vmem>>[vector<16xi32>, vector<16xi32>], vector<16xf32>,
          %gather3A_819 = tpu.vector_load_idx %arg13[%add3A_140, %and3A_817] : memref<128x128xf32, #tpu.memory_space<vmem>>[vector<16xi32>, vector<16xi32>], vector<16xf32>,
          %sub3A_820 = arith.subf %gather3A_818, %gather3A_819 : vector<16xf32>
          %mul3A_821 = arith.mulf %sub3A_820, %sub3A_820 : vector<16xf32>
          %add3A_822 = arith.addf %add3A_811, %mul3A_821 : vector<16xf32>
          %add3A_823 = arith.constant 62 : i32
          %add3A_824 = vector.broadcast %add3A_823 : i32 to vector<16xi32>
          %add3A_825 = arith.addi %iota3A, %add3A_824 : vector<16xi32>
          %and3A_826 = arith.constant 63 : i32
          %and3A_827 = vector.broadcast %and3A_826 : i32 to vector<16xi32>
          %and3A_828 = arith.andi %add3A_825, %and3A_827 : vector<16xi32>
          %gather3A_829 = tpu.vector_load_idx %arg11[%add3A_140, %and3A_828] : memref<128x64xf32, #tpu.memory_space<vmem>>[vector<16xi32>, vector<16xi32>], vector<16xf32>,
          %gather3A_830 = tpu.vector_load_idx %arg13[%add3A_140, %and3A_828] : memref<128x128xf32, #tpu.memory_space<vmem>>[vector<16xi32>, vector<16xi32>], vector<16xf32>,
          %sub3A_831 = arith.subf %gather3A_829, %gather3A_830 : vector<16xf32>
          %mul3A_832 = arith.mulf %sub3A_831, %sub3A_831 : vector<16xf32>
          %add3A_833 = arith.addf %add3A_822, %mul3A_832 : vector<16xf32>
          %add3A_834 = arith.constant 63 : i32
          %add3A_835 = vector.broadcast %add3A_834 : i32 to vector<16xi32>
          %add3A_836 = arith.addi %iota3A, %add3A_835 : vector<16xi32>
          %and3A_837 = arith.constant 63 : i32
          %and3A_838 = vector.broadcast %and3A_837 : i32 to vector<16xi32>
          %and3A_839 = arith.andi %add3A_836, %and3A_838 : vector<16xi32>
          %gather3A_840 = tpu.vector_load_idx %arg11[%add3A_140, %and3A_839] : memref<128x64xf32, #tpu.memory_space<vmem>>[vector<16xi32>, vector<16xi32>], vector<16xf32>,
          %gather3A_841 = tpu.vector_load_idx %arg13[%add3A_140, %and3A_839] : memref<128x128xf32, #tpu.memory_space<vmem>>[vector<16xi32>, vector<16xi32>], vector<16xf32>,
          %sub3A_842 = arith.subf %gather3A_840, %gather3A_841 : vector<16xf32>
          %mul3A_843 = arith.mulf %sub3A_842, %sub3A_842 : vector<16xf32>
          %add3A_844 = arith.addf %add3A_833, %mul3A_843 : vector<16xf32>
          %div3A = arith.divf %add3A_844, %gather3A : vector<16xf32>
          %add3A_845 = arith.addf %scan3A_130, %div3A : vector<16xf32>
          scf.yield %add3A_845 : vector<16xf32>
        }
        %scan3A_128 = arith.constant 8 : i32
        scf.yield %scan3A_127 : vector<16xf32>
      }
      %scan3A_64 = arith.constant 64 : i32
      scf.yield %scan3A_63 : vector<16xf32>
    }
    %scan3A_37 = arith.constant 2 : i32
    %swap3A = arith.constant 0 : index
    %swap3A_38 = tpu.vector_load %arg14[%swap3A] {strides = array<i32>} : memref<16xf32, #tpu.memory_space<vmem>>, vector<16xf32>,
    tpu.vector_store %arg14[%swap3A], %scan3A_36 {strides = array<i32>} : memref<16xf32, #tpu.memory_space<vmem>>, vector<16xf32>,
    %mul3A_39 = arith.constant 16 : i32
    %mul3A_40 = arith.muli %arg1, %mul3A_39 : i32
    "tpu.region"() ({
      %run_scoped3A = tpu.sem_alloc : memref<!tpu.dma_semaphore, #tpu.memory_space<semaphore_mem>>
      %dma_start3A = tpu.memref_slice %arg17[%mul3A_40] : memref<256xf32, #tpu.memory_space<vmem_shared>> -> memref<16xf32, #tpu.memory_space<vmem_shared>>
      %dma_start3A_44 = tpu.memref_slice %arg17[%mul3A_40] : memref<256xf32, #tpu.memory_space<vmem_shared>> -> memref<16xf32, #tpu.memory_space<vmem_shared>>
      tpu.enqueue_dma source(%arg14 : memref<16xf32, #tpu.memory_space<vmem>>) target(%dma_start3A_44 : memref<16xf32, #tpu.memory_space<vmem_shared>>) target_semaphore(%run_scoped3A : memref<!tpu.dma_semaphore, #tpu.memory_space<semaphore_mem>>)
      %dma_wait3A = tpu.memref_slice %arg17[%mul3A_40] : memref<256xf32, #tpu.memory_space<vmem_shared>> -> memref<16xf32, #tpu.memory_space<vmem_shared>>
      %dma_wait3A_45 = tpu.memref_slice %arg17[%mul3A_40] : memref<256xf32, #tpu.memory_space<vmem_shared>> -> memref<16xf32, #tpu.memory_space<vmem_shared>>
      tpu.wait_dma2 semaphore(%run_scoped3A : memref<!tpu.dma_semaphore, #tpu.memory_space<semaphore_mem>>) src(%arg14 : memref<16xf32, #tpu.memory_space<vmem>>) dst(%dma_wait3A_45 : memref<16xf32, #tpu.memory_space<vmem_shared>>)
      tpu.yield
    }) : () -> ()
    %barrier3A_41 = arith.constant 0 : index
    tpu.barrier barrier_id(%barrier3A_41)
    %eq3A = arith.constant 0 : i32
    %eq3A_42 = arith.cmpi eq, %arg1, %eq3A : i32
    %convert_element_type3A = arith.extui %eq3A_42 : i1 to i32
    %cond3A = arith.constant 0 : i32
    %cond3A_43 = arith.cmpi ne, %convert_element_type3A, %cond3A : i32
    scf.if %cond3A_43 {
      "tpu.region"() ({
        %run_scoped3A = tpu.sem_alloc : memref<!tpu.dma_semaphore, #tpu.memory_space<semaphore_mem>>
        tpu.enqueue_dma source(%arg17 : memref<256xf32, #tpu.memory_space<vmem_shared>>) target(%arg15 : memref<256xf32, #tpu.memory_space<vmem>>) target_semaphore(%run_scoped3A : memref<!tpu.dma_semaphore, #tpu.memory_space<semaphore_mem>>)
        tpu.wait_dma2 semaphore(%run_scoped3A : memref<!tpu.dma_semaphore, #tpu.memory_space<semaphore_mem>>) src(%arg17 : memref<256xf32, #tpu.memory_space<vmem_shared>>) dst(%arg15 : memref<256xf32, #tpu.memory_space<vmem>>)
        tpu.yield
      }) : () -> ()
      %get3A = arith.constant 0 : index
      %get3A_44 = tpu.vector_load %arg15[%get3A] {strides = array<i32>} : memref<256xf32, #tpu.memory_space<vmem>>, vector<16xf32>,
      %get3A_45 = arith.constant 16 : index
      %get3A_46 = tpu.vector_load %arg15[%get3A_45] {strides = array<i32>} : memref<256xf32, #tpu.memory_space<vmem>>, vector<16xf32>,
      %add3A_47 = arith.addf %get3A_44, %get3A_46 : vector<16xf32>
      %get3A_48 = arith.constant 32 : index
      %get3A_49 = tpu.vector_load %arg15[%get3A_48] {strides = array<i32>} : memref<256xf32, #tpu.memory_space<vmem>>, vector<16xf32>,
      %add3A_50 = arith.addf %add3A_47, %get3A_49 : vector<16xf32>
      %get3A_51 = arith.constant 48 : index
      %get3A_52 = tpu.vector_load %arg15[%get3A_51] {strides = array<i32>} : memref<256xf32, #tpu.memory_space<vmem>>, vector<16xf32>,
      %add3A_53 = arith.addf %add3A_50, %get3A_52 : vector<16xf32>
      %get3A_54 = arith.constant 64 : index
      %get3A_55 = tpu.vector_load %arg15[%get3A_54] {strides = array<i32>} : memref<256xf32, #tpu.memory_space<vmem>>, vector<16xf32>,
      %add3A_56 = arith.addf %add3A_53, %get3A_55 : vector<16xf32>
      %get3A_57 = arith.constant 80 : index
      %get3A_58 = tpu.vector_load %arg15[%get3A_57] {strides = array<i32>} : memref<256xf32, #tpu.memory_space<vmem>>, vector<16xf32>,
      %add3A_59 = arith.addf %add3A_56, %get3A_58 : vector<16xf32>
      %get3A_60 = arith.constant 96 : index
      %get3A_61 = tpu.vector_load %arg15[%get3A_60] {strides = array<i32>} : memref<256xf32, #tpu.memory_space<vmem>>, vector<16xf32>,
      %add3A_62 = arith.addf %add3A_59, %get3A_61 : vector<16xf32>
      %get3A_63 = arith.constant 112 : index
      %get3A_64 = tpu.vector_load %arg15[%get3A_63] {strides = array<i32>} : memref<256xf32, #tpu.memory_space<vmem>>, vector<16xf32>,
      %add3A_65 = arith.addf %add3A_62, %get3A_64 : vector<16xf32>
      %get3A_66 = arith.constant 128 : index
      %get3A_67 = tpu.vector_load %arg15[%get3A_66] {strides = array<i32>} : memref<256xf32, #tpu.memory_space<vmem>>, vector<16xf32>,
      %add3A_68 = arith.addf %add3A_65, %get3A_67 : vector<16xf32>
      %get3A_69 = arith.constant 144 : index
      %get3A_70 = tpu.vector_load %arg15[%get3A_69] {strides = array<i32>} : memref<256xf32, #tpu.memory_space<vmem>>, vector<16xf32>,
      %add3A_71 = arith.addf %add3A_68, %get3A_70 : vector<16xf32>
      %get3A_72 = arith.constant 160 : index
      %get3A_73 = tpu.vector_load %arg15[%get3A_72] {strides = array<i32>} : memref<256xf32, #tpu.memory_space<vmem>>, vector<16xf32>,
      %add3A_74 = arith.addf %add3A_71, %get3A_73 : vector<16xf32>
      %get3A_75 = arith.constant 176 : index
      %get3A_76 = tpu.vector_load %arg15[%get3A_75] {strides = array<i32>} : memref<256xf32, #tpu.memory_space<vmem>>, vector<16xf32>,
      %add3A_77 = arith.addf %add3A_74, %get3A_76 : vector<16xf32>
      %get3A_78 = arith.constant 192 : index
      %get3A_79 = tpu.vector_load %arg15[%get3A_78] {strides = array<i32>} : memref<256xf32, #tpu.memory_space<vmem>>, vector<16xf32>,
      %add3A_80 = arith.addf %add3A_77, %get3A_79 : vector<16xf32>
      %get3A_81 = arith.constant 208 : index
      %get3A_82 = tpu.vector_load %arg15[%get3A_81] {strides = array<i32>} : memref<256xf32, #tpu.memory_space<vmem>>, vector<16xf32>,
      %add3A_83 = arith.addf %add3A_80, %get3A_82 : vector<16xf32>
      %get3A_84 = arith.constant 224 : index
      %get3A_85 = tpu.vector_load %arg15[%get3A_84] {strides = array<i32>} : memref<256xf32, #tpu.memory_space<vmem>>, vector<16xf32>,
      %add3A_86 = arith.addf %add3A_83, %get3A_85 : vector<16xf32>
      %get3A_87 = arith.constant 240 : index
      %get3A_88 = tpu.vector_load %arg15[%get3A_87] {strides = array<i32>} : memref<256xf32, #tpu.memory_space<vmem>>, vector<16xf32>,
      %add3A_89 = arith.addf %add3A_86, %get3A_88 : vector<16xf32>
      %swap3A_90 = arith.constant 0 : index
      %swap3A_91 = tpu.vector_load %arg14[%swap3A_90] {strides = array<i32>} : memref<16xf32, #tpu.memory_space<vmem>>, vector<16xf32>,
      tpu.vector_store %arg14[%swap3A_90], %add3A_89 {strides = array<i32>} : memref<16xf32, #tpu.memory_space<vmem>>, vector<16xf32>,
      %mul3A_92 = arith.constant 16 : i32
      %mul3A_93 = arith.muli %arg0, %mul3A_92 : i32
      "tpu.region"() ({
        %run_scoped3A = tpu.sem_alloc : memref<!tpu.dma_semaphore, #tpu.memory_space<semaphore_mem>>
        %dma_start3A = tpu.memref_slice %arg5[%mul3A_93] : memref<32xf32, #tpu.memory_space<hbm>> -> memref<16xf32, #tpu.memory_space<hbm>>
        %dma_start3A_94 = tpu.memref_slice %arg5[%mul3A_93] : memref<32xf32, #tpu.memory_space<hbm>> -> memref<16xf32, #tpu.memory_space<hbm>>
        tpu.enqueue_dma source(%arg14 : memref<16xf32, #tpu.memory_space<vmem>>) target(%dma_start3A_94 : memref<16xf32, #tpu.memory_space<hbm>>) target_semaphore(%run_scoped3A : memref<!tpu.dma_semaphore, #tpu.memory_space<semaphore_mem>>)
        %dma_wait3A = tpu.memref_slice %arg5[%mul3A_93] : memref<32xf32, #tpu.memory_space<hbm>> -> memref<16xf32, #tpu.memory_space<hbm>>
        %dma_wait3A_95 = tpu.memref_slice %arg5[%mul3A_93] : memref<32xf32, #tpu.memory_space<hbm>> -> memref<16xf32, #tpu.memory_space<hbm>>
        tpu.wait_dma2 semaphore(%run_scoped3A : memref<!tpu.dma_semaphore, #tpu.memory_space<semaphore_mem>>) src(%arg14 : memref<16xf32, #tpu.memory_space<vmem>>) dst(%dma_wait3A_95 : memref<16xf32, #tpu.memory_space<hbm>>)
        tpu.yield
      }) : () -> ()
    } else {
    }
    return
  }
}

module attributes {stable_mosaic.version = 14 : i64} {
  func.func @_tc_sum_kernel(%arg0: memref<32xf32, #tpu.memory_space<vmem>>, %arg1: memref<1x1xf32, #tpu.memory_space<smem>>) attributes {dimension_semantics = [], scalar_prefetch = 0 : i64, scratch_operands = 0 : i64, tpu.core_type = #tpu.core_type<tc>} {
    %get3A = arith.constant 0 : index
    %get3A_0 = vector.load %arg0[%get3A] : memref<32xf32, #tpu.memory_space<vmem>>, vector<32xf32>
    %reduce_sum3A = vector.shape_cast %get3A_0 : vector<32xf32> to vector<1x32xf32>
    %reduce_sum3A_1 = arith.constant dense<0.000000e+00> : vector<1xf32>
    %reduce_sum3A_2 = vector.multi_reduction <add>, %reduce_sum3A, %reduce_sum3A_1 [1] : vector<1x32xf32> to vector<1xf32>
    %reduce_sum3A_3 = vector.shape_cast %reduce_sum3A_2 : vector<1xf32> to vector<1x1xf32>
    %reduce_sum3A_4 = vector.extract %reduce_sum3A_3[0, 0] : f32 from vector<1x1xf32>
    %swap3A = arith.constant 0 : index
    %swap3A_5 = arith.constant 0 : index
    %swap3A_6 = memref.load %arg1[%swap3A, %swap3A_5] : memref<1x1xf32, #tpu.memory_space<smem>>
    memref.store %reduce_sum3A_4, %arg1[%swap3A, %swap3A_5] : memref<1x1xf32, #tpu.memory_space<smem>>
    return
  }
}

</mosaic_0001>

<sc_bundles>
// kernel: kernel.4.cloned.1.call-start
scs
__scs_entry_jumppad:
0x0: {  	(pc) =	sbr.rel $0x88, $3  }
0x1: {  	(tag) =	ssettag $0x0;
	lr =	simm.s32 $0x1  }
0x2: {  	[smem:$0x3F9E] =	sst lr;
	_ =	strace $0xD0000000  }
0x3: {  	_ = 	snop  }
0x4: {  	_ = 	snop  }
0x5: {  	_ = 	snop  }
0x6: {  	_ = 	snop  }
0x7: {  	_ = 	snop  }
__scs_overlays_trampoline_lowered:
0x8: {  	[smem:$0x3FAD] =	sst s0  }
0x9: {  	[smem:$0x3FAE] =	sst s1  }
0xa: {  	[smem:$0x3FAF] =	sst s2  }
0xb: {  	[smem:$0x3FB0] =	sst s3  }
0xc: {  	[smem:$0x3FB1] =	sst s4  }
0xd: {  	[smem:$0x3FB2] =	sst s5  }
0xe: {  	[smem:$0x3FB3] =	sst s6  }
0xf: {  	[smem:$0x3FB4] =	sst s7  }
0x10: {  	[smem:$0x3FB5] =	sst s8  }
0x11: {  	[smem:$0x3FB6] =	sst s9;
	s0 =	simm.s32 @!p0 $0x0  }
0x12: {  	s1 =	sld [smem:$0x3F9C];
	s0 =	simm.s32 @p0 $0x1  }
0x13: {  	[smem:$0x3FB7] =	sst s0;
	s0 =	simm.s32 @!p1 $0x0  }
0x14: {  	s2 =	sld [smem:$0x3F9B];
	s0 =	simm.s32 @p1 $0x1  }
0x15: {  	[smem:$0x3FB8] =	sst s0;
	s0 =	simm.s32 @!p2 $0x0  }
0x16: {  	s3 =	sld [smem:$0x3FDB];
	s0 =	simm.s32 @p2 $0x1  }
0x17: {  	s4 =	simm.s32 $0x1BF5;
	[smem:$0x3FBA] =	sst s0  }
0x18: {  	s0 =	sld [smem:$0x3F9D];
	_ =	swait.ge [sflag:s4], $0x0  }
0x19: {  	s7 =	sld [smem:$0x3F9E]  }
0x1a: {  	s8 =	sadd.s32 $0xFFFFE003, lr  }
0x1b: {  	s9 =	sadd.s32 $0xFFFFFEF7, lr;
	s5 =	simm.s32 $0xFFFFFFFF;
	p2 =	slt.u32 s8, $0xFFFFF086  }
0x1c: {  	p1 =	slt.u32 s9, $0xF7A;
	s5 =	simm.s32 @!p2 $0x0  }
0x1d: {  	s5 =	simm.s32 @p1 $0x1;
	p0 =	seq.s32 s7, s2  }
0x1e: {  	s7 =	smul.u32 @!p0 $0xF7A, s2;
	p2 =	seq.s32 @!p0 s5, $0x0  }
0x1f: {  	s9 =	smul.u32 $0xF7A, s1;
	s8 =	simm.s32 @!p0 $0x1BF5;
	p2 =	por !p2, p0  }
0x20: {  	[sflag:s8] =	ssyncset.s32 @!p0 $0xFFFFF086;
	s6 =	sadd.s32 @!p0 s3, s7;
	s7 =	simm.s32 @!p0 $0x108  }
0x21: {  	s3 =	sadd.s32 s3, s9;
	s6 =	sadd.s32 @!p0 $0x88, s6;
	s7 =	simm.s32 @p2 $0x1082  }
0x22: {  	[simem:s7], [sflag:s8] =	dma.local @!p0 [hbm:s6], $0xF7A  }
0x23: {  	s9 =	sor.u32 $0xD0000000, s2;
	s6 =	simm.s32 $0x108;
	_ =	swait.ge @!p0 [sflag:s8], $0x0  }
0x24: {  	s3 =	sadd.s32 $0x88, s3;
	s6 =	simm.s32 @!p1 $0x1082;
	[sflag:s4] =	ssyncset.s32 $0xFFFFF086  }
0x25: {  	[simem:s6], [sflag:s4] =	dma.local [hbm:s3], $0xF7A  }
0x26: {  	[smem:$0x3F9E] =	sst s1;
	(tag) =	ssettag s2;
	_ =	strace s9  }
0x27: {  	s1 =	sld [smem:$0x3FAE]  }
0x28: {  	s2 =	sld [smem:$0x3FAF]  }
0x29: {  	s4 =	sld [smem:$0x3FB1]  }
0x2a: {  	p0 =	seq.s32 s5, $0x0;
	s5 =	sld [smem:$0x3FB2]  }
0x2b: {  	s6 =	sld [smem:$0x3FB3]  }
0x2c: {  	s7 =	sld [smem:$0x3FB4]  }
0x2d: {  	s3 =	simm.s32 $0x108;
	s8 =	sld [smem:$0x3FB5]  }
0x2e: {  	s3 =	simm.s32 @!p0 $0x1082;
	s9 =	sld [smem:$0x3FB6]  }
0x2f: {  	lr =	sadd.s32 s0, s3;
	s0 =	sld [smem:$0x3FAD]  }
0x30: {  	s3 =	sld [smem:$0x3FB0]  }
0x31: {  	[smem:$0x3FB9] =	sst s10  }
0x32: {  	s10 =	sld [smem:$0x3FB7];
	_ =	sdelay $0x3  }
0x33: {  	p0 =	seq.s32 s10, $0x1;
	s10 =	sld [smem:$0x3FB9];
	_ =	sdelay $0x3  }
0x34: {  	[smem:$0x3FB9] =	sst s10  }
0x35: {  	s10 =	sld [smem:$0x3FB8];
	_ =	sdelay $0x3  }
0x36: {  	p1 =	seq.s32 s10, $0x1;
	s10 =	sld [smem:$0x3FB9];
	_ =	sdelay $0x3  }
0x37: {  	[smem:$0x3FB9] =	sst s10  }
0x38: {  	s10 =	sld [smem:$0x3FBA]  }
0x39: {  	_ = 	snop;
	(pc) =	sbr.ind lr, $3  }
0x3a: {  	_ = 	snop  }
0x3b: {  	_ = 	snop  }
0x3c: {  	p2 =	seq.s32 s10, $0x1;
	s10 =	sld [smem:$0x3FB9]  }
0x3d: {  	_ =	shalt  }
0x3e: {  	_ =	shalt  }
0x3f: {  	_ =	shalt  }
0x40: {  	_ =	shalt  }
0x41: {  	_ =	shalt  }
0x42: {  	_ =	shalt  }
0x43: {  	_ =	shalt  }
0x44: {  	_ =	shalt  }
0x45: {  	_ =	shalt  }
0x46: {  	_ =	shalt  }
0x47: {  	_ =	shalt  }
0x48: {  	_ =	shalt  }
0x49: {  	_ =	shalt  }
0x4a: {  	_ =	shalt  }
0x4b: {  	_ =	shalt  }
0x4c: {  	_ =	shalt  }
0x4d: {  	_ =	shalt  }
0x4e: {  	_ =	shalt  }
0x4f: {  	_ =	shalt  }
0x50: {  	_ =	shalt  }
0x51: {  	_ =	shalt  }
0x52: {  	_ =	shalt  }
0x53: {  	_ =	shalt  }
0x54: {  	_ =	shalt  }
0x55: {  	_ =	shalt  }
0x56: {  	_ =	shalt  }
0x57: {  	_ =	shalt  }
0x58: {  	_ =	shalt  }
0x59: {  	_ =	shalt  }
0x5a: {  	_ =	shalt  }
0x5b: {  	_ =	shalt  }
0x5c: {  	_ =	shalt  }
0x5d: {  	_ =	shalt  }
0x5e: {  	_ =	shalt  }
0x5f: {  	_ =	shalt  }
0x60: {  	_ =	shalt  }
0x61: {  	_ =	shalt  }
0x62: {  	_ =	shalt  }
0x63: {  	_ =	shalt  }
0x64: {  	_ =	shalt  }
0x65: {  	_ =	shalt  }
0x66: {  	_ =	shalt  }
0x67: {  	_ =	shalt  }
0x68: {  	_ =	shalt  }
0x69: {  	_ =	shalt  }
0x6a: {  	_ =	shalt  }
0x6b: {  	_ =	shalt  }
0x6c: {  	_ =	shalt  }
0x6d: {  	_ =	shalt  }
0x6e: {  	_ =	shalt  }
0x6f: {  	_ =	shalt  }
0x70: {  	_ =	shalt  }
0x71: {  	_ =	shalt  }
0x72: {  	_ =	shalt  }
0x73: {  	_ =	shalt  }
0x74: {  	_ =	shalt  }
0x75: {  	_ =	shalt  }
0x76: {  	_ =	shalt  }
0x77: {  	_ =	shalt  }
0x78: {  	_ =	shalt  }
0x79: {  	_ =	shalt  }
0x7a: {  	_ =	shalt  }
0x7b: {  	_ =	shalt  }
0x7c: {  	_ =	shalt  }
0x7d: {  	_ =	shalt  }
0x7e: {  	_ =	shalt  }
0x7f: {  	_ =	shalt  }
0x80: {  	_ =	shalt  }
0x81: {  	_ =	shalt  }
0x82: {  	_ =	shalt  }
0x83: {  	_ =	shalt  }
0x84: {  	_ =	shalt  }
0x85: {  	_ =	shalt  }
0x86: {  	_ =	shalt  }
0x87: {  	_ =	shalt  }
.Lfunc_end0:
.L_simem_size_0:
called_computation_lowered:
.L_overlay_start_0:
0x88: {  	s2 =	sld [smem:$0x3FD9]  }
0x89: {  	s3 =	sld [smem:$0x3FFE];
	_ =	sdelay $0x1  }
0x8a: {  	s1 =	srdreg.scid  }
0x8b: {  	s0 =	sand.u32 $0x1, s1  }
0x8c: {  	s17 =	sshll.u32 s0, $0xA;
	s2 =	sadd.s32 s3, s2  }
0x8d: {  	s2 =	sadd.s32 s2, s17  }
0x8e: {  	[smem:$0x3FC5] =	sst s2  }
0x8f: {  	_ = 	snop  }
0x90: {  	s2 =	sld [smem:$0x3FC8]  }
0x91: {  	s18 =	sld [smem:$0x3FD0];
	(tm) =	ssettm $0x1  }
0x92: {  	s4 =	sld [smem:$0x3FFB];
	_ =	sdelay $0x3  }
0x93: {  	_ =	strace s4  }
0x94: {  	s4 =	sld [smem:$0x3FFC];
	_ =	sdelay $0x3  }
0x95: {  	_ =	strace s4  }
0x96: {  	s4 =	sld [smem:$0x3FFD];
	_ =	sdelay $0x3  }
0x97: {  	_ =	strace s4  }
0x98: {  	_ =	strace $0x8FFFFFFF  }
0x99: {  	s19 =	sld [smem:$0x3FDB];
	_ =	sdelay $0x1  }
0x9a: {  	s5 =	simm.s32 $_scs_section_size  }
0x9b: {  	s6 =	simm.s32 $_size__tile_overlayer_lowered;
	s7 =	simm.s32 $_tile_overlayer_lowered  }
0x9c: {  	s22 =	simm.s32 $0x1BFF;
	s21 =	sshll.u32 s7, $0x1;
	s4 =	sadd.s32 s5, s19  }
0x9d: {  	s8 =	simm.s32 $0x0;
	s20 =	sshll.u32 s6, $0x1;
	s6 =	sadd.s32 s21, s4  }
0x9e: {  	[timem:s8], [sflag:s22] =	dma.local [hbm:s6], s20  }
0x9f: {  	_ =	swait.ge [sflag:s22], s20  }
0xa0: {  	s5 =	ssub.s32 $0x0, s20;
	[sflag:s22] =	ssyncset.done $0x0  }
0xa1: {  	[sflag:s22] =	ssyncadd.s32 s5;
	_ =	sdelay $0x1  }
0xa2: {  	s23 =	simm.s32 $0x1B8B  }
0xa3: {  	_ =	swait.ge [sflag:s23], $0x1  }
0xa4: {  	[sflag:s23] =	ssyncset.done $0x0  }
0xa5: {  	s25 =	simm.s32 $0x1B8E;
	s24 =	sld [smem:$0x3FFE];
	[sflag:s23] =	ssyncadd.s32 $0xFFFFFFFF  }
0xa6: {  	s26 =	simm.s32 $execute0_lowered;
	[smem:$0x3FD2] =	sst s25  }
0xa7: {  	s6 =	sshll.u32 s26, $0x1;
	_ =	strace $0x80000046;
	[dreg:$0x1] =	wrdreg $0xFFFFFFFF  }
0xa8: {  	s28 =	simm.s32 $_size_execute0_lowered;
	s4 =	sadd.s32 s4, s6;
	[dreg:$0x0] =	wrdreg $0x0  }
0xa9: {  	s6 =	sshll.u32 s28, $0x1;
	[dreg:$0x2] =	wrdreg s4  }
0xaa: {  	[dreg:$0x3] =	wrdreg s6  }
0xab: {  	[dreg:$0x4] =	wrdreg $0xC0  }
0xac: {  	_ =	task [dreg:s8], $0x5FFFF  }
0xad: {  	[dreg:$0x1] =	wrdreg $0xFFFFFFFF  }
0xae: {  	[dreg:$0x0] =	wrdreg $0x60  }
0xaf: {  	[dreg:$0x2] =	wrdreg s24  }
0xb0: {  	[dreg:$0x3] =	wrdreg s2  }
0xb1: {  	[dreg:$0x4] =	wrdreg s18  }
0xb2: {  	[dreg:$0x5] =	wrdreg $0x1A1800  }
0xb3: {  	[dreg:$0x6] =	wrdreg $0x1C9800  }
0xb4: {  	[dreg:$0x7] =	wrdreg $0x9  }
0xb5: {  	_ =	task.clear_ibuf [dreg:s8], $0x8FFFF;
	_ =	strace $0x90000046  }
0xb6: {  	s29 =	simm.s32 $0x9;
	_ =	strace $0x80000048  }
0xb7: {  	_ =	swait.ge [sflag:s29], $0x1  }
0xb8: {  	[sflag:s29] =	ssyncadd.s32 $0xFFFFFFFF  }
0xb9: {  	_ =	strace $0x90000048  }
0xba: {  	_ =	sfence  }
0xbb: {  	s30 =	sld [smem:$0x0];
	_ =	sdelay $0x2  }
0xbc: {  	s31 =	sshll.u32 s1, $0xD;
	s1 =	sshrl.u32 s1, $0x2  }
0xbd: {  	s3 =	sand.u32 $0x4000, s31;
	s1 =	sadd.s32 s1, s30  }
0xbe: {  	s0 =	sor.u32 s3, s0;
	s1 =	sshll.u32 s1, $0x11  }
0xbf: {  	s0 =	sor.u32 s1, s0  }
0xc0: {  	s0 =	sadd.s32 $0x8F2B, s0  }
0xc1: {  	[sflag:s0] =	ssyncadd.remote.s32 $0x1  }
0xc2: {  	_ =	sfence.sel $0xFFFF  }
0xc3: {  	[dreg:$0x0] =	wrdreg $0xFFFFFFFF;
	(pc) =	sbr.abs _section_cstart, $3  }
0xc4: {  	[dreg:$0x1] =	wrdreg $0xFFFFFFFF  }
0xc5: {  	_ =	task.clear_ibuf [dreg:s8], $0x2FFFF;
	_ =	strace $0x9FFFFFFF  }
0xc6: {  	(tm) =	ssettm $0x7FFFFFFF  }
0xc7: {  	_ =	shalt  }
tec
execute0_lowered:
.L_overlay_start_1:
0x0: {  	(tag) =	ssettag $0x1  }
0x1: {  	v0 =	vimm.s32 $0x34333231;
	v1 =	vimm.s32 $0x38373635;
	v2 =	vimm.s32 $0x3C3B3A39  }
0x2: {  	v3 =	vimm.s32 $0x3F3E3D;
	vm0 =	vcmask $0x1F10;
	v34 =	vimm.s32 $0x35343332  }
0x3: {  	v6 =	vimm.s32 $0x1003F3E;
	v0 =	vunpack.c.0.s8.s32 v0;
	v4 =	vunpack.c.0.s8.s32 v1  }
0x4: {  	v8 =	vimm.s32 $0x3F3E3D3C;
	v5 =	vunpack.c.0.s8.s32 v2;
	v1 =	vunpack.c.0.s8.s32 v3  }
0x5: {  	v9 =	vimm.s32 $0x37363534;
	v10 =	vimm.s32 $0x3B3A3938;
	[tilespmem:$0x1FBD0] =	vst v4;
	v0 =	vsel vm0, v4, v0  }
0x6: {  	[tilespmem:$0x1FBE0] =	vst v5;
	v3 =	vsel vm0, v1, v5;
	v4 =	vimm.s32 $0x39383736;
	v5 =	vimm.s32 $0x3D3C3B3A  }
0x7: {  	v7 =	vunpack.c.0.s8.s32 v4;
	v5 =	vunpack.c.0.s8.s32 v5;
	v4 =	vunpack.c.0.s8.s32 v6  }
0x8: {  	v2 =	vunpack.c.0.s8.s32 v34;
	v13 =	vunpack.c.0.s8.s32 v8;
	v8 =	vunpack.c.0.s8.s32 v9  }
0x9: {  	v9 =	vunpack.c.0.s8.s32 v10;
	[tilespmem:$0x1FC00] =	vst v5;
	v52 =	vsel vm0, v4, v5;
	v5 =	vimm.s32 $0x36353433  }
0xa: {  	v36 =	vcombine.low v0, v3;
	v0 =	vunpack.c.0.s8.s32 v5;
	v5 =	vimm.s32 $0x3020100  }
0xb: {  	[tilespmem:$0x1FBF0] =	vst v7;
	v35 =	vsel vm0, v7, v2;
	v7 =	vimm.s32 $0x201003F;
	v5 =	vunpack.c.0.s8.s32 v5  }
0xc: {  	v62 =	vcombine.low v35, v52;
	v15 =	vunpack.c.0.s8.s32 v7  }
0xd: {  	v7 =	vsel vm0, v9, v8;
	v8 =	vimm.s32 $0x4030201;
	v5 =	vsel vm0, v5, v13  }
0xe: {  	s1 =	rddreg [dreg:$0x0];
	v35 =	vcombine.low v7, v5;
	v5 =	vunpack.c.0.s8.s32 v8;
	v7 =	vimm.s32 $0x5040302  }
0xf: {  	s9 =	rddreg [dreg:$0x1];
	[tilespmem:$0x1FC10] =	vst v9;
	v9 =	vimm.s32 $0x98765432;
	v7 =	vunpack.c.0.s8.s32 v7  }
0x10: {  	s2 =	rddreg [dreg:$0x2];
	v9 =	vunpack.c.l.s4.s8 v9;
	v5 =	vsel vm0, v5, v1  }
0x11: {  	s10 =	rddreg [dreg:$0x3];
	s4 =	simm.s32 $0x0;
	v6 =	vimm.s32 $0x3A393837;
	[tilespmem:$0x1FC20] =	vst v5;
	v5 =	vsel vm0, v7, v4  }
0x12: {  	[smem:$0x7FF] =	sst s4;
	v14 =	vunpack.c.0.s8.s32 v6;
	v9 =	vunpack.c.0.s8.s32 v9;
	[tilespmem:$0x1FC30] =	vst v5  }
0x13: {  	s11 =	rddreg [dreg:$0x4];
	_ =	strace $0x80000047;
	[tilespmem:$0x1FC40] =	vst v13  }
0x14: {  	v0 =	vsel vm0, v14, v0;
	v9 =	vand.u32 $0xF, v9;
	[tilespmem:$0x1FC50] =	vst v14  }
0x15: {  	v17 =	vcombine.low v52, v9;
	[tilespmem:$0x1FC60] =	vst v0  }
0x16: {  	v38 =	vlaneseq.u32;
	[tilespmem:$0x1FC80] =	vst v15  }
0x17: {  	v19 =	vadd.s32 $0x8, v38;
	[tilespmem:$0x1FCD0] =	vst v17  }
0x18: {  	v21 =	vmul.u32 $0x80, v38;
	v23 =	vadd.s32 $0x2, v38;
	[tilespmem:$0x1FD70] =	vst v19  }
0x19: {  	[tilespmem:$0x1FD80] =	vst v23  }
0x1a: {  	v7 =	vimm.s32 $0x6050403;
	[tilespmem:$0x1FD90] =	vst v21  }
0x1b: {  	v32 =	vunpack.c.0.s8.s32 v7;
	v7 =	vadd.s32 $0x28, v38;
	[tilespmem:$0x1FDE0] =	vst v62  }
0x1c: {  	v60 =	vadd.s32 $0x23, v38;
	[tilespmem:$0x1FE00] =	vst v7  }
0x1d: {  	v40 =	vadd.s32 $0x22, v38;
	[tilespmem:$0x1FE50] =	vst v60  }
0x1e: {  	v37 =	vadd.s32 $0x21, v38;
	[tilespmem:$0x1FE60] =	vst v40  }
0x1f: {  	v31 =	vor.u32 $0x20, v38;
	[tilespmem:$0x1FE70] =	vst v37  }
0x20: {  	v33 =	vadd.s32 $0x1F, v38;
	[tilespmem:$0x1FE80] =	vst v31  }
0x21: {  	v18 =	vadd.s32 $0x1E, v38;
	[tilespmem:$0x1FE90] =	vst v33  }
0x22: {  	v25 =	vadd.s32 $0x1D, v38;
	[tilespmem:$0x1FEA0] =	vst v18  }
0x23: {  	v59 =	vadd.s32 $0x1C, v38;
	[tilespmem:$0x1FEB0] =	vst v25  }
0x24: {  	v39 =	vadd.s32 $0x1B, v38;
	[tilespmem:$0x1FEC0] =	vst v59  }
0x25: {  	v50 =	vadd.s32 $0x1A, v38;
	[tilespmem:$0x1FED0] =	vst v39  }
0x26: {  	v58 =	vadd.s32 $0x19, v38;
	[tilespmem:$0x1FEE0] =	vst v50  }
0x27: {  	v47 =	vadd.s32 $0x9, v38;
	[tilespmem:$0x1FEF0] =	vst v58  }
0x28: {  	v57 =	vadd.s32 $0x18, v38;
	[tilespmem:$0x1FF00] =	vst v47  }
0x29: {  	v41 =	vadd.s32 $0xA, v38;
	[tilespmem:$0x1FF10] =	vst v57  }
0x2a: {  	v42 =	vadd.s32 $0xB, v38;
	[tilespmem:$0x1FF20] =	vst v41  }
0x2b: {  	v56 =	vadd.s32 $0x17, v38;
	[tilespmem:$0x1FF30] =	vst v42  }
0x2c: {  	v43 =	vadd.s32 $0xC, v38;
	[tilespmem:$0x1FF40] =	vst v56  }
0x2d: {  	v55 =	vadd.s32 $0x16, v38;
	[tilespmem:$0x1FF50] =	vst v43  }
0x2e: {  	v44 =	vadd.s32 $0xD, v38;
	[tilespmem:$0x1FF60] =	vst v55  }
0x2f: {  	v54 =	vadd.s32 $0x15, v38;
	[tilespmem:$0x1FF70] =	vst v44  }
0x30: {  	v45 =	vadd.s32 $0xE, v38;
	[tilespmem:$0x1FF80] =	vst v54  }
0x31: {  	v53 =	vadd.s32 $0x14, v38;
	[tilespmem:$0x1FF90] =	vst v45  }
0x32: {  	vm1 =	vcmask $0x2F10;
	v61 =	vimm.s32 $0xB0A0908;
	v51 =	vadd.s32 $0x13, v38;
	[tilespmem:$0x1FFA0] =	vst v53  }
0x33: {  	vm2 =	vcmask $0x3F30;
	v46 =	vadd.s32 $0xF, v38;
	v8 =	vimm.s32 $0x87654321;
	[tilespmem:$0x1FFB0] =	vst v51  }
0x34: {  	v63 =	vor.u32 $0x10, v38;
	v49 =	vadd.s32 $0x12, v38;
	v8 =	vunpack.c.l.s4.s8 v8;
	[tilespmem:$0x1FFC0] =	vst v46  }
0x35: {  	v48 =	vadd.s32 $0x11, v38;
	v10 =	vimm.s32 $0x32107654;
	v6 =	vimm.s32 $0x3E3D3C3B;
	[tilespmem:$0x1FFD0] =	vst v49  }
0x36: {  	v9 =	vimm.s32 $0xC0B0A09;
	v8 =	vunpack.c.0.s8.s32 v8;
	v5 =	vunpack.c.l.s4.s8 v10;
	[tilespmem:$0x1FFE0] =	vst v48  }
0x37: {  	v10 =	vimm.s32 $0x43218765;
	v14 =	vmovc v35;
	v35 =	vunpack.c.0.s8.s32 v6;
	v6 =	vadd.s32 $0x2C, v38;
	[tilespmem:$0x1FFF0] =	vst v63  }
0x38: {  	v8 =	vand.u32 $0xF, v8;
	v10 =	vunpack.c.l.s4.s8 v10;
	v5 =	vunpack.c.0.s8.s32 v5;
	[tilespmem:$0x1FD10] =	vst v6  }
0x39: {  	v34 =	vcombine.low v3, v8;
	v3 =	vunpack.c.0.s8.s32 v61;
	v8 =	vimm.s32 $0x54329876;
	[tilespmem:$0x1FDA0] =	vst v14  }
0x3a: {  	v61 =	vimm.s32 $0xD0C0B0A;
	v8 =	vunpack.c.l.s4.s8 v8;
	[tilespmem:$0x1FC70] =	vst v35;
	v35 =	vadd.s32 $0x25, v38  }
0x3b: {  	v52 =	vand.u32 $0xF, v5;
	v5 =	vunpack.c.0.s8.s32 v10;
	v10 =	vadd.s32 $0x2F, v38;
	[tilespmem:$0x1FCC0] =	vst v34  }
0x3c: {  	[tilespmem:$0x1FE30] =	vst v35;
	v2 =	vsel vm1, v52, v13;
	v8 =	vunpack.c.0.s8.s32 v8;
	v13 =	vor.u32 $0x30, v38  }
0x3d: {  	[tilespmem:$0x1FD40] =	vst v10;
	v5 =	vand.u32 $0xF, v5;
	v22 =	vsel vm2, v3, v2;
	v3 =	vunpack.c.0.s8.s32 v61  }
0x3e: {  	[tilespmem:$0x1FD50] =	vst v13;
	v1 =	vsel vm1, v5, v1;
	v5 =	vunpack.c.0.s8.s32 v9;
	v9 =	vimm.s32 $0x6543A987  }
0x3f: {  	v52 =	vand.u32 $0xF, v8;
	v8 =	vadd.s32 $0x2D, v38;
	[tilespmem:$0x1FDC0] =	vst v22;
	v9 =	vunpack.c.l.s4.s8 v9  }
0x40: {  	s3 =	srdreg.scid;
	s0 =	stileid.u32;
	s18 =	simm.s32 $0x2800;
	[tilespmem:$0x1FD20] =	vst v8;
	v16 =	vsel vm2, v5, v1;
	v1 =	vsel vm1, v52, v4  }
0x41: {  	s14 =	simm.s32 $0x5;
	s28 =	simm.s32 $0x5880;
	s29 =	simm.s32 $0x5B00;
	v5 =	vunpack.c.0.s8.s32 v9;
	v20 =	vsel vm2, v3, v1;
	v3 =	vadd.s32 $0x2A, v38;
	[tilespmem:$0x1FD60] =	vst v16  }
0x42: {  	s30 =	simm.s32 $0x5D80;
	s31 =	simm.s32 $0x80;
	s12 =	simm.s32 $0x1;
	v4 =	vimm.s32 $0xE0D0C0B;
	v9 =	vadd.s32 $0x2E, v38;
	[tilespmem:$0x1FCF0] =	vst v3  }
0x43: {  	s16 =	simm.s32 $0x0;
	s3 =	sand.u32 $0x1, s3;
	s8 =	smul.u32 $0xA000, s0;
	v52 =	vimm.s32 $0x76543210;
	v4 =	vunpack.c.0.s8.s32 v4;
	[tilespmem:$0x1FD30] =	vst v9;
	v5 =	vand.u32 $0xF, v5  }
0x44: {  	s5 =	sadd.s32 $0x27A00, s1;
	s6 =	sadd.s32 $0x800, s1;
	s22 =	sshll.u32 s0, $0xD;
	v1 =	vunpack.c.l.s4.s8 v52;
	v52 =	vadd.s32 $0x24, v38;
	[tilespmem:$0x1FDB0] =	vst v20;
	v61 =	vsel vm1, v5, v15  }
0x45: {  	s24 =	sshll.u32 s0, $0xF;
	s25 =	sshll.u32 s0, $0x4;
	p0 =	sne.s32 s0, $0x0;
	v2 =	vimm.s32 $0xA9876543;
	[tilespmem:$0x1FE40] =	vst v52;
	v5 =	vsel vm2, v4, v61;
	v61 =	vsel vm0, v32, v15  }
0x46: {  	s0 =	simm.s32 $0x4;
	s7 =	ssub.s32 $0x2, s3;
	s23 =	sshll.u32 s3, $0x13;
	v2 =	vunpack.c.l.s4.s8 v2;
	v4 =	vadd.s32 $0x2B, v38;
	[tilespmem:$0x1FC90] =	vst v61  }
0x47: {  	s3 =	sshll.u32 s3, $0x1;
	s26 =	sadd.s32 s25, s11;
	s25 =	simm.s32 $0x5380;
	[tilespmem:$0x1FD00] =	vst v4  }
0x48: {  	s11 =	simm.s32 $0x3;
	s21 =	sshrl.u32 s7, $0x1;
	s8 =	sshrl.u32 s8, $0x2;
	v2 =	vunpack.c.0.s8.s32 v2;
	v32 =	vmov v36;
	v36 =	vunpack.c.0.s8.s32 v1;
	[tilespmem:$0x1FDD0] =	vst v5  }
0x49: {  	s2 =	sadd.s32 s2, s3;
	s3 =	simm.s32 $0xA000;
	s8 =	sadd.s32 s8, s10;
	[tilespmem:$0x1FDF0] =	vst v32  }
0x4a: {  	s1 =	ssub.s32 s7, s21;
	s7 =	sadd.s32 s9, s22;
	[dreg:$0x6] =	wrdreg s8;
	v61 =	vand.u32 $0xF, v2;
	[tilespmem:$0x1FCA0] =	vst v36  }
0x4b: {  	v11 =	vimm.f32 $0.0e+00;
	s9 =	sor.u32 s24, s23;
	s23 =	simm.s32 $0x4E80;
	[dreg:$0x7] =	wrdreg s26;
	v2 =	vadd.s32 $0x29, v38;
	[tilespmem:$0x1FCB0] =	vst v61  }
0x4c: {  	v12 =	vimm.f32 $1.000000000e+00;
	v24 =	vadd.s32 $0x1, v38;
	s24 =	simm.s32 $0x5100;
	s1 =	smax.u32 s1, $0x1;
	[dreg:$0x8] =	wrdreg s2;
	v36 =	vadd.s32 $0x27, v38;
	[tilespmem:$0x1FCE0] =	vst v2  }
0x4d: {  	v26 =	vadd.s32 $0x3, v38;
	v27 =	vadd.s32 $0x4, v38;
	s10 =	simm.s32 $0xE000;
	[dreg:$0x9] =	wrdreg s1;
	s26 =	simm.s32 $0x5600;
	v61 =	vadd.s32 $0x26, v38;
	[tilespmem:$0x1FE10] =	vst v36  }
0x4e: {  	v28 =	vadd.s32 $0x5, v38;
	v29 =	vadd.s32 $0x6, v38;
	v30 =	vadd.s32 $0x7, v38;
	s2 =	simm.s32 $0x12000;
	s8 =	simm.s32 $0x16000;
	s1 =	simm.s32 $0x2;
	[tilespmem:$0x1FE20] =	vst v61  }
.LBB2_1:
0x4f: {  	[dreg:$0xa] =	wrdreg s16;
	s13 =	simm.s32 $0x40;
	s15 =	simm.s32 $0x0  }
.LBB2_2:
0x50: {  	p1 =	sne.s32 s13, $0x9FC0;
	[tilespmem:s15+$0x0] =	vst v11;
	s15 =	smov.u32 s13;
	s13 =	sadd.s32 $0x40, s13  }
.Ltmp0:
0x51: {  	(pc) =	sbr.rel @p1 .LBB2_2-.Ltmp0, $2  }
0x52: {  	_ =	sdelay $0x2  }
0x53: {  	s15 =	sshra.s32 s15, $0x2  }
0x54: {  	[tilespmem:s15+$0x0] =	vst v11;
	s13 =	simm.s32 $0x0;
	s15 =	simm.s32 $0x0  }
.LBB2_4:
0x55: {  	s16 =	sshll.u32 s15, $0x9  }
0x56: {  	s16 =	sadd.s32 s16, s7  }
0x57: {  	[tilespmem:s18], [sflag:$0x5] =	stream.linear.gather [hbm4b:s16+s13], $0x1000, $0x38;
	[tilespmem:$0x1C990] =	vst v63  }
0x58: {  	_ =	swait.ge [sflag:s14], $0x1000  }
0x59: {  	[sflag:s14] =	ssyncset.done $0x0  }
0x5a: {  	s17 =	simm.s32 $0x0;
	s16 =	simm.s32 $0x40;
	[sflag:s14] =	ssyncadd.s32 $0xFFFFF000  }
.LBB2_5:
0x5b: {  	p1 =	sne.s32 s16, $0x3FC0;
	v1 =	vld [tilespmem:s17+$0x2800];
	_ =	sdelay $0x3  }
.Ltmp1:
0x5c: {  	(pc) =	sbr.rel @p1 .LBB2_5-.Ltmp1, $2  }
0x5d: {  	_ =	sdelay $0x2  }
0x5e: {  	s17 =	sshra.s32 s16, $0x2;
	s16 =	sadd.s32 $0x40, s16;
	[tilespmem:v1+s4+$0x0] =	vst.idx.add.f32.msk $0xffff, v12  }
0x5f: {  	v1 =	vld [tilespmem:s17+$0x2800];
	_ =	sdelay $0x1  }
0x60: {  	s15 =	sadd.s32 $0x1, s15  }
0x61: {  	p1 =	sne.s32 s15, $0x10  }
.Ltmp2:
0x62: {  	_ = 	snop;
	(pc) =	sbr.rel @p1 .LBB2_4-.Ltmp2, $2  }
0x63: {  	_ =	sdelay $0x2  }
0x64: {  	[tilespmem:v1+s4+$0x0] =	vst.idx.add.f32.msk $0xffff, v12  }
0x65: {  	s13 =	simm.s32 $0x0;
	s15 =	rddreg [dreg:$0x6]  }
0x66: {  	[spmem:s15] =	stream.linear.scatter [tilespmem:s13], [sflag:$0x5], $0x2800, $0x38;
	[tilespmem:$0x1C990] =	vst v63  }
0x67: {  	_ =	swait.ge [sflag:s14], $0x2800  }
0x68: {  	[sflag:s14] =	ssyncset.done $0x0  }
0x69: {  	[sflag:s14] =	ssyncadd.s32 $0xFFFFD800  }
0x6a: {  	s16 =	simm.s32 $0x0;
	s15 =	simm.s32 $0x0;
	[bflag:$0x0] =	sbarrier.arrive $0xFFFF  }
.LBB2_8:
0x6b: {  	s17 =	smul.u32 $0xA00, s16;
	_ =	sdelay $0x1  }
0x6c: {  	s18 =	rddreg [dreg:$0x3];
	s17 =	sshra.s32 s17, $0x2  }
0x6d: {  	s18 =	sadd.s32 s17, s18;
	s17 =	simm.s32 $0x3800  }
0x6e: {  	[tilespmem:s17], [sflag:$0x5] =	stream.linear.gather [spmem:s18], $0x280, $0x38;
	[tilespmem:$0x1C990] =	vst v63  }
0x6f: {  	_ =	swait.ge [sflag:s14], $0x280  }
0x70: {  	[sflag:s14] =	ssyncset.done $0x0  }
0x71: {  	s20 =	simm.s32 $0x3A80;
	s19 =	sadd.s32 $0x2800, s18;
	[sflag:s14] =	ssyncadd.s32 $0xFFFFFD80  }
0x72: {  	[tilespmem:s20], [sflag:$0x5] =	stream.linear.gather [spmem:s19], $0x280, $0x38;
	[tilespmem:$0x1C990] =	vst v63  }
0x73: {  	_ =	swait.ge [sflag:s14], $0x280  }
0x74: {  	[sflag:s14] =	ssyncset.done $0x0  }
0x75: {  	s22 =	simm.s32 $0x3D00;
	s21 =	sadd.s32 $0x5000, s18;
	[sflag:s14] =	ssyncadd.s32 $0xFFFFFD80  }
0x76: {  	[tilespmem:s22], [sflag:$0x5] =	stream.linear.gather [spmem:s21], $0x280, $0x38;
	[tilespmem:$0x1C990] =	vst v63  }
0x77: {  	_ =	swait.ge [sflag:s14], $0x280  }
0x78: {  	[sflag:s14] =	ssyncset.done $0x0  }
0x79: {  	s21 =	sadd.s32 $0x7800, s18;
	s22 =	simm.s32 $0x3F80;
	[sflag:s14] =	ssyncadd.s32 $0xFFFFFD80  }
0x7a: {  	[tilespmem:s22], [sflag:$0x5] =	stream.linear.gather [spmem:s21], $0x280, $0x38;
	[tilespmem:$0x1C990] =	vst v63  }
0x7b: {  	_ =	swait.ge [sflag:s14], $0x280  }
0x7c: {  	[sflag:s14] =	ssyncset.done $0x0  }
0x7d: {  	s21 =	sadd.s32 $0xA000, s18;
	s22 =	simm.s32 $0x4200;
	[sflag:s14] =	ssyncadd.s32 $0xFFFFFD80  }
0x7e: {  	[tilespmem:s22], [sflag:$0x5] =	stream.linear.gather [spmem:s21], $0x280, $0x38;
	[tilespmem:$0x1C990] =	vst v63  }
0x7f: {  	_ =	swait.ge [sflag:s14], $0x280  }
0x80: {  	[sflag:s14] =	ssyncset.done $0x0  }
0x81: {  	s21 =	sadd.s32 $0xC800, s18;
	s22 =	simm.s32 $0x4480;
	[sflag:s14] =	ssyncadd.s32 $0xFFFFFD80  }
0x82: {  	[tilespmem:s22], [sflag:$0x5] =	stream.linear.gather [spmem:s21], $0x280, $0x38;
	[tilespmem:$0x1C990] =	vst v63  }
0x83: {  	_ =	swait.ge [sflag:s14], $0x280  }
0x84: {  	[sflag:s14] =	ssyncset.done $0x0  }
0x85: {  	s21 =	sadd.s32 $0xF000, s18;
	s22 =	simm.s32 $0x4700;
	[sflag:s14] =	ssyncadd.s32 $0xFFFFFD80  }
0x86: {  	[tilespmem:s22], [sflag:$0x5] =	stream.linear.gather [spmem:s21], $0x280, $0x38;
	[tilespmem:$0x1C990] =	vst v63  }
0x87: {  	_ =	swait.ge [sflag:s14], $0x280  }
0x88: {  	[sflag:s14] =	ssyncset.done $0x0  }
0x89: {  	s21 =	sadd.s32 $0x11800, s18;
	s22 =	simm.s32 $0x4980;
	[sflag:s14] =	ssyncadd.s32 $0xFFFFFD80  }
0x8a: {  	[tilespmem:s22], [sflag:$0x5] =	stream.linear.gather [spmem:s21], $0x280, $0x38;
	[tilespmem:$0x1C990] =	vst v63  }
0x8b: {  	_ =	swait.ge [sflag:s14], $0x280  }
0x8c: {  	[sflag:s14] =	ssyncset.done $0x0  }
0x8d: {  	s21 =	sadd.s32 $0x14000, s18;
	s22 =	simm.s32 $0x4C00;
	[sflag:s14] =	ssyncadd.s32 $0xFFFFFD80  }
0x8e: {  	[tilespmem:s22], [sflag:$0x5] =	stream.linear.gather [spmem:s21], $0x280, $0x38;
	[tilespmem:$0x1C990] =	vst v63  }
0x8f: {  	_ =	swait.ge [sflag:s14], $0x280  }
0x90: {  	[sflag:s14] =	ssyncset.done $0x0  }
0x91: {  	s20 =	sadd.s32 $0x16800, s18;
	[sflag:s14] =	ssyncadd.s32 $0xFFFFFD80  }
0x92: {  	[tilespmem:s23], [sflag:$0x5] =	stream.linear.gather [spmem:s20], $0x280, $0x38;
	[tilespmem:$0x1C990] =	vst v63  }
0x93: {  	_ =	swait.ge [sflag:s14], $0x280  }
0x94: {  	[sflag:s14] =	ssyncset.done $0x0  }
0x95: {  	s21 =	sadd.s32 $0x19000, s18;
	[sflag:s14] =	ssyncadd.s32 $0xFFFFFD80  }
0x96: {  	[tilespmem:s24], [sflag:$0x5] =	stream.linear.gather [spmem:s21], $0x280, $0x38;
	[tilespmem:$0x1C990] =	vst v63  }
0x97: {  	_ =	swait.ge [sflag:s14], $0x280  }
0x98: {  	[sflag:s14] =	ssyncset.done $0x0  }
0x99: {  	s22 =	sadd.s32 $0x1B800, s18;
	[sflag:s14] =	ssyncadd.s32 $0xFFFFFD80  }
0x9a: {  	[tilespmem:s25], [sflag:$0x5] =	stream.linear.gather [spmem:s22], $0x280, $0x38;
	[tilespmem:$0x1C990] =	vst v63  }
0x9b: {  	_ =	swait.ge [sflag:s14], $0x280  }
0x9c: {  	[sflag:s14] =	ssyncset.done $0x0  }
0x9d: {  	s20 =	sadd.s32 $0x1E000, s18;
	[sflag:s14] =	ssyncadd.s32 $0xFFFFFD80  }
0x9e: {  	[tilespmem:s26], [sflag:$0x5] =	stream.linear.gather [spmem:s20], $0x280, $0x38;
	[tilespmem:$0x1C990] =	vst v63  }
0x9f: {  	_ =	swait.ge [sflag:s14], $0x280  }
0xa0: {  	[sflag:s14] =	ssyncset.done $0x0  }
0xa1: {  	s21 =	sadd.s32 $0x20800, s18;
	[sflag:s14] =	ssyncadd.s32 $0xFFFFFD80  }
0xa2: {  	[tilespmem:s28], [sflag:$0x5] =	stream.linear.gather [spmem:s21], $0x280, $0x38;
	[tilespmem:$0x1C990] =	vst v63  }
0xa3: {  	_ =	swait.ge [sflag:s14], $0x280  }
0xa4: {  	[sflag:s14] =	ssyncset.done $0x0  }
0xa5: {  	s22 =	sadd.s32 $0x23000, s18;
	[sflag:s14] =	ssyncadd.s32 $0xFFFFFD80  }
0xa6: {  	[tilespmem:s29], [sflag:$0x5] =	stream.linear.gather [spmem:s22], $0x280, $0x38;
	[tilespmem:$0x1C990] =	vst v63  }
0xa7: {  	_ =	swait.ge [sflag:s14], $0x280  }
0xa8: {  	[sflag:s14] =	ssyncset.done $0x0  }
0xa9: {  	s18 =	sadd.s32 $0x25800, s18;
	[sflag:s14] =	ssyncadd.s32 $0xFFFFFD80  }
0xaa: {  	[tilespmem:s30], [sflag:$0x5] =	stream.linear.gather [spmem:s18], $0x280, $0x38;
	[tilespmem:$0x1C990] =	vst v63  }
0xab: {  	_ =	swait.ge [sflag:s14], $0x280  }
0xac: {  	[sflag:s14] =	ssyncset.done $0x0  }
0xad: {  	s19 =	sand.u32 $0x3F0, s13;
	[sflag:s14] =	ssyncadd.s32 $0xFFFFFD80  }
0xae: {  	s20 =	simm.s32 $0x10;
	s18 =	simm.s32 $0x0;
	v1 =	vld [tilespmem:s19+$0x3A80]  }
.LBB2_9:
0xaf: {  	p1 =	sne.s32 s20, $0x270;
	v2 =	vld [tilespmem:s17+$0x0];
	_ =	sdelay $0x1  }
0xb0: {  	v3 =	vld [tilespmem:s19+$0x3D00];
	_ =	sdelay $0x1  }
0xb1: {  	v4 =	vld [tilespmem:s19+$0x3F80]  }
0xb2: {  	v1 =	vadd.f32 v1, v2  }
0xb3: {  	v2 =	vld [tilespmem:s19+$0x4200]  }
0xb4: {  	v1 =	vadd.f32 v3, v1  }
0xb5: {  	v3 =	vld [tilespmem:s19+$0x4480]  }
0xb6: {  	v1 =	vadd.f32 v4, v1  }
0xb7: {  	v4 =	vld [tilespmem:s19+$0x4700]  }
0xb8: {  	v1 =	vadd.f32 v2, v1  }
0xb9: {  	v2 =	vld [tilespmem:s19+$0x4980]  }
0xba: {  	v1 =	vadd.f32 v3, v1  }
0xbb: {  	v3 =	vld [tilespmem:s19+$0x4C00]  }
0xbc: {  	v1 =	vadd.f32 v4, v1  }
0xbd: {  	v4 =	vld [tilespmem:s19+$0x4E80]  }
0xbe: {  	v1 =	vadd.f32 v2, v1  }
0xbf: {  	v2 =	vld [tilespmem:s19+$0x5100]  }
0xc0: {  	v1 =	vadd.f32 v3, v1  }
0xc1: {  	v3 =	vld [tilespmem:s19+$0x5380]  }
0xc2: {  	v1 =	vadd.f32 v4, v1  }
0xc3: {  	v4 =	vld [tilespmem:s19+$0x5600]  }
0xc4: {  	v1 =	vadd.f32 v2, v1  }
0xc5: {  	v2 =	vld [tilespmem:s19+$0x5880]  }
0xc6: {  	v1 =	vadd.f32 v3, v1  }
0xc7: {  	v3 =	vld [tilespmem:s19+$0x5B00]  }
0xc8: {  	v1 =	vadd.f32 v4, v1  }
0xc9: {  	v4 =	vld [tilespmem:s19+$0x5D80]  }
0xca: {  	v1 =	vadd.f32 v2, v1;
	_ =	sdelay $0x1  }
0xcb: {  	v1 =	vadd.f32 v3, v1  }
.Ltmp3:
0xcc: {  	s19 =	sadd.s32 s18, s15;
	(pc) =	sbr.rel @p1 .LBB2_9-.Ltmp3, $4  }
0xcd: {  	s21 =	sand.u32 $0x70, s18;
	s18 =	smov.u32 s20;
	s19 =	sand.u32 $0x7F80, s19;
	v1 =	vadd.f32 v4, v1  }
0xce: {  	s21 =	sor.u32 s21, s19  }
0xcf: {  	s19 =	sand.u32 $0x3F0, s20;
	[tilespmem:s21+$0x0] =	vst v1  }
0xd0: {  	s17 =	sadd.s32 $0x10, s17;
	s20 =	sadd.s32 $0x10, s20;
	v1 =	vld [tilespmem:s19+$0x3A80]  }
0xd1: {  	v2 =	vld [tilespmem:s17+$0x0];
	_ =	sdelay $0x1  }
0xd2: {  	v3 =	vld [tilespmem:s19+$0x3D00];
	_ =	sdelay $0x1  }
0xd3: {  	v4 =	vld [tilespmem:s19+$0x3F80]  }
0xd4: {  	v1 =	vadd.f32 v1, v2  }
0xd5: {  	v34 =	vld [tilespmem:s19+$0x4200]  }
0xd6: {  	v1 =	vadd.f32 v3, v1  }
0xd7: {  	v9 =	vld [tilespmem:s19+$0x4480]  }
0xd8: {  	v1 =	vadd.f32 v4, v1  }
0xd9: {  	v4 =	vld [tilespmem:s19+$0x4700]  }
0xda: {  	v1 =	vadd.f32 v34, v1  }
0xdb: {  	v10 =	vld [tilespmem:s19+$0x4980]  }
0xdc: {  	v1 =	vadd.f32 v9, v1  }
0xdd: {  	v11 =	vld [tilespmem:s19+$0x4C00]  }
0xde: {  	v1 =	vadd.f32 v4, v1  }
0xdf: {  	v4 =	vld [tilespmem:s19+$0x4E80]  }
0xe0: {  	v1 =	vadd.f32 v10, v1  }
0xe1: {  	v12 =	vld [tilespmem:s19+$0x5100]  }
0xe2: {  	v1 =	vadd.f32 v11, v1  }
0xe3: {  	v13 =	vld [tilespmem:s19+$0x5380]  }
0xe4: {  	v1 =	vadd.f32 v4, v1  }
0xe5: {  	v4 =	vld [tilespmem:s19+$0x5600]  }
0xe6: {  	v1 =	vadd.f32 v12, v1  }
0xe7: {  	v14 =	vld [tilespmem:s19+$0x5880]  }
0xe8: {  	v1 =	vadd.f32 v13, v1  }
0xe9: {  	v34 =	vld [tilespmem:s19+$0x5B00]  }
0xea: {  	v1 =	vadd.f32 v4, v1  }
0xeb: {  	v4 =	vld [tilespmem:s19+$0x5D80]  }
0xec: {  	s16 =	sadd.s32 $0x1, s16;
	v1 =	vadd.f32 v14, v1  }
0xed: {  	p1 =	sne.s32 s16, $0x10  }
.Ltmp4:
0xee: {  	v1 =	vadd.f32 v34, v1;
	(pc) =	sbr.rel @p1 .LBB2_8-.Ltmp4, $4  }
0xef: {  	s21 =	sadd.s32 s18, s15  }
0xf0: {  	s22 =	sand.u32 $0x70, s18;
	s17 =	sand.u32 $0x7F80, s21;
	v1 =	vadd.f32 v4, v1  }
0xf1: {  	s17 =	sor.u32 s22, s17  }
0xf2: {  	s15 =	sadd.s32 $0x280, s15;
	[tilespmem:s17+$0x0] =	vst v1  }
0xf3: {  	s13 =	simm.s32 $0x0;
	p2 =	por $0x1, $0x1;
	v3 =	vimm.f32 $0.0e+00;
	s15 =	simm.s32 $0x0  }
.LBB2_12:
0xf4: {  	s15 =	sor.u32 s9, s15  }
0xf5: {  	s17 =	rddreg [dreg:$0x1];
	s16 =	sshrl.u32 s15, $0x3  }
0xf6: {  	s20 =	simm.s32 $0x6000;
	s16 =	sadd.s32 s17, s16  }
0xf7: {  	[tilespmem:s20], [sflag:$0x5] =	stream.linear.gather [hbm4b:s16+s13], $0x4000, $0x38;
	[tilespmem:$0x1C990] =	vst v63  }
0xf8: {  	_ =	swait.ge [sflag:s14], $0x4000  }
0xf9: {  	[sflag:s14] =	ssyncset.done $0x0  }
0xfa: {  	p1 =	por p2, p2;
	s22 =	sshll.u32 s15, $0x4;
	[sflag:s14] =	ssyncadd.s32 $0xFFFFC000  }
0xfb: {  	[tilespmem:s2], [sflag:$0x3] =	stream.indirect.gather [hbm4b:s6+s31], $0x80, s20, s31, $0xb8;
	[tilespmem:$0x1C990] =	vst v63  }
0xfc: {  	s18 =	simm.s32 $0x0;
	s17 =	simm.s32 $0x6080;
	s16 =	sadd.s32 s5, s22  }
0xfd: {  	[tilespmem:s3], [sflag:$0x1] =	stream.linear.gather [hbm4b:s16+s13], $0x4000, $0x38;
	[tilespmem:$0x1C990] =	vst v63  }
.LBB2_13:
0xfe: {  	s19 =	sshll.u32 s18, $0x8  }
0xff: {  	s16 =	sadd.s32 $0x6080, s19;
	s21 =	sadd.s32 s19, s15  }
0x100: {  	[tilespmem:s8], [sflag:$0x4] =	stream.indirect.gather [hbm4b:s6+s31], $0x80, s16, s31, $0xb8;
	[tilespmem:$0x1C990] =	vst v63  }
0x101: {  	s16 =	sshll.u32 s21, $0x4  }
0x102: {  	s16 =	sadd.s32 s5, s16  }
0x103: {  	s21 =	simm.s32 $0x0;
	s16 =	sadd.s32 $0x800, s16  }
0x104: {  	v1 =	vmov s21;
	[tilespmem:s10], [sflag:$0x2] =	stream.linear.gather [hbm4b:s16+s21], $0x4000, $0x38;
	[tilespmem:$0x1C990] =	vst v63  }
0x105: {  	v1 =	vshll.u32 v1, $0x7;
	_ =	swait.ge [sflag:s11], $0x4000  }
0x106: {  	v6 =	vor.u32 v21, v1;
	[sflag:s11] =	ssyncset.done $0x0  }
0x107: {  	v2 =	vor.u32 v38, v6;
	[sflag:s11] =	ssyncadd.s32 $0xFFFFC000  }
0x108: {  	_ =	swait.ge [sflag:s12], $0x4000  }
0x109: {  	v4 =	vor.u32 v24, v6;
	[sflag:s12] =	ssyncset.done $0x0;
	v0 =	vld [tilespmem:$0x1FC80]  }
0x10a: {  	v21 =	vld [tilespmem:$0x1FC70];
	[sflag:s12] =	ssyncadd.s32 $0xFFFFC000  }
0x10b: {  	v15 =	vor.u32 v16, v6;
	v8 =	vld [tilespmem:s20+$0x0]  }
0x10c: {  	v10 =	vor.u32 v26, v6;
	v9 =	vld.idx.msk [tilespmem:v2+s3+$0x0], $0xffff  }
0x10d: {  	v1 =	vor.u32 v23, v6;
	v2 =	vld.idx.msk [tilespmem:v2+s2+$0x0], $0xffff  }
0x10e: {  	v11 =	vld.idx.msk [tilespmem:v4+s3+$0x0], $0xffff  }
0x10f: {  	v13 =	vld.idx.msk [tilespmem:v4+s2+$0x0], $0xffff  }
0x110: {  	v12 =	vor.u32 v27, v6;
	v4 =	vld.idx.msk [tilespmem:v15+s3+$0x0], $0xffff  }
0x111: {  	[tilespmem:$0x1FBB0] =	vst v15;
	v15 =	vld.idx.msk [tilespmem:v10+s3+$0x0], $0xffff  }
0x112: {  	v16 =	vor.u32 v29, v6;
	[tilespmem:$0x1FBC0] =	vst v8;
	v8 =	vld.idx.msk [tilespmem:v1+s3+$0x0], $0xffff  }
0x113: {  	v14 =	vor.u32 v28, v6;
	v1 =	vld.idx.msk [tilespmem:v1+s2+$0x0], $0xffff  }
0x114: {  	v10 =	vld.idx.msk [tilespmem:v10+s2+$0x0], $0xffff  }
0x115: {  	v17 =	vld.idx.msk [tilespmem:v12+s3+$0x0], $0xffff  }
0x116: {  	v12 =	vld.idx.msk [tilespmem:v12+s2+$0x0], $0xffff;
	v2 =	vsub.f32 v9, v2;
	v9 =	vsub.f32 v11, v13  }
0x117: {  	v34 =	vld.idx.msk [tilespmem:v16+s3+$0x0], $0xffff;
	v11 =	vor.u32 v30, v6  }
0x118: {  	v2 =	vmul.f32 v2, v2;
	v9 =	vmul.f32 v9, v9;
	v1 =	vsub.f32 v8, v1;
	v8 =	vld.idx.msk [tilespmem:v14+s3+$0x0], $0xffff  }
0x119: {  	v38 =	vmov v60;
	v60 =	vsel vm0, v0, v21;
	v13 =	vor.u32 v19, v6;
	v14 =	vld.idx.msk [tilespmem:v14+s2+$0x0], $0xffff  }
0x11a: {  	v0 =	vld [tilespmem:$0x1FC60];
	v2 =	vadd.f32 v9, v2;
	v9 =	vsub.f32 v15, v10;
	v1 =	vmul.f32 v1, v1  }
0x11b: {  	v10 =	vor.u32 v47, v6;
	v15 =	vld.idx.msk [tilespmem:v16+s2+$0x0], $0xffff  }
0x11c: {  	v16 =	vld.idx.msk [tilespmem:v11+s3+$0x0], $0xffff;
	v1 =	vadd.f32 v1, v2;
	v2 =	vmul.f32 v9, v9;
	v9 =	vsub.f32 v17, v12  }
0x11d: {  	v11 =	vld.idx.msk [tilespmem:v11+s2+$0x0], $0xffff;
	v12 =	vor.u32 v41, v6  }
0x11e: {  	v17 =	vld.idx.msk [tilespmem:v13+s3+$0x0], $0xffff;
	v8 =	vsub.f32 v8, v14;
	v1 =	vadd.f32 v2, v1;
	v2 =	vmul.f32 v9, v9  }
0x11f: {  	v13 =	vld.idx.msk [tilespmem:v13+s2+$0x0], $0xffff;
	v9 =	vor.u32 v42, v6  }
0x120: {  	v14 =	vld.idx.msk [tilespmem:v10+s3+$0x0], $0xffff;
	v1 =	vadd.f32 v2, v1;
	v2 =	vmul.f32 v8, v8;
	v8 =	vsub.f32 v34, v15  }
0x121: {  	v10 =	vld.idx.msk [tilespmem:v10+s2+$0x0], $0xffff;
	v15 =	vor.u32 v43, v6  }
0x122: {  	v34 =	vld.idx.msk [tilespmem:v12+s3+$0x0], $0xffff;
	v1 =	vadd.f32 v2, v1;
	v2 =	vmul.f32 v8, v8;
	v8 =	vsub.f32 v16, v11  }
0x123: {  	v12 =	vld.idx.msk [tilespmem:v12+s2+$0x0], $0xffff;
	v11 =	vor.u32 v44, v6  }
0x124: {  	v16 =	vld.idx.msk [tilespmem:v9+s3+$0x0], $0xffff;
	v1 =	vadd.f32 v2, v1;
	v2 =	vmul.f32 v8, v8;
	v8 =	vsub.f32 v17, v13  }
0x125: {  	v9 =	vld.idx.msk [tilespmem:v9+s2+$0x0], $0xffff;
	v13 =	vor.u32 v45, v6  }
0x126: {  	v17 =	vld.idx.msk [tilespmem:v15+s3+$0x0], $0xffff;
	v1 =	vadd.f32 v2, v1;
	v2 =	vmul.f32 v8, v8;
	v8 =	vsub.f32 v14, v10  }
0x127: {  	v10 =	vor.u32 v46, v6;
	v14 =	vld.idx.msk [tilespmem:v15+s2+$0x0], $0xffff  }
0x128: {  	v15 =	vld.idx.msk [tilespmem:v11+s3+$0x0], $0xffff;
	v1 =	vadd.f32 v2, v1;
	v2 =	vmul.f32 v8, v8;
	v8 =	vsub.f32 v34, v12  }
0x129: {  	v11 =	vld.idx.msk [tilespmem:v11+s2+$0x0], $0xffff;
	v12 =	vor.u32 v63, v6  }
0x12a: {  	v34 =	vld.idx.msk [tilespmem:v13+s3+$0x0], $0xffff;
	v1 =	vadd.f32 v2, v1;
	v2 =	vmul.f32 v8, v8;
	v8 =	vsub.f32 v16, v9  }
0x12b: {  	v13 =	vld.idx.msk [tilespmem:v13+s2+$0x0], $0xffff;
	v9 =	vor.u32 v48, v6  }
0x12c: {  	v16 =	vld.idx.msk [tilespmem:v10+s3+$0x0], $0xffff;
	v1 =	vadd.f32 v2, v1;
	v2 =	vmul.f32 v8, v8;
	v8 =	vsub.f32 v17, v14  }
0x12d: {  	v10 =	vld.idx.msk [tilespmem:v10+s2+$0x0], $0xffff;
	v14 =	vor.u32 v49, v6  }
0x12e: {  	v17 =	vld.idx.msk [tilespmem:v12+s3+$0x0], $0xffff;
	v1 =	vadd.f32 v2, v1;
	v2 =	vmul.f32 v8, v8;
	v8 =	vsub.f32 v15, v11  }
0x12f: {  	v12 =	vld.idx.msk [tilespmem:v12+s2+$0x0], $0xffff;
	v11 =	vor.u32 v51, v6  }
0x130: {  	v15 =	vld.idx.msk [tilespmem:v9+s3+$0x0], $0xffff;
	v1 =	vadd.f32 v2, v1;
	v2 =	vmul.f32 v8, v8;
	v8 =	vsub.f32 v34, v13  }
0x131: {  	v9 =	vld.idx.msk [tilespmem:v9+s2+$0x0], $0xffff;
	v13 =	vor.u32 v53, v6  }
0x132: {  	v34 =	vld.idx.msk [tilespmem:v14+s3+$0x0], $0xffff;
	v1 =	vadd.f32 v2, v1;
	v2 =	vmul.f32 v8, v8;
	v8 =	vsub.f32 v16, v10  }
0x133: {  	v14 =	vld.idx.msk [tilespmem:v14+s2+$0x0], $0xffff;
	v10 =	vor.u32 v54, v6  }
0x134: {  	v16 =	vld.idx.msk [tilespmem:v11+s3+$0x0], $0xffff;
	v1 =	vadd.f32 v2, v1;
	v2 =	vmul.f32 v8, v8;
	v8 =	vsub.f32 v17, v12  }
0x135: {  	v11 =	vld.idx.msk [tilespmem:v11+s2+$0x0], $0xffff;
	v12 =	vor.u32 v55, v6  }
0x136: {  	v17 =	vld.idx.msk [tilespmem:v13+s3+$0x0], $0xffff;
	v1 =	vadd.f32 v2, v1;
	v2 =	vmul.f32 v8, v8;
	v8 =	vsub.f32 v15, v9  }
0x137: {  	v13 =	vld.idx.msk [tilespmem:v13+s2+$0x0], $0xffff;
	v9 =	vor.u32 v56, v6  }
0x138: {  	v15 =	vld.idx.msk [tilespmem:v10+s3+$0x0], $0xffff;
	v1 =	vadd.f32 v2, v1;
	v2 =	vmul.f32 v8, v8;
	v8 =	vsub.f32 v34, v14  }
0x139: {  	v10 =	vld.idx.msk [tilespmem:v10+s2+$0x0], $0xffff;
	v14 =	vor.u32 v57, v6  }
0x13a: {  	v34 =	vld.idx.msk [tilespmem:v12+s3+$0x0], $0xffff;
	v1 =	vadd.f32 v2, v1;
	v2 =	vmul.f32 v8, v8;
	v8 =	vsub.f32 v16, v11  }
0x13b: {  	v12 =	vld.idx.msk [tilespmem:v12+s2+$0x0], $0xffff;
	v11 =	vor.u32 v58, v6  }
0x13c: {  	v16 =	vld.idx.msk [tilespmem:v9+s3+$0x0], $0xffff;
	v1 =	vadd.f32 v2, v1;
	v2 =	vmul.f32 v8, v8;
	v8 =	vsub.f32 v17, v13  }
0x13d: {  	v9 =	vld.idx.msk [tilespmem:v9+s2+$0x0], $0xffff;
	v13 =	vor.u32 v50, v6  }
0x13e: {  	v17 =	vld.idx.msk [tilespmem:v14+s3+$0x0], $0xffff;
	v1 =	vadd.f32 v2, v1;
	v2 =	vmul.f32 v8, v8;
	v8 =	vsub.f32 v15, v10  }
0x13f: {  	v14 =	vld.idx.msk [tilespmem:v14+s2+$0x0], $0xffff;
	v10 =	vor.u32 v39, v6  }
0x140: {  	v15 =	vld.idx.msk [tilespmem:v11+s3+$0x0], $0xffff;
	v1 =	vadd.f32 v2, v1;
	v2 =	vmul.f32 v8, v8;
	v8 =	vsub.f32 v34, v12  }
0x141: {  	v11 =	vld.idx.msk [tilespmem:v11+s2+$0x0], $0xffff;
	v12 =	vor.u32 v59, v6  }
0x142: {  	v34 =	vld.idx.msk [tilespmem:v13+s3+$0x0], $0xffff;
	v1 =	vadd.f32 v2, v1;
	v2 =	vmul.f32 v8, v8;
	v8 =	vsub.f32 v16, v9  }
0x143: {  	v13 =	vld.idx.msk [tilespmem:v13+s2+$0x0], $0xffff;
	v9 =	vor.u32 v25, v6  }
0x144: {  	v16 =	vld.idx.msk [tilespmem:v10+s3+$0x0], $0xffff;
	v1 =	vadd.f32 v2, v1;
	v2 =	vmul.f32 v8, v8;
	v8 =	vsub.f32 v17, v14  }
0x145: {  	v10 =	vld.idx.msk [tilespmem:v10+s2+$0x0], $0xffff;
	v14 =	vor.u32 v18, v6  }
0x146: {  	v17 =	vld.idx.msk [tilespmem:v12+s3+$0x0], $0xffff;
	v1 =	vadd.f32 v2, v1;
	v2 =	vmul.f32 v8, v8;
	v8 =	vsub.f32 v15, v11  }
0x147: {  	v12 =	vld.idx.msk [tilespmem:v12+s2+$0x0], $0xffff;
	v11 =	vor.u32 v33, v6  }
0x148: {  	v15 =	vld.idx.msk [tilespmem:v9+s3+$0x0], $0xffff;
	v1 =	vadd.f32 v2, v1;
	v2 =	vmul.f32 v8, v8;
	v8 =	vsub.f32 v34, v13  }
0x149: {  	v9 =	vld.idx.msk [tilespmem:v9+s2+$0x0], $0xffff;
	v13 =	vor.u32 v31, v6  }
0x14a: {  	v34 =	vld.idx.msk [tilespmem:v14+s3+$0x0], $0xffff;
	v1 =	vadd.f32 v2, v1;
	v2 =	vmul.f32 v8, v8;
	v8 =	vsub.f32 v16, v10  }
0x14b: {  	v14 =	vld.idx.msk [tilespmem:v14+s2+$0x0], $0xffff;
	v10 =	vor.u32 v37, v6  }
0x14c: {  	v16 =	vld.idx.msk [tilespmem:v11+s3+$0x0], $0xffff;
	v1 =	vadd.f32 v2, v1;
	v2 =	vmul.f32 v8, v8;
	v8 =	vsub.f32 v17, v12  }
0x14d: {  	v11 =	vld.idx.msk [tilespmem:v11+s2+$0x0], $0xffff;
	v12 =	vor.u32 v40, v6  }
0x14e: {  	v17 =	vld.idx.msk [tilespmem:v13+s3+$0x0], $0xffff;
	v1 =	vadd.f32 v2, v1;
	v2 =	vmul.f32 v8, v8;
	v8 =	vsub.f32 v15, v9  }
0x14f: {  	v13 =	vld.idx.msk [tilespmem:v13+s2+$0x0], $0xffff;
	v9 =	vor.u32 v38, v6  }
0x150: {  	v15 =	vld.idx.msk [tilespmem:v10+s3+$0x0], $0xffff;
	v1 =	vadd.f32 v2, v1;
	v2 =	vmul.f32 v8, v8  }
0x151: {  	v10 =	vld.idx.msk [tilespmem:v10+s2+$0x0], $0xffff;
	v8 =	vsub.f32 v34, v14;
	v14 =	vor.u32 v52, v6  }
0x152: {  	v34 =	vld.idx.msk [tilespmem:v12+s3+$0x0], $0xffff;
	v1 =	vadd.f32 v2, v1  }
0x153: {  	v12 =	vld.idx.msk [tilespmem:v12+s2+$0x0], $0xffff;
	v2 =	vmul.f32 v8, v8;
	v8 =	vsub.f32 v16, v11;
	v11 =	vor.u32 v35, v6  }
0x154: {  	v16 =	vld.idx.msk [tilespmem:v9+s3+$0x0], $0xffff  }
0x155: {  	v9 =	vld.idx.msk [tilespmem:v9+s2+$0x0], $0xffff;
	v1 =	vadd.f32 v2, v1;
	v2 =	vmul.f32 v8, v8;
	v8 =	vsub.f32 v17, v13  }
0x156: {  	v13 =	vor.u32 v61, v6;
	v17 =	vld.idx.msk [tilespmem:v14+s3+$0x0], $0xffff  }
0x157: {  	v14 =	vld.idx.msk [tilespmem:v14+s2+$0x0], $0xffff;
	v1 =	vadd.f32 v2, v1;
	v2 =	vmul.f32 v8, v8  }
0x158: {  	v5 =	vmov v63;
	v0 =	vcombine.low v0, v60;
	v8 =	vsub.f32 v15, v10;
	v15 =	vld.idx.msk [tilespmem:v11+s3+$0x0], $0xffff  }
0x159: {  	v63 =	vmovc v20;
	v20 =	vmov v60;
	v10 =	vor.u32 v36, v6;
	v11 =	vld.idx.msk [tilespmem:v11+s2+$0x0], $0xffff;
	v1 =	vadd.f32 v2, v1  }
0x15a: {  	v60 =	vmovc v7;
	v2 =	vmul.f32 v8, v8;
	v8 =	vsub.f32 v34, v12;
	v12 =	vor.u32 v7, v6;
	v7 =	vld [tilespmem:$0x1FBE0]  }
0x15b: {  	v34 =	vld.idx.msk [tilespmem:v13+s3+$0x0], $0xffff  }
0x15c: {  	v1 =	vadd.f32 v2, v1;
	v2 =	vmul.f32 v8, v8;
	v8 =	vsub.f32 v16, v9;
	v9 =	vld [tilespmem:$0x1FCE0]  }
0x15d: {  	v13 =	vld.idx.msk [tilespmem:v13+s2+$0x0], $0xffff  }
0x15e: {  	v1 =	vadd.f32 v2, v1;
	v2 =	vmul.f32 v8, v8;
	v8 =	vsub.f32 v17, v14;
	v14 =	vld [tilespmem:$0x1FCF0]  }
0x15f: {  	v16 =	vld.idx.msk [tilespmem:v10+s3+$0x0], $0xffff  }
0x160: {  	v10 =	vld.idx.msk [tilespmem:v10+s2+$0x0], $0xffff;
	v1 =	vadd.f32 v2, v1;
	v2 =	vmul.f32 v8, v8  }
0x161: {  	v8 =	vsub.f32 v15, v11;
	v11 =	vld [tilespmem:$0x1FD00];
	v9 =	vor.u32 v9, v6  }
0x162: {  	v17 =	vld.idx.msk [tilespmem:v12+s3+$0x0], $0xffff;
	v1 =	vadd.f32 v2, v1  }
0x163: {  	v2 =	vmul.f32 v8, v8;
	v8 =	vsub.f32 v34, v13;
	v13 =	vld [tilespmem:$0x1FD10];
	v14 =	vor.u32 v14, v6  }
0x164: {  	v12 =	vld.idx.msk [tilespmem:v12+s2+$0x0], $0xffff  }
0x165: {  	v1 =	vadd.f32 v2, v1;
	v2 =	vmul.f32 v8, v8;
	v8 =	vsub.f32 v16, v10;
	v10 =	vld [tilespmem:$0x1FD20]  }
0x166: {  	v11 =	vor.u32 v11, v6;
	v15 =	vld.idx.msk [tilespmem:v9+s3+$0x0], $0xffff  }
0x167: {  	v9 =	vld.idx.msk [tilespmem:v9+s2+$0x0], $0xffff  }
0x168: {  	v13 =	vor.u32 v13, v6;
	v34 =	vld.idx.msk [tilespmem:v14+s3+$0x0], $0xffff  }
0x169: {  	v1 =	vadd.f32 v2, v1;
	v14 =	vld.idx.msk [tilespmem:v14+s2+$0x0], $0xffff  }
0x16a: {  	v2 =	vmul.f32 v8, v8;
	v8 =	vsub.f32 v17, v12;
	v12 =	vld [tilespmem:$0x1FD30];
	v10 =	vor.u32 v10, v6  }
0x16b: {  	v16 =	vld.idx.msk [tilespmem:v11+s3+$0x0], $0xffff  }
0x16c: {  	v1 =	vadd.f32 v2, v1;
	v2 =	vmul.f32 v8, v8;
	v11 =	vld.idx.msk [tilespmem:v11+s2+$0x0], $0xffff;
	v8 =	vsub.f32 v15, v9  }
0x16d: {  	v17 =	vld.idx.msk [tilespmem:v13+s3+$0x0], $0xffff  }
0x16e: {  	v1 =	vadd.f32 v2, v1;
	v13 =	vld.idx.msk [tilespmem:v13+s2+$0x0], $0xffff;
	v2 =	vmul.f32 v8, v8;
	v8 =	vsub.f32 v34, v14  }
0x16f: {  	v23 =	vmov v40;
	v40 =	vmov v47;
	v12 =	vor.u32 v12, v6;
	v15 =	vld.idx.msk [tilespmem:v10+s3+$0x0], $0xffff  }
0x170: {  	v47 =	vmovc v5;
	v5 =	vmov v32;
	v10 =	vld.idx.msk [tilespmem:v10+s2+$0x0], $0xffff;
	v1 =	vadd.f32 v2, v1;
	v2 =	vmul.f32 v8, v8  }
0x171: {  	v8 =	vsub.f32 v16, v11;
	v11 =	vor.u32 v32, v6;
	v32 =	vmovc v25;
	v25 =	vmovc v38;
	v38 =	vmov v5;
	v5 =	vld [tilespmem:$0x1FBD0];
	_ =	sdelay $0x1  }
0x172: {  	v9 =	vld [tilespmem:$0x1FD40];
	v1 =	vadd.f32 v2, v1;
	v2 =	vmul.f32 v8, v8  }
0x173: {  	v19 =	vld.idx.msk [tilespmem:v12+s3+$0x0], $0xffff;
	v8 =	vsub.f32 v17, v13  }
0x174: {  	v12 =	vld.idx.msk [tilespmem:v12+s2+$0x0], $0xffff;
	v1 =	vadd.f32 v2, v1  }
0x175: {  	v2 =	vmul.f32 v8, v8;
	v8 =	vsub.f32 v15, v10;
	v15 =	vsel vm0, v7, v5;
	v5 =	vld [tilespmem:$0x1FC20];
	_ =	sdelay $0x2  }
0x176: {  	v14 =	vld [tilespmem:$0x1FD50];
	v9 =	vor.u32 v9, v6  }
0x177: {  	v7 =	vld [tilespmem:$0x1FC00];
	v1 =	vadd.f32 v2, v1  }
0x178: {  	v2 =	vmul.f32 v8, v8;
	v8 =	vsub.f32 v19, v12;
	v19 =	vcombine.low v15, v5;
	v5 =	vld [tilespmem:$0x1FBF0];
	_ =	sdelay $0x2  }
0x179: {  	v14 =	vor.u32 v14, v6;
	v16 =	vld.idx.msk [tilespmem:v9+s3+$0x0], $0xffff  }
0x17a: {  	v9 =	vld.idx.msk [tilespmem:v9+s2+$0x0], $0xffff  }
0x17b: {  	v15 =	vsel vm0, v7, v5;
	v5 =	vld [tilespmem:$0x1FC30];
	_ =	sdelay $0x2  }
0x17c: {  	v17 =	vld.idx.msk [tilespmem:v14+s3+$0x0], $0xffff  }
0x17d: {  	v14 =	vld.idx.msk [tilespmem:v14+s2+$0x0], $0xffff;
	v1 =	vadd.f32 v2, v1;
	v2 =	vmul.f32 v8, v8  }
0x17e: {  	v8 =	vsub.f32 v16, v9;
	[tilespmem:$0x1FB80] =	vst v19;
	v9 =	vor.u32 v19, v6;
	v19 =	vcombine.low v15, v5;
	v5 =	vld [tilespmem:$0x1FC50]  }
0x17f: {  	v1 =	vadd.f32 v2, v1;
	v2 =	vld [tilespmem:$0x1FC90]  }
0x180: {  	[tilespmem:$0x1FB70] =	vst v0;
	v10 =	vor.u32 v0, v6;
	v0 =	vld [tilespmem:$0x1FDA0]  }
0x181: {  	v34 =	vmov v18;
	v13 =	vor.u32 v62, v6;
	v18 =	vld.idx.msk [tilespmem:v11+s3+$0x0], $0xffff  }
0x182: {  	v11 =	vld.idx.msk [tilespmem:v11+s2+$0x0], $0xffff  }
0x183: {  	v8 =	vmul.f32 v8, v8;
	v15 =	vsel vm0, v21, v5;
	v5 =	vld [tilespmem:$0x1FC40]  }
0x184: {  	v14 =	vsub.f32 v17, v14;
	v2 =	vcombine.low v15, v2;
	v15 =	vld [tilespmem:$0x1FC10]  }
0x185: {  	v8 =	vadd.f32 v8, v1;
	v1 =	vld [tilespmem:$0x1FCA0]  }
0x186: {  	v7 =	vld.idx.msk [tilespmem:v13+s3+$0x0], $0xffff;
	v14 =	vmul.f32 v14, v14  }
0x187: {  	v13 =	vld.idx.msk [tilespmem:v13+s2+$0x0], $0xffff  }
0x188: {  	v8 =	vadd.f32 v14, v8;
	v14 =	vld.idx.msk [tilespmem:v9+s3+$0x0], $0xffff  }
0x189: {  	v9 =	vld.idx.msk [tilespmem:v9+s2+$0x0], $0xffff;
	v17 =	vor.u32 v19, v6;
	v15 =	vsel vm0, v5, v15  }
0x18a: {  	v11 =	vsub.f32 v18, v11;
	[tilespmem:$0x1FB90] =	vst v2;
	v16 =	vor.u32 v2, v6;
	v2 =	vcombine.low v15, v1;
	v15 =	vld [tilespmem:$0x1FCC0]  }
0x18b: {  	v12 =	vor.u32 v0, v6;
	v0 =	vmov v19;
	v19 =	vld [tilespmem:$0x1FCB0]  }
0x18c: {  	v11 =	vmul.f32 v11, v11;
	v21 =	vld.idx.msk [tilespmem:v10+s3+$0x0], $0xffff  }
0x18d: {  	v10 =	vld.idx.msk [tilespmem:v10+s2+$0x0], $0xffff  }
0x18e: {  	v8 =	vadd.f32 v11, v8;
	v7 =	vsub.f32 v7, v13;
	v11 =	vld.idx.msk [tilespmem:v17+s3+$0x0], $0xffff  }
0x18f: {  	v17 =	vld.idx.msk [tilespmem:v17+s2+$0x0], $0xffff;
	v15 =	vor.u32 v15, v6  }
0x190: {  	v7 =	vmul.f32 v7, v7;
	v5 =	vld.idx.msk [tilespmem:v12+s3+$0x0], $0xffff  }
0x191: {  	v12 =	vld.idx.msk [tilespmem:v12+s2+$0x0], $0xffff;
	v1 =	vmov v2;
	v13 =	vor.u32 v2, v6;
	v2 =	vcombine.low v20, v19  }
0x192: {  	v7 =	vadd.f32 v7, v8;
	v10 =	vsub.f32 v21, v10;
	v8 =	vld.idx.msk [tilespmem:v16+s3+$0x0], $0xffff  }
0x193: {  	v9 =	vsub.f32 v14, v9;
	v16 =	vld.idx.msk [tilespmem:v16+s2+$0x0], $0xffff;
	v14 =	vor.u32 v2, v6  }
0x194: {  	v10 =	vmul.f32 v10, v10;
	[tilespmem:$0x1FBA0] =	vst v2;
	v2 =	vld.idx.msk [tilespmem:v15+s3+$0x0], $0xffff  }
0x195: {  	v15 =	vld.idx.msk [tilespmem:v15+s2+$0x0], $0xffff  }
0x196: {  	v7 =	vadd.f32 v10, v7;
	v5 =	vsub.f32 v5, v12;
	v10 =	vld.idx.msk [tilespmem:v13+s3+$0x0], $0xffff  }
0x197: {  	v13 =	vld.idx.msk [tilespmem:v13+s2+$0x0], $0xffff  }
0x198: {  	v5 =	vmul.f32 v5, v5;
	v18 =	vld.idx.msk [tilespmem:v14+s3+$0x0], $0xffff  }
0x199: {  	v11 =	vsub.f32 v11, v17;
	v19 =	vld.idx.msk [tilespmem:v14+s2+$0x0], $0xffff  }
0x19a: {  	v9 =	vmul.f32 v9, v9;
	v5 =	vadd.f32 v5, v7;
	v14 =	vsub.f32 v2, v15;
	v2 =	vld [tilespmem:$0x1FBB0];
	_ =	sdelay $0x1  }
0x19b: {  	v12 =	vld [tilespmem:$0x1FCD0];
	v8 =	vsub.f32 v8, v16;
	v5 =	vadd.f32 v9, v5;
	v9 =	vmul.f32 v11, v11;
	_ =	sdelay $0x1  }
0x19c: {  	v8 =	vmul.f32 v8, v8;
	v5 =	vadd.f32 v9, v5;
	v9 =	vsub.f32 v10, v13;
	_ =	sdelay $0x1  }
0x19d: {  	s22 =	simm.s32 $0x10;
	v5 =	vadd.f32 v8, v5;
	v8 =	vmul.f32 v9, v9  }
0x19e: {  	v12 =	vor.u32 v12, v6;
	v9 =	vmov s22  }
0x19f: {  	v8 =	vadd.f32 v8, v5;
	v5 =	vshll.u32 v9, $0x7;
	v9 =	vld.idx.msk [tilespmem:v2+s2+$0x0], $0xffff  }
0x1a0: {  	v2 =	vld [tilespmem:$0x1FD90];
	_ =	sdelay $0x2  }
0x1a1: {  	v16 =	vld.idx.msk [tilespmem:v12+s3+$0x0], $0xffff  }
0x1a2: {  	v12 =	vld.idx.msk [tilespmem:v12+s2+$0x0], $0xffff  }
0x1a3: {  	v5 =	vor.u32 v2, v5;
	v2 =	vld [tilespmem:$0x1FBC0]  }
0x1a4: {  	v17 =	vor.u32 v22, v6;
	_ =	sdelay $0x2  }
0x1a5: {  	v13 =	vsub.f32 v16, v12;
	v12 =	vld [tilespmem:$0x1FDD0];
	_ =	sdelay $0x1  }
0x1a6: {  	v11 =	vld.idx.msk [tilespmem:v17+s2+$0x0], $0xffff  }
0x1a7: {  	v10 =	vld.idx.msk [tilespmem:v17+s3+$0x0], $0xffff;
	v14 =	vmul.f32 v14, v14  }
0x1a8: {  	v7 =	vor.u32 v63, v6;
	v15 =	vld.idx.msk [tilespmem:v2+s4+$0x0], $0xffff  }
0x1a9: {  	v17 =	vor.u32 v12, v6;
	v2 =	vmov v12;
	v12 =	vadd.f32 v14, v8;
	v14 =	vld [tilespmem:$0x1FD80];
	_ =	sdelay $0x2  }
0x1aa: {  	v6 =	vlaneseq.u32  }
0x1ab: {  	v63 =	vlaneseq.u32;
	v16 =	vor.u32 v6, v5;
	v6 =	vld.idx.msk [tilespmem:v7+s3+$0x0], $0xffff  }
0x1ac: {  	s21 =	simm.s32 $0x20;
	s16 =	smov.u32 s20;
	v13 =	vmul.f32 v13, v13;
	v7 =	vld.idx.msk [tilespmem:v7+s2+$0x0], $0xffff;
	v8 =	vsub.f32 v18, v19;
	v14 =	vor.u32 v14, v5  }
.LBB2_14:
0x1ad: {  	_ = 	snop  }
0x1ae: {  	v12 =	vadd.f32 v13, v12;
	v13 =	vmul.f32 v8, v8  }
0x1af: {  	v19 =	vld.idx.msk [tilespmem:v17+s3+$0x0], $0xffff  }
0x1b0: {  	v18 =	vor.u32 v24, v5;
	v12 =	vadd.f32 v13, v12;
	v13 =	vld.idx.msk [tilespmem:v16+s3+$0x0], $0xffff  }
0x1b1: {  	v10 =	vsub.f32 v10, v11;
	v11 =	vld.idx.msk [tilespmem:v17+s2+$0x0], $0xffff  }
0x1b2: {  	v17 =	vld.idx.msk [tilespmem:v14+s3+$0x0], $0xffff  }
0x1b3: {  	v4 =	vsub.f32 v4, v9;
	v14 =	vld.idx.msk [tilespmem:v14+s2+$0x0], $0xffff;
	v10 =	vmul.f32 v10, v10  }
0x1b4: {  	(erf) = vrcp.f32 v15;
	v15 =	vor.u32 v26, v5;
	v16 =	vld.idx.msk [tilespmem:v16+s2+$0x0], $0xffff  }
0x1b5: {  	v6 =	vsub.f32 v6, v7;
	v7 =	vld.idx.msk [tilespmem:v18+s3+$0x0], $0xffff;
	v4 =	vmul.f32 v4, v4;
	v10 =	vadd.f32 v10, v12  }
0x1b6: {  	v18 =	vld.idx.msk [tilespmem:v18+s2+$0x0], $0xffff;
	v12 =	vor.u32 v27, v5  }
0x1b7: {  	v6 =	vmul.f32 v6, v6;
	v11 =	vsub.f32 v19, v11;
	v10 =	vadd.f32 v4, v10  }
0x1b8: {  	v19 =	vor.u32 v28, v5;
	v14 =	vsub.f32 v17, v14;
	v17 =	vld [tilespmem:$0x1FD70]  }
0x1b9: {  	v6 =	vadd.f32 v6, v10;
	v10 =	vmul.f32 v11, v11;
	v11 =	vld.idx.msk [tilespmem:v15+s3+$0x0], $0xffff  }
0x1ba: {  	v20 =	vor.u32 v29, v5;
	v13 =	vsub.f32 v13, v16;
	v15 =	vld.idx.msk [tilespmem:v15+s2+$0x0], $0xffff  }
0x1bb: {  	v21 =	vor.u32 v30, v5;
	v7 =	vsub.f32 v7, v18;
	v6 =	vadd.f32 v10, v6;
	v10 =	vld.idx.msk [tilespmem:v12+s3+$0x0], $0xffff  }
0x1bc: {  	v12 =	vld.idx.msk [tilespmem:v12+s2+$0x0], $0xffff  }
0x1bd: {  	v13 =	vmul.f32 v13, v13;
	v7 =	vmul.f32 v7, v7;
	v16 =	vld.idx.msk [tilespmem:v19+s3+$0x0], $0xffff  }
0x1be: {  	v22 =	vpop (erf);
	v17 =	vor.u32 v17, v5;
	v18 =	vld.idx.msk [tilespmem:v19+s2+$0x0], $0xffff  }
0x1bf: {  	v7 =	vadd.f32 v7, v13;
	v13 =	vmul.f32 v14, v14;
	v14 =	vld.idx.msk [tilespmem:v20+s2+$0x0], $0xffff;
	v6 =	vmul.f32 v6, v22  }
0x1c0: {  	v19 =	vor.u32 v40, v5;
	v11 =	vsub.f32 v11, v15;
	v15 =	vld.idx.msk [tilespmem:v21+s3+$0x0], $0xffff  }
0x1c1: {  	v7 =	vadd.f32 v13, v7;
	v3 =	vadd.f32 v6, v3;
	v6 =	vld.idx.msk [tilespmem:v20+s3+$0x0], $0xffff  }
0x1c2: {  	v20 =	vor.u32 v41, v5;
	v11 =	vmul.f32 v11, v11;
	v10 =	vsub.f32 v10, v12;
	v12 =	vld.idx.msk [tilespmem:v21+s2+$0x0], $0xffff  }
0x1c3: {  	v13 =	vld.idx.msk [tilespmem:v17+s3+$0x0], $0xffff;
	v21 =	vor.u32 v42, v5  }
0x1c4: {  	v7 =	vadd.f32 v11, v7;
	v10 =	vmul.f32 v10, v10;
	v11 =	vsub.f32 v16, v18;
	v16 =	vld.idx.msk [tilespmem:v17+s2+$0x0], $0xffff  }
0x1c5: {  	v17 =	vld.idx.msk [tilespmem:v19+s3+$0x0], $0xffff;
	v18 =	vor.u32 v43, v5  }
0x1c6: {  	v7 =	vadd.f32 v10, v7;
	v10 =	vmul.f32 v11, v11;
	v6 =	vsub.f32 v6, v14;
	v11 =	vld.idx.msk [tilespmem:v19+s2+$0x0], $0xffff  }
0x1c7: {  	v14 =	vld.idx.msk [tilespmem:v20+s3+$0x0], $0xffff;
	v19 =	vor.u32 v44, v5  }
0x1c8: {  	v7 =	vadd.f32 v10, v7;
	v6 =	vmul.f32 v6, v6;
	v10 =	vsub.f32 v15, v12;
	v12 =	vld.idx.msk [tilespmem:v20+s2+$0x0], $0xffff  }
0x1c9: {  	v15 =	vld.idx.msk [tilespmem:v21+s3+$0x0], $0xffff;
	v20 =	vor.u32 v45, v5  }
0x1ca: {  	v6 =	vadd.f32 v6, v7;
	v7 =	vmul.f32 v10, v10;
	v10 =	vsub.f32 v13, v16;
	v13 =	vld.idx.msk [tilespmem:v21+s2+$0x0], $0xffff  }
0x1cb: {  	v16 =	vld.idx.msk [tilespmem:v18+s3+$0x0], $0xffff;
	v21 =	vor.u32 v46, v5  }
0x1cc: {  	v6 =	vadd.f32 v7, v6;
	v7 =	vmul.f32 v10, v10;
	v10 =	vsub.f32 v17, v11;
	v11 =	vld.idx.msk [tilespmem:v18+s2+$0x0], $0xffff  }
0x1cd: {  	v17 =	vld.idx.msk [tilespmem:v19+s3+$0x0], $0xffff;
	v18 =	vor.u32 v47, v5  }
0x1ce: {  	v6 =	vadd.f32 v7, v6;
	v7 =	vmul.f32 v10, v10;
	v10 =	vsub.f32 v14, v12;
	v12 =	vld.idx.msk [tilespmem:v19+s2+$0x0], $0xffff  }
0x1cf: {  	v14 =	vld.idx.msk [tilespmem:v20+s3+$0x0], $0xffff;
	v19 =	vor.u32 v48, v5  }
0x1d0: {  	v6 =	vadd.f32 v7, v6;
	v7 =	vmul.f32 v10, v10;
	v10 =	vsub.f32 v15, v13;
	v13 =	vld.idx.msk [tilespmem:v20+s2+$0x0], $0xffff  }
0x1d1: {  	v15 =	vld.idx.msk [tilespmem:v21+s3+$0x0], $0xffff;
	v20 =	vor.u32 v49, v5  }
0x1d2: {  	v6 =	vadd.f32 v7, v6;
	v7 =	vmul.f32 v10, v10;
	v10 =	vsub.f32 v16, v11;
	v11 =	vld.idx.msk [tilespmem:v21+s2+$0x0], $0xffff  }
0x1d3: {  	v16 =	vld.idx.msk [tilespmem:v18+s3+$0x0], $0xffff;
	v21 =	vor.u32 v51, v5  }
0x1d4: {  	v6 =	vadd.f32 v7, v6;
	v7 =	vmul.f32 v10, v10;
	v10 =	vsub.f32 v17, v12;
	v12 =	vld.idx.msk [tilespmem:v18+s2+$0x0], $0xffff  }
0x1d5: {  	v17 =	vld.idx.msk [tilespmem:v19+s3+$0x0], $0xffff;
	v18 =	vor.u32 v53, v5  }
0x1d6: {  	v6 =	vadd.f32 v7, v6;
	v7 =	vmul.f32 v10, v10;
	v10 =	vsub.f32 v14, v13;
	v13 =	vld.idx.msk [tilespmem:v19+s2+$0x0], $0xffff  }
0x1d7: {  	v14 =	vld.idx.msk [tilespmem:v20+s3+$0x0], $0xffff;
	v19 =	vor.u32 v54, v5  }
0x1d8: {  	v6 =	vadd.f32 v7, v6;
	v7 =	vmul.f32 v10, v10;
	v10 =	vsub.f32 v15, v11;
	v11 =	vld.idx.msk [tilespmem:v20+s2+$0x0], $0xffff  }
0x1d9: {  	v15 =	vld.idx.msk [tilespmem:v21+s3+$0x0], $0xffff;
	v20 =	vor.u32 v55, v5  }
0x1da: {  	v6 =	vadd.f32 v7, v6;
	v7 =	vmul.f32 v10, v10;
	v10 =	vsub.f32 v16, v12;
	v12 =	vld.idx.msk [tilespmem:v21+s2+$0x0], $0xffff  }
0x1db: {  	v16 =	vld.idx.msk [tilespmem:v18+s3+$0x0], $0xffff;
	v21 =	vor.u32 v56, v5  }
0x1dc: {  	v6 =	vadd.f32 v7, v6;
	v7 =	vmul.f32 v10, v10;
	v10 =	vsub.f32 v17, v13;
	v13 =	vld.idx.msk [tilespmem:v18+s2+$0x0], $0xffff  }
0x1dd: {  	v17 =	vld.idx.msk [tilespmem:v19+s3+$0x0], $0xffff;
	v18 =	vor.u32 v57, v5  }
0x1de: {  	v6 =	vadd.f32 v7, v6;
	v7 =	vmul.f32 v10, v10;
	v10 =	vsub.f32 v14, v11;
	v11 =	vld.idx.msk [tilespmem:v19+s2+$0x0], $0xffff  }
0x1df: {  	v14 =	vld.idx.msk [tilespmem:v20+s3+$0x0], $0xffff;
	v19 =	vor.u32 v58, v5  }
0x1e0: {  	v6 =	vadd.f32 v7, v6;
	v7 =	vmul.f32 v10, v10;
	v10 =	vsub.f32 v15, v12;
	v12 =	vld.idx.msk [tilespmem:v20+s2+$0x0], $0xffff  }
0x1e1: {  	v15 =	vld.idx.msk [tilespmem:v21+s3+$0x0], $0xffff;
	v20 =	vor.u32 v50, v5  }
0x1e2: {  	v6 =	vadd.f32 v7, v6;
	v7 =	vmul.f32 v10, v10;
	v10 =	vsub.f32 v16, v13;
	v13 =	vld.idx.msk [tilespmem:v21+s2+$0x0], $0xffff  }
0x1e3: {  	v16 =	vld.idx.msk [tilespmem:v18+s3+$0x0], $0xffff;
	v21 =	vor.u32 v39, v5  }
0x1e4: {  	v6 =	vadd.f32 v7, v6;
	v7 =	vmul.f32 v10, v10;
	v10 =	vsub.f32 v17, v11;
	v11 =	vld.idx.msk [tilespmem:v18+s2+$0x0], $0xffff  }
0x1e5: {  	v17 =	vld.idx.msk [tilespmem:v19+s3+$0x0], $0xffff;
	v18 =	vor.u32 v59, v5  }
0x1e6: {  	v6 =	vadd.f32 v7, v6;
	v7 =	vmul.f32 v10, v10;
	v10 =	vsub.f32 v14, v12;
	v12 =	vld.idx.msk [tilespmem:v19+s2+$0x0], $0xffff  }
0x1e7: {  	v14 =	vld.idx.msk [tilespmem:v20+s3+$0x0], $0xffff;
	v19 =	vor.u32 v32, v5  }
0x1e8: {  	v6 =	vadd.f32 v7, v6;
	v7 =	vmul.f32 v10, v10;
	v10 =	vsub.f32 v15, v13;
	v13 =	vld.idx.msk [tilespmem:v20+s2+$0x0], $0xffff  }
0x1e9: {  	v15 =	vld.idx.msk [tilespmem:v21+s3+$0x0], $0xffff;
	v20 =	vor.u32 v34, v5  }
0x1ea: {  	v6 =	vadd.f32 v7, v6;
	v7 =	vmul.f32 v10, v10;
	v10 =	vsub.f32 v16, v11;
	v11 =	vld.idx.msk [tilespmem:v21+s2+$0x0], $0xffff  }
0x1eb: {  	v16 =	vld.idx.msk [tilespmem:v18+s3+$0x0], $0xffff;
	v21 =	vor.u32 v33, v5  }
0x1ec: {  	v6 =	vadd.f32 v7, v6;
	v7 =	vmul.f32 v10, v10;
	v10 =	vsub.f32 v17, v12;
	v12 =	vld.idx.msk [tilespmem:v18+s2+$0x0], $0xffff  }
0x1ed: {  	v17 =	vld.idx.msk [tilespmem:v19+s3+$0x0], $0xffff;
	v18 =	vor.u32 v31, v5  }
0x1ee: {  	v6 =	vadd.f32 v7, v6;
	v7 =	vmul.f32 v10, v10;
	v10 =	vsub.f32 v14, v13;
	v13 =	vld.idx.msk [tilespmem:v19+s2+$0x0], $0xffff  }
0x1ef: {  	v14 =	vld.idx.msk [tilespmem:v20+s3+$0x0], $0xffff;
	v19 =	vor.u32 v37, v5  }
0x1f0: {  	v6 =	vadd.f32 v7, v6;
	v7 =	vmul.f32 v10, v10;
	v10 =	vsub.f32 v15, v11;
	v11 =	vld.idx.msk [tilespmem:v20+s2+$0x0], $0xffff  }
0x1f1: {  	v15 =	vld.idx.msk [tilespmem:v21+s3+$0x0], $0xffff;
	v20 =	vor.u32 v23, v5  }
0x1f2: {  	v6 =	vadd.f32 v7, v6;
	v7 =	vmul.f32 v10, v10;
	v10 =	vsub.f32 v16, v12;
	v12 =	vld.idx.msk [tilespmem:v21+s2+$0x0], $0xffff  }
0x1f3: {  	v16 =	vld.idx.msk [tilespmem:v18+s3+$0x0], $0xffff;
	v21 =	vor.u32 v25, v5  }
0x1f4: {  	v6 =	vadd.f32 v7, v6;
	v7 =	vmul.f32 v10, v10;
	v10 =	vsub.f32 v17, v13;
	v13 =	vld.idx.msk [tilespmem:v18+s2+$0x0], $0xffff  }
0x1f5: {  	v17 =	vld.idx.msk [tilespmem:v19+s3+$0x0], $0xffff;
	v18 =	vor.u32 v52, v5  }
0x1f6: {  	v6 =	vadd.f32 v7, v6;
	v7 =	vmul.f32 v10, v10;
	v10 =	vsub.f32 v14, v11;
	v11 =	vld.idx.msk [tilespmem:v19+s2+$0x0], $0xffff  }
0x1f7: {  	v14 =	vld.idx.msk [tilespmem:v20+s3+$0x0], $0xffff;
	v19 =	vor.u32 v35, v5  }
0x1f8: {  	v6 =	vadd.f32 v7, v6;
	v7 =	vmul.f32 v10, v10;
	v10 =	vsub.f32 v15, v12;
	v12 =	vld.idx.msk [tilespmem:v20+s2+$0x0], $0xffff  }
0x1f9: {  	v15 =	vld.idx.msk [tilespmem:v21+s3+$0x0], $0xffff  }
0x1fa: {  	v6 =	vadd.f32 v7, v6;
	v7 =	vmul.f32 v10, v10;
	v10 =	vsub.f32 v16, v13;
	v13 =	vld.idx.msk [tilespmem:v21+s2+$0x0], $0xffff  }
0x1fb: {  	v20 =	vor.u32 v61, v5;
	v16 =	vld.idx.msk [tilespmem:v18+s3+$0x0], $0xffff  }
0x1fc: {  	v6 =	vadd.f32 v7, v6;
	v7 =	vmul.f32 v10, v10;
	v10 =	vsub.f32 v17, v11;
	v11 =	vld.idx.msk [tilespmem:v18+s2+$0x0], $0xffff  }
0x1fd: {  	v21 =	vor.u32 v36, v5;
	v17 =	vld.idx.msk [tilespmem:v19+s3+$0x0], $0xffff  }
0x1fe: {  	v6 =	vadd.f32 v7, v6;
	v7 =	vmul.f32 v10, v10;
	v10 =	vsub.f32 v14, v12;
	v12 =	vld.idx.msk [tilespmem:v19+s2+$0x0], $0xffff  }
0x1ff: {  	v19 =	vld [tilespmem:$0x1FCE0]  }
0x200: {  	v18 =	vor.u32 v60, v5;
	v14 =	vld.idx.msk [tilespmem:v20+s3+$0x0], $0xffff  }
0x201: {  	v6 =	vadd.f32 v7, v6;
	v7 =	vmul.f32 v10, v10;
	v10 =	vsub.f32 v15, v13;
	v13 =	vld.idx.msk [tilespmem:v20+s2+$0x0], $0xffff  }
0x202: {  	v20 =	vld [tilespmem:$0x1FCF0]  }
0x203: {  	v15 =	vld.idx.msk [tilespmem:v21+s3+$0x0], $0xffff;
	v6 =	vadd.f32 v7, v6  }
0x204: {  	v7 =	vmul.f32 v10, v10;
	v10 =	vsub.f32 v16, v11;
	v11 =	vld.idx.msk [tilespmem:v21+s2+$0x0], $0xffff;
	v19 =	vor.u32 v19, v5  }
0x205: {  	v21 =	vld [tilespmem:$0x1FD00]  }
0x206: {  	v16 =	vld.idx.msk [tilespmem:v18+s3+$0x0], $0xffff;
	v6 =	vadd.f32 v7, v6  }
0x207: {  	v7 =	vmul.f32 v10, v10;
	v10 =	vsub.f32 v17, v12;
	v12 =	vld.idx.msk [tilespmem:v18+s2+$0x0], $0xffff;
	v20 =	vor.u32 v20, v5  }
0x208: {  	v18 =	vld [tilespmem:$0x1FD10]  }
0x209: {  	v6 =	vadd.f32 v7, v6;
	v17 =	vld.idx.msk [tilespmem:v19+s3+$0x0], $0xffff  }
0x20a: {  	v7 =	vmul.f32 v10, v10;
	v10 =	vsub.f32 v14, v13;
	v21 =	vor.u32 v21, v5;
	v13 =	vld.idx.msk [tilespmem:v19+s2+$0x0], $0xffff  }
0x20b: {  	v19 =	vld [tilespmem:$0x1FD20]  }
0x20c: {  	v14 =	vld.idx.msk [tilespmem:v20+s3+$0x0], $0xffff  }
0x20d: {  	v6 =	vadd.f32 v7, v6;
	v7 =	vmul.f32 v10, v10;
	v10 =	vsub.f32 v15, v11;
	v11 =	vld.idx.msk [tilespmem:v20+s2+$0x0], $0xffff  }
0x20e: {  	v18 =	vor.u32 v18, v5;
	v20 =	vld [tilespmem:$0x1FD30]  }
0x20f: {  	v15 =	vld.idx.msk [tilespmem:v21+s3+$0x0], $0xffff  }
0x210: {  	v6 =	vadd.f32 v7, v6;
	v7 =	vmul.f32 v10, v10;
	v10 =	vsub.f32 v16, v12;
	v12 =	vld.idx.msk [tilespmem:v21+s2+$0x0], $0xffff  }
0x211: {  	v21 =	vld [tilespmem:$0x1FD40]  }
0x212: {  	v19 =	vor.u32 v19, v5  }
0x213: {  	v6 =	vadd.f32 v7, v6;
	v16 =	vld.idx.msk [tilespmem:v18+s3+$0x0], $0xffff  }
0x214: {  	v7 =	vmul.f32 v10, v10;
	v10 =	vsub.f32 v17, v13;
	v13 =	vld.idx.msk [tilespmem:v18+s2+$0x0], $0xffff;
	v20 =	vor.u32 v20, v5  }
0x215: {  	v18 =	vld [tilespmem:$0x1FD50]  }
0x216: {  	v9 =	vld [tilespmem:$0x1FD60];
	v21 =	vor.u32 v21, v5  }
0x217: {  	v6 =	vadd.f32 v7, v6;
	v7 =	vmul.f32 v10, v10;
	v17 =	vld.idx.msk [tilespmem:v19+s3+$0x0], $0xffff  }
0x218: {  	v10 =	vsub.f32 v14, v11;
	v11 =	vld.idx.msk [tilespmem:v19+s2+$0x0], $0xffff  }
0x219: {  	v6 =	vadd.f32 v7, v6;
	v19 =	vor.u32 v38, v5;
	v14 =	vld.idx.msk [tilespmem:v20+s3+$0x0], $0xffff  }
0x21a: {  	v7 =	vmul.f32 v10, v10;
	v10 =	vsub.f32 v15, v12;
	v18 =	vor.u32 v18, v5;
	v12 =	vld.idx.msk [tilespmem:v20+s2+$0x0], $0xffff  }
0x21b: {  	v15 =	vld.idx.msk [tilespmem:v21+s3+$0x0], $0xffff  }
0x21c: {  	v6 =	vadd.f32 v7, v6;
	v7 =	vmul.f32 v10, v10;
	v10 =	vsub.f32 v16, v13;
	v13 =	vld.idx.msk [tilespmem:v21+s2+$0x0], $0xffff  }
0x21d: {  	v21 =	vld [tilespmem:$0x1FB70]  }
0x21e: {  	v6 =	vadd.f32 v7, v6;
	v7 =	vmul.f32 v10, v10;
	v10 =	vsub.f32 v17, v11;
	v17 =	vld.idx.msk [tilespmem:v19+s3+$0x0], $0xffff  }
0x21f: {  	v16 =	vld.idx.msk [tilespmem:v18+s3+$0x0], $0xffff  }
0x220: {  	v9 =	vor.u32 v9, v5;
	v11 =	vld.idx.msk [tilespmem:v18+s2+$0x0], $0xffff  }
0x221: {  	v20 =	vor.u32 v62, v5;
	v18 =	vld [tilespmem:$0x1FDA0]  }
0x222: {  	v6 =	vadd.f32 v7, v6;
	v7 =	vmul.f32 v10, v10;
	v10 =	vsub.f32 v14, v12;
	v12 =	vld.idx.msk [tilespmem:v19+s2+$0x0], $0xffff  }
0x223: {  	s16 =	sadd.s32 $0x10, s16;
	v19 =	vld [tilespmem:$0x1FB80];
	v21 =	vor.u32 v21, v5  }
0x224: {  	v8 =	vld [tilespmem:s16+$0x0]  }
0x225: {  	v4 =	vld.idx.msk [tilespmem:v9+s3+$0x0], $0xffff;
	v6 =	vadd.f32 v7, v6;
	v7 =	vmul.f32 v10, v10  }
0x226: {  	v14 =	vld.idx.msk [tilespmem:v20+s3+$0x0], $0xffff;
	v10 =	vsub.f32 v15, v13;
	v18 =	vor.u32 v18, v5  }
0x227: {  	v13 =	vld.idx.msk [tilespmem:v20+s2+$0x0], $0xffff;
	v6 =	vadd.f32 v7, v6  }
0x228: {  	v7 =	vmul.f32 v10, v10;
	v10 =	vsub.f32 v16, v11;
	v19 =	vor.u32 v19, v5;
	v15 =	vld.idx.msk [tilespmem:v21+s3+$0x0], $0xffff  }
0x229: {  	v20 =	vor.u32 v0, v5;
	v11 =	vld.idx.msk [tilespmem:v21+s2+$0x0], $0xffff  }
0x22a: {  	v6 =	vadd.f32 v7, v6;
	v7 =	vmul.f32 v10, v10;
	v10 =	vsub.f32 v17, v12;
	v21 =	vld [tilespmem:$0x1FB90]  }
0x22b: {  	v16 =	vld.idx.msk [tilespmem:v18+s3+$0x0], $0xffff  }
0x22c: {  	v6 =	vadd.f32 v7, v6;
	v7 =	vmul.f32 v10, v10;
	v12 =	vld.idx.msk [tilespmem:v18+s2+$0x0], $0xffff  }
0x22d: {  	v10 =	vsub.f32 v14, v13;
	v17 =	vld.idx.msk [tilespmem:v19+s3+$0x0], $0xffff  }
0x22e: {  	v13 =	vld.idx.msk [tilespmem:v19+s2+$0x0], $0xffff;
	v6 =	vadd.f32 v7, v6  }
0x22f: {  	v14 =	vld.idx.msk [tilespmem:v20+s3+$0x0], $0xffff;
	v7 =	vmul.f32 v10, v10;
	v21 =	vor.u32 v21, v5;
	v10 =	vsub.f32 v15, v11  }
0x230: {  	v19 =	vld [tilespmem:$0x1FCC0]  }
0x231: {  	v11 =	vld.idx.msk [tilespmem:v20+s2+$0x0], $0xffff;
	v6 =	vadd.f32 v7, v6;
	v7 =	vmul.f32 v10, v10;
	v10 =	vsub.f32 v16, v12  }
0x232: {  	v18 =	vor.u32 v1, v5;
	v20 =	vld [tilespmem:$0x1FCD0]  }
0x233: {  	v6 =	vadd.f32 v7, v6;
	v7 =	vmul.f32 v10, v10;
	v10 =	vsub.f32 v17, v13;
	v17 =	vld [tilespmem:$0x1FDC0]  }
0x234: {  	v15 =	vld.idx.msk [tilespmem:v21+s3+$0x0], $0xffff  }
0x235: {  	v12 =	vld.idx.msk [tilespmem:v21+s2+$0x0], $0xffff  }
0x236: {  	v19 =	vor.u32 v19, v5;
	v21 =	vld [tilespmem:$0x1FBA0]  }
0x237: {  	v16 =	vld.idx.msk [tilespmem:v18+s3+$0x0], $0xffff  }
0x238: {  	v13 =	vld.idx.msk [tilespmem:v18+s2+$0x0], $0xffff;
	v20 =	vor.u32 v20, v5;
	v6 =	vadd.f32 v7, v6;
	v7 =	vmul.f32 v10, v10  }
0x239: {  	v10 =	vsub.f32 v14, v11;
	v22 =	vor.u32 v17, v5;
	v17 =	vld [tilespmem:$0x1FDB0]  }
0x23a: {  	v9 =	vld.idx.msk [tilespmem:v9+s2+$0x0], $0xffff;
	v6 =	vadd.f32 v7, v6  }
0x23b: {  	v18 =	vld.idx.msk [tilespmem:v19+s3+$0x0], $0xffff;
	v7 =	vmul.f32 v10, v10;
	v21 =	vor.u32 v21, v5;
	v10 =	vsub.f32 v15, v12  }
0x23c: {  	v11 =	vld.idx.msk [tilespmem:v19+s2+$0x0], $0xffff  }
0x23d: {  	v13 =	vsub.f32 v16, v13;
	v14 =	vld.idx.msk [tilespmem:v20+s3+$0x0], $0xffff;
	v6 =	vadd.f32 v7, v6;
	v7 =	vmul.f32 v10, v10  }
0x23e: {  	v12 =	vld.idx.msk [tilespmem:v20+s2+$0x0], $0xffff;
	v20 =	vor.u32 v17, v5  }
0x23f: {  	v17 =	vor.u32 v2, v5;
	v6 =	vadd.f32 v7, v6;
	v7 =	vmul.f32 v13, v13;
	v5 =	vld [tilespmem:$0x1FD90]  }
0x240: {  	v19 =	vld.idx.msk [tilespmem:v21+s3+$0x0], $0xffff  }
0x241: {  	v7 =	vadd.f32 v7, v6;
	v6 =	vld [tilespmem:$0x1FD80]  }
0x242: {  	p2 =	sne.s32 s21, $0x70;
	v21 =	vld.idx.msk [tilespmem:v21+s2+$0x0], $0xffff  }
.Ltmp5:
0x243: {  	v15 =	vmov s21;
	v10 =	vld.idx.msk [tilespmem:v22+s3+$0x0], $0xffff;
	v13 =	vsub.f32 v18, v11;
	(pc) =	sbr.rel @p2 .LBB2_14-.Ltmp5, $4  }
0x244: {  	v15 =	vshll.u32 v15, $0x7;
	v11 =	vld.idx.msk [tilespmem:v22+s2+$0x0], $0xffff  }
0x245: {  	v5 =	vor.u32 v5, v15;
	v15 =	vld.idx.msk [tilespmem:v8+s4+$0x0], $0xffff;
	v8 =	vmul.f32 v13, v13;
	v13 =	vsub.f32 v14, v12  }
0x246: {  	v16 =	vor.u32 v63, v5;
	v14 =	vor.u32 v6, v5;
	v6 =	vld.idx.msk [tilespmem:v20+s3+$0x0], $0xffff  }
0x247: {  	s21 =	sadd.s32 $0x10, s21;
	v12 =	vadd.f32 v8, v7;
	v13 =	vmul.f32 v13, v13;
	v8 =	vsub.f32 v19, v21;
	v7 =	vld.idx.msk [tilespmem:v20+s2+$0x0], $0xffff  }
0x248: {  	_ =	sdelay $0x3  }
0x249: {  	v18 =	vor.u32 v24, v5;
	v19 =	vld.idx.msk [tilespmem:v17+s3+$0x0], $0xffff  }
0x24a: {  	v17 =	vld.idx.msk [tilespmem:v17+s2+$0x0], $0xffff;
	_ =	sdelay $0x1  }
0x24b: {  	v20 =	vld.idx.msk [tilespmem:v16+s3+$0x0], $0xffff  }
0x24c: {  	v21 =	vld.idx.msk [tilespmem:v16+s2+$0x0], $0xffff  }
0x24d: {  	v16 =	vld.idx.msk [tilespmem:v18+s3+$0x0], $0xffff  }
0x24e: {  	[tilespmem:$0x1F980] =	vst v17;
	v17 =	vor.u32 v26, v5;
	v18 =	vld.idx.msk [tilespmem:v18+s2+$0x0], $0xffff;
	_ =	sdelay $0x3  }
0x24f: {  	v22 =	vld.idx.msk [tilespmem:v14+s3+$0x0], $0xffff;
	[tilespmem:$0x1F100] =	vst v16  }
0x250: {  	v16 =	vor.u32 v27, v5;
	[tilespmem:$0x1F110] =	vst v18;
	v18 =	vld.idx.msk [tilespmem:v17+s3+$0x0], $0xffff  }
0x251: {  	v14 =	vld.idx.msk [tilespmem:v14+s2+$0x0], $0xffff;
	_ =	sdelay $0x3  }
0x252: {  	[tilespmem:$0x1F130] =	vst v18;
	v18 =	vld.idx.msk [tilespmem:v16+s3+$0x0], $0xffff  }
0x253: {  	[tilespmem:$0x1F120] =	vst v14;
	v14 =	vor.u32 v28, v5;
	v16 =	vld.idx.msk [tilespmem:v16+s2+$0x0], $0xffff  }
0x254: {  	v17 =	vld.idx.msk [tilespmem:v17+s2+$0x0], $0xffff;
	_ =	sdelay $0x3  }
0x255: {  	[tilespmem:$0x1F160] =	vst v16;
	v16 =	vld.idx.msk [tilespmem:v14+s3+$0x0], $0xffff  }
0x256: {  	[tilespmem:$0x1F140] =	vst v17;
	v17 =	vor.u32 v29, v5;
	v14 =	vld.idx.msk [tilespmem:v14+s2+$0x0], $0xffff;
	_ =	sdelay $0x4  }
0x257: {  	[tilespmem:$0x1F180] =	vst v14;
	v14 =	vld.idx.msk [tilespmem:v17+s3+$0x0], $0xffff  }
0x258: {  	[tilespmem:$0x1F150] =	vst v18;
	v18 =	vor.u32 v30, v5;
	v17 =	vld.idx.msk [tilespmem:v17+s2+$0x0], $0xffff  }
0x259: {  	[tilespmem:$0x1F170] =	vst v16;
	v16 =	vld [tilespmem:$0x1FD70];
	_ =	sdelay $0x3  }
0x25a: {  	[tilespmem:$0x1F1A0] =	vst v17;
	v17 =	vld.idx.msk [tilespmem:v18+s3+$0x0], $0xffff  }
0x25b: {  	v16 =	vor.u32 v16, v5;
	v18 =	vld.idx.msk [tilespmem:v18+s2+$0x0], $0xffff;
	_ =	sdelay $0x4  }
0x25c: {  	[tilespmem:$0x1F1C0] =	vst v18;
	v18 =	vld.idx.msk [tilespmem:v16+s3+$0x0], $0xffff  }
0x25d: {  	[tilespmem:$0x1F190] =	vst v14;
	v14 =	vor.u32 v40, v5;
	v16 =	vld.idx.msk [tilespmem:v16+s2+$0x0], $0xffff;
	_ =	sdelay $0x4  }
0x25e: {  	[tilespmem:$0x1F1E0] =	vst v16;
	v16 =	vld.idx.msk [tilespmem:v14+s3+$0x0], $0xffff  }
0x25f: {  	[tilespmem:$0x1F1B0] =	vst v17;
	v17 =	vor.u32 v41, v5;
	v14 =	vld.idx.msk [tilespmem:v14+s2+$0x0], $0xffff;
	_ =	sdelay $0x4  }
0x260: {  	[tilespmem:$0x1F200] =	vst v14;
	v14 =	vld.idx.msk [tilespmem:v17+s3+$0x0], $0xffff  }
0x261: {  	[tilespmem:$0x1F1D0] =	vst v18;
	v18 =	vor.u32 v42, v5;
	v17 =	vld.idx.msk [tilespmem:v17+s2+$0x0], $0xffff;
	_ =	sdelay $0x4  }
0x262: {  	[tilespmem:$0x1F220] =	vst v17;
	v17 =	vld.idx.msk [tilespmem:v18+s3+$0x0], $0xffff  }
0x263: {  	[tilespmem:$0x1F1F0] =	vst v16;
	v16 =	vor.u32 v43, v5;
	v18 =	vld.idx.msk [tilespmem:v18+s2+$0x0], $0xffff;
	_ =	sdelay $0x4  }
0x264: {  	[tilespmem:$0x1F240] =	vst v18;
	v18 =	vld.idx.msk [tilespmem:v16+s3+$0x0], $0xffff  }
0x265: {  	[tilespmem:$0x1F210] =	vst v14;
	v14 =	vor.u32 v44, v5;
	v16 =	vld.idx.msk [tilespmem:v16+s2+$0x0], $0xffff;
	_ =	sdelay $0x4  }
0x266: {  	[tilespmem:$0x1F260] =	vst v16;
	v16 =	vld.idx.msk [tilespmem:v14+s3+$0x0], $0xffff  }
0x267: {  	[tilespmem:$0x1F230] =	vst v17;
	v17 =	vor.u32 v45, v5;
	v14 =	vld.idx.msk [tilespmem:v14+s2+$0x0], $0xffff;
	_ =	sdelay $0x4  }
0x268: {  	[tilespmem:$0x1F280] =	vst v14;
	v14 =	vld.idx.msk [tilespmem:v17+s3+$0x0], $0xffff  }
0x269: {  	[tilespmem:$0x1F250] =	vst v18;
	v18 =	vor.u32 v46, v5;
	v17 =	vld.idx.msk [tilespmem:v17+s2+$0x0], $0xffff;
	_ =	sdelay $0x4  }
0x26a: {  	[tilespmem:$0x1F2A0] =	vst v17;
	v17 =	vld.idx.msk [tilespmem:v18+s3+$0x0], $0xffff  }
0x26b: {  	[tilespmem:$0x1F270] =	vst v16;
	v16 =	vor.u32 v47, v5;
	v18 =	vld.idx.msk [tilespmem:v18+s2+$0x0], $0xffff;
	_ =	sdelay $0x4  }
0x26c: {  	[tilespmem:$0x1F2C0] =	vst v18;
	v18 =	vld.idx.msk [tilespmem:v16+s3+$0x0], $0xffff  }
0x26d: {  	[tilespmem:$0x1F290] =	vst v14;
	v14 =	vor.u32 v48, v5;
	v16 =	vld.idx.msk [tilespmem:v16+s2+$0x0], $0xffff;
	_ =	sdelay $0x4  }
0x26e: {  	[tilespmem:$0x1F2E0] =	vst v16;
	v16 =	vld.idx.msk [tilespmem:v14+s3+$0x0], $0xffff  }
0x26f: {  	[tilespmem:$0x1F2B0] =	vst v17;
	v17 =	vor.u32 v49, v5;
	v14 =	vld.idx.msk [tilespmem:v14+s2+$0x0], $0xffff;
	_ =	sdelay $0x4  }
0x270: {  	[tilespmem:$0x1F300] =	vst v14;
	v14 =	vld.idx.msk [tilespmem:v17+s3+$0x0], $0xffff  }
0x271: {  	[tilespmem:$0x1F2D0] =	vst v18;
	v18 =	vor.u32 v51, v5;
	v17 =	vld.idx.msk [tilespmem:v17+s2+$0x0], $0xffff;
	_ =	sdelay $0x4  }
0x272: {  	[tilespmem:$0x1F320] =	vst v17;
	v17 =	vld.idx.msk [tilespmem:v18+s3+$0x0], $0xffff  }
0x273: {  	[tilespmem:$0x1F2F0] =	vst v16;
	v16 =	vor.u32 v53, v5;
	v18 =	vld.idx.msk [tilespmem:v18+s2+$0x0], $0xffff;
	_ =	sdelay $0x4  }
0x274: {  	[tilespmem:$0x1F370] =	vst v18;
	v18 =	vld.idx.msk [tilespmem:v16+s3+$0x0], $0xffff  }
0x275: {  	[tilespmem:$0x1F310] =	vst v14;
	v14 =	vor.u32 v54, v5;
	v16 =	vld.idx.msk [tilespmem:v16+s2+$0x0], $0xffff;
	_ =	sdelay $0x4  }
0x276: {  	[tilespmem:$0x1F3A0] =	vst v16;
	v16 =	vld.idx.msk [tilespmem:v14+s3+$0x0], $0xffff  }
0x277: {  	[tilespmem:$0x1F360] =	vst v17;
	v17 =	vor.u32 v55, v5;
	v14 =	vld.idx.msk [tilespmem:v14+s2+$0x0], $0xffff;
	_ =	sdelay $0x4  }
0x278: {  	[tilespmem:$0x1F3E0] =	vst v14;
	v14 =	vld.idx.msk [tilespmem:v17+s3+$0x0], $0xffff  }
0x279: {  	[tilespmem:$0x1F390] =	vst v18;
	v18 =	vor.u32 v56, v5;
	v17 =	vld.idx.msk [tilespmem:v17+s2+$0x0], $0xffff;
	_ =	sdelay $0x4  }
0x27a: {  	[tilespmem:$0x1F440] =	vst v17;
	v17 =	vld.idx.msk [tilespmem:v18+s3+$0x0], $0xffff  }
0x27b: {  	[tilespmem:$0x1F3D0] =	vst v16;
	v16 =	vor.u32 v57, v5;
	_ =	sdelay $0x3  }
0x27c: {  	[tilespmem:$0x1F470] =	vst v17;
	v17 =	vld.idx.msk [tilespmem:v18+s2+$0x0], $0xffff  }
0x27d: {  	[tilespmem:$0x1F430] =	vst v14;
	v14 =	vor.u32 v58, v5;
	v18 =	vld.idx.msk [tilespmem:v16+s3+$0x0], $0xffff;
	_ =	sdelay $0x3  }
0x27e: {  	v16 =	vld.idx.msk [tilespmem:v16+s2+$0x0], $0xffff;
	[tilespmem:$0x1F480] =	vst v17  }
0x27f: {  	v17 =	vor.u32 v50, v5;
	[tilespmem:$0x1F4B0] =	vst v18;
	v18 =	vld.idx.msk [tilespmem:v14+s3+$0x0], $0xffff;
	_ =	sdelay $0x3  }
0x280: {  	[tilespmem:$0x1F4C0] =	vst v16;
	v14 =	vld.idx.msk [tilespmem:v14+s2+$0x0], $0xffff  }
0x281: {  	v16 =	vor.u32 v39, v5;
	[tilespmem:$0x1F4F0] =	vst v18;
	v18 =	vld.idx.msk [tilespmem:v17+s3+$0x0], $0xffff;
	_ =	sdelay $0x3  }
0x282: {  	[tilespmem:$0x1F500] =	vst v14;
	v17 =	vld.idx.msk [tilespmem:v17+s2+$0x0], $0xffff  }
0x283: {  	v14 =	vor.u32 v59, v5;
	[tilespmem:$0x1F540] =	vst v18;
	v18 =	vld.idx.msk [tilespmem:v16+s3+$0x0], $0xffff;
	_ =	sdelay $0x3  }
0x284: {  	[tilespmem:$0x1F550] =	vst v17;
	v16 =	vld.idx.msk [tilespmem:v16+s2+$0x0], $0xffff  }
0x285: {  	v17 =	vor.u32 v32, v5;
	[tilespmem:$0x1F580] =	vst v18;
	v18 =	vld.idx.msk [tilespmem:v14+s3+$0x0], $0xffff;
	_ =	sdelay $0x3  }
0x286: {  	[tilespmem:$0x1F590] =	vst v16;
	v14 =	vld.idx.msk [tilespmem:v14+s2+$0x0], $0xffff  }
0x287: {  	v16 =	vor.u32 v34, v5;
	[tilespmem:$0x1F5E0] =	vst v18;
	v18 =	vld.idx.msk [tilespmem:v17+s3+$0x0], $0xffff;
	_ =	sdelay $0x3  }
0x288: {  	[tilespmem:$0x1F5F0] =	vst v14;
	v17 =	vld.idx.msk [tilespmem:v17+s2+$0x0], $0xffff  }
0x289: {  	v14 =	vor.u32 v33, v5;
	[tilespmem:$0x1F620] =	vst v18;
	v18 =	vld.idx.msk [tilespmem:v16+s3+$0x0], $0xffff;
	_ =	sdelay $0x3  }
0x28a: {  	[tilespmem:$0x1F630] =	vst v17;
	v16 =	vld.idx.msk [tilespmem:v16+s2+$0x0], $0xffff  }
0x28b: {  	v17 =	vor.u32 v31, v5;
	[tilespmem:$0x1F650] =	vst v18;
	v18 =	vld.idx.msk [tilespmem:v14+s3+$0x0], $0xffff;
	_ =	sdelay $0x3  }
0x28c: {  	[tilespmem:$0x1F660] =	vst v16;
	v14 =	vld.idx.msk [tilespmem:v14+s2+$0x0], $0xffff  }
0x28d: {  	v16 =	vor.u32 v37, v5;
	[tilespmem:$0x1F680] =	vst v18;
	v18 =	vld.idx.msk [tilespmem:v17+s3+$0x0], $0xffff;
	_ =	sdelay $0x3  }
0x28e: {  	[tilespmem:$0x1F690] =	vst v14;
	v17 =	vld.idx.msk [tilespmem:v17+s2+$0x0], $0xffff  }
0x28f: {  	v14 =	vor.u32 v23, v5;
	[tilespmem:$0x1F6B0] =	vst v18;
	v18 =	vld.idx.msk [tilespmem:v16+s3+$0x0], $0xffff;
	_ =	sdelay $0x3  }
0x290: {  	[tilespmem:$0x1F6C0] =	vst v17;
	v16 =	vld.idx.msk [tilespmem:v16+s2+$0x0], $0xffff  }
0x291: {  	v17 =	vor.u32 v25, v5;
	[tilespmem:$0x1F6E0] =	vst v18;
	v18 =	vld.idx.msk [tilespmem:v14+s3+$0x0], $0xffff;
	_ =	sdelay $0x3  }
0x292: {  	[tilespmem:$0x1F6F0] =	vst v16;
	v14 =	vld.idx.msk [tilespmem:v14+s2+$0x0], $0xffff  }
0x293: {  	v16 =	vor.u32 v52, v5;
	[tilespmem:$0x1F710] =	vst v18;
	v18 =	vld.idx.msk [tilespmem:v17+s3+$0x0], $0xffff;
	_ =	sdelay $0x3  }
0x294: {  	[tilespmem:$0x1F720] =	vst v14;
	v17 =	vld.idx.msk [tilespmem:v17+s2+$0x0], $0xffff  }
0x295: {  	v14 =	vor.u32 v35, v5;
	[tilespmem:$0x1F730] =	vst v18;
	v18 =	vld.idx.msk [tilespmem:v16+s3+$0x0], $0xffff;
	_ =	sdelay $0x3  }
0x296: {  	[tilespmem:$0x1F740] =	vst v17;
	v16 =	vld.idx.msk [tilespmem:v16+s2+$0x0], $0xffff  }
0x297: {  	v17 =	vor.u32 v61, v5;
	[tilespmem:$0x1F750] =	vst v18;
	v18 =	vld.idx.msk [tilespmem:v14+s3+$0x0], $0xffff;
	_ =	sdelay $0x3  }
0x298: {  	[tilespmem:$0x1F760] =	vst v16;
	v14 =	vld.idx.msk [tilespmem:v14+s2+$0x0], $0xffff  }
0x299: {  	v16 =	vor.u32 v36, v5;
	[tilespmem:$0x1F780] =	vst v18;
	v18 =	vld.idx.msk [tilespmem:v17+s3+$0x0], $0xffff  }
0x29a: {  	v17 =	vld.idx.msk [tilespmem:v17+s2+$0x0], $0xffff;
	_ =	sdelay $0x2  }
0x29b: {  	[tilespmem:$0x1F790] =	vst v14  }
0x29c: {  	v14 =	vor.u32 v60, v5;
	[tilespmem:$0x1F7A0] =	vst v18;
	v18 =	vld.idx.msk [tilespmem:v16+s3+$0x0], $0xffff  }
0x29d: {  	[tilespmem:$0x1F7B0] =	vst v17;
	v17 =	vld [tilespmem:$0x1FCE0]  }
0x29e: {  	v16 =	vld.idx.msk [tilespmem:v16+s2+$0x0], $0xffff;
	_ =	sdelay $0x2  }
0x29f: {  	[tilespmem:$0x1F7D0] =	vst v18;
	v18 =	vld.idx.msk [tilespmem:v14+s3+$0x0], $0xffff  }
0x2a0: {  	v14 =	vld.idx.msk [tilespmem:v14+s2+$0x0], $0xffff  }
0x2a1: {  	v17 =	vor.u32 v17, v5;
	[tilespmem:$0x1F7E0] =	vst v16;
	v16 =	vld [tilespmem:$0x1FCF0];
	_ =	sdelay $0x3  }
0x2a2: {  	[tilespmem:$0x1F800] =	vst v14;
	v14 =	vld [tilespmem:$0x1FD00]  }
0x2a3: {  	v16 =	vor.u32 v16, v5;
	[tilespmem:$0x1F7F0] =	vst v18;
	v18 =	vld.idx.msk [tilespmem:v17+s3+$0x0], $0xffff;
	_ =	sdelay $0x2  }
0x2a4: {  	v17 =	vld.idx.msk [tilespmem:v17+s2+$0x0], $0xffff;
	_ =	sdelay $0x1  }
0x2a5: {  	v14 =	vor.u32 v14, v5;
	[tilespmem:$0x1F810] =	vst v18;
	v18 =	vld.idx.msk [tilespmem:v16+s3+$0x0], $0xffff;
	_ =	sdelay $0x2  }
0x2a6: {  	[tilespmem:$0x1F820] =	vst v17;
	v17 =	vld [tilespmem:$0x1FD10]  }
0x2a7: {  	v16 =	vld.idx.msk [tilespmem:v16+s2+$0x0], $0xffff  }
0x2a8: {  	[tilespmem:$0x1F830] =	vst v18;
	v18 =	vld.idx.msk [tilespmem:v14+s3+$0x0], $0xffff;
	_ =	sdelay $0x2  }
0x2a9: {  	[tilespmem:$0x1F970] =	vst v19  }
0x2aa: {  	v17 =	vor.u32 v17, v5;
	[tilespmem:$0x1F840] =	vst v16;
	v16 =	vld [tilespmem:$0x1FD20]  }
0x2ab: {  	[tilespmem:$0x1F850] =	vst v18  }
0x2ac: {  	v14 =	vld.idx.msk [tilespmem:v14+s2+$0x0], $0xffff;
	_ =	sdelay $0x2  }
0x2ad: {  	v16 =	vor.u32 v16, v5;
	v18 =	vld.idx.msk [tilespmem:v17+s3+$0x0], $0xffff  }
0x2ae: {  	v17 =	vld.idx.msk [tilespmem:v17+s2+$0x0], $0xffff  }
0x2af: {  	[tilespmem:$0x1F860] =	vst v14;
	v14 =	vld [tilespmem:$0x1FD30];
	_ =	sdelay $0x2  }
0x2b0: {  	[tilespmem:$0x1F870] =	vst v18;
	v18 =	vld.idx.msk [tilespmem:v16+s3+$0x0], $0xffff  }
0x2b1: {  	v16 =	vld.idx.msk [tilespmem:v16+s2+$0x0], $0xffff  }
0x2b2: {  	[tilespmem:$0x1F880] =	vst v17;
	v17 =	vld [tilespmem:$0x1FD40];
	v14 =	vor.u32 v14, v5;
	_ =	sdelay $0x3  }
0x2b3: {  	[tilespmem:$0x1F8A0] =	vst v16;
	v16 =	vld [tilespmem:$0x1FD50]  }
0x2b4: {  	v17 =	vor.u32 v17, v5;
	[tilespmem:$0x1F890] =	vst v18;
	v18 =	vld.idx.msk [tilespmem:v14+s3+$0x0], $0xffff;
	_ =	sdelay $0x3  }
0x2b5: {  	v14 =	vld.idx.msk [tilespmem:v14+s2+$0x0], $0xffff  }
0x2b6: {  	v16 =	vor.u32 v16, v5;
	[tilespmem:$0x1F8B0] =	vst v18;
	v18 =	vld.idx.msk [tilespmem:v17+s3+$0x0], $0xffff;
	_ =	sdelay $0x3  }
0x2b7: {  	[tilespmem:$0x1F8C0] =	vst v14  }
0x2b8: {  	v14 =	vor.u32 v38, v5;
	[tilespmem:$0x1F8D0] =	vst v18;
	v18 =	vld.idx.msk [tilespmem:v16+s3+$0x0], $0xffff  }
0x2b9: {  	v17 =	vld.idx.msk [tilespmem:v17+s2+$0x0], $0xffff  }
0x2ba: {  	v16 =	vld.idx.msk [tilespmem:v16+s2+$0x0], $0xffff;
	_ =	sdelay $0x2  }
0x2bb: {  	[tilespmem:$0x1F8F0] =	vst v18;
	v18 =	vld.idx.msk [tilespmem:v14+s3+$0x0], $0xffff  }
0x2bc: {  	[tilespmem:$0x1F8E0] =	vst v17;
	v14 =	vld.idx.msk [tilespmem:v14+s2+$0x0], $0xffff  }
0x2bd: {  	v17 =	vor.u32 v62, v5;
	[tilespmem:$0x1F900] =	vst v16;
	v16 =	vld [tilespmem:$0x1FB70];
	_ =	sdelay $0x3  }
0x2be: {  	[tilespmem:$0x1F920] =	vst v14;
	v14 =	vld [tilespmem:$0x1FDA0]  }
0x2bf: {  	v16 =	vor.u32 v16, v5;
	[tilespmem:$0x1F910] =	vst v18;
	v18 =	vld.idx.msk [tilespmem:v17+s3+$0x0], $0xffff;
	_ =	sdelay $0x4  }
0x2c0: {  	v14 =	vor.u32 v14, v5;
	[tilespmem:$0x1F930] =	vst v18;
	v18 =	vld.idx.msk [tilespmem:v16+s3+$0x0], $0xffff;
	_ =	sdelay $0x3  }
0x2c1: {  	v17 =	vld.idx.msk [tilespmem:v17+s2+$0x0], $0xffff  }
0x2c2: {  	[tilespmem:$0x1F950] =	vst v18;
	v18 =	vld.idx.msk [tilespmem:v14+s3+$0x0], $0xffff  }
0x2c3: {  	v14 =	vld.idx.msk [tilespmem:v14+s2+$0x0], $0xffff;
	_ =	sdelay $0x3  }
0x2c4: {  	[tilespmem:$0x1F940] =	vst v17;
	v17 =	vld [tilespmem:$0x1FB80]  }
0x2c5: {  	[tilespmem:$0x1F9A0] =	vst v14;
	v14 =	vld [tilespmem:$0x1FB90];
	_ =	sdelay $0x2  }
0x2c6: {  	v16 =	vld.idx.msk [tilespmem:v16+s2+$0x0], $0xffff  }
0x2c7: {  	v17 =	vor.u32 v17, v5  }
0x2c8: {  	v14 =	vor.u32 v14, v5;
	_ =	sdelay $0x2  }
0x2c9: {  	[tilespmem:$0x1F960] =	vst v16  }
0x2ca: {  	v16 =	vor.u32 v0, v5;
	[tilespmem:$0x1F990] =	vst v18;
	v18 =	vld.idx.msk [tilespmem:v17+s3+$0x0], $0xffff  }
0x2cb: {  	v19 =	vld.idx.msk [tilespmem:v14+s3+$0x0], $0xffff  }
0x2cc: {  	v17 =	vld.idx.msk [tilespmem:v17+s2+$0x0], $0xffff;
	_ =	sdelay $0x2  }
0x2cd: {  	[tilespmem:$0x1F9B0] =	vst v18;
	v18 =	vld.idx.msk [tilespmem:v16+s3+$0x0], $0xffff  }
0x2ce: {  	[tilespmem:$0x1F9F0] =	vst v19;
	v19 =	vsub.f32 v20, v21;
	v20 =	vld [tilespmem:$0x1F100]  }
0x2cf: {  	[tilespmem:$0x1F9C0] =	vst v17;
	v17 =	vor.u32 v1, v5;
	v21 =	vld [tilespmem:$0x1F110];
	_ =	sdelay $0x3  }
0x2d0: {  	[tilespmem:$0x1F9D0] =	vst v18;
	v18 =	vld [tilespmem:$0x1FCC0]  }
0x2d1: {  	v20 =	vsub.f32 v20, v21;
	v21 =	vld.idx.msk [tilespmem:v17+s3+$0x0], $0xffff;
	_ =	sdelay $0x3  }
0x2d2: {  	v14 =	vld.idx.msk [tilespmem:v14+s2+$0x0], $0xffff  }
0x2d3: {  	v18 =	vor.u32 v18, v5;
	[tilespmem:$0x1FA10] =	vst v21;
	v21 =	vld [tilespmem:$0x1F120];
	_ =	sdelay $0x3  }
0x2d4: {  	[tilespmem:$0x1FA00] =	vst v14;
	v14 =	vld [tilespmem:$0x1FCD0]  }
0x2d5: {  	v21 =	vsub.f32 v22, v21;
	v22 =	vld.idx.msk [tilespmem:v18+s3+$0x0], $0xffff;
	_ =	sdelay $0x1  }
0x2d6: {  	v19 =	vmul.f32 v19, v19;
	v20 =	vmul.f32 v20, v20;
	_ =	sdelay $0x1  }
0x2d7: {  	v19 =	vadd.f32 v20, v19;
	v20 =	vld [tilespmem:$0x1F130]  }
0x2d8: {  	v14 =	vor.u32 v14, v5;
	[tilespmem:$0x1FA30] =	vst v22;
	v22 =	vld [tilespmem:$0x1F140];
	_ =	sdelay $0x2  }
0x2d9: {  	v17 =	vld.idx.msk [tilespmem:v17+s2+$0x0], $0xffff;
	_ =	sdelay $0x1  }
0x2da: {  	v20 =	vsub.f32 v20, v22;
	v22 =	vld.idx.msk [tilespmem:v14+s3+$0x0], $0xffff;
	_ =	sdelay $0x1  }
0x2db: {  	v21 =	vmul.f32 v21, v21  }
0x2dc: {  	[tilespmem:$0x1FA20] =	vst v17;
	v17 =	vld [tilespmem:$0x1FBA0]  }
0x2dd: {  	v19 =	vadd.f32 v21, v19;
	v21 =	vld [tilespmem:$0x1F150]  }
0x2de: {  	[tilespmem:$0x1FA50] =	vst v22;
	v22 =	vld [tilespmem:$0x1F160]  }
0x2df: {  	v16 =	vld.idx.msk [tilespmem:v16+s2+$0x0], $0xffff  }
0x2e0: {  	v20 =	vmul.f32 v20, v20  }
0x2e1: {  	v18 =	vld.idx.msk [tilespmem:v18+s2+$0x0], $0xffff  }
0x2e2: {  	v19 =	vadd.f32 v20, v19;
	v20 =	vld [tilespmem:$0x1F170]  }
0x2e3: {  	s16 =	sadd.s32 $0x10, s16;
	v17 =	vor.u32 v17, v5;
	v21 =	vsub.f32 v21, v22;
	v22 =	vld [tilespmem:$0x1F180]  }
0x2e4: {  	[tilespmem:$0x1F9E0] =	vst v16;
	v16 =	vld [tilespmem:s16+$0x0];
	_ =	sdelay $0x1  }
0x2e5: {  	[tilespmem:$0x1FA40] =	vst v18;
	v18 =	vld [tilespmem:$0x1FDC0]  }
0x2e6: {  	v14 =	vld.idx.msk [tilespmem:v14+s2+$0x0], $0xffff  }
0x2e7: {  	v20 =	vsub.f32 v20, v22;
	v22 =	vld.idx.msk [tilespmem:v17+s3+$0x0], $0xffff  }
0x2e8: {  	v17 =	vld.idx.msk [tilespmem:v17+s2+$0x0], $0xffff;
	_ =	sdelay $0x2  }
0x2e9: {  	[tilespmem:$0x1FA60] =	vst v14;
	v14 =	vld.idx.msk [tilespmem:v16+s4+$0x0], $0xffff  }
0x2ea: {  	v16 =	vld [tilespmem:$0x1FD60]  }
0x2eb: {  	v18 =	vor.u32 v18, v5;
	v21 =	vmul.f32 v21, v21;
	[tilespmem:$0x1FA80] =	vst v17;
	v17 =	vld [tilespmem:$0x1FDB0];
	_ =	sdelay $0x1  }
0x2ec: {  	v19 =	vadd.f32 v21, v19;
	v21 =	vld [tilespmem:$0x1F190]  }
0x2ed: {  	[tilespmem:$0x1FA70] =	vst v22;
	v22 =	vld [tilespmem:$0x1F1A0]  }
0x2ee: {  	(erf) = vrcp.f32 v15  }
0x2ef: {  	v15 =	vor.u32 v2, v5;
	v16 =	vor.u32 v16, v5;
	v17 =	vor.u32 v17, v5;
	v5 =	vld.idx.msk [tilespmem:v18+s2+$0x0], $0xffff;
	_ =	sdelay $0x1  }
0x2f0: {  	v20 =	vmul.f32 v20, v20  }
0x2f1: {  	v21 =	vsub.f32 v21, v22;
	v22 =	vld.idx.msk [tilespmem:v18+s3+$0x0], $0xffff  }
0x2f2: {  	v18 =	vadd.f32 v20, v19;
	v19 =	vld [tilespmem:$0x1F1C0]  }
0x2f3: {  	[tilespmem:$0x1FAB0] =	vst v5;
	v5 =	vld [tilespmem:$0x1F1B0];
	_ =	sdelay $0x4  }
0x2f4: {  	v19 =	vsub.f32 v5, v19;
	v5 =	vld.idx.msk [tilespmem:v16+s3+$0x0], $0xffff;
	_ =	sdelay $0x4  }
0x2f5: {  	[tilespmem:$0x1FAC0] =	vst v5;
	v5 =	vld.idx.msk [tilespmem:v16+s2+$0x0], $0xffff;
	_ =	sdelay $0x3  }
0x2f6: {  	v16 =	vld [tilespmem:$0x1F1E0]  }
0x2f7: {  	[tilespmem:$0x1FAD0] =	vst v5;
	v5 =	vld [tilespmem:$0x1F1D0];
	_ =	sdelay $0x4  }
0x2f8: {  	v16 =	vsub.f32 v5, v16;
	v5 =	vld.idx.msk [tilespmem:v17+s3+$0x0], $0xffff;
	_ =	sdelay $0x4  }
0x2f9: {  	[tilespmem:$0x1FB00] =	vst v5;
	v5 =	vld.idx.msk [tilespmem:v17+s2+$0x0], $0xffff;
	_ =	sdelay $0x3  }
0x2fa: {  	v17 =	vld [tilespmem:$0x1F200]  }
0x2fb: {  	[tilespmem:$0x1FB10] =	vst v5;
	v5 =	vld [tilespmem:$0x1F1F0];
	_ =	sdelay $0x4  }
0x2fc: {  	v17 =	vsub.f32 v5, v17;
	v5 =	vld.idx.msk [tilespmem:v15+s3+$0x0], $0xffff;
	_ =	sdelay $0x4  }
0x2fd: {  	[tilespmem:$0x1FB20] =	vst v5;
	v5 =	vld.idx.msk [tilespmem:v15+s2+$0x0], $0xffff  }
0x2fe: {  	v20 =	vmul.f32 v21, v21;
	_ =	sdelay $0x1  }
0x2ff: {  	(erf) = vrcp.f32 v14;
	v14 =	vadd.f32 v20, v18;
	v18 =	vmul.f32 v19, v19  }
0x300: {  	v15 =	vld [tilespmem:$0x1F220]  }
0x301: {  	v14 =	vadd.f32 v18, v14;
	v16 =	vmul.f32 v16, v16;
	[tilespmem:$0x1FB30] =	vst v5;
	v5 =	vld [tilespmem:$0x1F210];
	_ =	sdelay $0x1  }
0x302: {  	v14 =	vadd.f32 v16, v14;
	v16 =	vmul.f32 v17, v17;
	_ =	sdelay $0x1  }
0x303: {  	v14 =	vadd.f32 v16, v14;
	v16 =	vld [tilespmem:$0x1F240]  }
0x304: {  	p2 =	seq.s32 s18, $0x3F;
	v15 =	vsub.f32 v5, v15;
	v5 =	vld [tilespmem:$0x1F230]  }
0x305: {  	s21 =	simm.s32 @!p2 $0x80  }
0x306: {  	s22 =	simm.s32 @!p2 $0x12000;
	s16 =	sadd.s32 @!p2 s15, s19;
	s19 =	sadd.s32 @!p2 $0x6100, s19  }
0x307: {  	[tilespmem:s22], [sflag:$0x3] =	stream.indirect.gather @!p2 [hbm4b:s6+s21], $0x80, s19, s21, $0xb8;
	[tilespmem:$0x1C990] =	vst v63  }
0x308: {  	s19 =	simm.s32 $0x0;
	v15 =	vmul.f32 v15, v15  }
0x309: {  	[tilespmem:$0x1FA90] =	vst v0;
	v17 =	vmov s19;
	v16 =	vsub.f32 v5, v16;
	v5 =	vpop (erf)  }
0x30a: {  	v14 =	vadd.f32 v15, v14;
	v15 =	vshll.u32 v17, $0x7;
	v17 =	vld [tilespmem:$0x1F260];
	[tilespmem:$0x1FB40] =	vst v5;
	v5 =	vpop (erf)  }
0x30b: {  	s16 =	sshll.u32 @!p2 s16, $0x4;
	[tilespmem:$0x1FB50] =	vst v5;
	v5 =	vld [tilespmem:$0x1F250]  }
0x30c: {  	[tilespmem:$0x1FAE0] =	vst v1;
	s16 =	sadd.s32 @!p2 s5, s16  }
0x30d: {  	s16 =	sadd.s32 @!p2 $0x1000, s16;
	[tilespmem:$0x1FAA0] =	vst v22;
	s21 =	simm.s32 @!p2 $0x0;
	s22 =	simm.s32 @!p2 $0xA000  }
0x30e: {  	[tilespmem:s22], [sflag:$0x1] =	stream.linear.gather @!p2 [hbm4b:s16+s21], $0x4000, $0x38;
	[tilespmem:$0x1C990] =	vst v63  }
0x30f: {  	_ =	swait.ge [sflag:s0], $0x4000  }
0x310: {  	v17 =	vsub.f32 v5, v17;
	v5 =	vld [tilespmem:$0x1FD90];
	_ =	sdelay $0x2  }
0x311: {  	v16 =	vmul.f32 v16, v16;
	_ =	sdelay $0x1  }
0x312: {  	v63 =	vmovc v28;
	v14 =	vadd.f32 v16, v14;
	v16 =	vld [tilespmem:$0x1F280];
	v28 =	vor.u32 v5, v15;
	v5 =	vlaneseq.u32  }
0x313: {  	v15 =	vor.u32 v5, v28;
	v5 =	vld [tilespmem:$0x1F270]  }
0x314: {  	[sflag:s0] =	ssyncset.done $0x0  }
0x315: {  	[sflag:s0] =	ssyncadd.s32 $0xFFFFC000;
	v17 =	vmul.f32 v17, v17  }
0x316: {  	_ =	swait.ge [sflag:s1], $0x4000  }
0x317: {  	v14 =	vadd.f32 v17, v14;
	v17 =	vld [tilespmem:$0x1F2A0]  }
0x318: {  	v16 =	vsub.f32 v5, v16;
	v5 =	vld [tilespmem:$0x1F290];
	_ =	sdelay $0x4  }
0x319: {  	v17 =	vsub.f32 v5, v17;
	v5 =	vld [tilespmem:$0x1FD80];
	_ =	sdelay $0x1  }
0x31a: {  	v16 =	vmul.f32 v16, v16;
	_ =	sdelay $0x1  }
0x31b: {  	v14 =	vadd.f32 v16, v14;
	v16 =	vld [tilespmem:$0x1F2C0]  }
0x31c: {  	v19 =	vor.u32 v5, v28;
	v5 =	vld [tilespmem:$0x1F2B0];
	_ =	sdelay $0x2  }
0x31d: {  	[sflag:s1] =	ssyncset.done $0x0  }
0x31e: {  	[sflag:s1] =	ssyncadd.s32 $0xFFFFC000  }
0x31f: {  	v16 =	vsub.f32 v5, v16;
	v5 =	vld.idx.msk [tilespmem:v15+s10+$0x0], $0xffff;
	_ =	sdelay $0x4  }
0x320: {  	[tilespmem:$0x1F330] =	vst v5;
	v5 =	vld.idx.msk [tilespmem:v15+s8+$0x0], $0xffff;
	_ =	sdelay $0x3  }
0x321: {  	v15 =	vld [tilespmem:$0x1F2E0]  }
0x322: {  	v18 =	vor.u32 v24, v28;
	[tilespmem:$0x1F340] =	vst v5;
	v5 =	vld [tilespmem:$0x1F2D0];
	_ =	sdelay $0x2  }
0x323: {  	v17 =	vmul.f32 v17, v17;
	_ =	sdelay $0x1  }
0x324: {  	v14 =	vadd.f32 v17, v14;
	v17 =	vsub.f32 v5, v15;
	v5 =	vld.idx.msk [tilespmem:v18+s10+$0x0], $0xffff;
	_ =	sdelay $0x3  }
0x325: {  	v15 =	vld [tilespmem:$0x1F300]  }
0x326: {  	[tilespmem:$0x1F350] =	vst v5;
	v5 =	vld [tilespmem:$0x1F2F0];
	_ =	sdelay $0x2  }
0x327: {  	v16 =	vmul.f32 v16, v16  }
0x328: {  	v22 =	vor.u32 v26, v28  }
0x329: {  	v14 =	vadd.f32 v16, v14;
	v17 =	vmul.f32 v17, v17;
	v16 =	vsub.f32 v5, v15;
	_ =	sdelay $0x1  }
0x32a: {  	v14 =	vadd.f32 v17, v14;
	v16 =	vmul.f32 v16, v16;
	_ =	sdelay $0x1  }
0x32b: {  	v21 =	vadd.f32 v16, v14;
	v14 =	vld.idx.msk [tilespmem:v22+s10+$0x0], $0xffff;
	_ =	sdelay $0x3  }
0x32c: {  	v16 =	vld [tilespmem:$0x1F340]  }
0x32d: {  	[tilespmem:$0x1F3B0] =	vst v14;
	v14 =	vld [tilespmem:$0x1F330];
	_ =	sdelay $0x3  }
0x32e: {  	v20 =	vld.idx.msk [tilespmem:v18+s8+$0x0], $0xffff  }
0x32f: {  	v14 =	vsub.f32 v14, v16;
	v16 =	vld [tilespmem:$0x1F350];
	_ =	sdelay $0x2  }
0x330: {  	v18 =	vld [tilespmem:$0x1F320]  }
0x331: {  	v15 =	vld [tilespmem:$0x1F310]  }
0x332: {  	v20 =	vsub.f32 v16, v20;
	v16 =	vld.idx.msk [tilespmem:v22+s8+$0x0], $0xffff;
	_ =	sdelay $0x2  }
0x333: {  	v5 =	vld.idx.msk [tilespmem:v19+s10+$0x0], $0xffff  }
0x334: {  	v15 =	vsub.f32 v15, v18;
	v18 =	vld [tilespmem:$0x1F370]  }
0x335: {  	[tilespmem:$0x1F3C0] =	vst v16;
	v16 =	vld [tilespmem:$0x1F360];
	_ =	sdelay $0x3  }
0x336: {  	v19 =	vld.idx.msk [tilespmem:v19+s8+$0x0], $0xffff;
	[tilespmem:$0x1F380] =	vst v5  }
0x337: {  	v5 =	vor.u32 v27, v28;
	v16 =	vsub.f32 v16, v18;
	v18 =	vld [tilespmem:$0x1F380];
	_ =	sdelay $0x4  }
0x338: {  	v17 =	vor.u32 v63, v28;
	v19 =	vsub.f32 v18, v19;
	v18 =	vld.idx.msk [tilespmem:v5+s10+$0x0], $0xffff;
	_ =	sdelay $0x4  }
0x339: {  	[tilespmem:$0x1F3F0] =	vst v18;
	v18 =	vld.idx.msk [tilespmem:v17+s10+$0x0], $0xffff;
	_ =	sdelay $0x1  }
0x33a: {  	v15 =	vmul.f32 v15, v15;
	_ =	sdelay $0x1  }
0x33b: {  	v15 =	vadd.f32 v15, v21;
	v21 =	vld [tilespmem:$0x1F3A0]  }
0x33c: {  	[tilespmem:$0x1F410] =	vst v18;
	v18 =	vld [tilespmem:$0x1F390];
	_ =	sdelay $0x2  }
0x33d: {  	v16 =	vmul.f32 v16, v16;
	_ =	sdelay $0x1  }
0x33e: {  	v18 =	vsub.f32 v18, v21;
	v21 =	vadd.f32 v16, v15;
	v15 =	vld [tilespmem:$0x1F3B0]  }
0x33f: {  	v16 =	vld [tilespmem:$0x1F3C0];
	_ =	sdelay $0x4  }
0x340: {  	v22 =	vor.u32 v29, v28;
	v16 =	vsub.f32 v15, v16;
	v15 =	vld [tilespmem:$0x1FD70];
	_ =	sdelay $0x2  }
0x341: {  	v14 =	vmul.f32 v14, v14;
	v20 =	vmul.f32 v20, v20  }
0x342: {  	v17 =	vld.idx.msk [tilespmem:v17+s8+$0x0], $0xffff  }
0x343: {  	v14 =	vadd.f32 v20, v14;
	v20 =	vor.u32 v15, v28;
	v15 =	vld.idx.msk [tilespmem:v22+s10+$0x0], $0xffff;
	_ =	sdelay $0x3  }
0x344: {  	[tilespmem:$0x1F420] =	vst v17;
	v17 =	vld [tilespmem:$0x1F3E0]  }
0x345: {  	[tilespmem:$0x1F450] =	vst v15;
	v15 =	vld [tilespmem:$0x1F3D0];
	_ =	sdelay $0x2  }
0x346: {  	v5 =	vld.idx.msk [tilespmem:v5+s8+$0x0], $0xffff;
	v19 =	vmul.f32 v19, v19;
	_ =	sdelay $0x1  }
0x347: {  	v15 =	vsub.f32 v15, v17;
	v17 =	vadd.f32 v19, v14;
	v14 =	vld.idx.msk [tilespmem:v22+s8+$0x0], $0xffff;
	_ =	sdelay $0x2  }
0x348: {  	[tilespmem:$0x1F400] =	vst v5  }
0x349: {  	v19 =	vld [tilespmem:$0x1F400]  }
0x34a: {  	v5 =	vor.u32 v30, v28;
	[tilespmem:$0x1F460] =	vst v14;
	v14 =	vld [tilespmem:$0x1F3F0];
	_ =	sdelay $0x4  }
0x34b: {  	v22 =	vsub.f32 v14, v19;
	v19 =	vld.idx.msk [tilespmem:v5+s10+$0x0], $0xffff  }
0x34c: {  	v5 =	vld.idx.msk [tilespmem:v5+s8+$0x0], $0xffff;
	_ =	sdelay $0x1  }
0x34d: {  	v16 =	vmul.f32 v16, v16;
	_ =	sdelay $0x1  }
0x34e: {  	v16 =	vadd.f32 v16, v17;
	v17 =	vld [tilespmem:$0x1F420]  }
0x34f: {  	[tilespmem:$0x1F4A0] =	vst v5;
	v5 =	vld [tilespmem:$0x1F410];
	_ =	sdelay $0x1  }
0x350: {  	v18 =	vmul.f32 v18, v18;
	_ =	sdelay $0x1  }
0x351: {  	v18 =	vadd.f32 v18, v21;
	v21 =	vmul.f32 v22, v22;
	v22 =	vld [tilespmem:$0x1F440]  }
0x352: {  	v17 =	vsub.f32 v5, v17;
	v5 =	vld [tilespmem:$0x1F430];
	_ =	sdelay $0x4  }
0x353: {  	v22 =	vsub.f32 v5, v22;
	v5 =	vld [tilespmem:$0x1FF20];
	_ =	sdelay $0x2  }
0x354: {  	v15 =	vmul.f32 v15, v15;
	_ =	sdelay $0x1  }
0x355: {  	v15 =	vadd.f32 v15, v18;
	v18 =	vor.u32 v5, v28;
	v5 =	vld.idx.msk [tilespmem:v20+s10+$0x0], $0xffff;
	_ =	sdelay $0x3  }
0x356: {  	[tilespmem:$0x1F490] =	vst v19;
	v19 =	vld [tilespmem:$0x1F460]  }
0x357: {  	[tilespmem:$0x1F4D0] =	vst v5;
	v5 =	vld [tilespmem:$0x1F450];
	_ =	sdelay $0x3  }
0x358: {  	v14 =	vld [tilespmem:$0x1FF00]  }
0x359: {  	v19 =	vsub.f32 v5, v19;
	v5 =	vld.idx.msk [tilespmem:v20+s8+$0x0], $0xffff;
	_ =	sdelay $0x3  }
0x35a: {  	v20 =	vld [tilespmem:$0x1F480]  }
0x35b: {  	v14 =	vor.u32 v14, v28;
	[tilespmem:$0x1F4E0] =	vst v5;
	v5 =	vld [tilespmem:$0x1F470];
	_ =	sdelay $0x4  }
0x35c: {  	v16 =	vadd.f32 v21, v16;
	v21 =	vsub.f32 v5, v20;
	v20 =	vld.idx.msk [tilespmem:v14+s10+$0x0], $0xffff  }
0x35d: {  	v14 =	vld.idx.msk [tilespmem:v14+s8+$0x0], $0xffff;
	_ =	sdelay $0x1  }
0x35e: {  	v17 =	vmul.f32 v17, v17;
	_ =	sdelay $0x1  }
0x35f: {  	v16 =	vadd.f32 v17, v16;
	v17 =	vld [tilespmem:$0x1F490]  }
0x360: {  	[tilespmem:$0x1F520] =	vst v14;
	v14 =	vld [tilespmem:$0x1FF50]  }
0x361: {  	[tilespmem:$0x1F510] =	vst v20;
	v20 =	vld [tilespmem:$0x1F4A0];
	_ =	sdelay $0x1  }
0x362: {  	v22 =	vmul.f32 v22, v22;
	_ =	sdelay $0x1  }
0x363: {  	v15 =	vadd.f32 v22, v15;
	v22 =	vor.u32 v14, v28;
	v14 =	vld [tilespmem:$0x1F4B0]  }
0x364: {  	v17 =	vsub.f32 v17, v20;
	v20 =	vld [tilespmem:$0x1F4C0];
	_ =	sdelay $0x4  }
0x365: {  	v20 =	vsub.f32 v14, v20;
	v14 =	vld.idx.msk [tilespmem:v18+s10+$0x0], $0xffff  }
0x366: {  	v5 =	vld [tilespmem:$0x1FF30];
	_ =	sdelay $0x1  }
0x367: {  	v21 =	vmul.f32 v21, v21;
	_ =	sdelay $0x1  }
0x368: {  	[tilespmem:$0x1F560] =	vst v14;
	v14 =	vadd.f32 v21, v15  }
0x369: {  	v5 =	vor.u32 v5, v28;
	v15 =	vld [tilespmem:$0x1F4E0]  }
0x36a: {  	v19 =	vmul.f32 v19, v19;
	[tilespmem:$0x1F530] =	vst v14;
	v14 =	vld [tilespmem:$0x1F4D0];
	_ =	sdelay $0x1  }
0x36b: {  	v16 =	vadd.f32 v19, v16;
	v17 =	vmul.f32 v17, v17;
	_ =	sdelay $0x1  }
0x36c: {  	v19 =	vadd.f32 v17, v16;
	v16 =	vld.idx.msk [tilespmem:v5+s10+$0x0], $0xffff  }
0x36d: {  	v21 =	vsub.f32 v14, v15;
	v14 =	vld.idx.msk [tilespmem:v18+s8+$0x0], $0xffff  }
0x36e: {  	v15 =	vld [tilespmem:$0x1F4F0]  }
0x36f: {  	v18 =	vld [tilespmem:$0x1F500];
	_ =	sdelay $0x3  }
0x370: {  	[tilespmem:$0x1F5A0] =	vst v16;
	v16 =	vld [tilespmem:$0x1F510]  }
0x371: {  	v15 =	vsub.f32 v15, v18;
	v18 =	vld [tilespmem:$0x1F520];
	_ =	sdelay $0x4  }
0x372: {  	v16 =	vsub.f32 v16, v18;
	v18 =	vld [tilespmem:$0x1F530];
	_ =	sdelay $0x2  }
0x373: {  	v17 =	vmul.f32 v20, v20;
	_ =	sdelay $0x1  }
0x374: {  	v17 =	vadd.f32 v17, v18;
	v18 =	vld.idx.msk [tilespmem:v22+s10+$0x0], $0xffff;
	_ =	sdelay $0x3  }
0x375: {  	v20 =	vld [tilespmem:$0x1F550]  }
0x376: {  	[tilespmem:$0x1F5C0] =	vst v18;
	v18 =	vld [tilespmem:$0x1F540];
	_ =	sdelay $0x4  }
0x377: {  	v18 =	vsub.f32 v18, v20;
	v20 =	vld.idx.msk [tilespmem:v22+s8+$0x0], $0xffff;
	_ =	sdelay $0x2  }
0x378: {  	v15 =	vmul.f32 v15, v15  }
0x379: {  	[tilespmem:$0x1F570] =	vst v14;
	v14 =	vld [tilespmem:$0x1FF70]  }
0x37a: {  	[tilespmem:$0x1F5D0] =	vst v20;
	v20 =	vadd.f32 v15, v17;
	v15 =	vld [tilespmem:$0x1F560]  }
0x37b: {  	v17 =	vld [tilespmem:$0x1F570]  }
0x37c: {  	v5 =	vld.idx.msk [tilespmem:v5+s8+$0x0], $0xffff;
	_ =	sdelay $0x3  }
0x37d: {  	v14 =	vor.u32 v14, v28;
	v17 =	vsub.f32 v15, v17;
	v15 =	vld [tilespmem:$0x1FFC0]  }
0x37e: {  	[tilespmem:$0x1F5B0] =	vst v5;
	v5 =	vld [tilespmem:$0x1FF90];
	_ =	sdelay $0x3  }
0x37f: {  	v22 =	vor.u32 v15, v28;
	v15 =	vld.idx.msk [tilespmem:v14+s10+$0x0], $0xffff  }
0x380: {  	v5 =	vor.u32 v5, v28  }
0x381: {  	v21 =	vmul.f32 v21, v21  }
0x382: {  	v14 =	vld.idx.msk [tilespmem:v14+s8+$0x0], $0xffff  }
0x383: {  	v12 =	vadd.f32 v13, v12;
	v19 =	vadd.f32 v21, v19;
	v21 =	vld [tilespmem:$0x1F590]  }
0x384: {  	v16 =	vmul.f32 v16, v16;
	[tilespmem:$0x1F600] =	vst v15;
	v15 =	vld [tilespmem:$0x1F580]  }
0x385: {  	[tilespmem:$0x1F770] =	vst v12;
	v12 =	vld.idx.msk [tilespmem:v5+s8+$0x0], $0xffff  }
0x386: {  	v16 =	vadd.f32 v16, v19;
	v19 =	vld [tilespmem:$0x1F5B0];
	v17 =	vmul.f32 v17, v17  }
0x387: {  	[tilespmem:$0x1F610] =	vst v14;
	v14 =	vld [tilespmem:$0x1F5A0]  }
0x388: {  	v16 =	vadd.f32 v17, v16;
	v17 =	vld [tilespmem:$0x1F5D0]  }
0x389: {  	v15 =	vsub.f32 v15, v21;
	v21 =	vld.idx.msk [tilespmem:v5+s10+$0x0], $0xffff  }
0x38a: {  	v5 =	vld [tilespmem:$0x1F5C0];
	_ =	sdelay $0x1  }
0x38b: {  	v18 =	vmul.f32 v18, v18;
	v19 =	vsub.f32 v14, v19;
	_ =	sdelay $0x1  }
0x38c: {  	v13 =	vadd.f32 v18, v20;
	v18 =	vmul.f32 v19, v19;
	v19 =	vld [tilespmem:$0x1F5F0]  }
0x38d: {  	v17 =	vsub.f32 v5, v17;
	v5 =	vld [tilespmem:$0x1F5E0];
	_ =	sdelay $0x4  }
0x38e: {  	v19 =	vsub.f32 v5, v19;
	v5 =	vld [tilespmem:$0x1FFE0];
	_ =	sdelay $0x2  }
0x38f: {  	v15 =	vmul.f32 v15, v15;
	_ =	sdelay $0x1  }
0x390: {  	v13 =	vadd.f32 v15, v13;
	v15 =	vor.u32 v5, v28;
	v5 =	vld.idx.msk [tilespmem:v22+s10+$0x0], $0xffff;
	_ =	sdelay $0x2  }
0x391: {  	v14 =	vld [tilespmem:$0x1FFF0]  }
0x392: {  	v16 =	vadd.f32 v18, v16;
	v18 =	vld [tilespmem:$0x1F610]  }
0x393: {  	[tilespmem:$0x1F670] =	vst v5;
	v5 =	vld [tilespmem:$0x1F600];
	_ =	sdelay $0x3  }
0x394: {  	v20 =	vld [tilespmem:$0x1F630]  }
0x395: {  	v14 =	vor.u32 v14, v28;
	v18 =	vsub.f32 v5, v18;
	v5 =	vld [tilespmem:$0x1F620];
	_ =	sdelay $0x3  }
0x396: {  	[tilespmem:$0x1F640] =	vst v21;
	v21 =	vld.idx.msk [tilespmem:v22+s8+$0x0], $0xffff  }
0x397: {  	v22 =	vsub.f32 v5, v20;
	v20 =	vld.idx.msk [tilespmem:v14+s10+$0x0], $0xffff;
	_ =	sdelay $0x1  }
0x398: {  	v17 =	vmul.f32 v17, v17;
	_ =	sdelay $0x1  }
0x399: {  	v16 =	vadd.f32 v17, v16;
	v17 =	vld [tilespmem:$0x1F640]  }
0x39a: {  	[tilespmem:$0x1F6A0] =	vst v20;
	v20 =	vld.idx.msk [tilespmem:v14+s8+$0x0], $0xffff  }
0x39b: {  	v14 =	vld [tilespmem:$0x1FFB0];
	_ =	sdelay $0x2  }
0x39c: {  	v19 =	vmul.f32 v19, v19  }
0x39d: {  	v12 =	vsub.f32 v17, v12;
	v17 =	vmul.f32 v18, v18;
	v18 =	vmul.f32 v22, v22;
	v22 =	vld [tilespmem:$0x1F660]  }
0x39e: {  	v13 =	vadd.f32 v19, v13;
	v19 =	vor.u32 v14, v28;
	v14 =	vld [tilespmem:$0x1F650];
	_ =	sdelay $0x4  }
0x39f: {  	v22 =	vsub.f32 v14, v22;
	v14 =	vld.idx.msk [tilespmem:v15+s10+$0x0], $0xffff;
	_ =	sdelay $0x4  }
0x3a0: {  	[tilespmem:$0x1F6D0] =	vst v14;
	v14 =	vadd.f32 v18, v13;
	v13 =	vld [tilespmem:$0x1F670];
	_ =	sdelay $0x3  }
0x3a1: {  	v10 =	vsub.f32 v10, v11  }
0x3a2: {  	v18 =	vsub.f32 v13, v21;
	v13 =	vld [tilespmem:$0x1FFA0]  }
0x3a3: {  	[tilespmem:$0x1F7C0] =	vst v10;
	v10 =	vld.idx.msk [tilespmem:v19+s10+$0x0], $0xffff;
	_ =	sdelay $0x1  }
0x3a4: {  	v12 =	vmul.f32 v12, v12;
	v16 =	vadd.f32 v17, v16;
	v17 =	vld [tilespmem:$0x1F690]  }
0x3a5: {  	v5 =	vld [tilespmem:$0x1FFD0]  }
0x3a6: {  	v12 =	vadd.f32 v12, v16;
	v16 =	vmul.f32 v22, v22;
	v21 =	vor.u32 v13, v28;
	v13 =	vld [tilespmem:$0x1F680]  }
0x3a7: {  	[tilespmem:$0x1F700] =	vst v10;
	v10 =	vld [tilespmem:$0x1F6B0]  }
0x3a8: {  	v11 =	vadd.f32 v16, v14;
	v14 =	vld [tilespmem:$0x1F6C0];
	_ =	sdelay $0x2  }
0x3a9: {  	v13 =	vsub.f32 v13, v17;
	v17 =	vld [tilespmem:$0x1F6A0]  }
0x3aa: {  	v5 =	vor.u32 v5, v28;
	v15 =	vld.idx.msk [tilespmem:v15+s8+$0x0], $0xffff  }
0x3ab: {  	v16 =	vsub.f32 v10, v14;
	v10 =	vld [tilespmem:$0x1F6D0];
	_ =	sdelay $0x1  }
0x3ac: {  	v18 =	vmul.f32 v18, v18  }
0x3ad: {  	v13 =	vmul.f32 v13, v13;
	v20 =	vsub.f32 v17, v20  }
0x3ae: {  	v22 =	vld.idx.msk [tilespmem:v5+s10+$0x0], $0xffff;
	v12 =	vadd.f32 v18, v12  }
0x3af: {  	v18 =	vld.idx.msk [tilespmem:v19+s8+$0x0], $0xffff;
	v11 =	vadd.f32 v13, v11;
	v13 =	vsub.f32 v10, v15;
	v19 =	vmul.f32 v20, v20  }
0x3b0: {  	v17 =	vld.idx.msk [tilespmem:v5+s8+$0x0], $0xffff  }
0x3b1: {  	v16 =	vmul.f32 v16, v16;
	v10 =	vld [tilespmem:$0x1FF60];
	v13 =	vmul.f32 v13, v13;
	v12 =	vadd.f32 v19, v12  }
0x3b2: {  	v4 =	vsub.f32 v4, v9;
	v14 =	vld [tilespmem:$0x1F6F0]  }
0x3b3: {  	v9 =	vadd.f32 v16, v11;
	v11 =	vadd.f32 v13, v12;
	v12 =	vld [tilespmem:$0x1F700]  }
0x3b4: {  	v5 =	vld [tilespmem:$0x1FF80]  }
0x3b5: {  	v20 =	vld.idx.msk [tilespmem:v21+s10+$0x0], $0xffff;
	v17 =	vsub.f32 v22, v17  }
0x3b6: {  	v15 =	vor.u32 v10, v28;
	v10 =	vld [tilespmem:$0x1F6E0]  }
0x3b7: {  	v13 =	vmul.f32 v17, v17;
	v17 =	vld [tilespmem:$0x1F730]  }
0x3b8: {  	v12 =	vsub.f32 v12, v18;
	v18 =	vld [tilespmem:$0x1F740]  }
0x3b9: {  	v19 =	vld.idx.msk [tilespmem:v21+s8+$0x0], $0xffff  }
0x3ba: {  	v21 =	vld [tilespmem:$0x1FF40];
	v5 =	vor.u32 v5, v28  }
0x3bb: {  	v16 =	vld [tilespmem:$0x1F720]  }
0x3bc: {  	v10 =	vsub.f32 v10, v14;
	v14 =	vld [tilespmem:$0x1F710]  }
0x3bd: {  	v17 =	vsub.f32 v17, v18;
	v18 =	vld [tilespmem:$0x1FEF0]  }
0x3be: {  	v11 =	vadd.f32 v13, v11;
	v13 =	vsub.f32 v20, v19;
	v20 =	vld [tilespmem:$0x1F760]  }
0x3bf: {  	v21 =	vor.u32 v21, v28;
	v22 =	vld.idx.msk [tilespmem:v5+s10+$0x0], $0xffff  }
0x3c0: {  	v5 =	vld.idx.msk [tilespmem:v5+s8+$0x0], $0xffff  }
0x3c1: {  	v10 =	vmul.f32 v10, v10;
	v14 =	vsub.f32 v14, v16;
	v16 =	vld.idx.msk [tilespmem:v15+s10+$0x0], $0xffff  }
0x3c2: {  	v15 =	vld.idx.msk [tilespmem:v15+s8+$0x0], $0xffff;
	v18 =	vor.u32 v18, v28  }
0x3c3: {  	v9 =	vadd.f32 v10, v9;
	v10 =	vld [tilespmem:$0x1FF10];
	v12 =	vmul.f32 v12, v12  }
0x3c4: {  	v19 =	vld.idx.msk [tilespmem:v21+s10+$0x0], $0xffff;
	v14 =	vmul.f32 v14, v14  }
0x3c5: {  	v11 =	vadd.f32 v12, v11;
	v12 =	vld.idx.msk [tilespmem:v21+s8+$0x0], $0xffff  }
0x3c6: {  	v21 =	vld [tilespmem:$0x1F7B0];
	v9 =	vadd.f32 v14, v9;
	v17 =	vmul.f32 v17, v17  }
0x3c7: {  	v15 =	vsub.f32 v16, v15;
	v16 =	vld.idx.msk [tilespmem:v18+s10+$0x0], $0xffff  }
0x3c8: {  	v13 =	vmul.f32 v13, v13;
	v5 =	vsub.f32 v22, v5;
	v9 =	vadd.f32 v17, v9;
	v17 =	vld.idx.msk [tilespmem:v18+s8+$0x0], $0xffff  }
0x3c9: {  	v18 =	vld [tilespmem:$0x1F770]  }
0x3ca: {  	v11 =	vadd.f32 v13, v11;
	v5 =	vmul.f32 v5, v5;
	v10 =	vor.u32 v10, v28;
	v14 =	vld [tilespmem:$0x1F750]  }
0x3cb: {  	v13 =	vld [tilespmem:$0x1FEE0]  }
0x3cc: {  	v8 =	vmul.f32 v8, v8;
	v5 =	vadd.f32 v5, v11;
	v11 =	vld [tilespmem:$0x1FED0]  }
0x3cd: {  	v12 =	vsub.f32 v19, v12;
	v19 =	vld [tilespmem:$0x1F790]  }
0x3ce: {  	v15 =	vmul.f32 v15, v15;
	v8 =	vadd.f32 v8, v18;
	v18 =	vld [tilespmem:$0x1F780]  }
0x3cf: {  	v14 =	vsub.f32 v14, v20;
	v20 =	vld.idx.msk [tilespmem:v10+s10+$0x0], $0xffff  }
0x3d0: {  	v13 =	vor.u32 v13, v28;
	v12 =	vmul.f32 v12, v12;
	v10 =	vld.idx.msk [tilespmem:v10+s8+$0x0], $0xffff;
	v5 =	vadd.f32 v15, v5  }
0x3d1: {  	v15 =	vld [tilespmem:$0x1F7A0]  }
0x3d2: {  	v5 =	vadd.f32 v12, v5;
	v12 =	vld [tilespmem:$0x1F7C0]  }
0x3d3: {  	v14 =	vmul.f32 v14, v14;
	v18 =	vsub.f32 v18, v19;
	v19 =	vld [tilespmem:$0x1FEC0]  }
0x3d4: {  	v22 =	vld [tilespmem:$0x1F7E0]  }
0x3d5: {  	v11 =	vor.u32 v11, v28;
	v9 =	vadd.f32 v14, v9;
	v14 =	vld.idx.msk [tilespmem:v13+s10+$0x0], $0xffff;
	v18 =	vmul.f32 v18, v18  }
0x3d6: {  	v6 =	vsub.f32 v6, v7;
	v13 =	vld.idx.msk [tilespmem:v13+s8+$0x0], $0xffff;
	v10 =	vsub.f32 v20, v10  }
0x3d7: {  	v15 =	vsub.f32 v15, v21;
	v12 =	vmul.f32 v12, v12;
	v9 =	vadd.f32 v18, v9;
	v18 =	vld [tilespmem:$0x1F7D0]  }
0x3d8: {  	v20 =	vld [tilespmem:$0x1FEB0];
	v10 =	vmul.f32 v10, v10;
	v19 =	vor.u32 v19, v28  }
0x3d9: {  	[tilespmem:$0x1FAF0] =	vst v6;
	v6 =	vld [tilespmem:$0x1F810];
	v16 =	vsub.f32 v16, v17;
	v8 =	vadd.f32 v12, v8;
	v12 =	vmul.f32 v15, v15  }
0x3da: {  	v21 =	vld.idx.msk [tilespmem:v11+s10+$0x0], $0xffff;
	v5 =	vadd.f32 v10, v5  }
0x3db: {  	v11 =	vld.idx.msk [tilespmem:v11+s8+$0x0], $0xffff;
	v16 =	vmul.f32 v16, v16;
	v9 =	vadd.f32 v12, v9;
	v12 =	vsub.f32 v14, v13  }
0x3dc: {  	v18 =	vsub.f32 v18, v22;
	v22 =	vld [tilespmem:$0x1F800]  }
0x3dd: {  	v20 =	vor.u32 v20, v28;
	v5 =	vadd.f32 v16, v5;
	v12 =	vmul.f32 v12, v12;
	v15 =	vld.idx.msk [tilespmem:v19+s10+$0x0], $0xffff  }
0x3de: {  	v10 =	vld.idx.msk [tilespmem:v19+s8+$0x0], $0xffff  }
0x3df: {  	v5 =	vadd.f32 v12, v5;
	v12 =	vld [tilespmem:$0x1F820]  }
0x3e0: {  	v19 =	vld [tilespmem:$0x1F7F0];
	_ =	sdelay $0x1  }
0x3e1: {  	v14 =	vld.idx.msk [tilespmem:v20+s10+$0x0], $0xffff  }
0x3e2: {  	v16 =	vmul.f32 v18, v18;
	v18 =	vld.idx.msk [tilespmem:v20+s8+$0x0], $0xffff  }
0x3e3: {  	v11 =	vsub.f32 v21, v11;
	v12 =	vsub.f32 v6, v12;
	v6 =	vld [tilespmem:$0x1FE70]  }
0x3e4: {  	v19 =	vsub.f32 v19, v22  }
0x3e5: {  	v17 =	vld [tilespmem:$0x1FEA0];
	v11 =	vmul.f32 v11, v11  }
0x3e6: {  	v7 =	vadd.f32 v16, v9;
	v9 =	vmul.f32 v19, v19  }
0x3e7: {  	v5 =	vadd.f32 v11, v5;
	v11 =	vsub.f32 v14, v18;
	v14 =	vld [tilespmem:$0x1F840]  }
0x3e8: {  	v7 =	vadd.f32 v9, v7;
	v9 =	vor.u32 v6, v28;
	v6 =	vld [tilespmem:$0x1F830];
	_ =	sdelay $0x1  }
0x3e9: {  	v17 =	vor.u32 v17, v28;
	_ =	sdelay $0x2  }
0x3ea: {  	v14 =	vsub.f32 v6, v14;
	v6 =	vld [tilespmem:$0x1FE60];
	_ =	sdelay $0x1  }
0x3eb: {  	v21 =	vld.idx.msk [tilespmem:v17+s10+$0x0], $0xffff  }
0x3ec: {  	v13 =	vld [tilespmem:$0x1FE90]  }
0x3ed: {  	v16 =	vld.idx.msk [tilespmem:v17+s8+$0x0], $0xffff  }
0x3ee: {  	v17 =	vor.u32 v6, v28;
	v6 =	vld [tilespmem:$0x1FE50];
	_ =	sdelay $0x1  }
0x3ef: {  	v20 =	vld [tilespmem:$0x1FE80]  }
0x3f0: {  	v13 =	vor.u32 v13, v28;
	v12 =	vmul.f32 v12, v12  }
0x3f1: {  	v19 =	vld [tilespmem:$0x1F860]  }
0x3f2: {  	v7 =	vadd.f32 v12, v7;
	v12 =	vmul.f32 v14, v14;
	v14 =	vor.u32 v6, v28;
	v6 =	vld [tilespmem:$0x1F850];
	_ =	sdelay $0x1  }
0x3f3: {  	v20 =	vor.u32 v20, v28  }
0x3f4: {  	v10 =	vsub.f32 v15, v10;
	v15 =	vld.idx.msk [tilespmem:v13+s10+$0x0], $0xffff  }
0x3f5: {  	v13 =	vld.idx.msk [tilespmem:v13+s8+$0x0], $0xffff  }
0x3f6: {  	v19 =	vsub.f32 v6, v19;
	v6 =	vld [tilespmem:$0x1FE40]  }
0x3f7: {  	v10 =	vmul.f32 v10, v10  }
0x3f8: {  	v18 =	vld.idx.msk [tilespmem:v20+s10+$0x0], $0xffff  }
0x3f9: {  	v5 =	vadd.f32 v10, v5;
	v10 =	vsub.f32 v21, v16;
	v16 =	vld.idx.msk [tilespmem:v20+s8+$0x0], $0xffff  }
0x3fa: {  	v7 =	vadd.f32 v12, v7;
	v12 =	vsub.f32 v15, v13;
	v15 =	vld [tilespmem:$0x1F880]  }
0x3fb: {  	v13 =	vor.u32 v6, v28;
	v6 =	vld [tilespmem:$0x1F870];
	_ =	sdelay $0x1  }
0x3fc: {  	v19 =	vmul.f32 v19, v19;
	_ =	sdelay $0x1  }
0x3fd: {  	v16 =	vsub.f32 v18, v16;
	v18 =	vadd.f32 v19, v7;
	v7 =	vld [tilespmem:$0x1F8A0]  }
0x3fe: {  	v15 =	vsub.f32 v6, v15;
	v6 =	vld [tilespmem:$0x1F890];
	_ =	sdelay $0x4  }
0x3ff: {  	v19 =	vsub.f32 v6, v7;
	v6 =	vld [tilespmem:$0x1FE30];
	_ =	sdelay $0x1  }
0x400: {  	v11 =	vmul.f32 v11, v11;
	_ =	sdelay $0x1  }
0x401: {  	v5 =	vadd.f32 v11, v5;
	v10 =	vmul.f32 v10, v10  }
0x402: {  	v20 =	vor.u32 v6, v28;
	v6 =	vld [tilespmem:$0x1FE10]  }
0x403: {  	v5 =	vadd.f32 v10, v5;
	v12 =	vmul.f32 v12, v12  }
0x404: {  	v10 =	vld.idx.msk [tilespmem:v17+s10+$0x0], $0xffff  }
0x405: {  	v5 =	vadd.f32 v12, v5;
	v17 =	vld.idx.msk [tilespmem:v17+s8+$0x0], $0xffff;
	v12 =	vmul.f32 v15, v15;
	v15 =	vmul.f32 v16, v16  }
0x406: {  	v16 =	vld [tilespmem:$0x1F8C0]  }
0x407: {  	v5 =	vadd.f32 v15, v5;
	v15 =	vor.u32 v6, v28;
	v6 =	vld [tilespmem:$0x1F8B0];
	_ =	sdelay $0x3  }
0x408: {  	v10 =	vsub.f32 v10, v17;
	v17 =	vld [tilespmem:$0x1F8E0]  }
0x409: {  	v16 =	vsub.f32 v6, v16;
	v6 =	vld [tilespmem:$0x1F8D0];
	_ =	sdelay $0x1  }
0x40a: {  	v11 =	vld.idx.msk [tilespmem:v9+s10+$0x0], $0xffff  }
0x40b: {  	v9 =	vld.idx.msk [tilespmem:v9+s8+$0x0], $0xffff;
	_ =	sdelay $0x1  }
0x40c: {  	v17 =	vsub.f32 v6, v17;
	v6 =	vld [tilespmem:$0x1FE00]  }
0x40d: {  	v4 =	vmul.f32 v4, v4;
	v21 =	vld.idx.msk [tilespmem:v14+s10+$0x0], $0xffff  }
0x40e: {  	v14 =	vld.idx.msk [tilespmem:v14+s8+$0x0], $0xffff  }
0x40f: {  	v7 =	vadd.f32 v4, v8;
	v8 =	vsub.f32 v11, v9;
	v9 =	vld.idx.msk [tilespmem:v13+s10+$0x0], $0xffff  }
0x410: {  	v13 =	vld.idx.msk [tilespmem:v13+s8+$0x0], $0xffff  }
0x411: {  	v11 =	vadd.f32 v12, v18;
	v18 =	vor.u32 v6, v28;
	v6 =	vld [tilespmem:$0x1FCE0]  }
0x412: {  	v8 =	vmul.f32 v8, v8;
	_ =	sdelay $0x1  }
0x413: {  	v10 =	vmul.f32 v10, v10;
	v14 =	vsub.f32 v21, v14;
	v5 =	vadd.f32 v8, v5  }
0x414: {  	v9 =	vsub.f32 v9, v13;
	v13 =	vmul.f32 v17, v17;
	v17 =	vld [tilespmem:$0x1F900]  }
0x415: {  	v5 =	vadd.f32 v10, v5;
	v10 =	vmul.f32 v14, v14;
	v14 =	vor.u32 v6, v28;
	v6 =	vld [tilespmem:$0x1F8F0]  }
0x416: {  	v12 =	vmul.f32 v19, v19;
	_ =	sdelay $0x1  }
0x417: {  	v11 =	vadd.f32 v12, v11;
	v12 =	vld.idx.msk [tilespmem:v20+s10+$0x0], $0xffff  }
0x418: {  	v8 =	vld.idx.msk [tilespmem:v20+s8+$0x0], $0xffff  }
0x419: {  	v16 =	vmul.f32 v16, v16;
	v17 =	vsub.f32 v6, v17;
	v6 =	vld [tilespmem:$0x1FCF0];
	_ =	sdelay $0x1  }
0x41a: {  	v11 =	vadd.f32 v16, v11;
	_ =	sdelay $0x1  }
0x41b: {  	v11 =	vadd.f32 v13, v11;
	v13 =	vld [tilespmem:$0x1F920]  }
0x41c: {  	v8 =	vsub.f32 v12, v8;
	v12 =	vor.u32 v6, v28;
	v6 =	vld [tilespmem:$0x1F910];
	_ =	sdelay $0x1  }
0x41d: {  	v4 =	vld [tilespmem:$0x1FE20];
	_ =	sdelay $0x2  }
0x41e: {  	v13 =	vsub.f32 v6, v13;
	v6 =	vld [tilespmem:$0x1FD00]  }
0x41f: {  	v5 =	vadd.f32 v10, v5;
	v10 =	vld.idx.msk [tilespmem:v15+s8+$0x0], $0xffff  }
0x420: {  	v4 =	vor.u32 v4, v28;
	v16 =	vld.idx.msk [tilespmem:v15+s10+$0x0], $0xffff;
	v15 =	vmul.f32 v17, v17;
	_ =	sdelay $0x1  }
0x421: {  	v11 =	vadd.f32 v15, v11;
	v15 =	vld [tilespmem:$0x1F940]  }
0x422: {  	v17 =	vor.u32 v6, v28;
	v6 =	vld [tilespmem:$0x1F930];
	_ =	sdelay $0x1  }
0x423: {  	v19 =	vld.idx.msk [tilespmem:v4+s10+$0x0], $0xffff;
	v13 =	vmul.f32 v13, v13  }
0x424: {  	v4 =	vld.idx.msk [tilespmem:v4+s8+$0x0], $0xffff  }
0x425: {  	v11 =	vadd.f32 v13, v11;
	v13 =	vld [tilespmem:$0x1F960]  }
0x426: {  	v15 =	vsub.f32 v6, v15;
	v6 =	vld [tilespmem:$0x1F950];
	_ =	sdelay $0x1  }
0x427: {  	v9 =	vmul.f32 v9, v9;
	_ =	sdelay $0x1  }
0x428: {  	v5 =	vadd.f32 v9, v5  }
0x429: {  	v4 =	vsub.f32 v19, v4;
	v8 =	vmul.f32 v8, v8;
	v13 =	vsub.f32 v6, v13;
	v6 =	vld [tilespmem:$0x1FD10];
	_ =	sdelay $0x1  }
0x42a: {  	v4 =	vmul.f32 v4, v4;
	v5 =	vadd.f32 v8, v5;
	v19 =	vld.idx.msk [tilespmem:v14+s10+$0x0], $0xffff  }
0x42b: {  	v8 =	vsub.f32 v16, v10;
	v10 =	vld.idx.msk [tilespmem:v14+s8+$0x0], $0xffff  }
0x42c: {  	v4 =	vadd.f32 v4, v5;
	v5 =	vmul.f32 v15, v15;
	v15 =	vld [tilespmem:$0x1F980]  }
0x42d: {  	v14 =	vor.u32 v6, v28;
	v6 =	vld [tilespmem:$0x1F970];
	_ =	sdelay $0x4  }
0x42e: {  	v15 =	vsub.f32 v6, v15;
	v6 =	vld [tilespmem:$0x1FD20]  }
0x42f: {  	v9 =	vld.idx.msk [tilespmem:v18+s10+$0x0], $0xffff  }
0x430: {  	v18 =	vld.idx.msk [tilespmem:v18+s8+$0x0], $0xffff;
	_ =	sdelay $0x1  }
0x431: {  	v16 =	vld.idx.msk [tilespmem:v12+s10+$0x0], $0xffff  }
0x432: {  	v20 =	vor.u32 v6, v28;
	v6 =	vld [tilespmem:$0x1FD30]  }
0x433: {  	v12 =	vld.idx.msk [tilespmem:v12+s8+$0x0], $0xffff  }
0x434: {  	v9 =	vsub.f32 v9, v18;
	v18 =	vld.idx.msk [tilespmem:v17+s10+$0x0], $0xffff  }
0x435: {  	v8 =	vmul.f32 v8, v8;
	v5 =	vadd.f32 v5, v11;
	v11 =	vld.idx.msk [tilespmem:v17+s8+$0x0], $0xffff  }
0x436: {  	v17 =	vld [tilespmem:$0x1F9A0]  }
0x437: {  	v4 =	vadd.f32 v8, v4;
	v8 =	vmul.f32 v13, v13;
	v13 =	vor.u32 v6, v28;
	v6 =	vld [tilespmem:$0x1F990];
	_ =	sdelay $0x3  }
0x438: {  	v12 =	vsub.f32 v16, v12;
	v16 =	vld [tilespmem:$0x1F9C0]  }
0x439: {  	v17 =	vsub.f32 v6, v17;
	v6 =	vld [tilespmem:$0x1F9B0];
	_ =	sdelay $0x4  }
0x43a: {  	v16 =	vsub.f32 v6, v16;
	v6 =	vld [tilespmem:$0x1FD40];
	_ =	sdelay $0x1  }
0x43b: {  	v9 =	vmul.f32 v9, v9  }
0x43c: {  	v5 =	vadd.f32 v8, v5;
	v8 =	vld.idx.msk [tilespmem:v14+s10+$0x0], $0xffff  }
0x43d: {  	v4 =	vadd.f32 v9, v4;
	v10 =	vsub.f32 v19, v10;
	v9 =	vld.idx.msk [tilespmem:v14+s8+$0x0], $0xffff  }
0x43e: {  	v14 =	vmul.f32 v17, v17;
	v17 =	vor.u32 v6, v28;
	v6 =	vld [tilespmem:$0x1FD50]  }
0x43f: {  	v10 =	vmul.f32 v10, v10  }
0x440: {  	v19 =	vld.idx.msk [tilespmem:v20+s10+$0x0], $0xffff  }
0x441: {  	v4 =	vadd.f32 v10, v4;
	v10 =	vld.idx.msk [tilespmem:v20+s8+$0x0], $0xffff  }
0x442: {  	v20 =	vld [tilespmem:$0x1F9E0]  }
0x443: {  	v5 =	vadd.f32 v14, v5;
	v14 =	vmul.f32 v16, v16;
	v16 =	vor.u32 v6, v28;
	v6 =	vld [tilespmem:$0x1F9D0];
	_ =	sdelay $0x4  }
0x444: {  	v20 =	vsub.f32 v6, v20;
	v6 =	vld [tilespmem:$0x1FDF0]  }
0x445: {  	v12 =	vmul.f32 v12, v12  }
0x446: {  	v11 =	vsub.f32 v18, v11;
	v18 =	vld.idx.msk [tilespmem:v13+s10+$0x0], $0xffff  }
0x447: {  	v4 =	vadd.f32 v12, v4;
	v12 =	vld.idx.msk [tilespmem:v13+s8+$0x0], $0xffff  }
0x448: {  	v13 =	vld [tilespmem:$0x1FA00]  }
0x449: {  	v8 =	vsub.f32 v8, v9;
	v9 =	vor.u32 v6, v28;
	v6 =	vld [tilespmem:$0x1F9F0];
	_ =	sdelay $0x4  }
0x44a: {  	v13 =	vsub.f32 v6, v13;
	v6 =	vld [tilespmem:$0x1FDE0];
	_ =	sdelay $0x1  }
0x44b: {  	v5 =	vadd.f32 v14, v5;
	v14 =	vmul.f32 v20, v20;
	_ =	sdelay $0x1  }
0x44c: {  	v5 =	vadd.f32 v14, v5;
	v14 =	vld [tilespmem:$0x1FA20]  }
0x44d: {  	v10 =	vsub.f32 v19, v10;
	v19 =	vor.u32 v6, v28;
	v6 =	vld [tilespmem:$0x1FA10];
	_ =	sdelay $0x4  }
0x44e: {  	v14 =	vsub.f32 v6, v14;
	v6 =	vld [tilespmem:$0x1FB70];
	_ =	sdelay $0x2  }
0x44f: {  	v13 =	vmul.f32 v13, v13  }
0x450: {  	v12 =	vsub.f32 v18, v12;
	v18 =	vld [tilespmem:$0x1FA40]  }
0x451: {  	v5 =	vadd.f32 v13, v5;
	v13 =	vmul.f32 v14, v14;
	v14 =	vor.u32 v6, v28;
	v6 =	vld [tilespmem:$0x1FA30]  }
0x452: {  	v11 =	vmul.f32 v11, v11;
	_ =	sdelay $0x1  }
0x453: {  	v4 =	vadd.f32 v11, v4;
	v11 =	vld.idx.msk [tilespmem:v17+s10+$0x0], $0xffff  }
0x454: {  	v17 =	vld.idx.msk [tilespmem:v17+s8+$0x0], $0xffff  }
0x455: {  	v18 =	vsub.f32 v6, v18;
	v6 =	vld [tilespmem:$0x1FDA0]  }
0x456: {  	v8 =	vmul.f32 v8, v8;
	_ =	sdelay $0x1  }
0x457: {  	v4 =	vadd.f32 v8, v4;
	v10 =	vmul.f32 v10, v10  }
0x458: {  	v11 =	vsub.f32 v11, v17;
	v17 =	vmul.f32 v18, v18;
	v18 =	vld [tilespmem:$0x1FA60]  }
0x459: {  	v4 =	vadd.f32 v10, v4;
	v10 =	vmul.f32 v12, v12;
	v12 =	vor.u32 v6, v28;
	v6 =	vld [tilespmem:$0x1FA50];
	_ =	sdelay $0x4  }
0x45a: {  	v18 =	vsub.f32 v6, v18;
	v6 =	vld [tilespmem:s17+$0x0];
	_ =	sdelay $0x4  }
0x45b: {  	[tilespmem:$0x1FB60] =	vst v6;
	v6 =	vld [tilespmem:$0x1FD60];
	_ =	sdelay $0x4  }
0x45c: {  	v21 =	vor.u32 v6, v28;
	v6 =	vld [tilespmem:$0x1FB80];
	_ =	sdelay $0x1  }
0x45d: {  	v8 =	vld.idx.msk [tilespmem:v16+s8+$0x0], $0xffff  }
0x45e: {  	v20 =	vld.idx.msk [tilespmem:v16+s10+$0x0], $0xffff;
	v5 =	vadd.f32 v13, v5  }
0x45f: {  	v4 =	vadd.f32 v10, v4;
	v10 =	vld [tilespmem:$0x1FA80]  }
0x460: {  	v5 =	vadd.f32 v17, v5;
	v17 =	vmul.f32 v18, v18;
	v18 =	vor.u32 v6, v28;
	v6 =	vld [tilespmem:$0x1FA70]  }
0x461: {  	v16 =	vld.idx.msk [tilespmem:v9+s10+$0x0], $0xffff  }
0x462: {  	v11 =	vmul.f32 v11, v11;
	v9 =	vld.idx.msk [tilespmem:v9+s8+$0x0], $0xffff  }
0x463: {  	v8 =	vsub.f32 v20, v8;
	v20 =	vld.idx.msk [tilespmem:v14+s10+$0x0], $0xffff  }
0x464: {  	v4 =	vadd.f32 v11, v4;
	v11 =	vld.idx.msk [tilespmem:v14+s8+$0x0], $0xffff  }
0x465: {  	v8 =	vmul.f32 v8, v8;
	v14 =	vsub.f32 v6, v10;
	v6 =	vld [tilespmem:$0x1FA90];
	_ =	sdelay $0x1  }
0x466: {  	v8 =	vadd.f32 v8, v4;
	v4 =	vld [tilespmem:$0x1FAA0]  }
0x467: {  	v13 =	vld.idx.msk [tilespmem:v19+s10+$0x0], $0xffff  }
0x468: {  	v19 =	vld.idx.msk [tilespmem:v19+s8+$0x0], $0xffff  }
0x469: {  	v9 =	vsub.f32 v16, v9;
	v16 =	vor.u32 v6, v28;
	v6 =	vld [tilespmem:$0x1FAB0];
	_ =	sdelay $0x4  }
0x46a: {  	v13 =	vsub.f32 v13, v19;
	v19 =	vsub.f32 v4, v6;
	v6 =	vld [tilespmem:$0x1FB90];
	_ =	sdelay $0x3  }
0x46b: {  	v10 =	vld [tilespmem:$0x1FAD0]  }
0x46c: {  	v22 =	vor.u32 v6, v28;
	v6 =	vld [tilespmem:$0x1FAC0];
	_ =	sdelay $0x4  }
0x46d: {  	v6 =	vsub.f32 v6, v10;
	v10 =	vld [tilespmem:$0x1FAE0];
	_ =	sdelay $0x2  }
0x46e: {  	v5 =	vadd.f32 v17, v5;
	v14 =	vmul.f32 v14, v14;
	_ =	sdelay $0x1  }
0x46f: {  	v5 =	vadd.f32 v14, v5;
	v14 =	vor.u32 v10, v28;
	v10 =	vld [tilespmem:$0x1FAF0];
	_ =	sdelay $0x2  }
0x470: {  	v17 =	vld.idx.msk [tilespmem:v12+s10+$0x0], $0xffff  }
0x471: {  	v12 =	vld.idx.msk [tilespmem:v12+s8+$0x0], $0xffff  }
0x472: {  	v11 =	vsub.f32 v20, v11;
	v20 =	vmul.f32 v10, v10;
	v10 =	vld [tilespmem:$0x1FCC0];
	_ =	sdelay $0x1  }
0x473: {  	v9 =	vmul.f32 v9, v9;
	_ =	sdelay $0x1  }
0x474: {  	v8 =	vadd.f32 v9, v8;
	v12 =	vsub.f32 v17, v12;
	v9 =	vld.idx.msk [tilespmem:v18+s10+$0x0], $0xffff  }
0x475: {  	v19 =	vmul.f32 v19, v19;
	v17 =	vor.u32 v10, v28;
	v10 =	vadd.f32 v20, v7;
	v7 =	vld [tilespmem:$0x1FCD0]  }
0x476: {  	v13 =	vmul.f32 v13, v13;
	v18 =	vld.idx.msk [tilespmem:v18+s8+$0x0], $0xffff  }
0x477: {  	v5 =	vadd.f32 v19, v5;
	v19 =	vld.idx.msk [tilespmem:v22+s10+$0x0], $0xffff  }
0x478: {  	v8 =	vadd.f32 v13, v8;
	v11 =	vmul.f32 v11, v11;
	v20 =	vld.idx.msk [tilespmem:v22+s8+$0x0], $0xffff  }
0x479: {  	v22 =	vld [tilespmem:$0x1FB10]  }
0x47a: {  	v8 =	vadd.f32 v11, v8;
	v11 =	vor.u32 v7, v28;
	v7 =	vld [tilespmem:$0x1FB00];
	_ =	sdelay $0x1  }
0x47b: {  	v13 =	vld.idx.msk [tilespmem:v16+s10+$0x0], $0xffff  }
0x47c: {  	v16 =	vld.idx.msk [tilespmem:v16+s8+$0x0], $0xffff  }
0x47d: {  	v12 =	vmul.f32 v12, v12;
	v6 =	vmul.f32 v6, v6  }
0x47e: {  	v9 =	vsub.f32 v9, v18;
	v18 =	vld.idx.msk [tilespmem:v14+s10+$0x0], $0xffff;
	v22 =	vsub.f32 v7, v22  }
0x47f: {  	v7 =	vadd.f32 v6, v5;
	v6 =	vadd.f32 v12, v8;
	v12 =	vld.idx.msk [tilespmem:v14+s8+$0x0], $0xffff  }
0x480: {  	v9 =	vmul.f32 v9, v9;
	v5 =	vld [tilespmem:$0x1FBA0]  }
0x481: {  	v13 =	vsub.f32 v13, v16;
	v16 =	vmul.f32 v22, v22;
	v22 =	vld [tilespmem:$0x1FB30]  }
0x482: {  	v6 =	vadd.f32 v9, v6;
	v9 =	vsub.f32 v19, v20;
	v19 =	vld.idx.msk [tilespmem:v11+s10+$0x0], $0xffff  }
0x483: {  	v7 =	vadd.f32 v16, v7;
	v16 =	vld.idx.msk [tilespmem:v11+s8+$0x0], $0xffff  }
0x484: {  	v11 =	vsub.f32 v18, v12;
	v12 =	vld [tilespmem:$0x1FB40]  }
0x485: {  	v14 =	vmul.f32 v15, v15;
	v8 =	vor.u32 v5, v28;
	v5 =	vld [tilespmem:$0x1FB20];
	_ =	sdelay $0x1  }
0x486: {  	v10 =	vadd.f32 v14, v10;
	_ =	sdelay $0x1  }
0x487: {  	v10 =	vmul.f32 v10, v12  }
0x488: {  	v22 =	vsub.f32 v5, v22;
	v5 =	vld [tilespmem:$0x1FDC0]  }
0x489: {  	v3 =	vadd.f32 v10, v3;
	v10 =	vld [tilespmem:$0x1FB50]  }
0x48a: {  	v14 =	vmul.f32 v22, v22;
	_ =	sdelay $0x1  }
0x48b: {  	v15 =	vld.idx.msk [tilespmem:v17+s10+$0x0], $0xffff;
	v7 =	vadd.f32 v14, v7  }
0x48c: {  	v13 =	vmul.f32 v13, v13;
	v17 =	vld.idx.msk [tilespmem:v17+s8+$0x0], $0xffff  }
0x48d: {  	v12 =	vld [tilespmem:$0x1FDB0];
	v5 =	vor.u32 v5, v28;
	v7 =	vmul.f32 v7, v10  }
0x48e: {  	v6 =	vadd.f32 v13, v6;
	v13 =	vld [tilespmem:$0x1FDD0]  }
0x48f: {  	v9 =	vmul.f32 v9, v9;
	v3 =	vadd.f32 v7, v3;
	v7 =	vld [tilespmem:$0x1FD90]  }
0x490: {  	v18 =	vld.idx.msk [tilespmem:v8+s10+$0x0], $0xffff  }
0x491: {  	s22 =	simm.s32 $0x10;
	v6 =	vadd.f32 v9, v6;
	v14 =	vld.idx.msk [tilespmem:v8+s8+$0x0], $0xffff;
	v8 =	vsub.f32 v15, v17  }
0x492: {  	v20 =	vor.u32 v12, v28;
	v12 =	vmul.f32 v11, v11;
	v10 =	vmov s22;
	v9 =	vld.idx.msk [tilespmem:v5+s10+$0x0], $0xffff  }
0x493: {  	v11 =	vld.idx.msk [tilespmem:v5+s8+$0x0], $0xffff;
	v5 =	vshll.u32 v10, $0x7  }
0x494: {  	v8 =	vmul.f32 v8, v8;
	v6 =	vadd.f32 v12, v6;
	v5 =	vor.u32 v7, v5;
	v7 =	vld [tilespmem:$0x1FB60]  }
0x495: {  	v15 =	vor.u32 v13, v28;
	v13 =	vlaneseq.u32  }
0x496: {  	v17 =	vor.u32 v13, v5;
	v13 =	vadd.f32 v8, v6;
	v6 =	vsub.f32 v18, v14;
	v14 =	vld [tilespmem:$0x1FD80];
	_ =	sdelay $0x1  }
0x497: {  	v4 =	vld.idx.msk [tilespmem:v21+s10+$0x0], $0xffff  }
0x498: {  	v12 =	vld.idx.msk [tilespmem:v21+s8+$0x0], $0xffff;
	v10 =	vsub.f32 v19, v16  }
0x499: {  	v8 =	vld.idx.msk [tilespmem:v20+s10+$0x0], $0xffff  }
0x49a: {  	v16 =	vor.u32 v14, v5;
	v14 =	vmul.f32 v10, v10;
	v10 =	vld.idx.msk [tilespmem:v20+s8+$0x0], $0xffff  }
0x49b: {  	s19 =	smov.u32 s17;
	s16 =	simm.s32 $0x20;
	v28 =	vlaneseq.u32;
	v7 =	vld.idx.msk [tilespmem:v7+s4+$0x0], $0xffff  }
.LBB2_16:
0x49c: {  	_ =	sdelay $0x1  }
0x49d: {  	v18 =	vor.u32 v24, v5;
	v13 =	vadd.f32 v14, v13;
	v14 =	vmul.f32 v6, v6  }
0x49e: {  	v19 =	vld.idx.msk [tilespmem:v15+s10+$0x0], $0xffff  }
0x49f: {  	v13 =	vadd.f32 v14, v13;
	v14 =	vld.idx.msk [tilespmem:v17+s10+$0x0], $0xffff;
	v9 =	vsub.f32 v9, v11  }
0x4a0: {  	v11 =	vld.idx.msk [tilespmem:v15+s8+$0x0], $0xffff  }
0x4a1: {  	v4 =	vsub.f32 v4, v12;
	v17 =	vld.idx.msk [tilespmem:v17+s8+$0x0], $0xffff;
	v9 =	vmul.f32 v9, v9  }
0x4a2: {  	v15 =	vor.u32 v26, v5;
	v8 =	vsub.f32 v8, v10;
	v10 =	vld.idx.msk [tilespmem:v18+s10+$0x0], $0xffff  }
0x4a3: {  	(erf) = vrcp.f32 v7;
	v4 =	vmul.f32 v4, v4;
	v18 =	vld.idx.msk [tilespmem:v18+s8+$0x0], $0xffff;
	v9 =	vadd.f32 v9, v13  }
0x4a4: {  	v12 =	vld.idx.msk [tilespmem:v16+s10+$0x0], $0xffff;
	v13 =	vor.u32 v27, v5  }
0x4a5: {  	v16 =	vld.idx.msk [tilespmem:v16+s8+$0x0], $0xffff;
	v8 =	vmul.f32 v8, v8;
	v11 =	vsub.f32 v19, v11;
	v9 =	vadd.f32 v4, v9  }
0x4a6: {  	v14 =	vsub.f32 v14, v17;
	v17 =	vld [tilespmem:$0x1FD70];
	v19 =	vor.u32 v63, v5  }
0x4a7: {  	v8 =	vadd.f32 v8, v9;
	v9 =	vmul.f32 v11, v11;
	v11 =	vld.idx.msk [tilespmem:v15+s10+$0x0], $0xffff  }
0x4a8: {  	v20 =	vor.u32 v29, v5;
	v10 =	vsub.f32 v10, v18;
	v15 =	vld.idx.msk [tilespmem:v15+s8+$0x0], $0xffff  }
0x4a9: {  	v21 =	vor.u32 v30, v5;
	v8 =	vadd.f32 v9, v8;
	v9 =	vld.idx.msk [tilespmem:v13+s10+$0x0], $0xffff  }
0x4aa: {  	v12 =	vsub.f32 v12, v16;
	v14 =	vmul.f32 v14, v14;
	v10 =	vmul.f32 v10, v10;
	v13 =	vld.idx.msk [tilespmem:v13+s8+$0x0], $0xffff  }
0x4ab: {  	v16 =	vld.idx.msk [tilespmem:v19+s10+$0x0], $0xffff  }
0x4ac: {  	v12 =	vmul.f32 v12, v12;
	v22 =	vpop (erf);
	v17 =	vor.u32 v17, v5;
	v18 =	vld.idx.msk [tilespmem:v19+s8+$0x0], $0xffff;
	v10 =	vadd.f32 v10, v14  }
0x4ad: {  	v14 =	vld.idx.msk [tilespmem:v20+s8+$0x0], $0xffff;
	v8 =	vmul.f32 v8, v22  }
0x4ae: {  	v19 =	vor.u32 v40, v5;
	v10 =	vadd.f32 v12, v10;
	v12 =	vld.idx.msk [tilespmem:v21+s8+$0x0], $0xffff;
	v11 =	vsub.f32 v11, v15  }
0x4af: {  	v3 =	vadd.f32 v8, v3;
	v8 =	vld.idx.msk [tilespmem:v20+s10+$0x0], $0xffff  }
0x4b0: {  	v15 =	vld.idx.msk [tilespmem:v21+s10+$0x0], $0xffff;
	v20 =	vor.u32 v41, v5;
	v11 =	vmul.f32 v11, v11;
	v9 =	vsub.f32 v9, v13  }
0x4b1: {  	v21 =	vor.u32 v42, v5;
	v13 =	vld.idx.msk [tilespmem:v17+s10+$0x0], $0xffff  }
0x4b2: {  	v10 =	vadd.f32 v11, v10;
	v9 =	vmul.f32 v9, v9;
	v11 =	vsub.f32 v16, v18;
	v16 =	vld.idx.msk [tilespmem:v17+s8+$0x0], $0xffff  }
0x4b3: {  	v17 =	vld.idx.msk [tilespmem:v19+s10+$0x0], $0xffff;
	v18 =	vor.u32 v43, v5  }
0x4b4: {  	v9 =	vadd.f32 v9, v10;
	v10 =	vmul.f32 v11, v11;
	v8 =	vsub.f32 v8, v14;
	v11 =	vld.idx.msk [tilespmem:v19+s8+$0x0], $0xffff  }
0x4b5: {  	v14 =	vld.idx.msk [tilespmem:v20+s10+$0x0], $0xffff;
	v19 =	vor.u32 v44, v5  }
0x4b6: {  	v9 =	vadd.f32 v10, v9;
	v8 =	vmul.f32 v8, v8;
	v10 =	vsub.f32 v15, v12;
	v12 =	vld.idx.msk [tilespmem:v20+s8+$0x0], $0xffff  }
0x4b7: {  	v15 =	vld.idx.msk [tilespmem:v21+s10+$0x0], $0xffff;
	v20 =	vor.u32 v45, v5  }
0x4b8: {  	v8 =	vadd.f32 v8, v9;
	v9 =	vmul.f32 v10, v10;
	v10 =	vsub.f32 v13, v16;
	v13 =	vld.idx.msk [tilespmem:v21+s8+$0x0], $0xffff  }
0x4b9: {  	v16 =	vld.idx.msk [tilespmem:v18+s10+$0x0], $0xffff;
	v21 =	vor.u32 v46, v5  }
0x4ba: {  	v8 =	vadd.f32 v9, v8;
	v9 =	vmul.f32 v10, v10;
	v10 =	vsub.f32 v17, v11;
	v11 =	vld.idx.msk [tilespmem:v18+s8+$0x0], $0xffff  }
0x4bb: {  	v17 =	vld.idx.msk [tilespmem:v19+s10+$0x0], $0xffff;
	v18 =	vor.u32 v47, v5  }
0x4bc: {  	v8 =	vadd.f32 v9, v8;
	v9 =	vmul.f32 v10, v10;
	v10 =	vsub.f32 v14, v12;
	v12 =	vld.idx.msk [tilespmem:v19+s8+$0x0], $0xffff  }
0x4bd: {  	v14 =	vld.idx.msk [tilespmem:v20+s10+$0x0], $0xffff;
	v19 =	vor.u32 v48, v5  }
0x4be: {  	v8 =	vadd.f32 v9, v8;
	v9 =	vmul.f32 v10, v10;
	v10 =	vsub.f32 v15, v13;
	v13 =	vld.idx.msk [tilespmem:v20+s8+$0x0], $0xffff  }
0x4bf: {  	v15 =	vld.idx.msk [tilespmem:v21+s10+$0x0], $0xffff;
	v20 =	vor.u32 v49, v5  }
0x4c0: {  	v8 =	vadd.f32 v9, v8;
	v9 =	vmul.f32 v10, v10;
	v10 =	vsub.f32 v16, v11;
	v11 =	vld.idx.msk [tilespmem:v21+s8+$0x0], $0xffff  }
0x4c1: {  	v16 =	vld.idx.msk [tilespmem:v18+s10+$0x0], $0xffff;
	v21 =	vor.u32 v51, v5  }
0x4c2: {  	v8 =	vadd.f32 v9, v8;
	v9 =	vmul.f32 v10, v10;
	v10 =	vsub.f32 v17, v12;
	v12 =	vld.idx.msk [tilespmem:v18+s8+$0x0], $0xffff  }
0x4c3: {  	v17 =	vld.idx.msk [tilespmem:v19+s10+$0x0], $0xffff;
	v18 =	vor.u32 v53, v5  }
0x4c4: {  	v8 =	vadd.f32 v9, v8;
	v9 =	vmul.f32 v10, v10;
	v10 =	vsub.f32 v14, v13;
	v13 =	vld.idx.msk [tilespmem:v19+s8+$0x0], $0xffff  }
0x4c5: {  	v14 =	vld.idx.msk [tilespmem:v20+s10+$0x0], $0xffff;
	v19 =	vor.u32 v54, v5  }
0x4c6: {  	v8 =	vadd.f32 v9, v8;
	v9 =	vmul.f32 v10, v10;
	v10 =	vsub.f32 v15, v11;
	v11 =	vld.idx.msk [tilespmem:v20+s8+$0x0], $0xffff  }
0x4c7: {  	v15 =	vld.idx.msk [tilespmem:v21+s10+$0x0], $0xffff;
	v20 =	vor.u32 v55, v5  }
0x4c8: {  	v8 =	vadd.f32 v9, v8;
	v9 =	vmul.f32 v10, v10;
	v10 =	vsub.f32 v16, v12;
	v12 =	vld.idx.msk [tilespmem:v21+s8+$0x0], $0xffff  }
0x4c9: {  	v16 =	vld.idx.msk [tilespmem:v18+s10+$0x0], $0xffff;
	v21 =	vor.u32 v56, v5  }
0x4ca: {  	v8 =	vadd.f32 v9, v8;
	v9 =	vmul.f32 v10, v10;
	v10 =	vsub.f32 v17, v13;
	v13 =	vld.idx.msk [tilespmem:v18+s8+$0x0], $0xffff  }
0x4cb: {  	v17 =	vld.idx.msk [tilespmem:v19+s10+$0x0], $0xffff;
	v18 =	vor.u32 v57, v5  }
0x4cc: {  	v8 =	vadd.f32 v9, v8;
	v9 =	vmul.f32 v10, v10;
	v10 =	vsub.f32 v14, v11;
	v11 =	vld.idx.msk [tilespmem:v19+s8+$0x0], $0xffff  }
0x4cd: {  	v14 =	vld.idx.msk [tilespmem:v20+s10+$0x0], $0xffff;
	v19 =	vor.u32 v58, v5  }
0x4ce: {  	v8 =	vadd.f32 v9, v8;
	v9 =	vmul.f32 v10, v10;
	v10 =	vsub.f32 v15, v12;
	v12 =	vld.idx.msk [tilespmem:v20+s8+$0x0], $0xffff  }
0x4cf: {  	v15 =	vld.idx.msk [tilespmem:v21+s10+$0x0], $0xffff;
	v20 =	vor.u32 v50, v5  }
0x4d0: {  	v8 =	vadd.f32 v9, v8;
	v9 =	vmul.f32 v10, v10;
	v10 =	vsub.f32 v16, v13;
	v13 =	vld.idx.msk [tilespmem:v21+s8+$0x0], $0xffff  }
0x4d1: {  	v16 =	vld.idx.msk [tilespmem:v18+s10+$0x0], $0xffff;
	v21 =	vor.u32 v39, v5  }
0x4d2: {  	v8 =	vadd.f32 v9, v8;
	v9 =	vmul.f32 v10, v10;
	v10 =	vsub.f32 v17, v11;
	v11 =	vld.idx.msk [tilespmem:v18+s8+$0x0], $0xffff  }
0x4d3: {  	v17 =	vld.idx.msk [tilespmem:v19+s10+$0x0], $0xffff;
	v18 =	vor.u32 v59, v5  }
0x4d4: {  	v8 =	vadd.f32 v9, v8;
	v9 =	vmul.f32 v10, v10;
	v10 =	vsub.f32 v14, v12;
	v12 =	vld.idx.msk [tilespmem:v19+s8+$0x0], $0xffff  }
0x4d5: {  	v14 =	vld.idx.msk [tilespmem:v20+s10+$0x0], $0xffff;
	v19 =	vor.u32 v32, v5  }
0x4d6: {  	v8 =	vadd.f32 v9, v8;
	v9 =	vmul.f32 v10, v10;
	v10 =	vsub.f32 v15, v13;
	v13 =	vld.idx.msk [tilespmem:v20+s8+$0x0], $0xffff  }
0x4d7: {  	v15 =	vld.idx.msk [tilespmem:v21+s10+$0x0], $0xffff;
	v20 =	vor.u32 v34, v5  }
0x4d8: {  	v8 =	vadd.f32 v9, v8;
	v9 =	vmul.f32 v10, v10;
	v10 =	vsub.f32 v16, v11;
	v11 =	vld.idx.msk [tilespmem:v21+s8+$0x0], $0xffff  }
0x4d9: {  	v16 =	vld.idx.msk [tilespmem:v18+s10+$0x0], $0xffff;
	v21 =	vor.u32 v33, v5  }
0x4da: {  	v8 =	vadd.f32 v9, v8;
	v9 =	vmul.f32 v10, v10;
	v10 =	vsub.f32 v17, v12;
	v12 =	vld.idx.msk [tilespmem:v18+s8+$0x0], $0xffff  }
0x4db: {  	v17 =	vld.idx.msk [tilespmem:v19+s10+$0x0], $0xffff;
	v18 =	vor.u32 v31, v5  }
0x4dc: {  	v8 =	vadd.f32 v9, v8;
	v9 =	vmul.f32 v10, v10;
	v10 =	vsub.f32 v14, v13;
	v13 =	vld.idx.msk [tilespmem:v19+s8+$0x0], $0xffff  }
0x4dd: {  	v14 =	vld.idx.msk [tilespmem:v20+s10+$0x0], $0xffff;
	v19 =	vor.u32 v37, v5  }
0x4de: {  	v8 =	vadd.f32 v9, v8;
	v9 =	vmul.f32 v10, v10;
	v10 =	vsub.f32 v15, v11;
	v11 =	vld.idx.msk [tilespmem:v20+s8+$0x0], $0xffff  }
0x4df: {  	v15 =	vld.idx.msk [tilespmem:v21+s10+$0x0], $0xffff;
	v20 =	vor.u32 v23, v5  }
0x4e0: {  	v8 =	vadd.f32 v9, v8;
	v9 =	vmul.f32 v10, v10;
	v10 =	vsub.f32 v16, v12;
	v12 =	vld.idx.msk [tilespmem:v21+s8+$0x0], $0xffff  }
0x4e1: {  	v16 =	vld.idx.msk [tilespmem:v18+s10+$0x0], $0xffff;
	v21 =	vor.u32 v25, v5  }
0x4e2: {  	v8 =	vadd.f32 v9, v8;
	v9 =	vmul.f32 v10, v10;
	v10 =	vsub.f32 v17, v13;
	v13 =	vld.idx.msk [tilespmem:v18+s8+$0x0], $0xffff  }
0x4e3: {  	v17 =	vld.idx.msk [tilespmem:v19+s10+$0x0], $0xffff;
	v18 =	vor.u32 v52, v5  }
0x4e4: {  	v8 =	vadd.f32 v9, v8;
	v9 =	vmul.f32 v10, v10;
	v10 =	vsub.f32 v14, v11;
	v11 =	vld.idx.msk [tilespmem:v19+s8+$0x0], $0xffff  }
0x4e5: {  	v14 =	vld.idx.msk [tilespmem:v20+s10+$0x0], $0xffff;
	v19 =	vor.u32 v35, v5  }
0x4e6: {  	v8 =	vadd.f32 v9, v8;
	v9 =	vmul.f32 v10, v10;
	v10 =	vsub.f32 v15, v12;
	v12 =	vld.idx.msk [tilespmem:v20+s8+$0x0], $0xffff  }
0x4e7: {  	v15 =	vld.idx.msk [tilespmem:v21+s10+$0x0], $0xffff  }
0x4e8: {  	v8 =	vadd.f32 v9, v8;
	v9 =	vmul.f32 v10, v10;
	v10 =	vsub.f32 v16, v13;
	v13 =	vld.idx.msk [tilespmem:v21+s8+$0x0], $0xffff  }
0x4e9: {  	v20 =	vor.u32 v61, v5;
	v16 =	vld.idx.msk [tilespmem:v18+s10+$0x0], $0xffff  }
0x4ea: {  	v8 =	vadd.f32 v9, v8;
	v9 =	vmul.f32 v10, v10;
	v10 =	vsub.f32 v17, v11;
	v11 =	vld.idx.msk [tilespmem:v18+s8+$0x0], $0xffff  }
0x4eb: {  	v21 =	vor.u32 v36, v5;
	v17 =	vld.idx.msk [tilespmem:v19+s10+$0x0], $0xffff  }
0x4ec: {  	v8 =	vadd.f32 v9, v8;
	v9 =	vmul.f32 v10, v10;
	v10 =	vsub.f32 v14, v12;
	v12 =	vld.idx.msk [tilespmem:v19+s8+$0x0], $0xffff  }
0x4ed: {  	v19 =	vld [tilespmem:$0x1FCE0]  }
0x4ee: {  	v18 =	vor.u32 v60, v5;
	v14 =	vld.idx.msk [tilespmem:v20+s10+$0x0], $0xffff  }
0x4ef: {  	v8 =	vadd.f32 v9, v8;
	v9 =	vmul.f32 v10, v10;
	v10 =	vsub.f32 v15, v13;
	v13 =	vld.idx.msk [tilespmem:v20+s8+$0x0], $0xffff  }
0x4f0: {  	v20 =	vld [tilespmem:$0x1FCF0]  }
0x4f1: {  	v15 =	vld.idx.msk [tilespmem:v21+s10+$0x0], $0xffff;
	v8 =	vadd.f32 v9, v8  }
0x4f2: {  	v9 =	vmul.f32 v10, v10;
	v10 =	vsub.f32 v16, v11;
	v11 =	vld.idx.msk [tilespmem:v21+s8+$0x0], $0xffff;
	v19 =	vor.u32 v19, v5  }
0x4f3: {  	v21 =	vld [tilespmem:$0x1FD00]  }
0x4f4: {  	v16 =	vld.idx.msk [tilespmem:v18+s10+$0x0], $0xffff;
	v8 =	vadd.f32 v9, v8  }
0x4f5: {  	v9 =	vmul.f32 v10, v10;
	v10 =	vsub.f32 v17, v12;
	v12 =	vld.idx.msk [tilespmem:v18+s8+$0x0], $0xffff;
	v20 =	vor.u32 v20, v5  }
0x4f6: {  	v18 =	vld [tilespmem:$0x1FD10]  }
0x4f7: {  	v8 =	vadd.f32 v9, v8;
	v17 =	vld.idx.msk [tilespmem:v19+s10+$0x0], $0xffff  }
0x4f8: {  	v9 =	vmul.f32 v10, v10;
	v10 =	vsub.f32 v14, v13;
	v21 =	vor.u32 v21, v5;
	v13 =	vld.idx.msk [tilespmem:v19+s8+$0x0], $0xffff  }
0x4f9: {  	v19 =	vld [tilespmem:$0x1FD20]  }
0x4fa: {  	v14 =	vld.idx.msk [tilespmem:v20+s10+$0x0], $0xffff  }
0x4fb: {  	v8 =	vadd.f32 v9, v8;
	v9 =	vmul.f32 v10, v10;
	v10 =	vsub.f32 v15, v11;
	v11 =	vld.idx.msk [tilespmem:v20+s8+$0x0], $0xffff  }
0x4fc: {  	v18 =	vor.u32 v18, v5;
	v20 =	vld [tilespmem:$0x1FD30]  }
0x4fd: {  	v15 =	vld.idx.msk [tilespmem:v21+s10+$0x0], $0xffff  }
0x4fe: {  	v8 =	vadd.f32 v9, v8;
	v9 =	vmul.f32 v10, v10;
	v10 =	vsub.f32 v16, v12;
	v12 =	vld.idx.msk [tilespmem:v21+s8+$0x0], $0xffff  }
0x4ff: {  	v21 =	vld [tilespmem:$0x1FD40]  }
0x500: {  	v19 =	vor.u32 v19, v5  }
0x501: {  	v8 =	vadd.f32 v9, v8;
	v16 =	vld.idx.msk [tilespmem:v18+s10+$0x0], $0xffff  }
0x502: {  	v9 =	vmul.f32 v10, v10;
	v10 =	vsub.f32 v17, v13;
	v13 =	vld.idx.msk [tilespmem:v18+s8+$0x0], $0xffff;
	v20 =	vor.u32 v20, v5  }
0x503: {  	v18 =	vld [tilespmem:$0x1FD50]  }
0x504: {  	v21 =	vor.u32 v21, v5  }
0x505: {  	v8 =	vadd.f32 v9, v8;
	v9 =	vmul.f32 v10, v10;
	v17 =	vld.idx.msk [tilespmem:v19+s10+$0x0], $0xffff  }
0x506: {  	v10 =	vsub.f32 v14, v11;
	v11 =	vld.idx.msk [tilespmem:v19+s8+$0x0], $0xffff  }
0x507: {  	v8 =	vadd.f32 v9, v8;
	v19 =	vor.u32 v38, v5;
	v14 =	vld.idx.msk [tilespmem:v20+s10+$0x0], $0xffff  }
0x508: {  	v9 =	vmul.f32 v10, v10;
	v10 =	vsub.f32 v15, v12;
	v18 =	vor.u32 v18, v5;
	v12 =	vld.idx.msk [tilespmem:v20+s8+$0x0], $0xffff  }
0x509: {  	v15 =	vld.idx.msk [tilespmem:v21+s10+$0x0], $0xffff  }
0x50a: {  	v8 =	vadd.f32 v9, v8;
	v9 =	vmul.f32 v10, v10;
	v10 =	vsub.f32 v16, v13;
	v13 =	vld.idx.msk [tilespmem:v21+s8+$0x0], $0xffff  }
0x50b: {  	v21 =	vld [tilespmem:$0x1FB70]  }
0x50c: {  	v8 =	vadd.f32 v9, v8;
	v9 =	vmul.f32 v10, v10;
	v10 =	vsub.f32 v17, v11;
	v17 =	vld.idx.msk [tilespmem:v19+s10+$0x0], $0xffff  }
0x50d: {  	v16 =	vld.idx.msk [tilespmem:v18+s10+$0x0], $0xffff  }
0x50e: {  	v20 =	vor.u32 v62, v5;
	v11 =	vld.idx.msk [tilespmem:v18+s8+$0x0], $0xffff  }
0x50f: {  	v8 =	vadd.f32 v9, v8;
	v18 =	vld [tilespmem:$0x1FDA0]  }
0x510: {  	v9 =	vmul.f32 v10, v10;
	v10 =	vsub.f32 v14, v12;
	v12 =	vld.idx.msk [tilespmem:v19+s8+$0x0], $0xffff;
	v21 =	vor.u32 v21, v5  }
0x511: {  	v19 =	vld [tilespmem:$0x1FB80];
	_ =	sdelay $0x1  }
0x512: {  	v14 =	vld.idx.msk [tilespmem:v20+s10+$0x0], $0xffff;
	v8 =	vadd.f32 v9, v8;
	v9 =	vmul.f32 v10, v10;
	v10 =	vsub.f32 v15, v13  }
0x513: {  	v13 =	vld.idx.msk [tilespmem:v20+s8+$0x0], $0xffff;
	v20 =	vor.u32 v0, v5;
	v18 =	vor.u32 v18, v5  }
0x514: {  	v8 =	vadd.f32 v9, v8;
	v9 =	vmul.f32 v10, v10;
	v10 =	vsub.f32 v16, v11;
	v15 =	vld.idx.msk [tilespmem:v21+s10+$0x0], $0xffff  }
0x515: {  	v19 =	vor.u32 v19, v5;
	v11 =	vld.idx.msk [tilespmem:v21+s8+$0x0], $0xffff  }
0x516: {  	v8 =	vadd.f32 v9, v8;
	v9 =	vmul.f32 v10, v10;
	v10 =	vsub.f32 v17, v12;
	v21 =	vld [tilespmem:$0x1FB90]  }
0x517: {  	v7 =	vld [tilespmem:$0x1FD60]  }
0x518: {  	v8 =	vadd.f32 v9, v8;
	v9 =	vmul.f32 v10, v10;
	v10 =	vsub.f32 v14, v13;
	v14 =	vld.idx.msk [tilespmem:v20+s10+$0x0], $0xffff  }
0x519: {  	v16 =	vld.idx.msk [tilespmem:v18+s10+$0x0], $0xffff  }
0x51a: {  	v12 =	vld.idx.msk [tilespmem:v18+s8+$0x0], $0xffff  }
0x51b: {  	v17 =	vld.idx.msk [tilespmem:v19+s10+$0x0], $0xffff;
	v21 =	vor.u32 v21, v5  }
0x51c: {  	v13 =	vld.idx.msk [tilespmem:v19+s8+$0x0], $0xffff  }
0x51d: {  	v18 =	vor.u32 v1, v5;
	v19 =	vld [tilespmem:$0x1FCC0]  }
0x51e: {  	v8 =	vadd.f32 v9, v8;
	v9 =	vmul.f32 v10, v10;
	v10 =	vsub.f32 v15, v11;
	v11 =	vld.idx.msk [tilespmem:v20+s8+$0x0], $0xffff  }
0x51f: {  	v20 =	vld [tilespmem:$0x1FCD0]  }
0x520: {  	v8 =	vadd.f32 v9, v8;
	v9 =	vmul.f32 v10, v10;
	v10 =	vsub.f32 v16, v12;
	v15 =	vld.idx.msk [tilespmem:v21+s10+$0x0], $0xffff  }
0x521: {  	v12 =	vld.idx.msk [tilespmem:v21+s8+$0x0], $0xffff  }
0x522: {  	v16 =	vld.idx.msk [tilespmem:v18+s10+$0x0], $0xffff;
	v8 =	vadd.f32 v9, v8;
	v9 =	vmul.f32 v10, v10;
	v10 =	vsub.f32 v17, v13  }
0x523: {  	v7 =	vor.u32 v7, v5;
	v19 =	vor.u32 v19, v5;
	v13 =	vld.idx.msk [tilespmem:v18+s8+$0x0], $0xffff  }
0x524: {  	v21 =	vld [tilespmem:$0x1FBA0];
	v8 =	vadd.f32 v9, v8;
	v9 =	vmul.f32 v10, v10;
	v10 =	vsub.f32 v14, v11  }
0x525: {  	v18 =	vld [tilespmem:$0x1FDC0]  }
0x526: {  	s19 =	sadd.s32 $0x10, s19;
	v8 =	vadd.f32 v9, v8;
	v9 =	vmul.f32 v10, v10;
	v10 =	vsub.f32 v15, v12;
	v15 =	vld [tilespmem:$0x1FDB0]  }
0x527: {  	v6 =	vld [tilespmem:s19+$0x0];
	v20 =	vor.u32 v20, v5  }
0x528: {  	v4 =	vld.idx.msk [tilespmem:v7+s10+$0x0], $0xffff  }
0x529: {  	v17 =	vld.idx.msk [tilespmem:v19+s10+$0x0], $0xffff;
	v21 =	vor.u32 v21, v5  }
0x52a: {  	v11 =	vld.idx.msk [tilespmem:v19+s8+$0x0], $0xffff  }
0x52b: {  	v18 =	vor.u32 v18, v5;
	v22 =	vor.u32 v15, v5;
	v15 =	vor.u32 v2, v5;
	v5 =	vld [tilespmem:$0x1FD90]  }
0x52c: {  	v14 =	vld.idx.msk [tilespmem:v20+s10+$0x0], $0xffff  }
0x52d: {  	v13 =	vsub.f32 v16, v13;
	v19 =	vld.idx.msk [tilespmem:v20+s8+$0x0], $0xffff  }
0x52e: {  	v12 =	vmov s16;
	v8 =	vadd.f32 v9, v8;
	v10 =	vmul.f32 v10, v10;
	v20 =	vld.idx.msk [tilespmem:v21+s10+$0x0], $0xffff  }
0x52f: {  	v12 =	vshll.u32 v12, $0x7;
	v21 =	vld.idx.msk [tilespmem:v21+s8+$0x0], $0xffff  }
0x530: {  	v8 =	vadd.f32 v10, v8;
	v10 =	vmul.f32 v13, v13;
	v5 =	vor.u32 v5, v12;
	v12 =	vld.idx.msk [tilespmem:v7+s8+$0x0], $0xffff  }
0x531: {  	v7 =	vld.idx.msk [tilespmem:v6+s4+$0x0], $0xffff  }
0x532: {  	p2 =	sne.s32 s16, $0x70;
	v13 =	vsub.f32 v17, v11;
	v6 =	vadd.f32 v10, v8;
	v8 =	vld [tilespmem:$0x1FD80]  }
.Ltmp6:
0x533: {  	_ = 	snop;
	(pc) =	sbr.rel @p2 .LBB2_16-.Ltmp6, $4  }
0x534: {  	v9 =	vld.idx.msk [tilespmem:v18+s10+$0x0], $0xffff;
	v14 =	vsub.f32 v14, v19;
	v10 =	vmul.f32 v13, v13  }
0x535: {  	v11 =	vld.idx.msk [tilespmem:v18+s8+$0x0], $0xffff  }
0x536: {  	v14 =	vmul.f32 v14, v14;
	v13 =	vadd.f32 v10, v6;
	v10 =	vld.idx.msk [tilespmem:v22+s8+$0x0], $0xffff  }
0x537: {  	s16 =	sadd.s32 $0x10, s16;
	v17 =	vor.u32 v28, v5;
	v6 =	vsub.f32 v20, v21;
	v16 =	vor.u32 v8, v5;
	v8 =	vld.idx.msk [tilespmem:v22+s10+$0x0], $0xffff  }
0x538: {  	_ =	sdelay $0x3  }
0x539: {  	v18 =	vor.u32 v24, v5;
	v19 =	vld.idx.msk [tilespmem:v17+s10+$0x0], $0xffff  }
0x53a: {  	v21 =	vld.idx.msk [tilespmem:v17+s8+$0x0], $0xffff;
	v22 =	vor.u32 v27, v5;
	_ =	sdelay $0x3  }
0x53b: {  	v17 =	vld.idx.msk [tilespmem:v18+s10+$0x0], $0xffff  }
0x53c: {  	v21 =	vsub.f32 v19, v21;
	v19 =	vld.idx.msk [tilespmem:v22+s10+$0x0], $0xffff;
	_ =	sdelay $0x1  }
0x53d: {  	v28 =	vld.idx.msk [tilespmem:v16+s10+$0x0], $0xffff  }
0x53e: {  	v16 =	vld.idx.msk [tilespmem:v16+s8+$0x0], $0xffff  }
0x53f: {  	v20 =	vor.u32 v26, v5;
	v18 =	vld.idx.msk [tilespmem:v18+s8+$0x0], $0xffff;
	[tilespmem:$0x1F030] =	vst v17  }
0x540: {  	[tilespmem:$0x1F070] =	vst v19;
	v19 =	vld [tilespmem:$0x1F030];
	_ =	sdelay $0x3  }
0x541: {  	[tilespmem:$0x1F040] =	vst v16;
	v17 =	vld.idx.msk [tilespmem:v20+s10+$0x0], $0xffff  }
0x542: {  	v16 =	vor.u32 v63, v5;
	v19 =	vsub.f32 v19, v18;
	v18 =	vld [tilespmem:$0x1F040];
	_ =	sdelay $0x3  }
0x543: {  	[tilespmem:$0x1F050] =	vst v17;
	v17 =	vld.idx.msk [tilespmem:v20+s8+$0x0], $0xffff  }
0x544: {  	v18 =	vsub.f32 v28, v18;
	v28 =	vld.idx.msk [tilespmem:v16+s10+$0x0], $0xffff  }
0x545: {  	v16 =	vld.idx.msk [tilespmem:v16+s8+$0x0], $0xffff;
	_ =	sdelay $0x1  }
0x546: {  	v21 =	vmul.f32 v21, v21;
	v19 =	vmul.f32 v19, v19  }
0x547: {  	[tilespmem:$0x1F060] =	vst v17;
	v17 =	vor.u32 v29, v5  }
0x548: {  	v19 =	vadd.f32 v19, v21;
	v21 =	vld [tilespmem:$0x1F060]  }
0x549: {  	[tilespmem:$0x1F090] =	vst v16;
	v16 =	vmul.f32 v18, v18;
	v18 =	vld [tilespmem:$0x1F050];
	_ =	sdelay $0x2  }
0x54a: {  	v20 =	vor.u32 v30, v5;
	[tilespmem:$0x1F080] =	vst v28;
	v28 =	vld.idx.msk [tilespmem:v17+s10+$0x0], $0xffff;
	_ =	sdelay $0x1  }
0x54b: {  	v22 =	vld.idx.msk [tilespmem:v22+s8+$0x0], $0xffff;
	v21 =	vsub.f32 v18, v21  }
0x54c: {  	v18 =	vld [tilespmem:$0x1FD70]  }
0x54d: {  	v19 =	vadd.f32 v16, v19;
	v16 =	vmul.f32 v21, v21;
	v21 =	vld [tilespmem:$0x1F070]  }
0x54e: {  	[tilespmem:$0x1F0A0] =	vst v28;
	v28 =	vld.idx.msk [tilespmem:v20+s10+$0x0], $0xffff  }
0x54f: {  	v20 =	vld.idx.msk [tilespmem:v20+s8+$0x0], $0xffff;
	_ =	sdelay $0x2  }
0x550: {  	v18 =	vor.u32 v18, v5;
	v21 =	vsub.f32 v21, v22  }
0x551: {  	v19 =	vadd.f32 v16, v19;
	v16 =	vld [tilespmem:$0x1F080]  }
0x552: {  	[tilespmem:$0x1F0B0] =	vst v20;
	v20 =	vmul.f32 v21, v21;
	v21 =	vld [tilespmem:$0x1F090];
	_ =	sdelay $0x2  }
0x553: {  	v22 =	vor.u32 v40, v5;
	v40 =	vld.idx.msk [tilespmem:v18+s10+$0x0], $0xffff  }
0x554: {  	v18 =	vld.idx.msk [tilespmem:v18+s8+$0x0], $0xffff  }
0x555: {  	v21 =	vsub.f32 v16, v21;
	v16 =	vor.u32 v41, v5;
	_ =	sdelay $0x2  }
0x556: {  	v17 =	vld.idx.msk [tilespmem:v17+s8+$0x0], $0xffff  }
0x557: {  	[tilespmem:$0x1F0C0] =	vst v18;
	v18 =	vld [tilespmem:$0x1F0A0]  }
0x558: {  	v19 =	vadd.f32 v20, v19;
	v20 =	vmul.f32 v21, v21;
	v21 =	vor.u32 v42, v5;
	v42 =	vld.idx.msk [tilespmem:v16+s10+$0x0], $0xffff  }
0x559: {  	v16 =	vld.idx.msk [tilespmem:v16+s8+$0x0], $0xffff;
	_ =	sdelay $0x2  }
0x55a: {  	v17 =	vsub.f32 v18, v17;
	v18 =	vld [tilespmem:$0x1F0B0];
	_ =	sdelay $0x1  }
0x55b: {  	[tilespmem:$0x1F0D0] =	vst v16;
	v16 =	vld [tilespmem:$0x1F0C0];
	_ =	sdelay $0x1  }
0x55c: {  	v19 =	vadd.f32 v20, v19;
	v20 =	vor.u32 v43, v5  }
0x55d: {  	v17 =	vmul.f32 v17, v17;
	v18 =	vsub.f32 v28, v18;
	_ =	sdelay $0x1  }
0x55e: {  	v41 =	vld.idx.msk [tilespmem:v22+s10+$0x0], $0xffff;
	v17 =	vadd.f32 v17, v19;
	v18 =	vmul.f32 v18, v18;
	v16 =	vsub.f32 v40, v16  }
0x55f: {  	v22 =	vld.idx.msk [tilespmem:v22+s8+$0x0], $0xffff  }
0x560: {  	v19 =	vor.u32 v44, v5;
	v44 =	vld.idx.msk [tilespmem:v20+s8+$0x0], $0xffff;
	v17 =	vadd.f32 v18, v17;
	v16 =	vmul.f32 v16, v16  }
0x561: {  	v28 =	vld.idx.msk [tilespmem:v20+s10+$0x0], $0xffff  }
0x562: {  	v20 =	vadd.f32 v16, v17;
	v17 =	vld [tilespmem:$0x1F0D0];
	_ =	sdelay $0x1  }
0x563: {  	v43 =	vld.idx.msk [tilespmem:v21+s10+$0x0], $0xffff  }
0x564: {  	v22 =	vsub.f32 v41, v22;
	v21 =	vld.idx.msk [tilespmem:v21+s8+$0x0], $0xffff;
	v18 =	vor.u32 v45, v5;
	_ =	sdelay $0x1  }
0x565: {  	v40 =	vld.idx.msk [tilespmem:v19+s10+$0x0], $0xffff;
	v16 =	vmul.f32 v22, v22;
	v22 =	vsub.f32 v42, v17;
	v17 =	vor.u32 v46, v5  }
0x566: {  	v19 =	vld.idx.msk [tilespmem:v19+s8+$0x0], $0xffff  }
0x567: {  	v16 =	vadd.f32 v16, v20;
	v20 =	vmul.f32 v22, v22  }
0x568: {  	v21 =	vsub.f32 v43, v21;
	v41 =	vld.idx.msk [tilespmem:v18+s10+$0x0], $0xffff;
	v22 =	vor.u32 v47, v5  }
0x569: {  	v42 =	vld.idx.msk [tilespmem:v18+s8+$0x0], $0xffff;
	v18 =	vadd.f32 v20, v16  }
0x56a: {  	v20 =	vmul.f32 v21, v21;
	v21 =	vsub.f32 v28, v44;
	v16 =	vor.u32 v48, v5;
	v28 =	vld.idx.msk [tilespmem:v17+s10+$0x0], $0xffff  }
0x56b: {  	v19 =	vsub.f32 v40, v19;
	v44 =	vld.idx.msk [tilespmem:v17+s8+$0x0], $0xffff  }
0x56c: {  	v18 =	vadd.f32 v20, v18;
	v20 =	vmul.f32 v21, v21;
	v21 =	vor.u32 v49, v5  }
0x56d: {  	v19 =	vmul.f32 v19, v19;
	v46 =	vld.idx.msk [tilespmem:v22+s10+$0x0], $0xffff  }
0x56e: {  	v17 =	vsub.f32 v41, v42;
	v22 =	vld.idx.msk [tilespmem:v22+s8+$0x0], $0xffff;
	v18 =	vadd.f32 v20, v18;
	v20 =	vor.u32 v51, v5  }
0x56f: {  	v41 =	vld.idx.msk [tilespmem:v16+s10+$0x0], $0xffff  }
0x570: {  	v17 =	vmul.f32 v17, v17;
	v43 =	vld.idx.msk [tilespmem:v16+s8+$0x0], $0xffff;
	v18 =	vadd.f32 v19, v18;
	v16 =	vsub.f32 v28, v44  }
0x571: {  	v19 =	vor.u32 v53, v5;
	v42 =	vld.idx.msk [tilespmem:v21+s10+$0x0], $0xffff  }
0x572: {  	v21 =	vld.idx.msk [tilespmem:v21+s8+$0x0], $0xffff;
	v17 =	vadd.f32 v17, v18;
	v16 =	vmul.f32 v16, v16  }
0x573: {  	v18 =	vor.u32 v54, v5;
	v22 =	vsub.f32 v46, v22;
	v28 =	vld.idx.msk [tilespmem:v20+s10+$0x0], $0xffff  }
0x574: {  	v44 =	vld.idx.msk [tilespmem:v20+s8+$0x0], $0xffff;
	v20 =	vadd.f32 v16, v17  }
0x575: {  	v16 =	vmul.f32 v22, v22;
	v22 =	vsub.f32 v41, v43;
	v17 =	vor.u32 v55, v5  }
0x576: {  	v40 =	vld.idx.msk [tilespmem:v19+s10+$0x0], $0xffff  }
0x577: {  	v19 =	vld.idx.msk [tilespmem:v19+s8+$0x0], $0xffff;
	v16 =	vadd.f32 v16, v20;
	v20 =	vmul.f32 v22, v22;
	v21 =	vsub.f32 v42, v21  }
0x578: {  	v22 =	vor.u32 v56, v5;
	v45 =	vld.idx.msk [tilespmem:v18+s10+$0x0], $0xffff  }
0x579: {  	v46 =	vld.idx.msk [tilespmem:v18+s8+$0x0], $0xffff;
	v18 =	vadd.f32 v20, v16;
	v20 =	vmul.f32 v21, v21;
	v21 =	vsub.f32 v28, v44  }
0x57a: {  	v16 =	vor.u32 v57, v5;
	v28 =	vld.idx.msk [tilespmem:v17+s10+$0x0], $0xffff  }
0x57b: {  	v43 =	vld.idx.msk [tilespmem:v17+s8+$0x0], $0xffff;
	v18 =	vadd.f32 v20, v18;
	v20 =	vmul.f32 v21, v21  }
0x57c: {  	v21 =	vor.u32 v58, v5;
	v19 =	vsub.f32 v40, v19  }
0x57d: {  	v40 =	vld.idx.msk [tilespmem:v22+s10+$0x0], $0xffff;
	v18 =	vadd.f32 v20, v18  }
0x57e: {  	v22 =	vld.idx.msk [tilespmem:v22+s8+$0x0], $0xffff;
	v20 =	vor.u32 v50, v5;
	v19 =	vmul.f32 v19, v19;
	v17 =	vsub.f32 v45, v46  }
0x57f: {  	v41 =	vld.idx.msk [tilespmem:v16+s10+$0x0], $0xffff  }
0x580: {  	v42 =	vld.idx.msk [tilespmem:v16+s8+$0x0], $0xffff;
	v18 =	vadd.f32 v19, v18;
	v17 =	vmul.f32 v17, v17;
	v16 =	vsub.f32 v28, v43  }
0x581: {  	v46 =	vmov v39;
	v19 =	vor.u32 v39, v5;
	v39 =	vld.idx.msk [tilespmem:v21+s10+$0x0], $0xffff  }
0x582: {  	v21 =	vld.idx.msk [tilespmem:v21+s8+$0x0], $0xffff;
	v17 =	vadd.f32 v17, v18;
	v16 =	vmul.f32 v16, v16  }
0x583: {  	v18 =	vor.u32 v59, v5;
	v22 =	vsub.f32 v40, v22;
	v28 =	vld.idx.msk [tilespmem:v20+s10+$0x0], $0xffff  }
0x584: {  	v40 =	vld.idx.msk [tilespmem:v20+s8+$0x0], $0xffff;
	v20 =	vadd.f32 v16, v17  }
0x585: {  	v16 =	vmul.f32 v22, v22;
	v22 =	vsub.f32 v41, v42;
	v17 =	vor.u32 v32, v5  }
0x586: {  	v45 =	vmov v32;
	v32 =	vld.idx.msk [tilespmem:v19+s10+$0x0], $0xffff  }
0x587: {  	v19 =	vld.idx.msk [tilespmem:v19+s8+$0x0], $0xffff;
	v16 =	vadd.f32 v16, v20;
	v20 =	vmul.f32 v22, v22  }
0x588: {  	v44 =	vmov v34;
	v21 =	vsub.f32 v39, v21;
	v22 =	vor.u32 v34, v5;
	v34 =	vld.idx.msk [tilespmem:v18+s10+$0x0], $0xffff  }
0x589: {  	v39 =	vld.idx.msk [tilespmem:v18+s8+$0x0], $0xffff;
	v18 =	vadd.f32 v20, v16  }
0x58a: {  	v20 =	vmul.f32 v21, v21;
	v21 =	vsub.f32 v28, v40;
	v16 =	vor.u32 v33, v5;
	v28 =	vld.idx.msk [tilespmem:v17+s10+$0x0], $0xffff  }
0x58b: {  	v17 =	vld.idx.msk [tilespmem:v17+s8+$0x0], $0xffff;
	_ =	sdelay $0x1  }
0x58c: {  	v42 =	vmov v31  }
0x58d: {  	v18 =	vadd.f32 v20, v18;
	v20 =	vmul.f32 v21, v21;
	v21 =	vor.u32 v31, v5;
	v31 =	vld.idx.msk [tilespmem:v22+s10+$0x0], $0xffff  }
0x58e: {  	v19 =	vsub.f32 v32, v19;
	v32 =	vld.idx.msk [tilespmem:v16+s10+$0x0], $0xffff  }
0x58f: {  	v43 =	vmov v33;
	v33 =	vld.idx.msk [tilespmem:v16+s8+$0x0], $0xffff;
	[tilespmem:$0x1F0E0] =	vst v17  }
0x590: {  	v16 =	vld [tilespmem:$0x1F0E0]  }
0x591: {  	v22 =	vld.idx.msk [tilespmem:v22+s8+$0x0], $0xffff;
	v18 =	vadd.f32 v20, v18;
	v20 =	vor.u32 v37, v5  }
0x592: {  	v19 =	vmul.f32 v19, v19  }
0x593: {  	v17 =	vsub.f32 v34, v39  }
0x594: {  	v18 =	vadd.f32 v19, v18  }
0x595: {  	v19 =	vor.u32 v23, v5;
	v17 =	vmul.f32 v17, v17;
	v16 =	vsub.f32 v28, v16  }
0x596: {  	v40 =	vmov v23;
	v22 =	vsub.f32 v31, v22;
	v23 =	vld.idx.msk [tilespmem:v20+s10+$0x0], $0xffff  }
0x597: {  	v17 =	vadd.f32 v17, v18;
	v18 =	vor.u32 v25, v5;
	v28 =	vld.idx.msk [tilespmem:v21+s10+$0x0], $0xffff;
	v16 =	vmul.f32 v16, v16  }
0x598: {  	v41 =	vmov v37;
	v21 =	vld.idx.msk [tilespmem:v21+s8+$0x0], $0xffff  }
0x599: {  	v37 =	vld.idx.msk [tilespmem:v20+s8+$0x0], $0xffff;
	v20 =	vadd.f32 v16, v17;
	v16 =	vmul.f32 v22, v22;
	v22 =	vsub.f32 v32, v33  }
0x59a: {  	v39 =	vmov v25;
	v25 =	vld.idx.msk [tilespmem:v19+s10+$0x0], $0xffff  }
0x59b: {  	v19 =	vld.idx.msk [tilespmem:v19+s8+$0x0], $0xffff;
	v17 =	vor.u32 v52, v5;
	v16 =	vadd.f32 v16, v20;
	v20 =	vmul.f32 v22, v22  }
0x59c: {  	v31 =	vld.idx.msk [tilespmem:v18+s8+$0x0], $0xffff  }
0x59d: {  	v21 =	vsub.f32 v28, v21;
	v28 =	vld.idx.msk [tilespmem:v18+s10+$0x0], $0xffff;
	v18 =	vadd.f32 v20, v16;
	v16 =	vor.u32 v61, v5;
	_ =	sdelay $0x1  }
0x59e: {  	v20 =	vmul.f32 v21, v21;
	v21 =	vsub.f32 v23, v37  }
0x59f: {  	v23 =	vld.idx.msk [tilespmem:v17+s10+$0x0], $0xffff  }
0x5a0: {  	v34 =	vmov v61;
	v61 =	vld.idx.msk [tilespmem:v17+s8+$0x0], $0xffff;
	v18 =	vadd.f32 v20, v18;
	v20 =	vmul.f32 v21, v21  }
0x5a1: {  	v19 =	vsub.f32 v25, v19;
	v22 =	vor.u32 v35, v5;
	v17 =	vsub.f32 v28, v31;
	v28 =	vld.idx.msk [tilespmem:v16+s10+$0x0], $0xffff  }
0x5a2: {  	v33 =	vmov v60;
	v18 =	vadd.f32 v20, v18;
	v20 =	vor.u32 v60, v5;
	v60 =	vld.idx.msk [tilespmem:v16+s8+$0x0], $0xffff  }
0x5a3: {  	v19 =	vmul.f32 v19, v19;
	v16 =	vld [tilespmem:$0x1FCE0]  }
0x5a4: {  	v21 =	vor.u32 v36, v5  }
0x5a5: {  	v17 =	vmul.f32 v17, v17;
	v18 =	vadd.f32 v19, v18  }
0x5a6: {  	v25 =	vld.idx.msk [tilespmem:v22+s10+$0x0], $0xffff  }
0x5a7: {  	v17 =	vadd.f32 v17, v18;
	v18 =	vld [tilespmem:$0x1FCF0]  }
0x5a8: {  	v22 =	vld.idx.msk [tilespmem:v22+s8+$0x0], $0xffff;
	v19 =	vor.u32 v16, v5;
	v16 =	vsub.f32 v23, v61  }
0x5a9: {  	v31 =	vld.idx.msk [tilespmem:v21+s10+$0x0], $0xffff  }
0x5aa: {  	v23 =	vld.idx.msk [tilespmem:v20+s10+$0x0], $0xffff;
	v16 =	vmul.f32 v16, v16  }
0x5ab: {  	v61 =	vld.idx.msk [tilespmem:v20+s8+$0x0], $0xffff  }
0x5ac: {  	v18 =	vor.u32 v18, v5;
	v20 =	vadd.f32 v16, v17;
	v17 =	vld [tilespmem:$0x1FD00]  }
0x5ad: {  	v21 =	vld.idx.msk [tilespmem:v21+s8+$0x0], $0xffff;
	v22 =	vsub.f32 v25, v22;
	_ =	sdelay $0x1  }
0x5ae: {  	v16 =	vmul.f32 v22, v22;
	v22 =	vsub.f32 v28, v60  }
0x5af: {  	v25 =	vld.idx.msk [tilespmem:v19+s10+$0x0], $0xffff  }
0x5b0: {  	v16 =	vadd.f32 v16, v20;
	v20 =	vmul.f32 v22, v22;
	v28 =	vld.idx.msk [tilespmem:v18+s10+$0x0], $0xffff;
	v17 =	vor.u32 v17, v5  }
0x5b1: {  	v21 =	vsub.f32 v31, v21;
	v31 =	vld.idx.msk [tilespmem:v18+s8+$0x0], $0xffff  }
0x5b2: {  	v18 =	vadd.f32 v20, v16;
	v16 =	vld [tilespmem:$0x1FD20]  }
0x5b3: {  	v19 =	vld.idx.msk [tilespmem:v19+s8+$0x0], $0xffff  }
0x5b4: {  	v22 =	vld [tilespmem:$0x1FD10]  }
0x5b5: {  	v20 =	vmul.f32 v21, v21;
	v21 =	vsub.f32 v23, v61;
	v23 =	vld.idx.msk [tilespmem:v17+s10+$0x0], $0xffff  }
0x5b6: {  	v60 =	vld.idx.msk [tilespmem:v17+s8+$0x0], $0xffff  }
0x5b7: {  	v16 =	vor.u32 v16, v5;
	v17 =	vld [tilespmem:$0x1FD40];
	_ =	sdelay $0x1  }
0x5b8: {  	v18 =	vadd.f32 v20, v18;
	v20 =	vmul.f32 v21, v21;
	v21 =	vld [tilespmem:$0x1FD30]  }
0x5b9: {  	v22 =	vor.u32 v22, v5  }
0x5ba: {  	v19 =	vsub.f32 v25, v19  }
0x5bb: {  	v18 =	vadd.f32 v20, v18;
	v20 =	vor.u32 v17, v5;
	v17 =	vsub.f32 v28, v31;
	v28 =	vld.idx.msk [tilespmem:v16+s10+$0x0], $0xffff  }
0x5bc: {  	v31 =	vld.idx.msk [tilespmem:v16+s8+$0x0], $0xffff  }
0x5bd: {  	v19 =	vmul.f32 v19, v19;
	v21 =	vor.u32 v21, v5;
	v16 =	vld [tilespmem:$0x1FD50]  }
0x5be: {  	v25 =	vld.idx.msk [tilespmem:v22+s10+$0x0], $0xffff  }
0x5bf: {  	v18 =	vadd.f32 v19, v18;
	v22 =	vld.idx.msk [tilespmem:v22+s8+$0x0], $0xffff;
	v17 =	vmul.f32 v17, v17;
	_ =	sdelay $0x1  }
0x5c0: {  	v17 =	vadd.f32 v17, v18;
	v18 =	vor.u32 v38, v5  }
0x5c1: {  	v37 =	vld.idx.msk [tilespmem:v21+s10+$0x0], $0xffff;
	v19 =	vor.u32 v16, v5;
	v16 =	vsub.f32 v23, v60  }
0x5c2: {  	v61 =	vld.idx.msk [tilespmem:v21+s8+$0x0], $0xffff  }
0x5c3: {  	v22 =	vsub.f32 v25, v22;
	v23 =	vld.idx.msk [tilespmem:v20+s10+$0x0], $0xffff;
	v16 =	vmul.f32 v16, v16  }
0x5c4: {  	v25 =	vld.idx.msk [tilespmem:v20+s8+$0x0], $0xffff  }
0x5c5: {  	v20 =	vadd.f32 v16, v17;
	v17 =	vmul.f32 v22, v22;
	v22 =	vsub.f32 v28, v31;
	v28 =	vld.idx.msk [tilespmem:v18+s10+$0x0], $0xffff  }
0x5c6: {  	v32 =	vmov v38;
	v38 =	vld.idx.msk [tilespmem:v18+s8+$0x0], $0xffff  }
0x5c7: {  	v60 =	vld.idx.msk [tilespmem:v19+s10+$0x0], $0xffff  }
0x5c8: {  	v21 =	vor.u32 v62, v5;
	v16 =	vsub.f32 v37, v61;
	v19 =	vld.idx.msk [tilespmem:v19+s8+$0x0], $0xffff  }
0x5c9: {  	v18 =	vsub.f32 v23, v25;
	v23 =	vld [tilespmem:$0x1FB80];
	v17 =	vadd.f32 v17, v20;
	v20 =	vmul.f32 v22, v22  }
0x5ca: {  	v22 =	vld [tilespmem:$0x1FB70]  }
0x5cb: {  	v25 =	vld [tilespmem:$0x1FDA0];
	v17 =	vadd.f32 v20, v17;
	v20 =	vmul.f32 v16, v16  }
0x5cc: {  	v16 =	vld.idx.msk [tilespmem:v15+s10+$0x0], $0xffff  }
0x5cd: {  	v17 =	vadd.f32 v20, v17;
	v20 =	vld.idx.msk [tilespmem:v21+s10+$0x0], $0xffff  }
0x5ce: {  	v31 =	vmov v62;
	v62 =	vor.u32 v23, v5;
	v21 =	vld.idx.msk [tilespmem:v21+s8+$0x0], $0xffff  }
0x5cf: {  	v22 =	vor.u32 v22, v5  }
0x5d0: {  	v18 =	vmul.f32 v18, v18;
	v19 =	vsub.f32 v60, v19;
	v60 =	vor.u32 v0, v5;
	v0 =	vld [tilespmem:$0x1FB90]  }
0x5d1: {  	v38 =	vsub.f32 v28, v38;
	v23 =	vld.idx.msk [tilespmem:v15+s8+$0x0], $0xffff  }
0x5d2: {  	v15 =	vld [tilespmem:$0x1FBA0];
	v17 =	vadd.f32 v18, v17;
	v19 =	vmul.f32 v19, v19;
	[tilespmem:$0x1F0F0] =	vst v16;
	v16 =	vor.u32 v25, v5  }
0x5d3: {  	v20 =	vsub.f32 v20, v21;
	v21 =	vld.idx.msk [tilespmem:v62+s10+$0x0], $0xffff  }
0x5d4: {  	v17 =	vadd.f32 v19, v17;
	v19 =	vmul.f32 v38, v38;
	v18 =	vld.idx.msk [tilespmem:v22+s10+$0x0], $0xffff  }
0x5d5: {  	v37 =	vor.u32 v0, v5;
	v22 =	vld.idx.msk [tilespmem:v22+s8+$0x0], $0xffff  }
0x5d6: {  	v17 =	vadd.f32 v19, v17;
	v19 =	vld.idx.msk [tilespmem:v62+s8+$0x0], $0xffff  }
0x5d7: {  	v20 =	vmul.f32 v20, v20;
	v28 =	vld.idx.msk [tilespmem:v16+s10+$0x0], $0xffff  }
0x5d8: {  	v16 =	vld.idx.msk [tilespmem:v16+s8+$0x0], $0xffff  }
0x5d9: {  	v17 =	vadd.f32 v20, v17;
	v20 =	vld [tilespmem:$0x1FCC0]  }
0x5da: {  	v38 =	vld.idx.msk [tilespmem:v37+s10+$0x0], $0xffff  }
0x5db: {  	v0 =	vor.u32 v1, v5;
	v37 =	vld.idx.msk [tilespmem:v37+s8+$0x0], $0xffff;
	v18 =	vsub.f32 v18, v22  }
0x5dc: {  	v22 =	vld.idx.msk [tilespmem:v60+s10+$0x0], $0xffff  }
0x5dd: {  	v60 =	vld.idx.msk [tilespmem:v60+s8+$0x0], $0xffff;
	v18 =	vmul.f32 v18, v18;
	v16 =	vsub.f32 v28, v16  }
0x5de: {  	v28 =	vmov v63;
	v63 =	vld [tilespmem:$0x1FDC0]  }
0x5df: {  	v17 =	vadd.f32 v18, v17;
	v16 =	vmul.f32 v16, v16;
	v18 =	vsub.f32 v21, v19;
	v19 =	vld [tilespmem:$0x1FCD0]  }
0x5e0: {  	v20 =	vor.u32 v20, v5;
	v21 =	vld.idx.msk [tilespmem:v0+s10+$0x0], $0xffff  }
0x5e1: {  	v0 =	vld.idx.msk [tilespmem:v0+s8+$0x0], $0xffff;
	v61 =	vsub.f32 v38, v37;
	v16 =	vadd.f32 v16, v17  }
0x5e2: {  	s16 =	sadd.s32 $0x10, s19;
	v37 =	vld [tilespmem:$0x1FD60];
	v17 =	vmul.f32 v18, v18;
	v18 =	vsub.f32 v22, v60;
	v60 =	vor.u32 v15, v5  }
0x5e3: {  	v22 =	vld [tilespmem:s16+$0x0]  }
0x5e4: {  	v15 =	vld [tilespmem:$0x1FDB0];
	v19 =	vor.u32 v19, v5  }
0x5e5: {  	v62 =	vld.idx.msk [tilespmem:v20+s10+$0x0], $0xffff  }
0x5e6: {  	v16 =	vadd.f32 v17, v16;
	v17 =	vmul.f32 v18, v18;
	v18 =	vor.u32 v63, v5;
	v20 =	vld.idx.msk [tilespmem:v20+s8+$0x0], $0xffff  }
0x5e7: {  	v0 =	vsub.f32 v21, v0;
	v21 =	vld.idx.msk [tilespmem:v60+s10+$0x0], $0xffff  }
0x5e8: {  	v61 =	vmul.f32 v61, v61;
	v16 =	vadd.f32 v17, v16;
	v17 =	vor.u32 v37, v5;
	v60 =	vld.idx.msk [tilespmem:v60+s8+$0x0], $0xffff  }
0x5e9: {  	v38 =	vld.idx.msk [tilespmem:v19+s10+$0x0], $0xffff  }
0x5ea: {  	v0 =	vmul.f32 v0, v0;
	v61 =	vadd.f32 v61, v16;
	v19 =	vld.idx.msk [tilespmem:v19+s8+$0x0], $0xffff  }
0x5eb: {  	v16 =	vor.u32 v15, v5;
	v20 =	vsub.f32 v62, v20;
	v62 =	vld.idx.msk [tilespmem:v18+s10+$0x0], $0xffff  }
0x5ec: {  	v1 =	vadd.f32 v0, v61;
	v0 =	vld.idx.msk [tilespmem:v18+s8+$0x0], $0xffff  }
0x5ed: {  	v18 =	vld.idx.msk [tilespmem:v17+s10+$0x0], $0xffff  }
0x5ee: {  	v9 =	vsub.f32 v9, v11;
	v5 =	vor.u32 v2, v5;
	v11 =	vld.idx.msk [tilespmem:v17+s8+$0x0], $0xffff  }
0x5ef: {  	v13 =	vadd.f32 v14, v13;
	v17 =	vld.idx.msk [tilespmem:v22+s4+$0x0], $0xffff;
	v61 =	vsub.f32 v38, v19;
	v19 =	vmul.f32 v20, v20  }
0x5f0: {  	v4 =	vsub.f32 v4, v12;
	(erf) = vrcp.f32 v7;
	v6 =	vmul.f32 v6, v6;
	v7 =	vld.idx.msk [tilespmem:v16+s10+$0x0], $0xffff  }
0x5f1: {  	v38 =	vsub.f32 v21, v60;
	v60 =	vld.idx.msk [tilespmem:v16+s8+$0x0], $0xffff;
	v1 =	vadd.f32 v19, v1;
	v14 =	vmul.f32 v61, v61  }
0x5f2: {  	v6 =	vadd.f32 v6, v13;
	v9 =	vmul.f32 v9, v9;
	v2 =	vsub.f32 v62, v0;
	v0 =	vld [tilespmem:$0x1F0F0]  }
0x5f3: {  	v12 =	vmul.f32 v38, v38;
	v61 =	vld.idx.msk [tilespmem:v5+s10+$0x0], $0xffff;
	v1 =	vadd.f32 v14, v1  }
0x5f4: {  	v4 =	vmul.f32 v4, v4;
	v6 =	vadd.f32 v9, v6;
	v5 =	vld.idx.msk [tilespmem:v5+s8+$0x0], $0xffff  }
0x5f5: {  	v8 =	vsub.f32 v8, v10;
	v2 =	vmul.f32 v2, v2;
	v1 =	vadd.f32 v12, v1  }
0x5f6: {  	v4 =	vadd.f32 v4, v6;
	v62 =	vsub.f32 v18, v11;
	(erf) = vrcp.f32 v17  }
0x5f7: {  	v1 =	vadd.f32 v2, v1;
	v2 =	vmul.f32 v8, v8;
	v8 =	vsub.f32 v0, v23  }
0x5f8: {  	v6 =	vmul.f32 v62, v62;
	v7 =	vsub.f32 v7, v60  }
0x5f9: {  	v25 =	vmovc v45;
	v45 =	vld [tilespmem:$0x1FF90];
	v2 =	vadd.f32 v2, v4;
	v4 =	vsub.f32 v61, v5;
	v5 =	vmul.f32 v8, v8  }
0x5fa: {  	v22 =	vmovc v63;
	v63 =	vmov v47;
	v47 =	vld [tilespmem:$0x1FF00];
	v1 =	vadd.f32 v6, v1;
	v6 =	vmul.f32 v7, v7  }
0x5fb: {  	v21 =	vld [tilespmem:$0x1FD90];
	v4 =	vmul.f32 v4, v4  }
0x5fc: {  	s18 =	sadd.s32 $0x1, s18;
	v18 =	vmov v44;
	v44 =	vld [tilespmem:$0x1FF70];
	v2 =	vadd.f32 v5, v2;
	v1 =	vadd.f32 v6, v1  }
0x5fd: {  	p2 =	sne.s32 s18, $0x40;
	v19 =	vld [tilespmem:$0x1FD70];
	v5 =	vpop (erf)  }
.Ltmp7:
0x5fe: {  	v60 =	vmovc v39;
	v39 =	vmov v46;
	v46 =	vld [tilespmem:$0x1FFC0];
	v1 =	vadd.f32 v4, v1;
	v2 =	vmul.f32 v2, v5;
	(pc) =	sbr.rel @p2 .LBB2_13-.Ltmp7, $4  }
0x5ff: {  	v14 =	vmov v41;
	v41 =	vld [tilespmem:$0x1FF20];
	v7 =	vmov v42;
	v4 =	vpop (erf)  }
0x600: {  	v16 =	vmov v37;
	v23 =	vld [tilespmem:$0x1FD80];
	v2 =	vadd.f32 v2, v3;
	v1 =	vmul.f32 v1, v4  }
0x601: {  	v20 =	vmovc v15;
	v38 =	vlaneseq.u32;
	v62 =	vmovc v31;
	v37 =	vmov v14;
	v42 =	vld [tilespmem:$0x1FF30];
	v8 =	vmov v43  }
0x602: {  	s20 =	sadd.s32 $0x100, s20;
	s17 =	sadd.s32 $0x100, s17;
	v61 =	vmovc v34;
	v31 =	vmovc v7;
	v43 =	vld [tilespmem:$0x1FF50];
	v7 =	vmov v33;
	v33 =	vmov v8;
	v3 =	vadd.f32 v1, v2  }
.Ltmp8:
0x603: {  	(pc) =	sbr.rel @p1 .LBB2_12-.Ltmp8, $2  }
0x604: {  	_ =	sdelay $0x2  }
0x605: {  	s15 =	simm.s32 $0x4000;
	p2 =	por $0x0, $0x0  }
0x606: {  	[tilespmem:$0x1A000] =	vst v3;
	s13 =	rddreg [dreg:$0x7];
	s15 =	simm.s32 $0x1A000  }
0x607: {  	[spmem:s13] =	stream.linear.scatter [tilespmem:s15], [sflag:$0x5], $0x10, $0x38;
	[tilespmem:$0x1C990] =	vst v63  }
0x608: {  	_ =	swait.ge [sflag:s14], $0x10  }
0x609: {  	[sflag:s14] =	ssyncset.done $0x0  }
0x60a: {  	[sflag:s14] =	ssyncadd.s32 $0xFFFFFFF0  }
0x60b: {  	[bflag:$0x0] =	sbarrier.arrive $0xFFFF  }
0x60c: {  	s13 =	simm.s32 @!p0 $0x1A080;
	s15 =	rddreg [dreg:$0x4]  }
0x60d: {  	[tilespmem:s13], [sflag:$0x5] =	stream.linear.gather @!p0 [spmem:s15], $0x100, $0x38;
	[tilespmem:$0x1C990] =	vst v63  }
0x60e: {  	s13 =	simm.s32 @!p0 $0x5  }
0x60f: {  	_ =	swait.ge @!p0 [sflag:s13], $0x100  }
0x610: {  	[sflag:s13] =	ssyncset.done @!p0 $0x0  }
0x611: {  	[sflag:s13] =	ssyncadd.s32 @!p0 $0xFFFFFF00  }
0x612: {  	v1 =	vld @!p0 [tilespmem:$0x1A080]  }
0x613: {  	v2 =	vld @!p0 [tilespmem:$0x1A090];
	_ =	sdelay $0x1  }
0x614: {  	v3 =	vld @!p0 [tilespmem:$0x1A0A0];
	_ =	sdelay $0x1  }
0x615: {  	v4 =	vld @!p0 [tilespmem:$0x1A0B0]  }
0x616: {  	v1 =	vadd.f32 @!p0 v2, v1  }
0x617: {  	v2 =	vld @!p0 [tilespmem:$0x1A0C0]  }
0x618: {  	v1 =	vadd.f32 @!p0 v3, v1  }
0x619: {  	v3 =	vld @!p0 [tilespmem:$0x1A0D0]  }
0x61a: {  	v1 =	vadd.f32 @!p0 v4, v1  }
0x61b: {  	v4 =	vld @!p0 [tilespmem:$0x1A0E0]  }
0x61c: {  	v1 =	vadd.f32 @!p0 v2, v1  }
0x61d: {  	v2 =	vld @!p0 [tilespmem:$0x1A0F0]  }
0x61e: {  	v1 =	vadd.f32 @!p0 v3, v1  }
0x61f: {  	v3 =	vld @!p0 [tilespmem:$0x1A100]  }
0x620: {  	v1 =	vadd.f32 @!p0 v4, v1  }
0x621: {  	v4 =	vld @!p0 [tilespmem:$0x1A110]  }
0x622: {  	v1 =	vadd.f32 @!p0 v2, v1  }
0x623: {  	v2 =	vld @!p0 [tilespmem:$0x1A120]  }
0x624: {  	v1 =	vadd.f32 @!p0 v3, v1  }
0x625: {  	v3 =	vld @!p0 [tilespmem:$0x1A130]  }
0x626: {  	v1 =	vadd.f32 @!p0 v4, v1  }
0x627: {  	v4 =	vld @!p0 [tilespmem:$0x1A140]  }
0x628: {  	v1 =	vadd.f32 @!p0 v2, v1  }
0x629: {  	v2 =	vld @!p0 [tilespmem:$0x1A150]  }
0x62a: {  	v1 =	vadd.f32 @!p0 v3, v1  }
0x62b: {  	v3 =	vld @!p0 [tilespmem:$0x1A160]  }
0x62c: {  	v1 =	vadd.f32 @!p0 v4, v1  }
0x62d: {  	v4 =	vld @!p0 [tilespmem:$0x1A170]  }
0x62e: {  	v1 =	vadd.f32 @!p0 v2, v1;
	_ =	sdelay $0x1  }
0x62f: {  	v1 =	vadd.f32 @!p0 v3, v1;
	_ =	sdelay $0x1  }
0x630: {  	v1 =	vadd.f32 @!p0 v4, v1;
	_ =	sdelay $0x1  }
0x631: {  	s16 =	simm.s32 @!p0 $0x1A000;
	s15 =	simm.s32 @!p0 $0x0;
	s17 =	rddreg [dreg:$0x8];
	[tilespmem:$0x1A000] =	vst @!p0 v1  }
0x632: {  	[hbm4b:s17+s15] =	stream.linear.scatter @!p0 [tilespmem:s16], [sflag:$0x5], $0x10, $0x38;
	[tilespmem:$0x1C990] =	vst v63  }
0x633: {  	_ =	swait.ge @!p0 [sflag:s13], $0x10  }
0x634: {  	s21 =	rddreg [dreg:$0xa]  }
0x635: {  	s22 =	rddreg [dreg:$0x9];
	s16 =	sadd.s32 $0x1, s21  }
0x636: {  	p1 =	sne.s32 s16, s22  }
.Ltmp9:
0x637: {  	_ = 	snop;
	(pc) =	sbr.rel @p1 .LBB2_1-.Ltmp9, $3  }
0x638: {  	_ =	sdelay $0x1  }
0x639: {  	[sflag:s13] =	ssyncset.done @!p0 $0x0  }
0x63a: {  	v11 =	vimm.f32 $0.0e+00;
	v12 =	vimm.f32 $1.000000000e+00;
	s18 =	simm.s32 $0x2800;
	[sflag:s13] =	ssyncadd.s32 @!p0 $0xFFFFFFF0  }
0x63b: {  	_ =	sfence.sel $0x180000  }
0x63c: {  	[bflag:$0x0] =	sbarrier.arrive $0xFFFF  }
0x63d: {  	_ =	strace $0x90000047  }
0x63e: {  	[bflag:$0x2] =	sbarrier.arrive $0xFFFF  }
0x63f: {  	s0 =	rddreg [dreg:$0x5]  }
0x640: {  	s0 =	sadd.s32 @!p0 $0x100000, s0  }
0x641: {  	[sflag:s0] =	ssyncadd.tile.s32 @!p0 $0x1;
	_ =	shalt  }
.Lfunc_end2:
_tile_overlayer_lowered:
.L_overlay_start_2:
0x642: {  	(tag) =	ssettag $0x2  }
0x643: {  	s0 =	rddreg [dreg:$0x0];
	s2 =	stileid.u32  }
0x644: {  	s1 =	rddreg [dreg:$0x1];
	p0 =	sne.s32 s2, $0x0  }
0x645: {  	s3 =	rddreg [dreg:$0x2];
	[bflag:$0x3] =	sbarrier.arrive $0xFFFF;
	s2 =	simm.s32 @!p0 $0x1C05  }
0x646: {  	[timem:s3], [sflag:s2] =	dma.local @!p0 [hbm:s0], s1  }
0x647: {  	s0 =	simm.s32 @!p0 $0x5  }
0x648: {  	_ =	swait.ge @!p0 [sflag:s0], s1  }
0x649: {  	s1 =	ssub.s32 @!p0 $0x0, s1;
	[sflag:s0] =	ssyncset.done @!p0 $0x0  }
0x64a: {  	[sflag:s0] =	ssyncadd.s32 @!p0 s1  }
0x64b: {  	[bflag:$0x3] =	sbarrier.arrive $0xFFFF  }
0x64c: {  	_ =	shalt  }

</sc_bundles>
